<compile_context>
chip_gen: v7x
topology: tpu7x:2x2x1
jax: 0.10.2.dev20260603
libtpu: 0.0.44.dev20260713+nightly
codegen_flags: <defaults>
</compile_context>

<pallas_src>
import functools
import math

import jax
import jax.numpy as jnp
from jax import lax
from jax.experimental import pallas as pl
from jax.experimental.pallas import tpu as pltpu
from jax.experimental.pallas import tpu_sc as plsc

B = 16384
STATE_DIM = 256
ENC_DIM = 128
N_CAND = 1000
N_PAD = 1024
SLATE = 50
BR = 256

_IMIN = -2147483648
L = 16
NW = 32
RPW = B // NW
RT = 8
NT = RPW // RT



def _tc_body(x_ref, w_ref, b_ref, enc_ref,
             scores_ref, probs_ref, ha_ref, keys_ref, md_ref):
    x = x_ref[...]
    ha = jnp.dot(x, w_ref[...], preferred_element_type=jnp.float32)
    ha = ha + b_ref[...][None, :]
    ha_ref[...] = ha
    s = lax.dot_general(
        ha, enc_ref[...], (((1,), (1,)), ((), ())),
        preferred_element_type=jnp.float32,
    ) * (1.0 / math.sqrt(ENC_DIM))
    col = lax.broadcasted_iota(jnp.int32, (BR, N_PAD), 1)
    valid = col < N_CAND
    s_m = jnp.where(valid, s, -jnp.inf)
    m = jnp.max(s_m, axis=1, keepdims=True)
    e = jnp.exp(s_m - m)
    denom = jnp.sum(e, axis=1, keepdims=True)
    probs_ref[...] = (e / denom)[:, :N_CAND]
    scores_ref[...] = s[:, :N_CAND]
    bits = lax.bitcast_convert_type(s, jnp.int32)
    key = jnp.where(bits >= 0, bits, bits ^ jnp.int32(0x7FFFFFFF))
    keys_ref[...] = jnp.where(valid, key, jnp.int32(_IMIN))
    md_ref[...] = jnp.concatenate(
        [m, denom, jnp.zeros((BR, 14), jnp.float32)], axis=1)


def _tc_call(user_state, W_h, b_h, enc_pad):
    return pl.pallas_call(
        _tc_body,
        grid=(B // BR,),
        in_specs=[
            pl.BlockSpec((BR, STATE_DIM), lambda i: (i, 0)),
            pl.BlockSpec((STATE_DIM, ENC_DIM), lambda i: (0, 0)),
            pl.BlockSpec((ENC_DIM,), lambda i: (0,)),
            pl.BlockSpec((N_PAD, ENC_DIM), lambda i: (0, 0)),
        ],
        out_specs=[
            pl.BlockSpec((BR, N_CAND), lambda i: (i, 0)),
            pl.BlockSpec((BR, N_CAND), lambda i: (i, 0)),
            pl.BlockSpec((BR, ENC_DIM), lambda i: (i, 0)),
            pl.BlockSpec((BR, N_PAD), lambda i: (i, 0)),
            pl.BlockSpec((BR, 16), lambda i: (i, 0)),
        ],
        out_shape=[
            jax.ShapeDtypeStruct((B, N_CAND), jnp.float32),
            jax.ShapeDtypeStruct((B, N_CAND), jnp.float32),
            jax.ShapeDtypeStruct((B, ENC_DIM), jnp.float32),
            jax.ShapeDtypeStruct((B, N_PAD), jnp.int32),
            jax.ShapeDtypeStruct((B, 16), jnp.float32),
        ],
    )(user_state, W_h, b_h, enc_pad)



def _vs(k, v):
    return plsc.sort_key_val(k, v, descending=True)


def _rev(x):
    return lax.rev(x, (0,))


def _revkv(a):
    return (_rev(a[0]), _rev(a[1]))


def _split(a, b):
    ka, va = a
    kb, vb = b
    mge = ka >= kb
    hi = (jnp.where(mge, ka, kb), jnp.where(mge, va, vb))
    lo = (jnp.where(mge, kb, ka), jnp.where(mge, vb, va))
    return hi, lo


def _clean_keep(C, keep):
    if len(C) == 1:
        return [_vs(*C[0])]
    half = len(C) // 2
    pairs = [_split(C[i], C[i + half]) for i in range(half)]
    hi = [p[0] for p in pairs]
    lo = [p[1] for p in pairs]
    out = _clean_keep(hi, min(keep, half))
    if keep > half:
        out += _clean_keep(lo, keep - half)
    return out


def _merge_top(A, B, keep):
    n = len(A)
    hi, lo = [], []
    for i in range(n):
        h, l = _split(A[i], _revkv(B[n - 1 - i]))
        hi.append(h)
        lo.append(l)
    out = _clean_keep(hi, min(keep, n))
    if keep > n:
        out += _clean_keep(lo, keep - n)
    return out


def _sc_sort_top(kv_list, keep):
    runs = [[_vs(k, v)] for (k, v) in kv_list]
    while len(runs) > 1:
        runs = [_merge_top(runs[i], runs[i + 1], keep)
                for i in range(0, len(runs), 2)]
    return runs[0]


def _sc_kernel_fn(keys_hbm, md_hbm, ids_hbm,
                  asc_hbm, idx_hbm, act_hbm, prb_hbm,
                  kbuf, md_v, ids_v, sk, si,
                  ascs, idxs, acts, prbs):
    c = lax.axis_index("c")
    s = lax.axis_index("s")
    wid = s * 2 + c
    r0 = wid * RPW
    pltpu.sync_copy(md_hbm.at[pl.ds(r0, RPW)], md_v)
    pltpu.sync_copy(ids_hbm, ids_v)
    iota = lax.iota(jnp.int32, L)

    def row_body(r, tile):
        rb = r * N_PAD
        F = []
        for g in range(4):
            f = kbuf[pl.ds(rb + g * 256, L)]
            for j in range(1, 16):
                f = jnp.maximum(f, kbuf[pl.ds(rb + g * 256 + j * L, L)])
            F.append(f)
        s0 = _vs(F[0], F[0])[0]
        s1 = _vs(F[1], F[1])[0]
        s2 = _vs(F[2], F[2])[0]
        s3 = _vs(F[3], F[3])[0]
        X0 = _vs(jnp.maximum(s0, _rev(s1)), F[0])[0]
        X1 = _vs(jnp.minimum(s0, _rev(s1)), F[0])[0]
        Y0 = _vs(jnp.maximum(s2, _rev(s3)), F[0])[0]
        Y1 = _vs(jnp.minimum(s2, _rev(s3)), F[0])[0]
        lo_lo = jnp.minimum(jnp.minimum(X0, _rev(Y1)),
                            jnp.minimum(X1, _rev(Y0)))
        sl = _vs(lo_lo, lo_lo)[0]
        tvec = jnp.full((L,), sl[1], jnp.int32)

        fill_v = jnp.full((L,), N_PAD - 1, jnp.int32)
        for v in range(16):
            si[pl.ds(v * L, L)] = fill_v
        basem1 = jnp.full((L,), -1, jnp.int32)
        UW = 16
        for j0 in range(0, 64, UW):
            kjs = [kbuf[pl.ds(rb + (j0 + u) * L, L)] for u in range(UW)]
            msks = [kj >= tvec for kj in kjs]
            pcs = [plsc.all_reduce_population_count(m) for m in msks]
            css = [plsc.cumsum(m.astype(jnp.int32)) for m in msks]
            offs = [basem1]
            for u in range(UW - 1):
                offs.append(offs[u] + pcs[u])
            for u in range(UW):
                plsc.store_scatter(si, [offs[u] + css[u]],
                                   iota + (j0 + u) * L, mask=msks[u])
            basem1 = offs[UW - 1] + pcs[UW - 1]

        rb_v = jnp.full((L,), rb, jnp.int32)

        def _sort_runs(n):
            def f():
                kv = []
                for i in range(n):
                    vi = si[pl.ds(i * L, L)]
                    ki = plsc.load_gather(kbuf, [rb_v + vi])
                    kv.append((ki, vi))
                top = _sc_sort_top(kv, 4)
                for i in range(4):
                    sk[pl.ds(i * L, L)] = top[i][0]
                    si[pl.ds(i * L, L)] = top[i][1]
            return f

        lax.cond(basem1[0] <= 127, _sort_runs(8), _sort_runs(16))

        eq = None
        for i in range(4):
            ka = sk[pl.ds(i * L, L)]
            nxt = jnp.minimum(iota + jnp.int32(i * L + 1), jnp.int32(63))
            kb = plsc.load_gather(sk, [nxt])
            e = ka == kb
            if i == 3:
                e = e & (iota < jnp.int32(15))
            eq = e if eq is None else (eq | e)
        n_eq = plsc.all_reduce_population_count(eq)

        def _tie_repair():
            for p in (0, 1, 0, 1):
                for h in range(2):
                    ia = (iota + (16 * h)) * 2 + p
                    ib = jnp.minimum(ia + 1, jnp.int32(63))
                    ka = plsc.load_gather(sk, [ia])
                    kb = plsc.load_gather(sk, [ib])
                    va = plsc.load_gather(si, [ia])
                    vb = plsc.load_gather(si, [ib])
                    sw = (ka == kb) & (va > vb)
                    plsc.store_scatter(si, [ia], vb, mask=sw)
                    plsc.store_scatter(si, [ib], va, mask=sw)

        lax.cond(n_eq[0] > 0, _tie_repair, lambda: None)

        row = tile * RT + r
        mdv = md_v[row, pl.ds(0, L)]
        mrow = jnp.full((L,), mdv[0], jnp.float32)
        drow = jnp.full((L,), mdv[1], jnp.float32)
        for i in range(4):
            khi = sk[pl.ds(i * L, L)]
            vhi = si[pl.ds(i * L, L)]
            bts = jnp.where(khi >= 0, khi, khi ^ jnp.int32(0x7FFFFFFF))
            val = lax.bitcast_convert_type(bts, jnp.float32)
            ascs[r, pl.ds(i * L, L)] = val
            idxs[r, pl.ds(i * L, L)] = vhi
            acts[r, pl.ds(i * L, L)] = plsc.load_gather(ids_v, [vhi])
            prbs[r, pl.ds(i * L, L)] = jnp.exp(val - mrow) / drow
        return tile

    def tile_body(t, carry):
        rstart = r0 + t * RT
        pltpu.sync_copy(keys_hbm.at[pl.ds(rstart * N_PAD, RT * N_PAD)], kbuf)
        lax.fori_loop(0, RT, row_body, t)
        pltpu.sync_copy(ascs, asc_hbm.at[pl.ds(rstart, RT)])
        pltpu.sync_copy(idxs, idx_hbm.at[pl.ds(rstart, RT)])
        pltpu.sync_copy(acts, act_hbm.at[pl.ds(rstart, RT)])
        pltpu.sync_copy(prbs, prb_hbm.at[pl.ds(rstart, RT)])
        return carry

    lax.fori_loop(0, NT, tile_body, 0)


@functools.partial(
    pl.kernel,
    out_type=[
        jax.ShapeDtypeStruct((B, 64), jnp.float32),
        jax.ShapeDtypeStruct((B, 64), jnp.int32),
        jax.ShapeDtypeStruct((B, 64), jnp.int32),
        jax.ShapeDtypeStruct((B, 64), jnp.float32),
    ],
    mesh=plsc.VectorSubcoreMesh(core_axis_name="c", subcore_axis_name="s"),
    compiler_params=pltpu.CompilerParams(needs_layout_passes=False),
    scratch_types=[
        pltpu.VMEM((RT * N_PAD,), jnp.int32),
        pltpu.VMEM((RPW, 16), jnp.float32),
        pltpu.VMEM((N_PAD,), jnp.int32),
        pltpu.VMEM((64,), jnp.int32),
        pltpu.VMEM((N_PAD,), jnp.int32),
        pltpu.VMEM((RT, 64), jnp.float32),
        pltpu.VMEM((RT, 64), jnp.int32),
        pltpu.VMEM((RT, 64), jnp.int32),
        pltpu.VMEM((RT, 64), jnp.float32),
    ],
)
def _sc_topk(keys_hbm, md_hbm, ids_hbm,
             asc_hbm, idx_hbm, act_hbm, prb_hbm,
             kbuf, md_v, ids_v, sk, si,
             ascs, idxs, acts, prbs):
    _sc_kernel_fn(keys_hbm, md_hbm, ids_hbm,
                  asc_hbm, idx_hbm, act_hbm, prb_hbm,
                  kbuf, md_v, ids_v, sk, si,
                  ascs, idxs, acts, prbs)



def kernel(user_state, candidate_item_enc, candidate_item_ids, W_h, b_h):
    enc_pad = jnp.zeros((N_PAD, ENC_DIM), jnp.float32).at[:N_CAND].set(
        candidate_item_enc)
    ids_pad = jnp.zeros((N_PAD,), jnp.int32).at[:N_CAND].set(
        candidate_item_ids)
    scores, all_probs, hyper_action, keys, md = _tc_call(
        user_state, W_h, b_h, enc_pad)
    asc, idx, act, prb = _sc_topk(keys.reshape(-1), md, ids_pad)
    return (scores, asc[:, :SLATE], idx[:, :SLATE], act[:, :SLATE],
            all_probs, prb[:, :SLATE], hyper_action)

# --- scband reference (transcript-rebuilt; emitter-appended) ---
"""Pipeline reference for scband-actor-84610855731707 (READ-ONLY COPY).

The authoritative reference and input builder live on the scoring server;
editing this copy changes nothing except your own understanding.
"""

import jax, jax.numpy as jnp
import numpy as np

B = 16384
STATE_DIM = 256
ENC_DIM = 128
N_CAND = 1000
SLATE = 50


def setup_inputs(seed: int = 0) -> dict:
    key = jax.random.key(seed)
    k1, k2, k3 = jax.random.split(key, 3)
    user_state = jax.random.normal(k1, (B, STATE_DIM), dtype=jnp.float32)
    candidate_item_enc = jax.random.normal(k2, (N_CAND, ENC_DIM), dtype=jnp.float32) * 0.1
    candidate_item_ids = jnp.arange(N_CAND, dtype=jnp.int32)
    # learned params of the hyper_action_layer (Linear state_dim -> enc_dim)
    W_h = jax.random.normal(k3, (STATE_DIM, ENC_DIM), dtype=jnp.float32) / jnp.sqrt(STATE_DIM)
    b_h = jnp.zeros((ENC_DIM,), dtype=jnp.float32)
    return {
        'user_state': user_state,
        'candidate_item_enc': candidate_item_enc,
        'candidate_item_ids': candidate_item_ids,
        'W_h': W_h,
        'b_h': b_h,
    }


def reference(user_state, candidate_item_enc, candidate_item_ids, W_h, b_h):
    # hyper_action_layer: deterministic action from user state (do_explore=False path)
    hyper_action = user_state @ W_h + b_h  # [B, ENC_DIM]
    # get_score: scaled dot-product against candidate item encodings
    scores = (hyper_action @ candidate_item_enc.T) / jnp.sqrt(jnp.float32(ENC_DIM))  # [B, N]
    # top-k slate selection
    _, indices = jax.lax.top_k(scores, SLATE)  # [B, SLATE]
    # effect action: gather item ids (batch_wise=False -> shared candidate list)
    action = candidate_item_ids[indices]  # [B, SLATE]
    # preds: gather scores at selected indices
    action_scores = jnp.take_along_axis(scores, indices, axis=1)  # [B, SLATE]
    # return_prob=True path: softmax over all candidates, gather selected probs
    all_probs = jax.nn.softmax(scores, axis=1)  # [B, N]
    probs = jnp.take_along_axis(all_probs, indices, axis=1)  # [B, SLATE]
    return (scores, action_scores, indices, action, all_probs, probs, hyper_action)

if __name__ == "__main__":
    import jax
    _d = setup_inputs()
    print(jax.jit(kernel)(*tuple(_d.values())))

</pallas_src>

<mosaic_0001>
#map = affine_map<(d0, d1) -> (0)>
#map1 = affine_map<(d0, d1) -> (0, 0)>
module attributes {stable_mosaic.version = 14 : i64} {
  func.func @_sc_topk(%arg0: i32, %arg1: i32, %arg2: memref<16777216xi32, #tpu.memory_space<hbm>>, %arg3: memref<16384x16xf32, #tpu.memory_space<hbm>>, %arg4: memref<1024xi32, #tpu.memory_space<hbm>>, %arg5: memref<16384x64xf32, #tpu.memory_space<hbm>>, %arg6: memref<16384x64xi32, #tpu.memory_space<hbm>>, %arg7: memref<16384x64xi32, #tpu.memory_space<hbm>>, %arg8: memref<16384x64xf32, #tpu.memory_space<hbm>>, %arg9: memref<8192xi32, #tpu.memory_space<vmem>>, %arg10: memref<512x16xf32, #tpu.memory_space<vmem>>, %arg11: memref<1024xi32, #tpu.memory_space<vmem>>, %arg12: memref<64xi32, #tpu.memory_space<vmem>>, %arg13: memref<1024xi32, #tpu.memory_space<vmem>>, %arg14: memref<8x64xf32, #tpu.memory_space<vmem>>, %arg15: memref<8x64xi32, #tpu.memory_space<vmem>>, %arg16: memref<8x64xi32, #tpu.memory_space<vmem>>, %arg17: memref<8x64xf32, #tpu.memory_space<vmem>>) attributes {dimension_semantics = [#tpu.dimension_semantics<core_parallel>, #tpu.dimension_semantics<subcore_parallel>], iteration_bounds = array<i64: 2, 16>, scalar_prefetch = 0 : i64, scratch_operands = 9 : i64, tpu.core_type = #tpu.core_type<sc_vector_subcore>, window_params = [{transform_indices = #map}, {transform_indices = #map1}, {transform_indices = #map}, {transform_indices = #map1}, {transform_indices = #map1}, {transform_indices = #map1}, {transform_indices = #map1}]} {
    %mul3A = arith.constant 2 : i32
    %mul3A_0 = arith.muli %arg1, %mul3A : i32
    %add3A = arith.addi %mul3A_0, %arg0 : i32
    %mul3A_1 = arith.constant 512 : i32
    %mul3A_2 = arith.muli %add3A, %mul3A_1 : i32
    "tpu.region"() ({
      %run_scoped3A = tpu.sem_alloc : memref<!tpu.dma_semaphore, #tpu.memory_space<semaphore_mem>>
      %dma_start3A = arith.constant 0 : i32
      %dma_start3A_8 = tpu.memref_slice %arg3[%mul3A_2, %dma_start3A] : memref<16384x16xf32, #tpu.memory_space<hbm>> -> memref<512x16xf32, #tpu.memory_space<hbm>>
      %dma_start3A_9 = arith.constant 0 : i32
      %dma_start3A_10 = tpu.memref_slice %arg3[%mul3A_2, %dma_start3A_9] : memref<16384x16xf32, #tpu.memory_space<hbm>> -> memref<512x16xf32, #tpu.memory_space<hbm>>
      tpu.enqueue_dma source(%dma_start3A_10 : memref<512x16xf32, #tpu.memory_space<hbm>>) target(%arg10 : memref<512x16xf32, #tpu.memory_space<vmem>>) target_semaphore(%run_scoped3A : memref<!tpu.dma_semaphore, #tpu.memory_space<semaphore_mem>>)
      %dma_wait3A = arith.constant 0 : i32
      %dma_wait3A_11 = tpu.memref_slice %arg3[%mul3A_2, %dma_wait3A] : memref<16384x16xf32, #tpu.memory_space<hbm>> -> memref<512x16xf32, #tpu.memory_space<hbm>>
      %dma_wait3A_12 = arith.constant 0 : i32
      %dma_wait3A_13 = tpu.memref_slice %arg3[%mul3A_2, %dma_wait3A_12] : memref<16384x16xf32, #tpu.memory_space<hbm>> -> memref<512x16xf32, #tpu.memory_space<hbm>>
      tpu.wait_dma2 semaphore(%run_scoped3A : memref<!tpu.dma_semaphore, #tpu.memory_space<semaphore_mem>>) src(%dma_wait3A_13 : memref<512x16xf32, #tpu.memory_space<hbm>>) dst(%arg10 : memref<512x16xf32, #tpu.memory_space<vmem>>)
      tpu.yield
    }) : () -> ()
    "tpu.region"() ({
      %run_scoped3A = tpu.sem_alloc : memref<!tpu.dma_semaphore, #tpu.memory_space<semaphore_mem>>
      tpu.enqueue_dma source(%arg4 : memref<1024xi32, #tpu.memory_space<hbm>>) target(%arg11 : memref<1024xi32, #tpu.memory_space<vmem>>) target_semaphore(%run_scoped3A : memref<!tpu.dma_semaphore, #tpu.memory_space<semaphore_mem>>)
      tpu.wait_dma2 semaphore(%run_scoped3A : memref<!tpu.dma_semaphore, #tpu.memory_space<semaphore_mem>>) src(%arg4 : memref<1024xi32, #tpu.memory_space<hbm>>) dst(%arg11 : memref<1024xi32, #tpu.memory_space<vmem>>)
      tpu.yield
    }) : () -> ()
    %iota3A = tpu.iota {dimensions = array<i32: 0>} : vector<16xi32>
    %scan3A = arith.constant 0 : i32
    %scan3A_3 = arith.constant 0 : i32
    %scan3A_4 = arith.constant 64 : i32
    %scan3A_5 = arith.addi %scan3A_3, %scan3A_4 : i32
    %scan3A_6 = arith.constant 1 : i32
    scf.for %scan3A_8 = %scan3A_3 to %scan3A_5 step %scan3A_6  : i32 {
      %mul3A_9 = arith.constant 8 : i32
      %mul3A_10 = arith.muli %scan3A_8, %mul3A_9 : i32
      %add3A_11 = arith.addi %mul3A_2, %mul3A_10 : i32
      %mul3A_12 = arith.constant 1024 : i32
      %mul3A_13 = arith.muli %add3A_11, %mul3A_12 : i32
      "tpu.region"() ({
        %run_scoped3A = tpu.sem_alloc : memref<!tpu.dma_semaphore, #tpu.memory_space<semaphore_mem>>
        %dma_start3A = tpu.memref_slice %arg2[%mul3A_13] : memref<16777216xi32, #tpu.memory_space<hbm>> -> memref<8192xi32, #tpu.memory_space<hbm>>
        %dma_start3A_19 = tpu.memref_slice %arg2[%mul3A_13] : memref<16777216xi32, #tpu.memory_space<hbm>> -> memref<8192xi32, #tpu.memory_space<hbm>>
        tpu.enqueue_dma source(%dma_start3A_19 : memref<8192xi32, #tpu.memory_space<hbm>>) target(%arg9 : memref<8192xi32, #tpu.memory_space<vmem>>) target_semaphore(%run_scoped3A : memref<!tpu.dma_semaphore, #tpu.memory_space<semaphore_mem>>)
        %dma_wait3A = tpu.memref_slice %arg2[%mul3A_13] : memref<16777216xi32, #tpu.memory_space<hbm>> -> memref<8192xi32, #tpu.memory_space<hbm>>
        %dma_wait3A_20 = tpu.memref_slice %arg2[%mul3A_13] : memref<16777216xi32, #tpu.memory_space<hbm>> -> memref<8192xi32, #tpu.memory_space<hbm>>
        tpu.wait_dma2 semaphore(%run_scoped3A : memref<!tpu.dma_semaphore, #tpu.memory_space<semaphore_mem>>) src(%dma_wait3A_20 : memref<8192xi32, #tpu.memory_space<hbm>>) dst(%arg9 : memref<8192xi32, #tpu.memory_space<vmem>>)
        tpu.yield
      }) : () -> ()
      %scan3A_14 = arith.constant 0 : i32
      %scan3A_15 = arith.constant 8 : i32
      %scan3A_16 = arith.addi %scan3A_14, %scan3A_15 : i32
      %scan3A_17 = arith.constant 1 : i32
      scf.for %scan3A_19 = %scan3A_14 to %scan3A_16 step %scan3A_17  : i32 {
        %mul3A_20 = arith.constant 1024 : i32
        %mul3A_21 = arith.muli %scan3A_19, %mul3A_20 : i32
        %add3A_22 = arith.constant 0 : i32
        %add3A_23 = arith.addi %mul3A_21, %add3A_22 : i32
        %get3A = arith.index_cast %add3A_23 : i32 to index
        %get3A_24 = tpu.vector_load %arg9[%get3A] {strides = array<i32>} : memref<8192xi32, #tpu.memory_space<vmem>>, vector<16xi32>,
        %add3A_25 = arith.constant 0 : i32
        %add3A_26 = arith.addi %mul3A_21, %add3A_25 : i32
        %add3A_27 = arith.constant 16 : i32
        %add3A_28 = arith.addi %add3A_26, %add3A_27 : i32
        %get3A_29 = arith.index_cast %add3A_28 : i32 to index
        %get3A_30 = tpu.vector_load %arg9[%get3A_29] {strides = array<i32>} : memref<8192xi32, #tpu.memory_space<vmem>>, vector<16xi32>,
        %max3A = arith.maxsi %get3A_24, %get3A_30 : vector<16xi32>
        %add3A_31 = arith.constant 0 : i32
        %add3A_32 = arith.addi %mul3A_21, %add3A_31 : i32
        %add3A_33 = arith.constant 32 : i32
        %add3A_34 = arith.addi %add3A_32, %add3A_33 : i32
        %get3A_35 = arith.index_cast %add3A_34 : i32 to index
        %get3A_36 = tpu.vector_load %arg9[%get3A_35] {strides = array<i32>} : memref<8192xi32, #tpu.memory_space<vmem>>, vector<16xi32>,
        %max3A_37 = arith.maxsi %max3A, %get3A_36 : vector<16xi32>
        %add3A_38 = arith.constant 0 : i32
        %add3A_39 = arith.addi %mul3A_21, %add3A_38 : i32
        %add3A_40 = arith.constant 48 : i32
        %add3A_41 = arith.addi %add3A_39, %add3A_40 : i32
        %get3A_42 = arith.index_cast %add3A_41 : i32 to index
        %get3A_43 = tpu.vector_load %arg9[%get3A_42] {strides = array<i32>} : memref<8192xi32, #tpu.memory_space<vmem>>, vector<16xi32>,
        %max3A_44 = arith.maxsi %max3A_37, %get3A_43 : vector<16xi32>
        %add3A_45 = arith.constant 0 : i32
        %add3A_46 = arith.addi %mul3A_21, %add3A_45 : i32
        %add3A_47 = arith.constant 64 : i32
        %add3A_48 = arith.addi %add3A_46, %add3A_47 : i32
        %get3A_49 = arith.index_cast %add3A_48 : i32 to index
        %get3A_50 = tpu.vector_load %arg9[%get3A_49] {strides = array<i32>} : memref<8192xi32, #tpu.memory_space<vmem>>, vector<16xi32>,
        %max3A_51 = arith.maxsi %max3A_44, %get3A_50 : vector<16xi32>
        %add3A_52 = arith.constant 0 : i32
        %add3A_53 = arith.addi %mul3A_21, %add3A_52 : i32
        %add3A_54 = arith.constant 80 : i32
        %add3A_55 = arith.addi %add3A_53, %add3A_54 : i32
        %get3A_56 = arith.index_cast %add3A_55 : i32 to index
        %get3A_57 = tpu.vector_load %arg9[%get3A_56] {strides = array<i32>} : memref<8192xi32, #tpu.memory_space<vmem>>, vector<16xi32>,
        %max3A_58 = arith.maxsi %max3A_51, %get3A_57 : vector<16xi32>
        %add3A_59 = arith.constant 0 : i32
        %add3A_60 = arith.addi %mul3A_21, %add3A_59 : i32
        %add3A_61 = arith.constant 96 : i32
        %add3A_62 = arith.addi %add3A_60, %add3A_61 : i32
        %get3A_63 = arith.index_cast %add3A_62 : i32 to index
        %get3A_64 = tpu.vector_load %arg9[%get3A_63] {strides = array<i32>} : memref<8192xi32, #tpu.memory_space<vmem>>, vector<16xi32>,
        %max3A_65 = arith.maxsi %max3A_58, %get3A_64 : vector<16xi32>
        %add3A_66 = arith.constant 0 : i32
        %add3A_67 = arith.addi %mul3A_21, %add3A_66 : i32
        %add3A_68 = arith.constant 112 : i32
        %add3A_69 = arith.addi %add3A_67, %add3A_68 : i32
        %get3A_70 = arith.index_cast %add3A_69 : i32 to index
        %get3A_71 = tpu.vector_load %arg9[%get3A_70] {strides = array<i32>} : memref<8192xi32, #tpu.memory_space<vmem>>, vector<16xi32>,
        %max3A_72 = arith.maxsi %max3A_65, %get3A_71 : vector<16xi32>
        %add3A_73 = arith.constant 0 : i32
        %add3A_74 = arith.addi %mul3A_21, %add3A_73 : i32
        %add3A_75 = arith.constant 128 : i32
        %add3A_76 = arith.addi %add3A_74, %add3A_75 : i32
        %get3A_77 = arith.index_cast %add3A_76 : i32 to index
        %get3A_78 = tpu.vector_load %arg9[%get3A_77] {strides = array<i32>} : memref<8192xi32, #tpu.memory_space<vmem>>, vector<16xi32>,
        %max3A_79 = arith.maxsi %max3A_72, %get3A_78 : vector<16xi32>
        %add3A_80 = arith.constant 0 : i32
        %add3A_81 = arith.addi %mul3A_21, %add3A_80 : i32
        %add3A_82 = arith.constant 144 : i32
        %add3A_83 = arith.addi %add3A_81, %add3A_82 : i32
        %get3A_84 = arith.index_cast %add3A_83 : i32 to index
        %get3A_85 = tpu.vector_load %arg9[%get3A_84] {strides = array<i32>} : memref<8192xi32, #tpu.memory_space<vmem>>, vector<16xi32>,
        %max3A_86 = arith.maxsi %max3A_79, %get3A_85 : vector<16xi32>
        %add3A_87 = arith.constant 0 : i32
        %add3A_88 = arith.addi %mul3A_21, %add3A_87 : i32
        %add3A_89 = arith.constant 160 : i32
        %add3A_90 = arith.addi %add3A_88, %add3A_89 : i32
        %get3A_91 = arith.index_cast %add3A_90 : i32 to index
        %get3A_92 = tpu.vector_load %arg9[%get3A_91] {strides = array<i32>} : memref<8192xi32, #tpu.memory_space<vmem>>, vector<16xi32>,
        %max3A_93 = arith.maxsi %max3A_86, %get3A_92 : vector<16xi32>
        %add3A_94 = arith.constant 0 : i32
        %add3A_95 = arith.addi %mul3A_21, %add3A_94 : i32
        %add3A_96 = arith.constant 176 : i32
        %add3A_97 = arith.addi %add3A_95, %add3A_96 : i32
        %get3A_98 = arith.index_cast %add3A_97 : i32 to index
        %get3A_99 = tpu.vector_load %arg9[%get3A_98] {strides = array<i32>} : memref<8192xi32, #tpu.memory_space<vmem>>, vector<16xi32>,
        %max3A_100 = arith.maxsi %max3A_93, %get3A_99 : vector<16xi32>
        %add3A_101 = arith.constant 0 : i32
        %add3A_102 = arith.addi %mul3A_21, %add3A_101 : i32
        %add3A_103 = arith.constant 192 : i32
        %add3A_104 = arith.addi %add3A_102, %add3A_103 : i32
        %get3A_105 = arith.index_cast %add3A_104 : i32 to index
        %get3A_106 = tpu.vector_load %arg9[%get3A_105] {strides = array<i32>} : memref<8192xi32, #tpu.memory_space<vmem>>, vector<16xi32>,
        %max3A_107 = arith.maxsi %max3A_100, %get3A_106 : vector<16xi32>
        %add3A_108 = arith.constant 0 : i32
        %add3A_109 = arith.addi %mul3A_21, %add3A_108 : i32
        %add3A_110 = arith.constant 208 : i32
        %add3A_111 = arith.addi %add3A_109, %add3A_110 : i32
        %get3A_112 = arith.index_cast %add3A_111 : i32 to index
        %get3A_113 = tpu.vector_load %arg9[%get3A_112] {strides = array<i32>} : memref<8192xi32, #tpu.memory_space<vmem>>, vector<16xi32>,
        %max3A_114 = arith.maxsi %max3A_107, %get3A_113 : vector<16xi32>
        %add3A_115 = arith.constant 0 : i32
        %add3A_116 = arith.addi %mul3A_21, %add3A_115 : i32
        %add3A_117 = arith.constant 224 : i32
        %add3A_118 = arith.addi %add3A_116, %add3A_117 : i32
        %get3A_119 = arith.index_cast %add3A_118 : i32 to index
        %get3A_120 = tpu.vector_load %arg9[%get3A_119] {strides = array<i32>} : memref<8192xi32, #tpu.memory_space<vmem>>, vector<16xi32>,
        %max3A_121 = arith.maxsi %max3A_114, %get3A_120 : vector<16xi32>
        %add3A_122 = arith.constant 0 : i32
        %add3A_123 = arith.addi %mul3A_21, %add3A_122 : i32
        %add3A_124 = arith.constant 240 : i32
        %add3A_125 = arith.addi %add3A_123, %add3A_124 : i32
        %get3A_126 = arith.index_cast %add3A_125 : i32 to index
        %get3A_127 = tpu.vector_load %arg9[%get3A_126] {strides = array<i32>} : memref<8192xi32, #tpu.memory_space<vmem>>, vector<16xi32>,
        %max3A_128 = arith.maxsi %max3A_121, %get3A_127 : vector<16xi32>
        %add3A_129 = arith.constant 256 : i32
        %add3A_130 = arith.addi %mul3A_21, %add3A_129 : i32
        %get3A_131 = arith.index_cast %add3A_130 : i32 to index
        %get3A_132 = tpu.vector_load %arg9[%get3A_131] {strides = array<i32>} : memref<8192xi32, #tpu.memory_space<vmem>>, vector<16xi32>,
        %add3A_133 = arith.constant 256 : i32
        %add3A_134 = arith.addi %mul3A_21, %add3A_133 : i32
        %add3A_135 = arith.constant 16 : i32
        %add3A_136 = arith.addi %add3A_134, %add3A_135 : i32
        %get3A_137 = arith.index_cast %add3A_136 : i32 to index
        %get3A_138 = tpu.vector_load %arg9[%get3A_137] {strides = array<i32>} : memref<8192xi32, #tpu.memory_space<vmem>>, vector<16xi32>,
        %max3A_139 = arith.maxsi %get3A_132, %get3A_138 : vector<16xi32>
        %add3A_140 = arith.constant 256 : i32
        %add3A_141 = arith.addi %mul3A_21, %add3A_140 : i32
        %add3A_142 = arith.constant 32 : i32
        %add3A_143 = arith.addi %add3A_141, %add3A_142 : i32
        %get3A_144 = arith.index_cast %add3A_143 : i32 to index
        %get3A_145 = tpu.vector_load %arg9[%get3A_144] {strides = array<i32>} : memref<8192xi32, #tpu.memory_space<vmem>>, vector<16xi32>,
        %max3A_146 = arith.maxsi %max3A_139, %get3A_145 : vector<16xi32>
        %add3A_147 = arith.constant 256 : i32
        %add3A_148 = arith.addi %mul3A_21, %add3A_147 : i32
        %add3A_149 = arith.constant 48 : i32
        %add3A_150 = arith.addi %add3A_148, %add3A_149 : i32
        %get3A_151 = arith.index_cast %add3A_150 : i32 to index
        %get3A_152 = tpu.vector_load %arg9[%get3A_151] {strides = array<i32>} : memref<8192xi32, #tpu.memory_space<vmem>>, vector<16xi32>,
        %max3A_153 = arith.maxsi %max3A_146, %get3A_152 : vector<16xi32>
        %add3A_154 = arith.constant 256 : i32
        %add3A_155 = arith.addi %mul3A_21, %add3A_154 : i32
        %add3A_156 = arith.constant 64 : i32
        %add3A_157 = arith.addi %add3A_155, %add3A_156 : i32
        %get3A_158 = arith.index_cast %add3A_157 : i32 to index
        %get3A_159 = tpu.vector_load %arg9[%get3A_158] {strides = array<i32>} : memref<8192xi32, #tpu.memory_space<vmem>>, vector<16xi32>,
        %max3A_160 = arith.maxsi %max3A_153, %get3A_159 : vector<16xi32>
        %add3A_161 = arith.constant 256 : i32
        %add3A_162 = arith.addi %mul3A_21, %add3A_161 : i32
        %add3A_163 = arith.constant 80 : i32
        %add3A_164 = arith.addi %add3A_162, %add3A_163 : i32
        %get3A_165 = arith.index_cast %add3A_164 : i32 to index
        %get3A_166 = tpu.vector_load %arg9[%get3A_165] {strides = array<i32>} : memref<8192xi32, #tpu.memory_space<vmem>>, vector<16xi32>,
        %max3A_167 = arith.maxsi %max3A_160, %get3A_166 : vector<16xi32>
        %add3A_168 = arith.constant 256 : i32
        %add3A_169 = arith.addi %mul3A_21, %add3A_168 : i32
        %add3A_170 = arith.constant 96 : i32
        %add3A_171 = arith.addi %add3A_169, %add3A_170 : i32
        %get3A_172 = arith.index_cast %add3A_171 : i32 to index
        %get3A_173 = tpu.vector_load %arg9[%get3A_172] {strides = array<i32>} : memref<8192xi32, #tpu.memory_space<vmem>>, vector<16xi32>,
        %max3A_174 = arith.maxsi %max3A_167, %get3A_173 : vector<16xi32>
        %add3A_175 = arith.constant 256 : i32
        %add3A_176 = arith.addi %mul3A_21, %add3A_175 : i32
        %add3A_177 = arith.constant 112 : i32
        %add3A_178 = arith.addi %add3A_176, %add3A_177 : i32
        %get3A_179 = arith.index_cast %add3A_178 : i32 to index
        %get3A_180 = tpu.vector_load %arg9[%get3A_179] {strides = array<i32>} : memref<8192xi32, #tpu.memory_space<vmem>>, vector<16xi32>,
        %max3A_181 = arith.maxsi %max3A_174, %get3A_180 : vector<16xi32>
        %add3A_182 = arith.constant 256 : i32
        %add3A_183 = arith.addi %mul3A_21, %add3A_182 : i32
        %add3A_184 = arith.constant 128 : i32
        %add3A_185 = arith.addi %add3A_183, %add3A_184 : i32
        %get3A_186 = arith.index_cast %add3A_185 : i32 to index
        %get3A_187 = tpu.vector_load %arg9[%get3A_186] {strides = array<i32>} : memref<8192xi32, #tpu.memory_space<vmem>>, vector<16xi32>,
        %max3A_188 = arith.maxsi %max3A_181, %get3A_187 : vector<16xi32>
        %add3A_189 = arith.constant 256 : i32
        %add3A_190 = arith.addi %mul3A_21, %add3A_189 : i32
        %add3A_191 = arith.constant 144 : i32
        %add3A_192 = arith.addi %add3A_190, %add3A_191 : i32
        %get3A_193 = arith.index_cast %add3A_192 : i32 to index
        %get3A_194 = tpu.vector_load %arg9[%get3A_193] {strides = array<i32>} : memref<8192xi32, #tpu.memory_space<vmem>>, vector<16xi32>,
        %max3A_195 = arith.maxsi %max3A_188, %get3A_194 : vector<16xi32>
        %add3A_196 = arith.constant 256 : i32
        %add3A_197 = arith.addi %mul3A_21, %add3A_196 : i32
        %add3A_198 = arith.constant 160 : i32
        %add3A_199 = arith.addi %add3A_197, %add3A_198 : i32
        %get3A_200 = arith.index_cast %add3A_199 : i32 to index
        %get3A_201 = tpu.vector_load %arg9[%get3A_200] {strides = array<i32>} : memref<8192xi32, #tpu.memory_space<vmem>>, vector<16xi32>,
        %max3A_202 = arith.maxsi %max3A_195, %get3A_201 : vector<16xi32>
        %add3A_203 = arith.constant 256 : i32
        %add3A_204 = arith.addi %mul3A_21, %add3A_203 : i32
        %add3A_205 = arith.constant 176 : i32
        %add3A_206 = arith.addi %add3A_204, %add3A_205 : i32
        %get3A_207 = arith.index_cast %add3A_206 : i32 to index
        %get3A_208 = tpu.vector_load %arg9[%get3A_207] {strides = array<i32>} : memref<8192xi32, #tpu.memory_space<vmem>>, vector<16xi32>,
        %max3A_209 = arith.maxsi %max3A_202, %get3A_208 : vector<16xi32>
        %add3A_210 = arith.constant 256 : i32
        %add3A_211 = arith.addi %mul3A_21, %add3A_210 : i32
        %add3A_212 = arith.constant 192 : i32
        %add3A_213 = arith.addi %add3A_211, %add3A_212 : i32
        %get3A_214 = arith.index_cast %add3A_213 : i32 to index
        %get3A_215 = tpu.vector_load %arg9[%get3A_214] {strides = array<i32>} : memref<8192xi32, #tpu.memory_space<vmem>>, vector<16xi32>,
        %max3A_216 = arith.maxsi %max3A_209, %get3A_215 : vector<16xi32>
        %add3A_217 = arith.constant 256 : i32
        %add3A_218 = arith.addi %mul3A_21, %add3A_217 : i32
        %add3A_219 = arith.constant 208 : i32
        %add3A_220 = arith.addi %add3A_218, %add3A_219 : i32
        %get3A_221 = arith.index_cast %add3A_220 : i32 to index
        %get3A_222 = tpu.vector_load %arg9[%get3A_221] {strides = array<i32>} : memref<8192xi32, #tpu.memory_space<vmem>>, vector<16xi32>,
        %max3A_223 = arith.maxsi %max3A_216, %get3A_222 : vector<16xi32>
        %add3A_224 = arith.constant 256 : i32
        %add3A_225 = arith.addi %mul3A_21, %add3A_224 : i32
        %add3A_226 = arith.constant 224 : i32
        %add3A_227 = arith.addi %add3A_225, %add3A_226 : i32
        %get3A_228 = arith.index_cast %add3A_227 : i32 to index
        %get3A_229 = tpu.vector_load %arg9[%get3A_228] {strides = array<i32>} : memref<8192xi32, #tpu.memory_space<vmem>>, vector<16xi32>,
        %max3A_230 = arith.maxsi %max3A_223, %get3A_229 : vector<16xi32>
        %add3A_231 = arith.constant 256 : i32
        %add3A_232 = arith.addi %mul3A_21, %add3A_231 : i32
        %add3A_233 = arith.constant 240 : i32
        %add3A_234 = arith.addi %add3A_232, %add3A_233 : i32
        %get3A_235 = arith.index_cast %add3A_234 : i32 to index
        %get3A_236 = tpu.vector_load %arg9[%get3A_235] {strides = array<i32>} : memref<8192xi32, #tpu.memory_space<vmem>>, vector<16xi32>,
        %max3A_237 = arith.maxsi %max3A_230, %get3A_236 : vector<16xi32>
        %add3A_238 = arith.constant 512 : i32
        %add3A_239 = arith.addi %mul3A_21, %add3A_238 : i32
        %get3A_240 = arith.index_cast %add3A_239 : i32 to index
        %get3A_241 = tpu.vector_load %arg9[%get3A_240] {strides = array<i32>} : memref<8192xi32, #tpu.memory_space<vmem>>, vector<16xi32>,
        %add3A_242 = arith.constant 512 : i32
        %add3A_243 = arith.addi %mul3A_21, %add3A_242 : i32
        %add3A_244 = arith.constant 16 : i32
        %add3A_245 = arith.addi %add3A_243, %add3A_244 : i32
        %get3A_246 = arith.index_cast %add3A_245 : i32 to index
        %get3A_247 = tpu.vector_load %arg9[%get3A_246] {strides = array<i32>} : memref<8192xi32, #tpu.memory_space<vmem>>, vector<16xi32>,
        %max3A_248 = arith.maxsi %get3A_241, %get3A_247 : vector<16xi32>
        %add3A_249 = arith.constant 512 : i32
        %add3A_250 = arith.addi %mul3A_21, %add3A_249 : i32
        %add3A_251 = arith.constant 32 : i32
        %add3A_252 = arith.addi %add3A_250, %add3A_251 : i32
        %get3A_253 = arith.index_cast %add3A_252 : i32 to index
        %get3A_254 = tpu.vector_load %arg9[%get3A_253] {strides = array<i32>} : memref<8192xi32, #tpu.memory_space<vmem>>, vector<16xi32>,
        %max3A_255 = arith.maxsi %max3A_248, %get3A_254 : vector<16xi32>
        %add3A_256 = arith.constant 512 : i32
        %add3A_257 = arith.addi %mul3A_21, %add3A_256 : i32
        %add3A_258 = arith.constant 48 : i32
        %add3A_259 = arith.addi %add3A_257, %add3A_258 : i32
        %get3A_260 = arith.index_cast %add3A_259 : i32 to index
        %get3A_261 = tpu.vector_load %arg9[%get3A_260] {strides = array<i32>} : memref<8192xi32, #tpu.memory_space<vmem>>, vector<16xi32>,
        %max3A_262 = arith.maxsi %max3A_255, %get3A_261 : vector<16xi32>
        %add3A_263 = arith.constant 512 : i32
        %add3A_264 = arith.addi %mul3A_21, %add3A_263 : i32
        %add3A_265 = arith.constant 64 : i32
        %add3A_266 = arith.addi %add3A_264, %add3A_265 : i32
        %get3A_267 = arith.index_cast %add3A_266 : i32 to index
        %get3A_268 = tpu.vector_load %arg9[%get3A_267] {strides = array<i32>} : memref<8192xi32, #tpu.memory_space<vmem>>, vector<16xi32>,
        %max3A_269 = arith.maxsi %max3A_262, %get3A_268 : vector<16xi32>
        %add3A_270 = arith.constant 512 : i32
        %add3A_271 = arith.addi %mul3A_21, %add3A_270 : i32
        %add3A_272 = arith.constant 80 : i32
        %add3A_273 = arith.addi %add3A_271, %add3A_272 : i32
        %get3A_274 = arith.index_cast %add3A_273 : i32 to index
        %get3A_275 = tpu.vector_load %arg9[%get3A_274] {strides = array<i32>} : memref<8192xi32, #tpu.memory_space<vmem>>, vector<16xi32>,
        %max3A_276 = arith.maxsi %max3A_269, %get3A_275 : vector<16xi32>
        %add3A_277 = arith.constant 512 : i32
        %add3A_278 = arith.addi %mul3A_21, %add3A_277 : i32
        %add3A_279 = arith.constant 96 : i32
        %add3A_280 = arith.addi %add3A_278, %add3A_279 : i32
        %get3A_281 = arith.index_cast %add3A_280 : i32 to index
        %get3A_282 = tpu.vector_load %arg9[%get3A_281] {strides = array<i32>} : memref<8192xi32, #tpu.memory_space<vmem>>, vector<16xi32>,
        %max3A_283 = arith.maxsi %max3A_276, %get3A_282 : vector<16xi32>
        %add3A_284 = arith.constant 512 : i32
        %add3A_285 = arith.addi %mul3A_21, %add3A_284 : i32
        %add3A_286 = arith.constant 112 : i32
        %add3A_287 = arith.addi %add3A_285, %add3A_286 : i32
        %get3A_288 = arith.index_cast %add3A_287 : i32 to index
        %get3A_289 = tpu.vector_load %arg9[%get3A_288] {strides = array<i32>} : memref<8192xi32, #tpu.memory_space<vmem>>, vector<16xi32>,
        %max3A_290 = arith.maxsi %max3A_283, %get3A_289 : vector<16xi32>
        %add3A_291 = arith.constant 512 : i32
        %add3A_292 = arith.addi %mul3A_21, %add3A_291 : i32
        %add3A_293 = arith.constant 128 : i32
        %add3A_294 = arith.addi %add3A_292, %add3A_293 : i32
        %get3A_295 = arith.index_cast %add3A_294 : i32 to index
        %get3A_296 = tpu.vector_load %arg9[%get3A_295] {strides = array<i32>} : memref<8192xi32, #tpu.memory_space<vmem>>, vector<16xi32>,
        %max3A_297 = arith.maxsi %max3A_290, %get3A_296 : vector<16xi32>
        %add3A_298 = arith.constant 512 : i32
        %add3A_299 = arith.addi %mul3A_21, %add3A_298 : i32
        %add3A_300 = arith.constant 144 : i32
        %add3A_301 = arith.addi %add3A_299, %add3A_300 : i32
        %get3A_302 = arith.index_cast %add3A_301 : i32 to index
        %get3A_303 = tpu.vector_load %arg9[%get3A_302] {strides = array<i32>} : memref<8192xi32, #tpu.memory_space<vmem>>, vector<16xi32>,
        %max3A_304 = arith.maxsi %max3A_297, %get3A_303 : vector<16xi32>
        %add3A_305 = arith.constant 512 : i32
        %add3A_306 = arith.addi %mul3A_21, %add3A_305 : i32
        %add3A_307 = arith.constant 160 : i32
        %add3A_308 = arith.addi %add3A_306, %add3A_307 : i32
        %get3A_309 = arith.index_cast %add3A_308 : i32 to index
        %get3A_310 = tpu.vector_load %arg9[%get3A_309] {strides = array<i32>} : memref<8192xi32, #tpu.memory_space<vmem>>, vector<16xi32>,
        %max3A_311 = arith.maxsi %max3A_304, %get3A_310 : vector<16xi32>
        %add3A_312 = arith.constant 512 : i32
        %add3A_313 = arith.addi %mul3A_21, %add3A_312 : i32
        %add3A_314 = arith.constant 176 : i32
        %add3A_315 = arith.addi %add3A_313, %add3A_314 : i32
        %get3A_316 = arith.index_cast %add3A_315 : i32 to index
        %get3A_317 = tpu.vector_load %arg9[%get3A_316] {strides = array<i32>} : memref<8192xi32, #tpu.memory_space<vmem>>, vector<16xi32>,
        %max3A_318 = arith.maxsi %max3A_311, %get3A_317 : vector<16xi32>
        %add3A_319 = arith.constant 512 : i32
        %add3A_320 = arith.addi %mul3A_21, %add3A_319 : i32
        %add3A_321 = arith.constant 192 : i32
        %add3A_322 = arith.addi %add3A_320, %add3A_321 : i32
        %get3A_323 = arith.index_cast %add3A_322 : i32 to index
        %get3A_324 = tpu.vector_load %arg9[%get3A_323] {strides = array<i32>} : memref<8192xi32, #tpu.memory_space<vmem>>, vector<16xi32>,
        %max3A_325 = arith.maxsi %max3A_318, %get3A_324 : vector<16xi32>
        %add3A_326 = arith.constant 512 : i32
        %add3A_327 = arith.addi %mul3A_21, %add3A_326 : i32
        %add3A_328 = arith.constant 208 : i32
        %add3A_329 = arith.addi %add3A_327, %add3A_328 : i32
        %get3A_330 = arith.index_cast %add3A_329 : i32 to index
        %get3A_331 = tpu.vector_load %arg9[%get3A_330] {strides = array<i32>} : memref<8192xi32, #tpu.memory_space<vmem>>, vector<16xi32>,
        %max3A_332 = arith.maxsi %max3A_325, %get3A_331 : vector<16xi32>
        %add3A_333 = arith.constant 512 : i32
        %add3A_334 = arith.addi %mul3A_21, %add3A_333 : i32
        %add3A_335 = arith.constant 224 : i32
        %add3A_336 = arith.addi %add3A_334, %add3A_335 : i32
        %get3A_337 = arith.index_cast %add3A_336 : i32 to index
        %get3A_338 = tpu.vector_load %arg9[%get3A_337] {strides = array<i32>} : memref<8192xi32, #tpu.memory_space<vmem>>, vector<16xi32>,
        %max3A_339 = arith.maxsi %max3A_332, %get3A_338 : vector<16xi32>
        %add3A_340 = arith.constant 512 : i32
        %add3A_341 = arith.addi %mul3A_21, %add3A_340 : i32
        %add3A_342 = arith.constant 240 : i32
        %add3A_343 = arith.addi %add3A_341, %add3A_342 : i32
        %get3A_344 = arith.index_cast %add3A_343 : i32 to index
        %get3A_345 = tpu.vector_load %arg9[%get3A_344] {strides = array<i32>} : memref<8192xi32, #tpu.memory_space<vmem>>, vector<16xi32>,
        %max3A_346 = arith.maxsi %max3A_339, %get3A_345 : vector<16xi32>
        %add3A_347 = arith.constant 768 : i32
        %add3A_348 = arith.addi %mul3A_21, %add3A_347 : i32
        %get3A_349 = arith.index_cast %add3A_348 : i32 to index
        %get3A_350 = tpu.vector_load %arg9[%get3A_349] {strides = array<i32>} : memref<8192xi32, #tpu.memory_space<vmem>>, vector<16xi32>,
        %add3A_351 = arith.constant 768 : i32
        %add3A_352 = arith.addi %mul3A_21, %add3A_351 : i32
        %add3A_353 = arith.constant 16 : i32
        %add3A_354 = arith.addi %add3A_352, %add3A_353 : i32
        %get3A_355 = arith.index_cast %add3A_354 : i32 to index
        %get3A_356 = tpu.vector_load %arg9[%get3A_355] {strides = array<i32>} : memref<8192xi32, #tpu.memory_space<vmem>>, vector<16xi32>,
        %max3A_357 = arith.maxsi %get3A_350, %get3A_356 : vector<16xi32>
        %add3A_358 = arith.constant 768 : i32
        %add3A_359 = arith.addi %mul3A_21, %add3A_358 : i32
        %add3A_360 = arith.constant 32 : i32
        %add3A_361 = arith.addi %add3A_359, %add3A_360 : i32
        %get3A_362 = arith.index_cast %add3A_361 : i32 to index
        %get3A_363 = tpu.vector_load %arg9[%get3A_362] {strides = array<i32>} : memref<8192xi32, #tpu.memory_space<vmem>>, vector<16xi32>,
        %max3A_364 = arith.maxsi %max3A_357, %get3A_363 : vector<16xi32>
        %add3A_365 = arith.constant 768 : i32
        %add3A_366 = arith.addi %mul3A_21, %add3A_365 : i32
        %add3A_367 = arith.constant 48 : i32
        %add3A_368 = arith.addi %add3A_366, %add3A_367 : i32
        %get3A_369 = arith.index_cast %add3A_368 : i32 to index
        %get3A_370 = tpu.vector_load %arg9[%get3A_369] {strides = array<i32>} : memref<8192xi32, #tpu.memory_space<vmem>>, vector<16xi32>,
        %max3A_371 = arith.maxsi %max3A_364, %get3A_370 : vector<16xi32>
        %add3A_372 = arith.constant 768 : i32
        %add3A_373 = arith.addi %mul3A_21, %add3A_372 : i32
        %add3A_374 = arith.constant 64 : i32
        %add3A_375 = arith.addi %add3A_373, %add3A_374 : i32
        %get3A_376 = arith.index_cast %add3A_375 : i32 to index
        %get3A_377 = tpu.vector_load %arg9[%get3A_376] {strides = array<i32>} : memref<8192xi32, #tpu.memory_space<vmem>>, vector<16xi32>,
        %max3A_378 = arith.maxsi %max3A_371, %get3A_377 : vector<16xi32>
        %add3A_379 = arith.constant 768 : i32
        %add3A_380 = arith.addi %mul3A_21, %add3A_379 : i32
        %add3A_381 = arith.constant 80 : i32
        %add3A_382 = arith.addi %add3A_380, %add3A_381 : i32
        %get3A_383 = arith.index_cast %add3A_382 : i32 to index
        %get3A_384 = tpu.vector_load %arg9[%get3A_383] {strides = array<i32>} : memref<8192xi32, #tpu.memory_space<vmem>>, vector<16xi32>,
        %max3A_385 = arith.maxsi %max3A_378, %get3A_384 : vector<16xi32>
        %add3A_386 = arith.constant 768 : i32
        %add3A_387 = arith.addi %mul3A_21, %add3A_386 : i32
        %add3A_388 = arith.constant 96 : i32
        %add3A_389 = arith.addi %add3A_387, %add3A_388 : i32
        %get3A_390 = arith.index_cast %add3A_389 : i32 to index
        %get3A_391 = tpu.vector_load %arg9[%get3A_390] {strides = array<i32>} : memref<8192xi32, #tpu.memory_space<vmem>>, vector<16xi32>,
        %max3A_392 = arith.maxsi %max3A_385, %get3A_391 : vector<16xi32>
        %add3A_393 = arith.constant 768 : i32
        %add3A_394 = arith.addi %mul3A_21, %add3A_393 : i32
        %add3A_395 = arith.constant 112 : i32
        %add3A_396 = arith.addi %add3A_394, %add3A_395 : i32
        %get3A_397 = arith.index_cast %add3A_396 : i32 to index
        %get3A_398 = tpu.vector_load %arg9[%get3A_397] {strides = array<i32>} : memref<8192xi32, #tpu.memory_space<vmem>>, vector<16xi32>,
        %max3A_399 = arith.maxsi %max3A_392, %get3A_398 : vector<16xi32>
        %add3A_400 = arith.constant 768 : i32
        %add3A_401 = arith.addi %mul3A_21, %add3A_400 : i32
        %add3A_402 = arith.constant 128 : i32
        %add3A_403 = arith.addi %add3A_401, %add3A_402 : i32
        %get3A_404 = arith.index_cast %add3A_403 : i32 to index
        %get3A_405 = tpu.vector_load %arg9[%get3A_404] {strides = array<i32>} : memref<8192xi32, #tpu.memory_space<vmem>>, vector<16xi32>,
        %max3A_406 = arith.maxsi %max3A_399, %get3A_405 : vector<16xi32>
        %add3A_407 = arith.constant 768 : i32
        %add3A_408 = arith.addi %mul3A_21, %add3A_407 : i32
        %add3A_409 = arith.constant 144 : i32
        %add3A_410 = arith.addi %add3A_408, %add3A_409 : i32
        %get3A_411 = arith.index_cast %add3A_410 : i32 to index
        %get3A_412 = tpu.vector_load %arg9[%get3A_411] {strides = array<i32>} : memref<8192xi32, #tpu.memory_space<vmem>>, vector<16xi32>,
        %max3A_413 = arith.maxsi %max3A_406, %get3A_412 : vector<16xi32>
        %add3A_414 = arith.constant 768 : i32
        %add3A_415 = arith.addi %mul3A_21, %add3A_414 : i32
        %add3A_416 = arith.constant 160 : i32
        %add3A_417 = arith.addi %add3A_415, %add3A_416 : i32
        %get3A_418 = arith.index_cast %add3A_417 : i32 to index
        %get3A_419 = tpu.vector_load %arg9[%get3A_418] {strides = array<i32>} : memref<8192xi32, #tpu.memory_space<vmem>>, vector<16xi32>,
        %max3A_420 = arith.maxsi %max3A_413, %get3A_419 : vector<16xi32>
        %add3A_421 = arith.constant 768 : i32
        %add3A_422 = arith.addi %mul3A_21, %add3A_421 : i32
        %add3A_423 = arith.constant 176 : i32
        %add3A_424 = arith.addi %add3A_422, %add3A_423 : i32
        %get3A_425 = arith.index_cast %add3A_424 : i32 to index
        %get3A_426 = tpu.vector_load %arg9[%get3A_425] {strides = array<i32>} : memref<8192xi32, #tpu.memory_space<vmem>>, vector<16xi32>,
        %max3A_427 = arith.maxsi %max3A_420, %get3A_426 : vector<16xi32>
        %add3A_428 = arith.constant 768 : i32
        %add3A_429 = arith.addi %mul3A_21, %add3A_428 : i32
        %add3A_430 = arith.constant 192 : i32
        %add3A_431 = arith.addi %add3A_429, %add3A_430 : i32
        %get3A_432 = arith.index_cast %add3A_431 : i32 to index
        %get3A_433 = tpu.vector_load %arg9[%get3A_432] {strides = array<i32>} : memref<8192xi32, #tpu.memory_space<vmem>>, vector<16xi32>,
        %max3A_434 = arith.maxsi %max3A_427, %get3A_433 : vector<16xi32>
        %add3A_435 = arith.constant 768 : i32
        %add3A_436 = arith.addi %mul3A_21, %add3A_435 : i32
        %add3A_437 = arith.constant 208 : i32
        %add3A_438 = arith.addi %add3A_436, %add3A_437 : i32
        %get3A_439 = arith.index_cast %add3A_438 : i32 to index
        %get3A_440 = tpu.vector_load %arg9[%get3A_439] {strides = array<i32>} : memref<8192xi32, #tpu.memory_space<vmem>>, vector<16xi32>,
        %max3A_441 = arith.maxsi %max3A_434, %get3A_440 : vector<16xi32>
        %add3A_442 = arith.constant 768 : i32
        %add3A_443 = arith.addi %mul3A_21, %add3A_442 : i32
        %add3A_444 = arith.constant 224 : i32
        %add3A_445 = arith.addi %add3A_443, %add3A_444 : i32
        %get3A_446 = arith.index_cast %add3A_445 : i32 to index
        %get3A_447 = tpu.vector_load %arg9[%get3A_446] {strides = array<i32>} : memref<8192xi32, #tpu.memory_space<vmem>>, vector<16xi32>,
        %max3A_448 = arith.maxsi %max3A_441, %get3A_447 : vector<16xi32>
        %add3A_449 = arith.constant 768 : i32
        %add3A_450 = arith.addi %mul3A_21, %add3A_449 : i32
        %add3A_451 = arith.constant 240 : i32
        %add3A_452 = arith.addi %add3A_450, %add3A_451 : i32
        %get3A_453 = arith.index_cast %add3A_452 : i32 to index
        %get3A_454 = tpu.vector_load %arg9[%get3A_453] {strides = array<i32>} : memref<8192xi32, #tpu.memory_space<vmem>>, vector<16xi32>,
        %max3A_455 = arith.maxsi %max3A_448, %get3A_454 : vector<16xi32>
        %masked_sort3A = arith.constant dense<true> : vector<16xi1>
        %masked_sort3A_456 = arith.constant -2147483648 : i32
        %masked_sort3A_457 = vector.broadcast %masked_sort3A_456 : i32 to vector<16xi32>
        %masked_sort3A_458 = arith.xori %max3A_128, %masked_sort3A_457 : vector<16xi32>
        %masked_sort3A_459, %masked_sort3A_460, %masked_sort3A_461 = tpu.sort %masked_sort3A_458, %max3A_128 masked %masked_sort3A {descending = true} : (vector<16xi32>, vector<16xi32>, vector<16xi1>) -> (vector<16xi1>, vector<16xi32>, vector<16xi32>)
        %masked_sort3A_462 = arith.xori %masked_sort3A_460, %masked_sort3A_457 : vector<16xi32>
        %masked_sort3A_463 = arith.constant dense<true> : vector<16xi1>
        %masked_sort3A_464 = arith.constant -2147483648 : i32
        %masked_sort3A_465 = vector.broadcast %masked_sort3A_464 : i32 to vector<16xi32>
        %masked_sort3A_466 = arith.xori %max3A_237, %masked_sort3A_465 : vector<16xi32>
        %masked_sort3A_467, %masked_sort3A_468, %masked_sort3A_469 = tpu.sort %masked_sort3A_466, %max3A_237 masked %masked_sort3A_463 {descending = true} : (vector<16xi32>, vector<16xi32>, vector<16xi1>) -> (vector<16xi1>, vector<16xi32>, vector<16xi32>)
        %masked_sort3A_470 = arith.xori %masked_sort3A_468, %masked_sort3A_465 : vector<16xi32>
        %masked_sort3A_471 = arith.constant dense<true> : vector<16xi1>
        %masked_sort3A_472 = arith.constant -2147483648 : i32
        %masked_sort3A_473 = vector.broadcast %masked_sort3A_472 : i32 to vector<16xi32>
        %masked_sort3A_474 = arith.xori %max3A_346, %masked_sort3A_473 : vector<16xi32>
        %masked_sort3A_475, %masked_sort3A_476, %masked_sort3A_477 = tpu.sort %masked_sort3A_474, %max3A_346 masked %masked_sort3A_471 {descending = true} : (vector<16xi32>, vector<16xi32>, vector<16xi1>) -> (vector<16xi1>, vector<16xi32>, vector<16xi32>)
        %masked_sort3A_478 = arith.xori %masked_sort3A_476, %masked_sort3A_473 : vector<16xi32>
        %masked_sort3A_479 = arith.constant dense<true> : vector<16xi1>
        %masked_sort3A_480 = arith.constant -2147483648 : i32
        %masked_sort3A_481 = vector.broadcast %masked_sort3A_480 : i32 to vector<16xi32>
        %masked_sort3A_482 = arith.xori %max3A_455, %masked_sort3A_481 : vector<16xi32>
        %masked_sort3A_483, %masked_sort3A_484, %masked_sort3A_485 = tpu.sort %masked_sort3A_482, %max3A_455 masked %masked_sort3A_479 {descending = true} : (vector<16xi32>, vector<16xi32>, vector<16xi1>) -> (vector<16xi1>, vector<16xi32>, vector<16xi32>)
        %masked_sort3A_486 = arith.xori %masked_sort3A_484, %masked_sort3A_481 : vector<16xi32>
        %rev3A = arith.constant 15 : i32
        %rev3A_487 = vector.broadcast %rev3A : i32 to vector<16xi32>
        %rev3A_488 = tpu.iota {dimensions = array<i32: 0>} : vector<16xi32>
        %rev3A_489 = arith.subi %rev3A_487, %rev3A_488 : vector<16xi32>
        %rev3A_490 = tpu.dynamic_gather %masked_sort3A_470[%rev3A_489] in [0] : vector<16xi32>, vector<16xi32> -> vector<16xi32>
        %max3A_491 = arith.maxsi %masked_sort3A_462, %rev3A_490 : vector<16xi32>
        %masked_sort3A_492 = arith.constant dense<true> : vector<16xi1>
        %masked_sort3A_493 = arith.constant -2147483648 : i32
        %masked_sort3A_494 = vector.broadcast %masked_sort3A_493 : i32 to vector<16xi32>
        %masked_sort3A_495 = arith.xori %max3A_491, %masked_sort3A_494 : vector<16xi32>
        %masked_sort3A_496, %masked_sort3A_497, %masked_sort3A_498 = tpu.sort %masked_sort3A_495, %max3A_128 masked %masked_sort3A_492 {descending = true} : (vector<16xi32>, vector<16xi32>, vector<16xi1>) -> (vector<16xi1>, vector<16xi32>, vector<16xi32>)
        %masked_sort3A_499 = arith.xori %masked_sort3A_497, %masked_sort3A_494 : vector<16xi32>
        %rev3A_500 = arith.constant 15 : i32
        %rev3A_501 = vector.broadcast %rev3A_500 : i32 to vector<16xi32>
        %rev3A_502 = tpu.iota {dimensions = array<i32: 0>} : vector<16xi32>
        %rev3A_503 = arith.subi %rev3A_501, %rev3A_502 : vector<16xi32>
        %rev3A_504 = tpu.dynamic_gather %masked_sort3A_470[%rev3A_503] in [0] : vector<16xi32>, vector<16xi32> -> vector<16xi32>
        %min3A = arith.minsi %masked_sort3A_462, %rev3A_504 : vector<16xi32>
        %masked_sort3A_505 = arith.constant dense<true> : vector<16xi1>
        %masked_sort3A_506 = arith.constant -2147483648 : i32
        %masked_sort3A_507 = vector.broadcast %masked_sort3A_506 : i32 to vector<16xi32>
        %masked_sort3A_508 = arith.xori %min3A, %masked_sort3A_507 : vector<16xi32>
        %masked_sort3A_509, %masked_sort3A_510, %masked_sort3A_511 = tpu.sort %masked_sort3A_508, %max3A_128 masked %masked_sort3A_505 {descending = true} : (vector<16xi32>, vector<16xi32>, vector<16xi1>) -> (vector<16xi1>, vector<16xi32>, vector<16xi32>)
        %masked_sort3A_512 = arith.xori %masked_sort3A_510, %masked_sort3A_507 : vector<16xi32>
        %rev3A_513 = arith.constant 15 : i32
        %rev3A_514 = vector.broadcast %rev3A_513 : i32 to vector<16xi32>
        %rev3A_515 = tpu.iota {dimensions = array<i32: 0>} : vector<16xi32>
        %rev3A_516 = arith.subi %rev3A_514, %rev3A_515 : vector<16xi32>
        %rev3A_517 = tpu.dynamic_gather %masked_sort3A_486[%rev3A_516] in [0] : vector<16xi32>, vector<16xi32> -> vector<16xi32>
        %max3A_518 = arith.maxsi %masked_sort3A_478, %rev3A_517 : vector<16xi32>
        %masked_sort3A_519 = arith.constant dense<true> : vector<16xi1>
        %masked_sort3A_520 = arith.constant -2147483648 : i32
        %masked_sort3A_521 = vector.broadcast %masked_sort3A_520 : i32 to vector<16xi32>
        %masked_sort3A_522 = arith.xori %max3A_518, %masked_sort3A_521 : vector<16xi32>
        %masked_sort3A_523, %masked_sort3A_524, %masked_sort3A_525 = tpu.sort %masked_sort3A_522, %max3A_128 masked %masked_sort3A_519 {descending = true} : (vector<16xi32>, vector<16xi32>, vector<16xi1>) -> (vector<16xi1>, vector<16xi32>, vector<16xi32>)
        %masked_sort3A_526 = arith.xori %masked_sort3A_524, %masked_sort3A_521 : vector<16xi32>
        %rev3A_527 = arith.constant 15 : i32
        %rev3A_528 = vector.broadcast %rev3A_527 : i32 to vector<16xi32>
        %rev3A_529 = tpu.iota {dimensions = array<i32: 0>} : vector<16xi32>
        %rev3A_530 = arith.subi %rev3A_528, %rev3A_529 : vector<16xi32>
        %rev3A_531 = tpu.dynamic_gather %masked_sort3A_486[%rev3A_530] in [0] : vector<16xi32>, vector<16xi32> -> vector<16xi32>
        %min3A_532 = arith.minsi %masked_sort3A_478, %rev3A_531 : vector<16xi32>
        %masked_sort3A_533 = arith.constant dense<true> : vector<16xi1>
        %masked_sort3A_534 = arith.constant -2147483648 : i32
        %masked_sort3A_535 = vector.broadcast %masked_sort3A_534 : i32 to vector<16xi32>
        %masked_sort3A_536 = arith.xori %min3A_532, %masked_sort3A_535 : vector<16xi32>
        %masked_sort3A_537, %masked_sort3A_538, %masked_sort3A_539 = tpu.sort %masked_sort3A_536, %max3A_128 masked %masked_sort3A_533 {descending = true} : (vector<16xi32>, vector<16xi32>, vector<16xi1>) -> (vector<16xi1>, vector<16xi32>, vector<16xi32>)
        %masked_sort3A_540 = arith.xori %masked_sort3A_538, %masked_sort3A_535 : vector<16xi32>
        %rev3A_541 = arith.constant 15 : i32
        %rev3A_542 = vector.broadcast %rev3A_541 : i32 to vector<16xi32>
        %rev3A_543 = tpu.iota {dimensions = array<i32: 0>} : vector<16xi32>
        %rev3A_544 = arith.subi %rev3A_542, %rev3A_543 : vector<16xi32>
        %rev3A_545 = tpu.dynamic_gather %masked_sort3A_540[%rev3A_544] in [0] : vector<16xi32>, vector<16xi32> -> vector<16xi32>
        %min3A_546 = arith.minsi %masked_sort3A_499, %rev3A_545 : vector<16xi32>
        %rev3A_547 = arith.constant 15 : i32
        %rev3A_548 = vector.broadcast %rev3A_547 : i32 to vector<16xi32>
        %rev3A_549 = tpu.iota {dimensions = array<i32: 0>} : vector<16xi32>
        %rev3A_550 = arith.subi %rev3A_548, %rev3A_549 : vector<16xi32>
        %rev3A_551 = tpu.dynamic_gather %masked_sort3A_526[%rev3A_550] in [0] : vector<16xi32>, vector<16xi32> -> vector<16xi32>
        %min3A_552 = arith.minsi %masked_sort3A_512, %rev3A_551 : vector<16xi32>
        %min3A_553 = arith.minsi %min3A_546, %min3A_552 : vector<16xi32>
        %masked_sort3A_554 = arith.constant dense<true> : vector<16xi1>
        %masked_sort3A_555 = arith.constant -2147483648 : i32
        %masked_sort3A_556 = vector.broadcast %masked_sort3A_555 : i32 to vector<16xi32>
        %masked_sort3A_557 = arith.xori %min3A_553, %masked_sort3A_556 : vector<16xi32>
        %masked_sort3A_558, %masked_sort3A_559, %masked_sort3A_560 = tpu.sort %masked_sort3A_557, %min3A_553 masked %masked_sort3A_554 {descending = true} : (vector<16xi32>, vector<16xi32>, vector<16xi1>) -> (vector<16xi1>, vector<16xi32>, vector<16xi32>)
        %masked_sort3A_561 = arith.xori %masked_sort3A_559, %masked_sort3A_556 : vector<16xi32>
        %slice3A = vector.extract_strided_slice %masked_sort3A_561 {offsets = [1], sizes = [1], strides = [1]} : vector<16xi32> to vector<1xi32>
        %squeeze3A = vector.extract %slice3A[0] : i32 from vector<1xi32>
        %broadcast_in_dim3A = vector.broadcast %squeeze3A : i32 to vector<16xi32>
        %broadcast_in_dim3A_562 = arith.constant 1023 : i32
        %broadcast_in_dim3A_563 = vector.broadcast %broadcast_in_dim3A_562 : i32 to vector<16xi32>
        %swap3A = arith.constant 0 : index
        %swap3A_564 = tpu.vector_load %arg13[%swap3A] {strides = array<i32>} : memref<1024xi32, #tpu.memory_space<vmem>>, vector<16xi32>,
        tpu.vector_store %arg13[%swap3A], %broadcast_in_dim3A_563 {strides = array<i32>} : memref<1024xi32, #tpu.memory_space<vmem>>, vector<16xi32>,
        %swap3A_565 = arith.constant 16 : index
        %swap3A_566 = tpu.vector_load %arg13[%swap3A_565] {strides = array<i32>} : memref<1024xi32, #tpu.memory_space<vmem>>, vector<16xi32>,
        tpu.vector_store %arg13[%swap3A_565], %broadcast_in_dim3A_563 {strides = array<i32>} : memref<1024xi32, #tpu.memory_space<vmem>>, vector<16xi32>,
        %swap3A_567 = arith.constant 32 : index
        %swap3A_568 = tpu.vector_load %arg13[%swap3A_567] {strides = array<i32>} : memref<1024xi32, #tpu.memory_space<vmem>>, vector<16xi32>,
        tpu.vector_store %arg13[%swap3A_567], %broadcast_in_dim3A_563 {strides = array<i32>} : memref<1024xi32, #tpu.memory_space<vmem>>, vector<16xi32>,
        %swap3A_569 = arith.constant 48 : index
        %swap3A_570 = tpu.vector_load %arg13[%swap3A_569] {strides = array<i32>} : memref<1024xi32, #tpu.memory_space<vmem>>, vector<16xi32>,
        tpu.vector_store %arg13[%swap3A_569], %broadcast_in_dim3A_563 {strides = array<i32>} : memref<1024xi32, #tpu.memory_space<vmem>>, vector<16xi32>,
        %swap3A_571 = arith.constant 64 : index
        %swap3A_572 = tpu.vector_load %arg13[%swap3A_571] {strides = array<i32>} : memref<1024xi32, #tpu.memory_space<vmem>>, vector<16xi32>,
        tpu.vector_store %arg13[%swap3A_571], %broadcast_in_dim3A_563 {strides = array<i32>} : memref<1024xi32, #tpu.memory_space<vmem>>, vector<16xi32>,
        %swap3A_573 = arith.constant 80 : index
        %swap3A_574 = tpu.vector_load %arg13[%swap3A_573] {strides = array<i32>} : memref<1024xi32, #tpu.memory_space<vmem>>, vector<16xi32>,
        tpu.vector_store %arg13[%swap3A_573], %broadcast_in_dim3A_563 {strides = array<i32>} : memref<1024xi32, #tpu.memory_space<vmem>>, vector<16xi32>,
        %swap3A_575 = arith.constant 96 : index
        %swap3A_576 = tpu.vector_load %arg13[%swap3A_575] {strides = array<i32>} : memref<1024xi32, #tpu.memory_space<vmem>>, vector<16xi32>,
        tpu.vector_store %arg13[%swap3A_575], %broadcast_in_dim3A_563 {strides = array<i32>} : memref<1024xi32, #tpu.memory_space<vmem>>, vector<16xi32>,
        %swap3A_577 = arith.constant 112 : index
        %swap3A_578 = tpu.vector_load %arg13[%swap3A_577] {strides = array<i32>} : memref<1024xi32, #tpu.memory_space<vmem>>, vector<16xi32>,
        tpu.vector_store %arg13[%swap3A_577], %broadcast_in_dim3A_563 {strides = array<i32>} : memref<1024xi32, #tpu.memory_space<vmem>>, vector<16xi32>,
        %swap3A_579 = arith.constant 128 : index
        %swap3A_580 = tpu.vector_load %arg13[%swap3A_579] {strides = array<i32>} : memref<1024xi32, #tpu.memory_space<vmem>>, vector<16xi32>,
        tpu.vector_store %arg13[%swap3A_579], %broadcast_in_dim3A_563 {strides = array<i32>} : memref<1024xi32, #tpu.memory_space<vmem>>, vector<16xi32>,
        %swap3A_581 = arith.constant 144 : index
        %swap3A_582 = tpu.vector_load %arg13[%swap3A_581] {strides = array<i32>} : memref<1024xi32, #tpu.memory_space<vmem>>, vector<16xi32>,
        tpu.vector_store %arg13[%swap3A_581], %broadcast_in_dim3A_563 {strides = array<i32>} : memref<1024xi32, #tpu.memory_space<vmem>>, vector<16xi32>,
        %swap3A_583 = arith.constant 160 : index
        %swap3A_584 = tpu.vector_load %arg13[%swap3A_583] {strides = array<i32>} : memref<1024xi32, #tpu.memory_space<vmem>>, vector<16xi32>,
        tpu.vector_store %arg13[%swap3A_583], %broadcast_in_dim3A_563 {strides = array<i32>} : memref<1024xi32, #tpu.memory_space<vmem>>, vector<16xi32>,
        %swap3A_585 = arith.constant 176 : index
        %swap3A_586 = tpu.vector_load %arg13[%swap3A_585] {strides = array<i32>} : memref<1024xi32, #tpu.memory_space<vmem>>, vector<16xi32>,
        tpu.vector_store %arg13[%swap3A_585], %broadcast_in_dim3A_563 {strides = array<i32>} : memref<1024xi32, #tpu.memory_space<vmem>>, vector<16xi32>,
        %swap3A_587 = arith.constant 192 : index
        %swap3A_588 = tpu.vector_load %arg13[%swap3A_587] {strides = array<i32>} : memref<1024xi32, #tpu.memory_space<vmem>>, vector<16xi32>,
        tpu.vector_store %arg13[%swap3A_587], %broadcast_in_dim3A_563 {strides = array<i32>} : memref<1024xi32, #tpu.memory_space<vmem>>, vector<16xi32>,
        %swap3A_589 = arith.constant 208 : index
        %swap3A_590 = tpu.vector_load %arg13[%swap3A_589] {strides = array<i32>} : memref<1024xi32, #tpu.memory_space<vmem>>, vector<16xi32>,
        tpu.vector_store %arg13[%swap3A_589], %broadcast_in_dim3A_563 {strides = array<i32>} : memref<1024xi32, #tpu.memory_space<vmem>>, vector<16xi32>,
        %swap3A_591 = arith.constant 224 : index
        %swap3A_592 = tpu.vector_load %arg13[%swap3A_591] {strides = array<i32>} : memref<1024xi32, #tpu.memory_space<vmem>>, vector<16xi32>,
        tpu.vector_store %arg13[%swap3A_591], %broadcast_in_dim3A_563 {strides = array<i32>} : memref<1024xi32, #tpu.memory_space<vmem>>, vector<16xi32>,
        %swap3A_593 = arith.constant 240 : index
        %swap3A_594 = tpu.vector_load %arg13[%swap3A_593] {strides = array<i32>} : memref<1024xi32, #tpu.memory_space<vmem>>, vector<16xi32>,
        tpu.vector_store %arg13[%swap3A_593], %broadcast_in_dim3A_563 {strides = array<i32>} : memref<1024xi32, #tpu.memory_space<vmem>>, vector<16xi32>,
        %broadcast_in_dim3A_595 = arith.constant -1 : i32
        %broadcast_in_dim3A_596 = vector.broadcast %broadcast_in_dim3A_595 : i32 to vector<16xi32>
        %add3A_597 = arith.constant 0 : i32
        %add3A_598 = arith.addi %mul3A_21, %add3A_597 : i32
        %get3A_599 = arith.index_cast %add3A_598 : i32 to index
        %get3A_600 = tpu.vector_load %arg9[%get3A_599] {strides = array<i32>} : memref<8192xi32, #tpu.memory_space<vmem>>, vector<16xi32>,
        %add3A_601 = arith.constant 16 : i32
        %add3A_602 = arith.addi %mul3A_21, %add3A_601 : i32
        %get3A_603 = arith.index_cast %add3A_602 : i32 to index
        %get3A_604 = tpu.vector_load %arg9[%get3A_603] {strides = array<i32>} : memref<8192xi32, #tpu.memory_space<vmem>>, vector<16xi32>,
        %add3A_605 = arith.constant 32 : i32
        %add3A_606 = arith.addi %mul3A_21, %add3A_605 : i32
        %get3A_607 = arith.index_cast %add3A_606 : i32 to index
        %get3A_608 = tpu.vector_load %arg9[%get3A_607] {strides = array<i32>} : memref<8192xi32, #tpu.memory_space<vmem>>, vector<16xi32>,
        %add3A_609 = arith.constant 48 : i32
        %add3A_610 = arith.addi %mul3A_21, %add3A_609 : i32
        %get3A_611 = arith.index_cast %add3A_610 : i32 to index
        %get3A_612 = tpu.vector_load %arg9[%get3A_611] {strides = array<i32>} : memref<8192xi32, #tpu.memory_space<vmem>>, vector<16xi32>,
        %add3A_613 = arith.constant 64 : i32
        %add3A_614 = arith.addi %mul3A_21, %add3A_613 : i32
        %get3A_615 = arith.index_cast %add3A_614 : i32 to index
        %get3A_616 = tpu.vector_load %arg9[%get3A_615] {strides = array<i32>} : memref<8192xi32, #tpu.memory_space<vmem>>, vector<16xi32>,
        %add3A_617 = arith.constant 80 : i32
        %add3A_618 = arith.addi %mul3A_21, %add3A_617 : i32
        %get3A_619 = arith.index_cast %add3A_618 : i32 to index
        %get3A_620 = tpu.vector_load %arg9[%get3A_619] {strides = array<i32>} : memref<8192xi32, #tpu.memory_space<vmem>>, vector<16xi32>,
        %add3A_621 = arith.constant 96 : i32
        %add3A_622 = arith.addi %mul3A_21, %add3A_621 : i32
        %get3A_623 = arith.index_cast %add3A_622 : i32 to index
        %get3A_624 = tpu.vector_load %arg9[%get3A_623] {strides = array<i32>} : memref<8192xi32, #tpu.memory_space<vmem>>, vector<16xi32>,
        %add3A_625 = arith.constant 112 : i32
        %add3A_626 = arith.addi %mul3A_21, %add3A_625 : i32
        %get3A_627 = arith.index_cast %add3A_626 : i32 to index
        %get3A_628 = tpu.vector_load %arg9[%get3A_627] {strides = array<i32>} : memref<8192xi32, #tpu.memory_space<vmem>>, vector<16xi32>,
        %add3A_629 = arith.constant 128 : i32
        %add3A_630 = arith.addi %mul3A_21, %add3A_629 : i32
        %get3A_631 = arith.index_cast %add3A_630 : i32 to index
        %get3A_632 = tpu.vector_load %arg9[%get3A_631] {strides = array<i32>} : memref<8192xi32, #tpu.memory_space<vmem>>, vector<16xi32>,
        %add3A_633 = arith.constant 144 : i32
        %add3A_634 = arith.addi %mul3A_21, %add3A_633 : i32
        %get3A_635 = arith.index_cast %add3A_634 : i32 to index
        %get3A_636 = tpu.vector_load %arg9[%get3A_635] {strides = array<i32>} : memref<8192xi32, #tpu.memory_space<vmem>>, vector<16xi32>,
        %add3A_637 = arith.constant 160 : i32
        %add3A_638 = arith.addi %mul3A_21, %add3A_637 : i32
        %get3A_639 = arith.index_cast %add3A_638 : i32 to index
        %get3A_640 = tpu.vector_load %arg9[%get3A_639] {strides = array<i32>} : memref<8192xi32, #tpu.memory_space<vmem>>, vector<16xi32>,
        %add3A_641 = arith.constant 176 : i32
        %add3A_642 = arith.addi %mul3A_21, %add3A_641 : i32
        %get3A_643 = arith.index_cast %add3A_642 : i32 to index
        %get3A_644 = tpu.vector_load %arg9[%get3A_643] {strides = array<i32>} : memref<8192xi32, #tpu.memory_space<vmem>>, vector<16xi32>,
        %add3A_645 = arith.constant 192 : i32
        %add3A_646 = arith.addi %mul3A_21, %add3A_645 : i32
        %get3A_647 = arith.index_cast %add3A_646 : i32 to index
        %get3A_648 = tpu.vector_load %arg9[%get3A_647] {strides = array<i32>} : memref<8192xi32, #tpu.memory_space<vmem>>, vector<16xi32>,
        %add3A_649 = arith.constant 208 : i32
        %add3A_650 = arith.addi %mul3A_21, %add3A_649 : i32
        %get3A_651 = arith.index_cast %add3A_650 : i32 to index
        %get3A_652 = tpu.vector_load %arg9[%get3A_651] {strides = array<i32>} : memref<8192xi32, #tpu.memory_space<vmem>>, vector<16xi32>,
        %add3A_653 = arith.constant 224 : i32
        %add3A_654 = arith.addi %mul3A_21, %add3A_653 : i32
        %get3A_655 = arith.index_cast %add3A_654 : i32 to index
        %get3A_656 = tpu.vector_load %arg9[%get3A_655] {strides = array<i32>} : memref<8192xi32, #tpu.memory_space<vmem>>, vector<16xi32>,
        %add3A_657 = arith.constant 240 : i32
        %add3A_658 = arith.addi %mul3A_21, %add3A_657 : i32
        %get3A_659 = arith.index_cast %add3A_658 : i32 to index
        %get3A_660 = tpu.vector_load %arg9[%get3A_659] {strides = array<i32>} : memref<8192xi32, #tpu.memory_space<vmem>>, vector<16xi32>,
        %ge3A = arith.cmpi sge, %get3A_600, %broadcast_in_dim3A : vector<16xi32>
        %ge3A_661 = arith.cmpi sge, %get3A_604, %broadcast_in_dim3A : vector<16xi32>
        %ge3A_662 = arith.cmpi sge, %get3A_608, %broadcast_in_dim3A : vector<16xi32>
        %ge3A_663 = arith.cmpi sge, %get3A_612, %broadcast_in_dim3A : vector<16xi32>
        %ge3A_664 = arith.cmpi sge, %get3A_616, %broadcast_in_dim3A : vector<16xi32>
        %ge3A_665 = arith.cmpi sge, %get3A_620, %broadcast_in_dim3A : vector<16xi32>
        %ge3A_666 = arith.cmpi sge, %get3A_624, %broadcast_in_dim3A : vector<16xi32>
        %ge3A_667 = arith.cmpi sge, %get3A_628, %broadcast_in_dim3A : vector<16xi32>
        %ge3A_668 = arith.cmpi sge, %get3A_632, %broadcast_in_dim3A : vector<16xi32>
        %ge3A_669 = arith.cmpi sge, %get3A_636, %broadcast_in_dim3A : vector<16xi32>
        %ge3A_670 = arith.cmpi sge, %get3A_640, %broadcast_in_dim3A : vector<16xi32>
        %ge3A_671 = arith.cmpi sge, %get3A_644, %broadcast_in_dim3A : vector<16xi32>
        %ge3A_672 = arith.cmpi sge, %get3A_648, %broadcast_in_dim3A : vector<16xi32>
        %ge3A_673 = arith.cmpi sge, %get3A_652, %broadcast_in_dim3A : vector<16xi32>
        %ge3A_674 = arith.cmpi sge, %get3A_656, %broadcast_in_dim3A : vector<16xi32>
        %ge3A_675 = arith.cmpi sge, %get3A_660, %broadcast_in_dim3A : vector<16xi32>
        %all_reduce_population_count3A = tpu.all_reduce %ge3A {dim = 0 : i64, kind = #tpu.reduction_kind<sum>} : vector<16xi1> -> vector<16xi32>
        %all_reduce_population_count3A_676 = tpu.all_reduce %ge3A_661 {dim = 0 : i64, kind = #tpu.reduction_kind<sum>} : vector<16xi1> -> vector<16xi32>
        %all_reduce_population_count3A_677 = tpu.all_reduce %ge3A_662 {dim = 0 : i64, kind = #tpu.reduction_kind<sum>} : vector<16xi1> -> vector<16xi32>
        %all_reduce_population_count3A_678 = tpu.all_reduce %ge3A_663 {dim = 0 : i64, kind = #tpu.reduction_kind<sum>} : vector<16xi1> -> vector<16xi32>
        %all_reduce_population_count3A_679 = tpu.all_reduce %ge3A_664 {dim = 0 : i64, kind = #tpu.reduction_kind<sum>} : vector<16xi1> -> vector<16xi32>
        %all_reduce_population_count3A_680 = tpu.all_reduce %ge3A_665 {dim = 0 : i64, kind = #tpu.reduction_kind<sum>} : vector<16xi1> -> vector<16xi32>
        %all_reduce_population_count3A_681 = tpu.all_reduce %ge3A_666 {dim = 0 : i64, kind = #tpu.reduction_kind<sum>} : vector<16xi1> -> vector<16xi32>
        %all_reduce_population_count3A_682 = tpu.all_reduce %ge3A_667 {dim = 0 : i64, kind = #tpu.reduction_kind<sum>} : vector<16xi1> -> vector<16xi32>
        %all_reduce_population_count3A_683 = tpu.all_reduce %ge3A_668 {dim = 0 : i64, kind = #tpu.reduction_kind<sum>} : vector<16xi1> -> vector<16xi32>
        %all_reduce_population_count3A_684 = tpu.all_reduce %ge3A_669 {dim = 0 : i64, kind = #tpu.reduction_kind<sum>} : vector<16xi1> -> vector<16xi32>
        %all_reduce_population_count3A_685 = tpu.all_reduce %ge3A_670 {dim = 0 : i64, kind = #tpu.reduction_kind<sum>} : vector<16xi1> -> vector<16xi32>
        %all_reduce_population_count3A_686 = tpu.all_reduce %ge3A_671 {dim = 0 : i64, kind = #tpu.reduction_kind<sum>} : vector<16xi1> -> vector<16xi32>
        %all_reduce_population_count3A_687 = tpu.all_reduce %ge3A_672 {dim = 0 : i64, kind = #tpu.reduction_kind<sum>} : vector<16xi1> -> vector<16xi32>
        %all_reduce_population_count3A_688 = tpu.all_reduce %ge3A_673 {dim = 0 : i64, kind = #tpu.reduction_kind<sum>} : vector<16xi1> -> vector<16xi32>
        %all_reduce_population_count3A_689 = tpu.all_reduce %ge3A_674 {dim = 0 : i64, kind = #tpu.reduction_kind<sum>} : vector<16xi1> -> vector<16xi32>
        %all_reduce_population_count3A_690 = tpu.all_reduce %ge3A_675 {dim = 0 : i64, kind = #tpu.reduction_kind<sum>} : vector<16xi1> -> vector<16xi32>
        %convert_element_type3A = arith.extui %ge3A : vector<16xi1> to vector<16xi32>
        %broadcast_in_dim3A_691 = arith.constant true
        %broadcast_in_dim3A_692 = vector.broadcast %broadcast_in_dim3A_691 : i1 to vector<16xi1>
        %masked_cumsum3A = tpu.scan <sum>, %convert_element_type3A masked %broadcast_in_dim3A_692 : vector<16xi32>, vector<16xi1> -> vector<16xi32>
        %convert_element_type3A_693 = arith.extui %ge3A_661 : vector<16xi1> to vector<16xi32>
        %broadcast_in_dim3A_694 = arith.constant true
        %broadcast_in_dim3A_695 = vector.broadcast %broadcast_in_dim3A_694 : i1 to vector<16xi1>
        %masked_cumsum3A_696 = tpu.scan <sum>, %convert_element_type3A_693 masked %broadcast_in_dim3A_695 : vector<16xi32>, vector<16xi1> -> vector<16xi32>
        %convert_element_type3A_697 = arith.extui %ge3A_662 : vector<16xi1> to vector<16xi32>
        %broadcast_in_dim3A_698 = arith.constant true
        %broadcast_in_dim3A_699 = vector.broadcast %broadcast_in_dim3A_698 : i1 to vector<16xi1>
        %masked_cumsum3A_700 = tpu.scan <sum>, %convert_element_type3A_697 masked %broadcast_in_dim3A_699 : vector<16xi32>, vector<16xi1> -> vector<16xi32>
        %convert_element_type3A_701 = arith.extui %ge3A_663 : vector<16xi1> to vector<16xi32>
        %broadcast_in_dim3A_702 = arith.constant true
        %broadcast_in_dim3A_703 = vector.broadcast %broadcast_in_dim3A_702 : i1 to vector<16xi1>
        %masked_cumsum3A_704 = tpu.scan <sum>, %convert_element_type3A_701 masked %broadcast_in_dim3A_703 : vector<16xi32>, vector<16xi1> -> vector<16xi32>
        %convert_element_type3A_705 = arith.extui %ge3A_664 : vector<16xi1> to vector<16xi32>
        %broadcast_in_dim3A_706 = arith.constant true
        %broadcast_in_dim3A_707 = vector.broadcast %broadcast_in_dim3A_706 : i1 to vector<16xi1>
        %masked_cumsum3A_708 = tpu.scan <sum>, %convert_element_type3A_705 masked %broadcast_in_dim3A_707 : vector<16xi32>, vector<16xi1> -> vector<16xi32>
        %convert_element_type3A_709 = arith.extui %ge3A_665 : vector<16xi1> to vector<16xi32>
        %broadcast_in_dim3A_710 = arith.constant true
        %broadcast_in_dim3A_711 = vector.broadcast %broadcast_in_dim3A_710 : i1 to vector<16xi1>
        %masked_cumsum3A_712 = tpu.scan <sum>, %convert_element_type3A_709 masked %broadcast_in_dim3A_711 : vector<16xi32>, vector<16xi1> -> vector<16xi32>
        %convert_element_type3A_713 = arith.extui %ge3A_666 : vector<16xi1> to vector<16xi32>
        %broadcast_in_dim3A_714 = arith.constant true
        %broadcast_in_dim3A_715 = vector.broadcast %broadcast_in_dim3A_714 : i1 to vector<16xi1>
        %masked_cumsum3A_716 = tpu.scan <sum>, %convert_element_type3A_713 masked %broadcast_in_dim3A_715 : vector<16xi32>, vector<16xi1> -> vector<16xi32>
        %convert_element_type3A_717 = arith.extui %ge3A_667 : vector<16xi1> to vector<16xi32>
        %broadcast_in_dim3A_718 = arith.constant true
        %broadcast_in_dim3A_719 = vector.broadcast %broadcast_in_dim3A_718 : i1 to vector<16xi1>
        %masked_cumsum3A_720 = tpu.scan <sum>, %convert_element_type3A_717 masked %broadcast_in_dim3A_719 : vector<16xi32>, vector<16xi1> -> vector<16xi32>
        %convert_element_type3A_721 = arith.extui %ge3A_668 : vector<16xi1> to vector<16xi32>
        %broadcast_in_dim3A_722 = arith.constant true
        %broadcast_in_dim3A_723 = vector.broadcast %broadcast_in_dim3A_722 : i1 to vector<16xi1>
        %masked_cumsum3A_724 = tpu.scan <sum>, %convert_element_type3A_721 masked %broadcast_in_dim3A_723 : vector<16xi32>, vector<16xi1> -> vector<16xi32>
        %convert_element_type3A_725 = arith.extui %ge3A_669 : vector<16xi1> to vector<16xi32>
        %broadcast_in_dim3A_726 = arith.constant true
        %broadcast_in_dim3A_727 = vector.broadcast %broadcast_in_dim3A_726 : i1 to vector<16xi1>
        %masked_cumsum3A_728 = tpu.scan <sum>, %convert_element_type3A_725 masked %broadcast_in_dim3A_727 : vector<16xi32>, vector<16xi1> -> vector<16xi32>
        %convert_element_type3A_729 = arith.extui %ge3A_670 : vector<16xi1> to vector<16xi32>
        %broadcast_in_dim3A_730 = arith.constant true
        %broadcast_in_dim3A_731 = vector.broadcast %broadcast_in_dim3A_730 : i1 to vector<16xi1>
        %masked_cumsum3A_732 = tpu.scan <sum>, %convert_element_type3A_729 masked %broadcast_in_dim3A_731 : vector<16xi32>, vector<16xi1> -> vector<16xi32>
        %convert_element_type3A_733 = arith.extui %ge3A_671 : vector<16xi1> to vector<16xi32>
        %broadcast_in_dim3A_734 = arith.constant true
        %broadcast_in_dim3A_735 = vector.broadcast %broadcast_in_dim3A_734 : i1 to vector<16xi1>
        %masked_cumsum3A_736 = tpu.scan <sum>, %convert_element_type3A_733 masked %broadcast_in_dim3A_735 : vector<16xi32>, vector<16xi1> -> vector<16xi32>
        %convert_element_type3A_737 = arith.extui %ge3A_672 : vector<16xi1> to vector<16xi32>
        %broadcast_in_dim3A_738 = arith.constant true
        %broadcast_in_dim3A_739 = vector.broadcast %broadcast_in_dim3A_738 : i1 to vector<16xi1>
        %masked_cumsum3A_740 = tpu.scan <sum>, %convert_element_type3A_737 masked %broadcast_in_dim3A_739 : vector<16xi32>, vector<16xi1> -> vector<16xi32>
        %convert_element_type3A_741 = arith.extui %ge3A_673 : vector<16xi1> to vector<16xi32>
        %broadcast_in_dim3A_742 = arith.constant true
        %broadcast_in_dim3A_743 = vector.broadcast %broadcast_in_dim3A_742 : i1 to vector<16xi1>
        %masked_cumsum3A_744 = tpu.scan <sum>, %convert_element_type3A_741 masked %broadcast_in_dim3A_743 : vector<16xi32>, vector<16xi1> -> vector<16xi32>
        %convert_element_type3A_745 = arith.extui %ge3A_674 : vector<16xi1> to vector<16xi32>
        %broadcast_in_dim3A_746 = arith.constant true
        %broadcast_in_dim3A_747 = vector.broadcast %broadcast_in_dim3A_746 : i1 to vector<16xi1>
        %masked_cumsum3A_748 = tpu.scan <sum>, %convert_element_type3A_745 masked %broadcast_in_dim3A_747 : vector<16xi32>, vector<16xi1> -> vector<16xi32>
        %convert_element_type3A_749 = arith.extui %ge3A_675 : vector<16xi1> to vector<16xi32>
        %broadcast_in_dim3A_750 = arith.constant true
        %broadcast_in_dim3A_751 = vector.broadcast %broadcast_in_dim3A_750 : i1 to vector<16xi1>
        %masked_cumsum3A_752 = tpu.scan <sum>, %convert_element_type3A_749 masked %broadcast_in_dim3A_751 : vector<16xi32>, vector<16xi1> -> vector<16xi32>
        %add3A_753 = arith.addi %broadcast_in_dim3A_596, %all_reduce_population_count3A : vector<16xi32>
        %add3A_754 = arith.addi %add3A_753, %all_reduce_population_count3A_676 : vector<16xi32>
        %add3A_755 = arith.addi %add3A_754, %all_reduce_population_count3A_677 : vector<16xi32>
        %add3A_756 = arith.addi %add3A_755, %all_reduce_population_count3A_678 : vector<16xi32>
        %add3A_757 = arith.addi %add3A_756, %all_reduce_population_count3A_679 : vector<16xi32>
        %add3A_758 = arith.addi %add3A_757, %all_reduce_population_count3A_680 : vector<16xi32>
        %add3A_759 = arith.addi %add3A_758, %all_reduce_population_count3A_681 : vector<16xi32>
        %add3A_760 = arith.addi %add3A_759, %all_reduce_population_count3A_682 : vector<16xi32>
        %add3A_761 = arith.addi %add3A_760, %all_reduce_population_count3A_683 : vector<16xi32>
        %add3A_762 = arith.addi %add3A_761, %all_reduce_population_count3A_684 : vector<16xi32>
        %add3A_763 = arith.addi %add3A_762, %all_reduce_population_count3A_685 : vector<16xi32>
        %add3A_764 = arith.addi %add3A_763, %all_reduce_population_count3A_686 : vector<16xi32>
        %add3A_765 = arith.addi %add3A_764, %all_reduce_population_count3A_687 : vector<16xi32>
        %add3A_766 = arith.addi %add3A_765, %all_reduce_population_count3A_688 : vector<16xi32>
        %add3A_767 = arith.addi %add3A_766, %all_reduce_population_count3A_689 : vector<16xi32>
        %add3A_768 = arith.addi %broadcast_in_dim3A_596, %masked_cumsum3A : vector<16xi32>
        %add3A_769 = arith.constant 0 : i32
        %add3A_770 = vector.broadcast %add3A_769 : i32 to vector<16xi32>
        %add3A_771 = arith.addi %iota3A, %add3A_770 : vector<16xi32>
        tpu.vector_store_idx %arg13[%add3A_768], %add3A_771 masked %ge3A : memref<1024xi32, #tpu.memory_space<vmem>>[vector<16xi32>], vector<16xi32>, vector<16xi1>
        %add3A_772 = arith.addi %add3A_753, %masked_cumsum3A_696 : vector<16xi32>
        %add3A_773 = arith.constant 16 : i32
        %add3A_774 = vector.broadcast %add3A_773 : i32 to vector<16xi32>
        %add3A_775 = arith.addi %iota3A, %add3A_774 : vector<16xi32>
        tpu.vector_store_idx %arg13[%add3A_772], %add3A_775 masked %ge3A_661 : memref<1024xi32, #tpu.memory_space<vmem>>[vector<16xi32>], vector<16xi32>, vector<16xi1>
        %add3A_776 = arith.addi %add3A_754, %masked_cumsum3A_700 : vector<16xi32>
        %add3A_777 = arith.constant 32 : i32
        %add3A_778 = vector.broadcast %add3A_777 : i32 to vector<16xi32>
        %add3A_779 = arith.addi %iota3A, %add3A_778 : vector<16xi32>
        tpu.vector_store_idx %arg13[%add3A_776], %add3A_779 masked %ge3A_662 : memref<1024xi32, #tpu.memory_space<vmem>>[vector<16xi32>], vector<16xi32>, vector<16xi1>
        %add3A_780 = arith.addi %add3A_755, %masked_cumsum3A_704 : vector<16xi32>
        %add3A_781 = arith.constant 48 : i32
        %add3A_782 = vector.broadcast %add3A_781 : i32 to vector<16xi32>
        %add3A_783 = arith.addi %iota3A, %add3A_782 : vector<16xi32>
        tpu.vector_store_idx %arg13[%add3A_780], %add3A_783 masked %ge3A_663 : memref<1024xi32, #tpu.memory_space<vmem>>[vector<16xi32>], vector<16xi32>, vector<16xi1>
        %add3A_784 = arith.addi %add3A_756, %masked_cumsum3A_708 : vector<16xi32>
        %add3A_785 = arith.constant 64 : i32
        %add3A_786 = vector.broadcast %add3A_785 : i32 to vector<16xi32>
        %add3A_787 = arith.addi %iota3A, %add3A_786 : vector<16xi32>
        tpu.vector_store_idx %arg13[%add3A_784], %add3A_787 masked %ge3A_664 : memref<1024xi32, #tpu.memory_space<vmem>>[vector<16xi32>], vector<16xi32>, vector<16xi1>
        %add3A_788 = arith.addi %add3A_757, %masked_cumsum3A_712 : vector<16xi32>
        %add3A_789 = arith.constant 80 : i32
        %add3A_790 = vector.broadcast %add3A_789 : i32 to vector<16xi32>
        %add3A_791 = arith.addi %iota3A, %add3A_790 : vector<16xi32>
        tpu.vector_store_idx %arg13[%add3A_788], %add3A_791 masked %ge3A_665 : memref<1024xi32, #tpu.memory_space<vmem>>[vector<16xi32>], vector<16xi32>, vector<16xi1>
        %add3A_792 = arith.addi %add3A_758, %masked_cumsum3A_716 : vector<16xi32>
        %add3A_793 = arith.constant 96 : i32
        %add3A_794 = vector.broadcast %add3A_793 : i32 to vector<16xi32>
        %add3A_795 = arith.addi %iota3A, %add3A_794 : vector<16xi32>
        tpu.vector_store_idx %arg13[%add3A_792], %add3A_795 masked %ge3A_666 : memref<1024xi32, #tpu.memory_space<vmem>>[vector<16xi32>], vector<16xi32>, vector<16xi1>
        %add3A_796 = arith.addi %add3A_759, %masked_cumsum3A_720 : vector<16xi32>
        %add3A_797 = arith.constant 112 : i32
        %add3A_798 = vector.broadcast %add3A_797 : i32 to vector<16xi32>
        %add3A_799 = arith.addi %iota3A, %add3A_798 : vector<16xi32>
        tpu.vector_store_idx %arg13[%add3A_796], %add3A_799 masked %ge3A_667 : memref<1024xi32, #tpu.memory_space<vmem>>[vector<16xi32>], vector<16xi32>, vector<16xi1>
        %add3A_800 = arith.addi %add3A_760, %masked_cumsum3A_724 : vector<16xi32>
        %add3A_801 = arith.constant 128 : i32
        %add3A_802 = vector.broadcast %add3A_801 : i32 to vector<16xi32>
        %add3A_803 = arith.addi %iota3A, %add3A_802 : vector<16xi32>
        tpu.vector_store_idx %arg13[%add3A_800], %add3A_803 masked %ge3A_668 : memref<1024xi32, #tpu.memory_space<vmem>>[vector<16xi32>], vector<16xi32>, vector<16xi1>
        %add3A_804 = arith.addi %add3A_761, %masked_cumsum3A_728 : vector<16xi32>
        %add3A_805 = arith.constant 144 : i32
        %add3A_806 = vector.broadcast %add3A_805 : i32 to vector<16xi32>
        %add3A_807 = arith.addi %iota3A, %add3A_806 : vector<16xi32>
        tpu.vector_store_idx %arg13[%add3A_804], %add3A_807 masked %ge3A_669 : memref<1024xi32, #tpu.memory_space<vmem>>[vector<16xi32>], vector<16xi32>, vector<16xi1>
        %add3A_808 = arith.addi %add3A_762, %masked_cumsum3A_732 : vector<16xi32>
        %add3A_809 = arith.constant 160 : i32
        %add3A_810 = vector.broadcast %add3A_809 : i32 to vector<16xi32>
        %add3A_811 = arith.addi %iota3A, %add3A_810 : vector<16xi32>
        tpu.vector_store_idx %arg13[%add3A_808], %add3A_811 masked %ge3A_670 : memref<1024xi32, #tpu.memory_space<vmem>>[vector<16xi32>], vector<16xi32>, vector<16xi1>
        %add3A_812 = arith.addi %add3A_763, %masked_cumsum3A_736 : vector<16xi32>
        %add3A_813 = arith.constant 176 : i32
        %add3A_814 = vector.broadcast %add3A_813 : i32 to vector<16xi32>
        %add3A_815 = arith.addi %iota3A, %add3A_814 : vector<16xi32>
        tpu.vector_store_idx %arg13[%add3A_812], %add3A_815 masked %ge3A_671 : memref<1024xi32, #tpu.memory_space<vmem>>[vector<16xi32>], vector<16xi32>, vector<16xi1>
        %add3A_816 = arith.addi %add3A_764, %masked_cumsum3A_740 : vector<16xi32>
        %add3A_817 = arith.constant 192 : i32
        %add3A_818 = vector.broadcast %add3A_817 : i32 to vector<16xi32>
        %add3A_819 = arith.addi %iota3A, %add3A_818 : vector<16xi32>
        tpu.vector_store_idx %arg13[%add3A_816], %add3A_819 masked %ge3A_672 : memref<1024xi32, #tpu.memory_space<vmem>>[vector<16xi32>], vector<16xi32>, vector<16xi1>
        %add3A_820 = arith.addi %add3A_765, %masked_cumsum3A_744 : vector<16xi32>
        %add3A_821 = arith.constant 208 : i32
        %add3A_822 = vector.broadcast %add3A_821 : i32 to vector<16xi32>
        %add3A_823 = arith.addi %iota3A, %add3A_822 : vector<16xi32>
        tpu.vector_store_idx %arg13[%add3A_820], %add3A_823 masked %ge3A_673 : memref<1024xi32, #tpu.memory_space<vmem>>[vector<16xi32>], vector<16xi32>, vector<16xi1>
        %add3A_824 = arith.addi %add3A_766, %masked_cumsum3A_748 : vector<16xi32>
        %add3A_825 = arith.constant 224 : i32
        %add3A_826 = vector.broadcast %add3A_825 : i32 to vector<16xi32>
        %add3A_827 = arith.addi %iota3A, %add3A_826 : vector<16xi32>
        tpu.vector_store_idx %arg13[%add3A_824], %add3A_827 masked %ge3A_674 : memref<1024xi32, #tpu.memory_space<vmem>>[vector<16xi32>], vector<16xi32>, vector<16xi1>
        %add3A_828 = arith.addi %add3A_767, %masked_cumsum3A_752 : vector<16xi32>
        %add3A_829 = arith.constant 240 : i32
        %add3A_830 = vector.broadcast %add3A_829 : i32 to vector<16xi32>
        %add3A_831 = arith.addi %iota3A, %add3A_830 : vector<16xi32>
        tpu.vector_store_idx %arg13[%add3A_828], %add3A_831 masked %ge3A_675 : memref<1024xi32, #tpu.memory_space<vmem>>[vector<16xi32>], vector<16xi32>, vector<16xi1>
        %add3A_832 = arith.addi %add3A_767, %all_reduce_population_count3A_690 : vector<16xi32>
        %add3A_833 = arith.constant 256 : i32
        %add3A_834 = arith.addi %mul3A_21, %add3A_833 : i32
        %get3A_835 = arith.index_cast %add3A_834 : i32 to index
        %get3A_836 = tpu.vector_load %arg9[%get3A_835] {strides = array<i32>} : memref<8192xi32, #tpu.memory_space<vmem>>, vector<16xi32>,
        %add3A_837 = arith.constant 272 : i32
        %add3A_838 = arith.addi %mul3A_21, %add3A_837 : i32
        %get3A_839 = arith.index_cast %add3A_838 : i32 to index
        %get3A_840 = tpu.vector_load %arg9[%get3A_839] {strides = array<i32>} : memref<8192xi32, #tpu.memory_space<vmem>>, vector<16xi32>,
        %add3A_841 = arith.constant 288 : i32
        %add3A_842 = arith.addi %mul3A_21, %add3A_841 : i32
        %get3A_843 = arith.index_cast %add3A_842 : i32 to index
        %get3A_844 = tpu.vector_load %arg9[%get3A_843] {strides = array<i32>} : memref<8192xi32, #tpu.memory_space<vmem>>, vector<16xi32>,
        %add3A_845 = arith.constant 304 : i32
        %add3A_846 = arith.addi %mul3A_21, %add3A_845 : i32
        %get3A_847 = arith.index_cast %add3A_846 : i32 to index
        %get3A_848 = tpu.vector_load %arg9[%get3A_847] {strides = array<i32>} : memref<8192xi32, #tpu.memory_space<vmem>>, vector<16xi32>,
        %add3A_849 = arith.constant 320 : i32
        %add3A_850 = arith.addi %mul3A_21, %add3A_849 : i32
        %get3A_851 = arith.index_cast %add3A_850 : i32 to index
        %get3A_852 = tpu.vector_load %arg9[%get3A_851] {strides = array<i32>} : memref<8192xi32, #tpu.memory_space<vmem>>, vector<16xi32>,
        %add3A_853 = arith.constant 336 : i32
        %add3A_854 = arith.addi %mul3A_21, %add3A_853 : i32
        %get3A_855 = arith.index_cast %add3A_854 : i32 to index
        %get3A_856 = tpu.vector_load %arg9[%get3A_855] {strides = array<i32>} : memref<8192xi32, #tpu.memory_space<vmem>>, vector<16xi32>,
        %add3A_857 = arith.constant 352 : i32
        %add3A_858 = arith.addi %mul3A_21, %add3A_857 : i32
        %get3A_859 = arith.index_cast %add3A_858 : i32 to index
        %get3A_860 = tpu.vector_load %arg9[%get3A_859] {strides = array<i32>} : memref<8192xi32, #tpu.memory_space<vmem>>, vector<16xi32>,
        %add3A_861 = arith.constant 368 : i32
        %add3A_862 = arith.addi %mul3A_21, %add3A_861 : i32
        %get3A_863 = arith.index_cast %add3A_862 : i32 to index
        %get3A_864 = tpu.vector_load %arg9[%get3A_863] {strides = array<i32>} : memref<8192xi32, #tpu.memory_space<vmem>>, vector<16xi32>,
        %add3A_865 = arith.constant 384 : i32
        %add3A_866 = arith.addi %mul3A_21, %add3A_865 : i32
        %get3A_867 = arith.index_cast %add3A_866 : i32 to index
        %get3A_868 = tpu.vector_load %arg9[%get3A_867] {strides = array<i32>} : memref<8192xi32, #tpu.memory_space<vmem>>, vector<16xi32>,
        %add3A_869 = arith.constant 400 : i32
        %add3A_870 = arith.addi %mul3A_21, %add3A_869 : i32
        %get3A_871 = arith.index_cast %add3A_870 : i32 to index
        %get3A_872 = tpu.vector_load %arg9[%get3A_871] {strides = array<i32>} : memref<8192xi32, #tpu.memory_space<vmem>>, vector<16xi32>,
        %add3A_873 = arith.constant 416 : i32
        %add3A_874 = arith.addi %mul3A_21, %add3A_873 : i32
        %get3A_875 = arith.index_cast %add3A_874 : i32 to index
        %get3A_876 = tpu.vector_load %arg9[%get3A_875] {strides = array<i32>} : memref<8192xi32, #tpu.memory_space<vmem>>, vector<16xi32>,
        %add3A_877 = arith.constant 432 : i32
        %add3A_878 = arith.addi %mul3A_21, %add3A_877 : i32
        %get3A_879 = arith.index_cast %add3A_878 : i32 to index
        %get3A_880 = tpu.vector_load %arg9[%get3A_879] {strides = array<i32>} : memref<8192xi32, #tpu.memory_space<vmem>>, vector<16xi32>,
        %add3A_881 = arith.constant 448 : i32
        %add3A_882 = arith.addi %mul3A_21, %add3A_881 : i32
        %get3A_883 = arith.index_cast %add3A_882 : i32 to index
        %get3A_884 = tpu.vector_load %arg9[%get3A_883] {strides = array<i32>} : memref<8192xi32, #tpu.memory_space<vmem>>, vector<16xi32>,
        %add3A_885 = arith.constant 464 : i32
        %add3A_886 = arith.addi %mul3A_21, %add3A_885 : i32
        %get3A_887 = arith.index_cast %add3A_886 : i32 to index
        %get3A_888 = tpu.vector_load %arg9[%get3A_887] {strides = array<i32>} : memref<8192xi32, #tpu.memory_space<vmem>>, vector<16xi32>,
        %add3A_889 = arith.constant 480 : i32
        %add3A_890 = arith.addi %mul3A_21, %add3A_889 : i32
        %get3A_891 = arith.index_cast %add3A_890 : i32 to index
        %get3A_892 = tpu.vector_load %arg9[%get3A_891] {strides = array<i32>} : memref<8192xi32, #tpu.memory_space<vmem>>, vector<16xi32>,
        %add3A_893 = arith.constant 496 : i32
        %add3A_894 = arith.addi %mul3A_21, %add3A_893 : i32
        %get3A_895 = arith.index_cast %add3A_894 : i32 to index
        %get3A_896 = tpu.vector_load %arg9[%get3A_895] {strides = array<i32>} : memref<8192xi32, #tpu.memory_space<vmem>>, vector<16xi32>,
        %ge3A_897 = arith.cmpi sge, %get3A_836, %broadcast_in_dim3A : vector<16xi32>
        %ge3A_898 = arith.cmpi sge, %get3A_840, %broadcast_in_dim3A : vector<16xi32>
        %ge3A_899 = arith.cmpi sge, %get3A_844, %broadcast_in_dim3A : vector<16xi32>
        %ge3A_900 = arith.cmpi sge, %get3A_848, %broadcast_in_dim3A : vector<16xi32>
        %ge3A_901 = arith.cmpi sge, %get3A_852, %broadcast_in_dim3A : vector<16xi32>
        %ge3A_902 = arith.cmpi sge, %get3A_856, %broadcast_in_dim3A : vector<16xi32>
        %ge3A_903 = arith.cmpi sge, %get3A_860, %broadcast_in_dim3A : vector<16xi32>
        %ge3A_904 = arith.cmpi sge, %get3A_864, %broadcast_in_dim3A : vector<16xi32>
        %ge3A_905 = arith.cmpi sge, %get3A_868, %broadcast_in_dim3A : vector<16xi32>
        %ge3A_906 = arith.cmpi sge, %get3A_872, %broadcast_in_dim3A : vector<16xi32>
        %ge3A_907 = arith.cmpi sge, %get3A_876, %broadcast_in_dim3A : vector<16xi32>
        %ge3A_908 = arith.cmpi sge, %get3A_880, %broadcast_in_dim3A : vector<16xi32>
        %ge3A_909 = arith.cmpi sge, %get3A_884, %broadcast_in_dim3A : vector<16xi32>
        %ge3A_910 = arith.cmpi sge, %get3A_888, %broadcast_in_dim3A : vector<16xi32>
        %ge3A_911 = arith.cmpi sge, %get3A_892, %broadcast_in_dim3A : vector<16xi32>
        %ge3A_912 = arith.cmpi sge, %get3A_896, %broadcast_in_dim3A : vector<16xi32>
        %all_reduce_population_count3A_913 = tpu.all_reduce %ge3A_897 {dim = 0 : i64, kind = #tpu.reduction_kind<sum>} : vector<16xi1> -> vector<16xi32>
        %all_reduce_population_count3A_914 = tpu.all_reduce %ge3A_898 {dim = 0 : i64, kind = #tpu.reduction_kind<sum>} : vector<16xi1> -> vector<16xi32>
        %all_reduce_population_count3A_915 = tpu.all_reduce %ge3A_899 {dim = 0 : i64, kind = #tpu.reduction_kind<sum>} : vector<16xi1> -> vector<16xi32>
        %all_reduce_population_count3A_916 = tpu.all_reduce %ge3A_900 {dim = 0 : i64, kind = #tpu.reduction_kind<sum>} : vector<16xi1> -> vector<16xi32>
        %all_reduce_population_count3A_917 = tpu.all_reduce %ge3A_901 {dim = 0 : i64, kind = #tpu.reduction_kind<sum>} : vector<16xi1> -> vector<16xi32>
        %all_reduce_population_count3A_918 = tpu.all_reduce %ge3A_902 {dim = 0 : i64, kind = #tpu.reduction_kind<sum>} : vector<16xi1> -> vector<16xi32>
        %all_reduce_population_count3A_919 = tpu.all_reduce %ge3A_903 {dim = 0 : i64, kind = #tpu.reduction_kind<sum>} : vector<16xi1> -> vector<16xi32>
        %all_reduce_population_count3A_920 = tpu.all_reduce %ge3A_904 {dim = 0 : i64, kind = #tpu.reduction_kind<sum>} : vector<16xi1> -> vector<16xi32>
        %all_reduce_population_count3A_921 = tpu.all_reduce %ge3A_905 {dim = 0 : i64, kind = #tpu.reduction_kind<sum>} : vector<16xi1> -> vector<16xi32>
        %all_reduce_population_count3A_922 = tpu.all_reduce %ge3A_906 {dim = 0 : i64, kind = #tpu.reduction_kind<sum>} : vector<16xi1> -> vector<16xi32>
        %all_reduce_population_count3A_923 = tpu.all_reduce %ge3A_907 {dim = 0 : i64, kind = #tpu.reduction_kind<sum>} : vector<16xi1> -> vector<16xi32>
        %all_reduce_population_count3A_924 = tpu.all_reduce %ge3A_908 {dim = 0 : i64, kind = #tpu.reduction_kind<sum>} : vector<16xi1> -> vector<16xi32>
        %all_reduce_population_count3A_925 = tpu.all_reduce %ge3A_909 {dim = 0 : i64, kind = #tpu.reduction_kind<sum>} : vector<16xi1> -> vector<16xi32>
        %all_reduce_population_count3A_926 = tpu.all_reduce %ge3A_910 {dim = 0 : i64, kind = #tpu.reduction_kind<sum>} : vector<16xi1> -> vector<16xi32>
        %all_reduce_population_count3A_927 = tpu.all_reduce %ge3A_911 {dim = 0 : i64, kind = #tpu.reduction_kind<sum>} : vector<16xi1> -> vector<16xi32>
        %all_reduce_population_count3A_928 = tpu.all_reduce %ge3A_912 {dim = 0 : i64, kind = #tpu.reduction_kind<sum>} : vector<16xi1> -> vector<16xi32>
        %convert_element_type3A_929 = arith.extui %ge3A_897 : vector<16xi1> to vector<16xi32>
        %broadcast_in_dim3A_930 = arith.constant true
        %broadcast_in_dim3A_931 = vector.broadcast %broadcast_in_dim3A_930 : i1 to vector<16xi1>
        %masked_cumsum3A_932 = tpu.scan <sum>, %convert_element_type3A_929 masked %broadcast_in_dim3A_931 : vector<16xi32>, vector<16xi1> -> vector<16xi32>
        %convert_element_type3A_933 = arith.extui %ge3A_898 : vector<16xi1> to vector<16xi32>
        %broadcast_in_dim3A_934 = arith.constant true
        %broadcast_in_dim3A_935 = vector.broadcast %broadcast_in_dim3A_934 : i1 to vector<16xi1>
        %masked_cumsum3A_936 = tpu.scan <sum>, %convert_element_type3A_933 masked %broadcast_in_dim3A_935 : vector<16xi32>, vector<16xi1> -> vector<16xi32>
        %convert_element_type3A_937 = arith.extui %ge3A_899 : vector<16xi1> to vector<16xi32>
        %broadcast_in_dim3A_938 = arith.constant true
        %broadcast_in_dim3A_939 = vector.broadcast %broadcast_in_dim3A_938 : i1 to vector<16xi1>
        %masked_cumsum3A_940 = tpu.scan <sum>, %convert_element_type3A_937 masked %broadcast_in_dim3A_939 : vector<16xi32>, vector<16xi1> -> vector<16xi32>
        %convert_element_type3A_941 = arith.extui %ge3A_900 : vector<16xi1> to vector<16xi32>
        %broadcast_in_dim3A_942 = arith.constant true
        %broadcast_in_dim3A_943 = vector.broadcast %broadcast_in_dim3A_942 : i1 to vector<16xi1>
        %masked_cumsum3A_944 = tpu.scan <sum>, %convert_element_type3A_941 masked %broadcast_in_dim3A_943 : vector<16xi32>, vector<16xi1> -> vector<16xi32>
        %convert_element_type3A_945 = arith.extui %ge3A_901 : vector<16xi1> to vector<16xi32>
        %broadcast_in_dim3A_946 = arith.constant true
        %broadcast_in_dim3A_947 = vector.broadcast %broadcast_in_dim3A_946 : i1 to vector<16xi1>
        %masked_cumsum3A_948 = tpu.scan <sum>, %convert_element_type3A_945 masked %broadcast_in_dim3A_947 : vector<16xi32>, vector<16xi1> -> vector<16xi32>
        %convert_element_type3A_949 = arith.extui %ge3A_902 : vector<16xi1> to vector<16xi32>
        %broadcast_in_dim3A_950 = arith.constant true
        %broadcast_in_dim3A_951 = vector.broadcast %broadcast_in_dim3A_950 : i1 to vector<16xi1>
        %masked_cumsum3A_952 = tpu.scan <sum>, %convert_element_type3A_949 masked %broadcast_in_dim3A_951 : vector<16xi32>, vector<16xi1> -> vector<16xi32>
        %convert_element_type3A_953 = arith.extui %ge3A_903 : vector<16xi1> to vector<16xi32>
        %broadcast_in_dim3A_954 = arith.constant true
        %broadcast_in_dim3A_955 = vector.broadcast %broadcast_in_dim3A_954 : i1 to vector<16xi1>
        %masked_cumsum3A_956 = tpu.scan <sum>, %convert_element_type3A_953 masked %broadcast_in_dim3A_955 : vector<16xi32>, vector<16xi1> -> vector<16xi32>
        %convert_element_type3A_957 = arith.extui %ge3A_904 : vector<16xi1> to vector<16xi32>
        %broadcast_in_dim3A_958 = arith.constant true
        %broadcast_in_dim3A_959 = vector.broadcast %broadcast_in_dim3A_958 : i1 to vector<16xi1>
        %masked_cumsum3A_960 = tpu.scan <sum>, %convert_element_type3A_957 masked %broadcast_in_dim3A_959 : vector<16xi32>, vector<16xi1> -> vector<16xi32>
        %convert_element_type3A_961 = arith.extui %ge3A_905 : vector<16xi1> to vector<16xi32>
        %broadcast_in_dim3A_962 = arith.constant true
        %broadcast_in_dim3A_963 = vector.broadcast %broadcast_in_dim3A_962 : i1 to vector<16xi1>
        %masked_cumsum3A_964 = tpu.scan <sum>, %convert_element_type3A_961 masked %broadcast_in_dim3A_963 : vector<16xi32>, vector<16xi1> -> vector<16xi32>
        %convert_element_type3A_965 = arith.extui %ge3A_906 : vector<16xi1> to vector<16xi32>
        %broadcast_in_dim3A_966 = arith.constant true
        %broadcast_in_dim3A_967 = vector.broadcast %broadcast_in_dim3A_966 : i1 to vector<16xi1>
        %masked_cumsum3A_968 = tpu.scan <sum>, %convert_element_type3A_965 masked %broadcast_in_dim3A_967 : vector<16xi32>, vector<16xi1> -> vector<16xi32>
        %convert_element_type3A_969 = arith.extui %ge3A_907 : vector<16xi1> to vector<16xi32>
        %broadcast_in_dim3A_970 = arith.constant true
        %broadcast_in_dim3A_971 = vector.broadcast %broadcast_in_dim3A_970 : i1 to vector<16xi1>
        %masked_cumsum3A_972 = tpu.scan <sum>, %convert_element_type3A_969 masked %broadcast_in_dim3A_971 : vector<16xi32>, vector<16xi1> -> vector<16xi32>
        %convert_element_type3A_973 = arith.extui %ge3A_908 : vector<16xi1> to vector<16xi32>
        %broadcast_in_dim3A_974 = arith.constant true
        %broadcast_in_dim3A_975 = vector.broadcast %broadcast_in_dim3A_974 : i1 to vector<16xi1>
        %masked_cumsum3A_976 = tpu.scan <sum>, %convert_element_type3A_973 masked %broadcast_in_dim3A_975 : vector<16xi32>, vector<16xi1> -> vector<16xi32>
        %convert_element_type3A_977 = arith.extui %ge3A_909 : vector<16xi1> to vector<16xi32>
        %broadcast_in_dim3A_978 = arith.constant true
        %broadcast_in_dim3A_979 = vector.broadcast %broadcast_in_dim3A_978 : i1 to vector<16xi1>
        %masked_cumsum3A_980 = tpu.scan <sum>, %convert_element_type3A_977 masked %broadcast_in_dim3A_979 : vector<16xi32>, vector<16xi1> -> vector<16xi32>
        %convert_element_type3A_981 = arith.extui %ge3A_910 : vector<16xi1> to vector<16xi32>
        %broadcast_in_dim3A_982 = arith.constant true
        %broadcast_in_dim3A_983 = vector.broadcast %broadcast_in_dim3A_982 : i1 to vector<16xi1>
        %masked_cumsum3A_984 = tpu.scan <sum>, %convert_element_type3A_981 masked %broadcast_in_dim3A_983 : vector<16xi32>, vector<16xi1> -> vector<16xi32>
        %convert_element_type3A_985 = arith.extui %ge3A_911 : vector<16xi1> to vector<16xi32>
        %broadcast_in_dim3A_986 = arith.constant true
        %broadcast_in_dim3A_987 = vector.broadcast %broadcast_in_dim3A_986 : i1 to vector<16xi1>
        %masked_cumsum3A_988 = tpu.scan <sum>, %convert_element_type3A_985 masked %broadcast_in_dim3A_987 : vector<16xi32>, vector<16xi1> -> vector<16xi32>
        %convert_element_type3A_989 = arith.extui %ge3A_912 : vector<16xi1> to vector<16xi32>
        %broadcast_in_dim3A_990 = arith.constant true
        %broadcast_in_dim3A_991 = vector.broadcast %broadcast_in_dim3A_990 : i1 to vector<16xi1>
        %masked_cumsum3A_992 = tpu.scan <sum>, %convert_element_type3A_989 masked %broadcast_in_dim3A_991 : vector<16xi32>, vector<16xi1> -> vector<16xi32>
        %add3A_993 = arith.addi %add3A_832, %all_reduce_population_count3A_913 : vector<16xi32>
        %add3A_994 = arith.addi %add3A_993, %all_reduce_population_count3A_914 : vector<16xi32>
        %add3A_995 = arith.addi %add3A_994, %all_reduce_population_count3A_915 : vector<16xi32>
        %add3A_996 = arith.addi %add3A_995, %all_reduce_population_count3A_916 : vector<16xi32>
        %add3A_997 = arith.addi %add3A_996, %all_reduce_population_count3A_917 : vector<16xi32>
        %add3A_998 = arith.addi %add3A_997, %all_reduce_population_count3A_918 : vector<16xi32>
        %add3A_999 = arith.addi %add3A_998, %all_reduce_population_count3A_919 : vector<16xi32>
        %add3A_1000 = arith.addi %add3A_999, %all_reduce_population_count3A_920 : vector<16xi32>
        %add3A_1001 = arith.addi %add3A_1000, %all_reduce_population_count3A_921 : vector<16xi32>
        %add3A_1002 = arith.addi %add3A_1001, %all_reduce_population_count3A_922 : vector<16xi32>
        %add3A_1003 = arith.addi %add3A_1002, %all_reduce_population_count3A_923 : vector<16xi32>
        %add3A_1004 = arith.addi %add3A_1003, %all_reduce_population_count3A_924 : vector<16xi32>
        %add3A_1005 = arith.addi %add3A_1004, %all_reduce_population_count3A_925 : vector<16xi32>
        %add3A_1006 = arith.addi %add3A_1005, %all_reduce_population_count3A_926 : vector<16xi32>
        %add3A_1007 = arith.addi %add3A_1006, %all_reduce_population_count3A_927 : vector<16xi32>
        %add3A_1008 = arith.addi %add3A_832, %masked_cumsum3A_932 : vector<16xi32>
        %add3A_1009 = arith.constant 256 : i32
        %add3A_1010 = vector.broadcast %add3A_1009 : i32 to vector<16xi32>
        %add3A_1011 = arith.addi %iota3A, %add3A_1010 : vector<16xi32>
        tpu.vector_store_idx %arg13[%add3A_1008], %add3A_1011 masked %ge3A_897 : memref<1024xi32, #tpu.memory_space<vmem>>[vector<16xi32>], vector<16xi32>, vector<16xi1>
        %add3A_1012 = arith.addi %add3A_993, %masked_cumsum3A_936 : vector<16xi32>
        %add3A_1013 = arith.constant 272 : i32
        %add3A_1014 = vector.broadcast %add3A_1013 : i32 to vector<16xi32>
        %add3A_1015 = arith.addi %iota3A, %add3A_1014 : vector<16xi32>
        tpu.vector_store_idx %arg13[%add3A_1012], %add3A_1015 masked %ge3A_898 : memref<1024xi32, #tpu.memory_space<vmem>>[vector<16xi32>], vector<16xi32>, vector<16xi1>
        %add3A_1016 = arith.addi %add3A_994, %masked_cumsum3A_940 : vector<16xi32>
        %add3A_1017 = arith.constant 288 : i32
        %add3A_1018 = vector.broadcast %add3A_1017 : i32 to vector<16xi32>
        %add3A_1019 = arith.addi %iota3A, %add3A_1018 : vector<16xi32>
        tpu.vector_store_idx %arg13[%add3A_1016], %add3A_1019 masked %ge3A_899 : memref<1024xi32, #tpu.memory_space<vmem>>[vector<16xi32>], vector<16xi32>, vector<16xi1>
        %add3A_1020 = arith.addi %add3A_995, %masked_cumsum3A_944 : vector<16xi32>
        %add3A_1021 = arith.constant 304 : i32
        %add3A_1022 = vector.broadcast %add3A_1021 : i32 to vector<16xi32>
        %add3A_1023 = arith.addi %iota3A, %add3A_1022 : vector<16xi32>
        tpu.vector_store_idx %arg13[%add3A_1020], %add3A_1023 masked %ge3A_900 : memref<1024xi32, #tpu.memory_space<vmem>>[vector<16xi32>], vector<16xi32>, vector<16xi1>
        %add3A_1024 = arith.addi %add3A_996, %masked_cumsum3A_948 : vector<16xi32>
        %add3A_1025 = arith.constant 320 : i32
        %add3A_1026 = vector.broadcast %add3A_1025 : i32 to vector<16xi32>
        %add3A_1027 = arith.addi %iota3A, %add3A_1026 : vector<16xi32>
        tpu.vector_store_idx %arg13[%add3A_1024], %add3A_1027 masked %ge3A_901 : memref<1024xi32, #tpu.memory_space<vmem>>[vector<16xi32>], vector<16xi32>, vector<16xi1>
        %add3A_1028 = arith.addi %add3A_997, %masked_cumsum3A_952 : vector<16xi32>
        %add3A_1029 = arith.constant 336 : i32
        %add3A_1030 = vector.broadcast %add3A_1029 : i32 to vector<16xi32>
        %add3A_1031 = arith.addi %iota3A, %add3A_1030 : vector<16xi32>
        tpu.vector_store_idx %arg13[%add3A_1028], %add3A_1031 masked %ge3A_902 : memref<1024xi32, #tpu.memory_space<vmem>>[vector<16xi32>], vector<16xi32>, vector<16xi1>
        %add3A_1032 = arith.addi %add3A_998, %masked_cumsum3A_956 : vector<16xi32>
        %add3A_1033 = arith.constant 352 : i32
        %add3A_1034 = vector.broadcast %add3A_1033 : i32 to vector<16xi32>
        %add3A_1035 = arith.addi %iota3A, %add3A_1034 : vector<16xi32>
        tpu.vector_store_idx %arg13[%add3A_1032], %add3A_1035 masked %ge3A_903 : memref<1024xi32, #tpu.memory_space<vmem>>[vector<16xi32>], vector<16xi32>, vector<16xi1>
        %add3A_1036 = arith.addi %add3A_999, %masked_cumsum3A_960 : vector<16xi32>
        %add3A_1037 = arith.constant 368 : i32
        %add3A_1038 = vector.broadcast %add3A_1037 : i32 to vector<16xi32>
        %add3A_1039 = arith.addi %iota3A, %add3A_1038 : vector<16xi32>
        tpu.vector_store_idx %arg13[%add3A_1036], %add3A_1039 masked %ge3A_904 : memref<1024xi32, #tpu.memory_space<vmem>>[vector<16xi32>], vector<16xi32>, vector<16xi1>
        %add3A_1040 = arith.addi %add3A_1000, %masked_cumsum3A_964 : vector<16xi32>
        %add3A_1041 = arith.constant 384 : i32
        %add3A_1042 = vector.broadcast %add3A_1041 : i32 to vector<16xi32>
        %add3A_1043 = arith.addi %iota3A, %add3A_1042 : vector<16xi32>
        tpu.vector_store_idx %arg13[%add3A_1040], %add3A_1043 masked %ge3A_905 : memref<1024xi32, #tpu.memory_space<vmem>>[vector<16xi32>], vector<16xi32>, vector<16xi1>
        %add3A_1044 = arith.addi %add3A_1001, %masked_cumsum3A_968 : vector<16xi32>
        %add3A_1045 = arith.constant 400 : i32
        %add3A_1046 = vector.broadcast %add3A_1045 : i32 to vector<16xi32>
        %add3A_1047 = arith.addi %iota3A, %add3A_1046 : vector<16xi32>
        tpu.vector_store_idx %arg13[%add3A_1044], %add3A_1047 masked %ge3A_906 : memref<1024xi32, #tpu.memory_space<vmem>>[vector<16xi32>], vector<16xi32>, vector<16xi1>
        %add3A_1048 = arith.addi %add3A_1002, %masked_cumsum3A_972 : vector<16xi32>
        %add3A_1049 = arith.constant 416 : i32
        %add3A_1050 = vector.broadcast %add3A_1049 : i32 to vector<16xi32>
        %add3A_1051 = arith.addi %iota3A, %add3A_1050 : vector<16xi32>
        tpu.vector_store_idx %arg13[%add3A_1048], %add3A_1051 masked %ge3A_907 : memref<1024xi32, #tpu.memory_space<vmem>>[vector<16xi32>], vector<16xi32>, vector<16xi1>
        %add3A_1052 = arith.addi %add3A_1003, %masked_cumsum3A_976 : vector<16xi32>
        %add3A_1053 = arith.constant 432 : i32
        %add3A_1054 = vector.broadcast %add3A_1053 : i32 to vector<16xi32>
        %add3A_1055 = arith.addi %iota3A, %add3A_1054 : vector<16xi32>
        tpu.vector_store_idx %arg13[%add3A_1052], %add3A_1055 masked %ge3A_908 : memref<1024xi32, #tpu.memory_space<vmem>>[vector<16xi32>], vector<16xi32>, vector<16xi1>
        %add3A_1056 = arith.addi %add3A_1004, %masked_cumsum3A_980 : vector<16xi32>
        %add3A_1057 = arith.constant 448 : i32
        %add3A_1058 = vector.broadcast %add3A_1057 : i32 to vector<16xi32>
        %add3A_1059 = arith.addi %iota3A, %add3A_1058 : vector<16xi32>
        tpu.vector_store_idx %arg13[%add3A_1056], %add3A_1059 masked %ge3A_909 : memref<1024xi32, #tpu.memory_space<vmem>>[vector<16xi32>], vector<16xi32>, vector<16xi1>
        %add3A_1060 = arith.addi %add3A_1005, %masked_cumsum3A_984 : vector<16xi32>
        %add3A_1061 = arith.constant 464 : i32
        %add3A_1062 = vector.broadcast %add3A_1061 : i32 to vector<16xi32>
        %add3A_1063 = arith.addi %iota3A, %add3A_1062 : vector<16xi32>
        tpu.vector_store_idx %arg13[%add3A_1060], %add3A_1063 masked %ge3A_910 : memref<1024xi32, #tpu.memory_space<vmem>>[vector<16xi32>], vector<16xi32>, vector<16xi1>
        %add3A_1064 = arith.addi %add3A_1006, %masked_cumsum3A_988 : vector<16xi32>
        %add3A_1065 = arith.constant 480 : i32
        %add3A_1066 = vector.broadcast %add3A_1065 : i32 to vector<16xi32>
        %add3A_1067 = arith.addi %iota3A, %add3A_1066 : vector<16xi32>
        tpu.vector_store_idx %arg13[%add3A_1064], %add3A_1067 masked %ge3A_911 : memref<1024xi32, #tpu.memory_space<vmem>>[vector<16xi32>], vector<16xi32>, vector<16xi1>
        %add3A_1068 = arith.addi %add3A_1007, %masked_cumsum3A_992 : vector<16xi32>
        %add3A_1069 = arith.constant 496 : i32
        %add3A_1070 = vector.broadcast %add3A_1069 : i32 to vector<16xi32>
        %add3A_1071 = arith.addi %iota3A, %add3A_1070 : vector<16xi32>
        tpu.vector_store_idx %arg13[%add3A_1068], %add3A_1071 masked %ge3A_912 : memref<1024xi32, #tpu.memory_space<vmem>>[vector<16xi32>], vector<16xi32>, vector<16xi1>
        %add3A_1072 = arith.addi %add3A_1007, %all_reduce_population_count3A_928 : vector<16xi32>
        %add3A_1073 = arith.constant 512 : i32
        %add3A_1074 = arith.addi %mul3A_21, %add3A_1073 : i32
        %get3A_1075 = arith.index_cast %add3A_1074 : i32 to index
        %get3A_1076 = tpu.vector_load %arg9[%get3A_1075] {strides = array<i32>} : memref<8192xi32, #tpu.memory_space<vmem>>, vector<16xi32>,
        %add3A_1077 = arith.constant 528 : i32
        %add3A_1078 = arith.addi %mul3A_21, %add3A_1077 : i32
        %get3A_1079 = arith.index_cast %add3A_1078 : i32 to index
        %get3A_1080 = tpu.vector_load %arg9[%get3A_1079] {strides = array<i32>} : memref<8192xi32, #tpu.memory_space<vmem>>, vector<16xi32>,
        %add3A_1081 = arith.constant 544 : i32
        %add3A_1082 = arith.addi %mul3A_21, %add3A_1081 : i32
        %get3A_1083 = arith.index_cast %add3A_1082 : i32 to index
        %get3A_1084 = tpu.vector_load %arg9[%get3A_1083] {strides = array<i32>} : memref<8192xi32, #tpu.memory_space<vmem>>, vector<16xi32>,
        %add3A_1085 = arith.constant 560 : i32
        %add3A_1086 = arith.addi %mul3A_21, %add3A_1085 : i32
        %get3A_1087 = arith.index_cast %add3A_1086 : i32 to index
        %get3A_1088 = tpu.vector_load %arg9[%get3A_1087] {strides = array<i32>} : memref<8192xi32, #tpu.memory_space<vmem>>, vector<16xi32>,
        %add3A_1089 = arith.constant 576 : i32
        %add3A_1090 = arith.addi %mul3A_21, %add3A_1089 : i32
        %get3A_1091 = arith.index_cast %add3A_1090 : i32 to index
        %get3A_1092 = tpu.vector_load %arg9[%get3A_1091] {strides = array<i32>} : memref<8192xi32, #tpu.memory_space<vmem>>, vector<16xi32>,
        %add3A_1093 = arith.constant 592 : i32
        %add3A_1094 = arith.addi %mul3A_21, %add3A_1093 : i32
        %get3A_1095 = arith.index_cast %add3A_1094 : i32 to index
        %get3A_1096 = tpu.vector_load %arg9[%get3A_1095] {strides = array<i32>} : memref<8192xi32, #tpu.memory_space<vmem>>, vector<16xi32>,
        %add3A_1097 = arith.constant 608 : i32
        %add3A_1098 = arith.addi %mul3A_21, %add3A_1097 : i32
        %get3A_1099 = arith.index_cast %add3A_1098 : i32 to index
        %get3A_1100 = tpu.vector_load %arg9[%get3A_1099] {strides = array<i32>} : memref<8192xi32, #tpu.memory_space<vmem>>, vector<16xi32>,
        %add3A_1101 = arith.constant 624 : i32
        %add3A_1102 = arith.addi %mul3A_21, %add3A_1101 : i32
        %get3A_1103 = arith.index_cast %add3A_1102 : i32 to index
        %get3A_1104 = tpu.vector_load %arg9[%get3A_1103] {strides = array<i32>} : memref<8192xi32, #tpu.memory_space<vmem>>, vector<16xi32>,
        %add3A_1105 = arith.constant 640 : i32
        %add3A_1106 = arith.addi %mul3A_21, %add3A_1105 : i32
        %get3A_1107 = arith.index_cast %add3A_1106 : i32 to index
        %get3A_1108 = tpu.vector_load %arg9[%get3A_1107] {strides = array<i32>} : memref<8192xi32, #tpu.memory_space<vmem>>, vector<16xi32>,
        %add3A_1109 = arith.constant 656 : i32
        %add3A_1110 = arith.addi %mul3A_21, %add3A_1109 : i32
        %get3A_1111 = arith.index_cast %add3A_1110 : i32 to index
        %get3A_1112 = tpu.vector_load %arg9[%get3A_1111] {strides = array<i32>} : memref<8192xi32, #tpu.memory_space<vmem>>, vector<16xi32>,
        %add3A_1113 = arith.constant 672 : i32
        %add3A_1114 = arith.addi %mul3A_21, %add3A_1113 : i32
        %get3A_1115 = arith.index_cast %add3A_1114 : i32 to index
        %get3A_1116 = tpu.vector_load %arg9[%get3A_1115] {strides = array<i32>} : memref<8192xi32, #tpu.memory_space<vmem>>, vector<16xi32>,
        %add3A_1117 = arith.constant 688 : i32
        %add3A_1118 = arith.addi %mul3A_21, %add3A_1117 : i32
        %get3A_1119 = arith.index_cast %add3A_1118 : i32 to index
        %get3A_1120 = tpu.vector_load %arg9[%get3A_1119] {strides = array<i32>} : memref<8192xi32, #tpu.memory_space<vmem>>, vector<16xi32>,
        %add3A_1121 = arith.constant 704 : i32
        %add3A_1122 = arith.addi %mul3A_21, %add3A_1121 : i32
        %get3A_1123 = arith.index_cast %add3A_1122 : i32 to index
        %get3A_1124 = tpu.vector_load %arg9[%get3A_1123] {strides = array<i32>} : memref<8192xi32, #tpu.memory_space<vmem>>, vector<16xi32>,
        %add3A_1125 = arith.constant 720 : i32
        %add3A_1126 = arith.addi %mul3A_21, %add3A_1125 : i32
        %get3A_1127 = arith.index_cast %add3A_1126 : i32 to index
        %get3A_1128 = tpu.vector_load %arg9[%get3A_1127] {strides = array<i32>} : memref<8192xi32, #tpu.memory_space<vmem>>, vector<16xi32>,
        %add3A_1129 = arith.constant 736 : i32
        %add3A_1130 = arith.addi %mul3A_21, %add3A_1129 : i32
        %get3A_1131 = arith.index_cast %add3A_1130 : i32 to index
        %get3A_1132 = tpu.vector_load %arg9[%get3A_1131] {strides = array<i32>} : memref<8192xi32, #tpu.memory_space<vmem>>, vector<16xi32>,
        %add3A_1133 = arith.constant 752 : i32
        %add3A_1134 = arith.addi %mul3A_21, %add3A_1133 : i32
        %get3A_1135 = arith.index_cast %add3A_1134 : i32 to index
        %get3A_1136 = tpu.vector_load %arg9[%get3A_1135] {strides = array<i32>} : memref<8192xi32, #tpu.memory_space<vmem>>, vector<16xi32>,
        %ge3A_1137 = arith.cmpi sge, %get3A_1076, %broadcast_in_dim3A : vector<16xi32>
        %ge3A_1138 = arith.cmpi sge, %get3A_1080, %broadcast_in_dim3A : vector<16xi32>
        %ge3A_1139 = arith.cmpi sge, %get3A_1084, %broadcast_in_dim3A : vector<16xi32>
        %ge3A_1140 = arith.cmpi sge, %get3A_1088, %broadcast_in_dim3A : vector<16xi32>
        %ge3A_1141 = arith.cmpi sge, %get3A_1092, %broadcast_in_dim3A : vector<16xi32>
        %ge3A_1142 = arith.cmpi sge, %get3A_1096, %broadcast_in_dim3A : vector<16xi32>
        %ge3A_1143 = arith.cmpi sge, %get3A_1100, %broadcast_in_dim3A : vector<16xi32>
        %ge3A_1144 = arith.cmpi sge, %get3A_1104, %broadcast_in_dim3A : vector<16xi32>
        %ge3A_1145 = arith.cmpi sge, %get3A_1108, %broadcast_in_dim3A : vector<16xi32>
        %ge3A_1146 = arith.cmpi sge, %get3A_1112, %broadcast_in_dim3A : vector<16xi32>
        %ge3A_1147 = arith.cmpi sge, %get3A_1116, %broadcast_in_dim3A : vector<16xi32>
        %ge3A_1148 = arith.cmpi sge, %get3A_1120, %broadcast_in_dim3A : vector<16xi32>
        %ge3A_1149 = arith.cmpi sge, %get3A_1124, %broadcast_in_dim3A : vector<16xi32>
        %ge3A_1150 = arith.cmpi sge, %get3A_1128, %broadcast_in_dim3A : vector<16xi32>
        %ge3A_1151 = arith.cmpi sge, %get3A_1132, %broadcast_in_dim3A : vector<16xi32>
        %ge3A_1152 = arith.cmpi sge, %get3A_1136, %broadcast_in_dim3A : vector<16xi32>
        %all_reduce_population_count3A_1153 = tpu.all_reduce %ge3A_1137 {dim = 0 : i64, kind = #tpu.reduction_kind<sum>} : vector<16xi1> -> vector<16xi32>
        %all_reduce_population_count3A_1154 = tpu.all_reduce %ge3A_1138 {dim = 0 : i64, kind = #tpu.reduction_kind<sum>} : vector<16xi1> -> vector<16xi32>
        %all_reduce_population_count3A_1155 = tpu.all_reduce %ge3A_1139 {dim = 0 : i64, kind = #tpu.reduction_kind<sum>} : vector<16xi1> -> vector<16xi32>
        %all_reduce_population_count3A_1156 = tpu.all_reduce %ge3A_1140 {dim = 0 : i64, kind = #tpu.reduction_kind<sum>} : vector<16xi1> -> vector<16xi32>
        %all_reduce_population_count3A_1157 = tpu.all_reduce %ge3A_1141 {dim = 0 : i64, kind = #tpu.reduction_kind<sum>} : vector<16xi1> -> vector<16xi32>
        %all_reduce_population_count3A_1158 = tpu.all_reduce %ge3A_1142 {dim = 0 : i64, kind = #tpu.reduction_kind<sum>} : vector<16xi1> -> vector<16xi32>
        %all_reduce_population_count3A_1159 = tpu.all_reduce %ge3A_1143 {dim = 0 : i64, kind = #tpu.reduction_kind<sum>} : vector<16xi1> -> vector<16xi32>
        %all_reduce_population_count3A_1160 = tpu.all_reduce %ge3A_1144 {dim = 0 : i64, kind = #tpu.reduction_kind<sum>} : vector<16xi1> -> vector<16xi32>
        %all_reduce_population_count3A_1161 = tpu.all_reduce %ge3A_1145 {dim = 0 : i64, kind = #tpu.reduction_kind<sum>} : vector<16xi1> -> vector<16xi32>
        %all_reduce_population_count3A_1162 = tpu.all_reduce %ge3A_1146 {dim = 0 : i64, kind = #tpu.reduction_kind<sum>} : vector<16xi1> -> vector<16xi32>
        %all_reduce_population_count3A_1163 = tpu.all_reduce %ge3A_1147 {dim = 0 : i64, kind = #tpu.reduction_kind<sum>} : vector<16xi1> -> vector<16xi32>
        %all_reduce_population_count3A_1164 = tpu.all_reduce %ge3A_1148 {dim = 0 : i64, kind = #tpu.reduction_kind<sum>} : vector<16xi1> -> vector<16xi32>
        %all_reduce_population_count3A_1165 = tpu.all_reduce %ge3A_1149 {dim = 0 : i64, kind = #tpu.reduction_kind<sum>} : vector<16xi1> -> vector<16xi32>
        %all_reduce_population_count3A_1166 = tpu.all_reduce %ge3A_1150 {dim = 0 : i64, kind = #tpu.reduction_kind<sum>} : vector<16xi1> -> vector<16xi32>
        %all_reduce_population_count3A_1167 = tpu.all_reduce %ge3A_1151 {dim = 0 : i64, kind = #tpu.reduction_kind<sum>} : vector<16xi1> -> vector<16xi32>
        %all_reduce_population_count3A_1168 = tpu.all_reduce %ge3A_1152 {dim = 0 : i64, kind = #tpu.reduction_kind<sum>} : vector<16xi1> -> vector<16xi32>
        %convert_element_type3A_1169 = arith.extui %ge3A_1137 : vector<16xi1> to vector<16xi32>
        %broadcast_in_dim3A_1170 = arith.constant true
        %broadcast_in_dim3A_1171 = vector.broadcast %broadcast_in_dim3A_1170 : i1 to vector<16xi1>
        %masked_cumsum3A_1172 = tpu.scan <sum>, %convert_element_type3A_1169 masked %broadcast_in_dim3A_1171 : vector<16xi32>, vector<16xi1> -> vector<16xi32>
        %convert_element_type3A_1173 = arith.extui %ge3A_1138 : vector<16xi1> to vector<16xi32>
        %broadcast_in_dim3A_1174 = arith.constant true
        %broadcast_in_dim3A_1175 = vector.broadcast %broadcast_in_dim3A_1174 : i1 to vector<16xi1>
        %masked_cumsum3A_1176 = tpu.scan <sum>, %convert_element_type3A_1173 masked %broadcast_in_dim3A_1175 : vector<16xi32>, vector<16xi1> -> vector<16xi32>
        %convert_element_type3A_1177 = arith.extui %ge3A_1139 : vector<16xi1> to vector<16xi32>
        %broadcast_in_dim3A_1178 = arith.constant true
        %broadcast_in_dim3A_1179 = vector.broadcast %broadcast_in_dim3A_1178 : i1 to vector<16xi1>
        %masked_cumsum3A_1180 = tpu.scan <sum>, %convert_element_type3A_1177 masked %broadcast_in_dim3A_1179 : vector<16xi32>, vector<16xi1> -> vector<16xi32>
        %convert_element_type3A_1181 = arith.extui %ge3A_1140 : vector<16xi1> to vector<16xi32>
        %broadcast_in_dim3A_1182 = arith.constant true
        %broadcast_in_dim3A_1183 = vector.broadcast %broadcast_in_dim3A_1182 : i1 to vector<16xi1>
        %masked_cumsum3A_1184 = tpu.scan <sum>, %convert_element_type3A_1181 masked %broadcast_in_dim3A_1183 : vector<16xi32>, vector<16xi1> -> vector<16xi32>
        %convert_element_type3A_1185 = arith.extui %ge3A_1141 : vector<16xi1> to vector<16xi32>
        %broadcast_in_dim3A_1186 = arith.constant true
        %broadcast_in_dim3A_1187 = vector.broadcast %broadcast_in_dim3A_1186 : i1 to vector<16xi1>
        %masked_cumsum3A_1188 = tpu.scan <sum>, %convert_element_type3A_1185 masked %broadcast_in_dim3A_1187 : vector<16xi32>, vector<16xi1> -> vector<16xi32>
        %convert_element_type3A_1189 = arith.extui %ge3A_1142 : vector<16xi1> to vector<16xi32>
        %broadcast_in_dim3A_1190 = arith.constant true
        %broadcast_in_dim3A_1191 = vector.broadcast %broadcast_in_dim3A_1190 : i1 to vector<16xi1>
        %masked_cumsum3A_1192 = tpu.scan <sum>, %convert_element_type3A_1189 masked %broadcast_in_dim3A_1191 : vector<16xi32>, vector<16xi1> -> vector<16xi32>
        %convert_element_type3A_1193 = arith.extui %ge3A_1143 : vector<16xi1> to vector<16xi32>
        %broadcast_in_dim3A_1194 = arith.constant true
        %broadcast_in_dim3A_1195 = vector.broadcast %broadcast_in_dim3A_1194 : i1 to vector<16xi1>
        %masked_cumsum3A_1196 = tpu.scan <sum>, %convert_element_type3A_1193 masked %broadcast_in_dim3A_1195 : vector<16xi32>, vector<16xi1> -> vector<16xi32>
        %convert_element_type3A_1197 = arith.extui %ge3A_1144 : vector<16xi1> to vector<16xi32>
        %broadcast_in_dim3A_1198 = arith.constant true
        %broadcast_in_dim3A_1199 = vector.broadcast %broadcast_in_dim3A_1198 : i1 to vector<16xi1>
        %masked_cumsum3A_1200 = tpu.scan <sum>, %convert_element_type3A_1197 masked %broadcast_in_dim3A_1199 : vector<16xi32>, vector<16xi1> -> vector<16xi32>
        %convert_element_type3A_1201 = arith.extui %ge3A_1145 : vector<16xi1> to vector<16xi32>
        %broadcast_in_dim3A_1202 = arith.constant true
        %broadcast_in_dim3A_1203 = vector.broadcast %broadcast_in_dim3A_1202 : i1 to vector<16xi1>
        %masked_cumsum3A_1204 = tpu.scan <sum>, %convert_element_type3A_1201 masked %broadcast_in_dim3A_1203 : vector<16xi32>, vector<16xi1> -> vector<16xi32>
        %convert_element_type3A_1205 = arith.extui %ge3A_1146 : vector<16xi1> to vector<16xi32>
        %broadcast_in_dim3A_1206 = arith.constant true
        %broadcast_in_dim3A_1207 = vector.broadcast %broadcast_in_dim3A_1206 : i1 to vector<16xi1>
        %masked_cumsum3A_1208 = tpu.scan <sum>, %convert_element_type3A_1205 masked %broadcast_in_dim3A_1207 : vector<16xi32>, vector<16xi1> -> vector<16xi32>
        %convert_element_type3A_1209 = arith.extui %ge3A_1147 : vector<16xi1> to vector<16xi32>
        %broadcast_in_dim3A_1210 = arith.constant true
        %broadcast_in_dim3A_1211 = vector.broadcast %broadcast_in_dim3A_1210 : i1 to vector<16xi1>
        %masked_cumsum3A_1212 = tpu.scan <sum>, %convert_element_type3A_1209 masked %broadcast_in_dim3A_1211 : vector<16xi32>, vector<16xi1> -> vector<16xi32>
        %convert_element_type3A_1213 = arith.extui %ge3A_1148 : vector<16xi1> to vector<16xi32>
        %broadcast_in_dim3A_1214 = arith.constant true
        %broadcast_in_dim3A_1215 = vector.broadcast %broadcast_in_dim3A_1214 : i1 to vector<16xi1>
        %masked_cumsum3A_1216 = tpu.scan <sum>, %convert_element_type3A_1213 masked %broadcast_in_dim3A_1215 : vector<16xi32>, vector<16xi1> -> vector<16xi32>
        %convert_element_type3A_1217 = arith.extui %ge3A_1149 : vector<16xi1> to vector<16xi32>
        %broadcast_in_dim3A_1218 = arith.constant true
        %broadcast_in_dim3A_1219 = vector.broadcast %broadcast_in_dim3A_1218 : i1 to vector<16xi1>
        %masked_cumsum3A_1220 = tpu.scan <sum>, %convert_element_type3A_1217 masked %broadcast_in_dim3A_1219 : vector<16xi32>, vector<16xi1> -> vector<16xi32>
        %convert_element_type3A_1221 = arith.extui %ge3A_1150 : vector<16xi1> to vector<16xi32>
        %broadcast_in_dim3A_1222 = arith.constant true
        %broadcast_in_dim3A_1223 = vector.broadcast %broadcast_in_dim3A_1222 : i1 to vector<16xi1>
        %masked_cumsum3A_1224 = tpu.scan <sum>, %convert_element_type3A_1221 masked %broadcast_in_dim3A_1223 : vector<16xi32>, vector<16xi1> -> vector<16xi32>
        %convert_element_type3A_1225 = arith.extui %ge3A_1151 : vector<16xi1> to vector<16xi32>
        %broadcast_in_dim3A_1226 = arith.constant true
        %broadcast_in_dim3A_1227 = vector.broadcast %broadcast_in_dim3A_1226 : i1 to vector<16xi1>
        %masked_cumsum3A_1228 = tpu.scan <sum>, %convert_element_type3A_1225 masked %broadcast_in_dim3A_1227 : vector<16xi32>, vector<16xi1> -> vector<16xi32>
        %convert_element_type3A_1229 = arith.extui %ge3A_1152 : vector<16xi1> to vector<16xi32>
        %broadcast_in_dim3A_1230 = arith.constant true
        %broadcast_in_dim3A_1231 = vector.broadcast %broadcast_in_dim3A_1230 : i1 to vector<16xi1>
        %masked_cumsum3A_1232 = tpu.scan <sum>, %convert_element_type3A_1229 masked %broadcast_in_dim3A_1231 : vector<16xi32>, vector<16xi1> -> vector<16xi32>
        %add3A_1233 = arith.addi %add3A_1072, %all_reduce_population_count3A_1153 : vector<16xi32>
        %add3A_1234 = arith.addi %add3A_1233, %all_reduce_population_count3A_1154 : vector<16xi32>
        %add3A_1235 = arith.addi %add3A_1234, %all_reduce_population_count3A_1155 : vector<16xi32>
        %add3A_1236 = arith.addi %add3A_1235, %all_reduce_population_count3A_1156 : vector<16xi32>
        %add3A_1237 = arith.addi %add3A_1236, %all_reduce_population_count3A_1157 : vector<16xi32>
        %add3A_1238 = arith.addi %add3A_1237, %all_reduce_population_count3A_1158 : vector<16xi32>
        %add3A_1239 = arith.addi %add3A_1238, %all_reduce_population_count3A_1159 : vector<16xi32>
        %add3A_1240 = arith.addi %add3A_1239, %all_reduce_population_count3A_1160 : vector<16xi32>
        %add3A_1241 = arith.addi %add3A_1240, %all_reduce_population_count3A_1161 : vector<16xi32>
        %add3A_1242 = arith.addi %add3A_1241, %all_reduce_population_count3A_1162 : vector<16xi32>
        %add3A_1243 = arith.addi %add3A_1242, %all_reduce_population_count3A_1163 : vector<16xi32>
        %add3A_1244 = arith.addi %add3A_1243, %all_reduce_population_count3A_1164 : vector<16xi32>
        %add3A_1245 = arith.addi %add3A_1244, %all_reduce_population_count3A_1165 : vector<16xi32>
        %add3A_1246 = arith.addi %add3A_1245, %all_reduce_population_count3A_1166 : vector<16xi32>
        %add3A_1247 = arith.addi %add3A_1246, %all_reduce_population_count3A_1167 : vector<16xi32>
        %add3A_1248 = arith.addi %add3A_1072, %masked_cumsum3A_1172 : vector<16xi32>
        %add3A_1249 = arith.constant 512 : i32
        %add3A_1250 = vector.broadcast %add3A_1249 : i32 to vector<16xi32>
        %add3A_1251 = arith.addi %iota3A, %add3A_1250 : vector<16xi32>
        tpu.vector_store_idx %arg13[%add3A_1248], %add3A_1251 masked %ge3A_1137 : memref<1024xi32, #tpu.memory_space<vmem>>[vector<16xi32>], vector<16xi32>, vector<16xi1>
        %add3A_1252 = arith.addi %add3A_1233, %masked_cumsum3A_1176 : vector<16xi32>
        %add3A_1253 = arith.constant 528 : i32
        %add3A_1254 = vector.broadcast %add3A_1253 : i32 to vector<16xi32>
        %add3A_1255 = arith.addi %iota3A, %add3A_1254 : vector<16xi32>
        tpu.vector_store_idx %arg13[%add3A_1252], %add3A_1255 masked %ge3A_1138 : memref<1024xi32, #tpu.memory_space<vmem>>[vector<16xi32>], vector<16xi32>, vector<16xi1>
        %add3A_1256 = arith.addi %add3A_1234, %masked_cumsum3A_1180 : vector<16xi32>
        %add3A_1257 = arith.constant 544 : i32
        %add3A_1258 = vector.broadcast %add3A_1257 : i32 to vector<16xi32>
        %add3A_1259 = arith.addi %iota3A, %add3A_1258 : vector<16xi32>
        tpu.vector_store_idx %arg13[%add3A_1256], %add3A_1259 masked %ge3A_1139 : memref<1024xi32, #tpu.memory_space<vmem>>[vector<16xi32>], vector<16xi32>, vector<16xi1>
        %add3A_1260 = arith.addi %add3A_1235, %masked_cumsum3A_1184 : vector<16xi32>
        %add3A_1261 = arith.constant 560 : i32
        %add3A_1262 = vector.broadcast %add3A_1261 : i32 to vector<16xi32>
        %add3A_1263 = arith.addi %iota3A, %add3A_1262 : vector<16xi32>
        tpu.vector_store_idx %arg13[%add3A_1260], %add3A_1263 masked %ge3A_1140 : memref<1024xi32, #tpu.memory_space<vmem>>[vector<16xi32>], vector<16xi32>, vector<16xi1>
        %add3A_1264 = arith.addi %add3A_1236, %masked_cumsum3A_1188 : vector<16xi32>
        %add3A_1265 = arith.constant 576 : i32
        %add3A_1266 = vector.broadcast %add3A_1265 : i32 to vector<16xi32>
        %add3A_1267 = arith.addi %iota3A, %add3A_1266 : vector<16xi32>
        tpu.vector_store_idx %arg13[%add3A_1264], %add3A_1267 masked %ge3A_1141 : memref<1024xi32, #tpu.memory_space<vmem>>[vector<16xi32>], vector<16xi32>, vector<16xi1>
        %add3A_1268 = arith.addi %add3A_1237, %masked_cumsum3A_1192 : vector<16xi32>
        %add3A_1269 = arith.constant 592 : i32
        %add3A_1270 = vector.broadcast %add3A_1269 : i32 to vector<16xi32>
        %add3A_1271 = arith.addi %iota3A, %add3A_1270 : vector<16xi32>
        tpu.vector_store_idx %arg13[%add3A_1268], %add3A_1271 masked %ge3A_1142 : memref<1024xi32, #tpu.memory_space<vmem>>[vector<16xi32>], vector<16xi32>, vector<16xi1>
        %add3A_1272 = arith.addi %add3A_1238, %masked_cumsum3A_1196 : vector<16xi32>
        %add3A_1273 = arith.constant 608 : i32
        %add3A_1274 = vector.broadcast %add3A_1273 : i32 to vector<16xi32>
        %add3A_1275 = arith.addi %iota3A, %add3A_1274 : vector<16xi32>
        tpu.vector_store_idx %arg13[%add3A_1272], %add3A_1275 masked %ge3A_1143 : memref<1024xi32, #tpu.memory_space<vmem>>[vector<16xi32>], vector<16xi32>, vector<16xi1>
        %add3A_1276 = arith.addi %add3A_1239, %masked_cumsum3A_1200 : vector<16xi32>
        %add3A_1277 = arith.constant 624 : i32
        %add3A_1278 = vector.broadcast %add3A_1277 : i32 to vector<16xi32>
        %add3A_1279 = arith.addi %iota3A, %add3A_1278 : vector<16xi32>
        tpu.vector_store_idx %arg13[%add3A_1276], %add3A_1279 masked %ge3A_1144 : memref<1024xi32, #tpu.memory_space<vmem>>[vector<16xi32>], vector<16xi32>, vector<16xi1>
        %add3A_1280 = arith.addi %add3A_1240, %masked_cumsum3A_1204 : vector<16xi32>
        %add3A_1281 = arith.constant 640 : i32
        %add3A_1282 = vector.broadcast %add3A_1281 : i32 to vector<16xi32>
        %add3A_1283 = arith.addi %iota3A, %add3A_1282 : vector<16xi32>
        tpu.vector_store_idx %arg13[%add3A_1280], %add3A_1283 masked %ge3A_1145 : memref<1024xi32, #tpu.memory_space<vmem>>[vector<16xi32>], vector<16xi32>, vector<16xi1>
        %add3A_1284 = arith.addi %add3A_1241, %masked_cumsum3A_1208 : vector<16xi32>
        %add3A_1285 = arith.constant 656 : i32
        %add3A_1286 = vector.broadcast %add3A_1285 : i32 to vector<16xi32>
        %add3A_1287 = arith.addi %iota3A, %add3A_1286 : vector<16xi32>
        tpu.vector_store_idx %arg13[%add3A_1284], %add3A_1287 masked %ge3A_1146 : memref<1024xi32, #tpu.memory_space<vmem>>[vector<16xi32>], vector<16xi32>, vector<16xi1>
        %add3A_1288 = arith.addi %add3A_1242, %masked_cumsum3A_1212 : vector<16xi32>
        %add3A_1289 = arith.constant 672 : i32
        %add3A_1290 = vector.broadcast %add3A_1289 : i32 to vector<16xi32>
        %add3A_1291 = arith.addi %iota3A, %add3A_1290 : vector<16xi32>
        tpu.vector_store_idx %arg13[%add3A_1288], %add3A_1291 masked %ge3A_1147 : memref<1024xi32, #tpu.memory_space<vmem>>[vector<16xi32>], vector<16xi32>, vector<16xi1>
        %add3A_1292 = arith.addi %add3A_1243, %masked_cumsum3A_1216 : vector<16xi32>
        %add3A_1293 = arith.constant 688 : i32
        %add3A_1294 = vector.broadcast %add3A_1293 : i32 to vector<16xi32>
        %add3A_1295 = arith.addi %iota3A, %add3A_1294 : vector<16xi32>
        tpu.vector_store_idx %arg13[%add3A_1292], %add3A_1295 masked %ge3A_1148 : memref<1024xi32, #tpu.memory_space<vmem>>[vector<16xi32>], vector<16xi32>, vector<16xi1>
        %add3A_1296 = arith.addi %add3A_1244, %masked_cumsum3A_1220 : vector<16xi32>
        %add3A_1297 = arith.constant 704 : i32
        %add3A_1298 = vector.broadcast %add3A_1297 : i32 to vector<16xi32>
        %add3A_1299 = arith.addi %iota3A, %add3A_1298 : vector<16xi32>
        tpu.vector_store_idx %arg13[%add3A_1296], %add3A_1299 masked %ge3A_1149 : memref<1024xi32, #tpu.memory_space<vmem>>[vector<16xi32>], vector<16xi32>, vector<16xi1>
        %add3A_1300 = arith.addi %add3A_1245, %masked_cumsum3A_1224 : vector<16xi32>
        %add3A_1301 = arith.constant 720 : i32
        %add3A_1302 = vector.broadcast %add3A_1301 : i32 to vector<16xi32>
        %add3A_1303 = arith.addi %iota3A, %add3A_1302 : vector<16xi32>
        tpu.vector_store_idx %arg13[%add3A_1300], %add3A_1303 masked %ge3A_1150 : memref<1024xi32, #tpu.memory_space<vmem>>[vector<16xi32>], vector<16xi32>, vector<16xi1>
        %add3A_1304 = arith.addi %add3A_1246, %masked_cumsum3A_1228 : vector<16xi32>
        %add3A_1305 = arith.constant 736 : i32
        %add3A_1306 = vector.broadcast %add3A_1305 : i32 to vector<16xi32>
        %add3A_1307 = arith.addi %iota3A, %add3A_1306 : vector<16xi32>
        tpu.vector_store_idx %arg13[%add3A_1304], %add3A_1307 masked %ge3A_1151 : memref<1024xi32, #tpu.memory_space<vmem>>[vector<16xi32>], vector<16xi32>, vector<16xi1>
        %add3A_1308 = arith.addi %add3A_1247, %masked_cumsum3A_1232 : vector<16xi32>
        %add3A_1309 = arith.constant 752 : i32
        %add3A_1310 = vector.broadcast %add3A_1309 : i32 to vector<16xi32>
        %add3A_1311 = arith.addi %iota3A, %add3A_1310 : vector<16xi32>
        tpu.vector_store_idx %arg13[%add3A_1308], %add3A_1311 masked %ge3A_1152 : memref<1024xi32, #tpu.memory_space<vmem>>[vector<16xi32>], vector<16xi32>, vector<16xi1>
        %add3A_1312 = arith.addi %add3A_1247, %all_reduce_population_count3A_1168 : vector<16xi32>
        %add3A_1313 = arith.constant 768 : i32
        %add3A_1314 = arith.addi %mul3A_21, %add3A_1313 : i32
        %get3A_1315 = arith.index_cast %add3A_1314 : i32 to index
        %get3A_1316 = tpu.vector_load %arg9[%get3A_1315] {strides = array<i32>} : memref<8192xi32, #tpu.memory_space<vmem>>, vector<16xi32>,
        %add3A_1317 = arith.constant 784 : i32
        %add3A_1318 = arith.addi %mul3A_21, %add3A_1317 : i32
        %get3A_1319 = arith.index_cast %add3A_1318 : i32 to index
        %get3A_1320 = tpu.vector_load %arg9[%get3A_1319] {strides = array<i32>} : memref<8192xi32, #tpu.memory_space<vmem>>, vector<16xi32>,
        %add3A_1321 = arith.constant 800 : i32
        %add3A_1322 = arith.addi %mul3A_21, %add3A_1321 : i32
        %get3A_1323 = arith.index_cast %add3A_1322 : i32 to index
        %get3A_1324 = tpu.vector_load %arg9[%get3A_1323] {strides = array<i32>} : memref<8192xi32, #tpu.memory_space<vmem>>, vector<16xi32>,
        %add3A_1325 = arith.constant 816 : i32
        %add3A_1326 = arith.addi %mul3A_21, %add3A_1325 : i32
        %get3A_1327 = arith.index_cast %add3A_1326 : i32 to index
        %get3A_1328 = tpu.vector_load %arg9[%get3A_1327] {strides = array<i32>} : memref<8192xi32, #tpu.memory_space<vmem>>, vector<16xi32>,
        %add3A_1329 = arith.constant 832 : i32
        %add3A_1330 = arith.addi %mul3A_21, %add3A_1329 : i32
        %get3A_1331 = arith.index_cast %add3A_1330 : i32 to index
        %get3A_1332 = tpu.vector_load %arg9[%get3A_1331] {strides = array<i32>} : memref<8192xi32, #tpu.memory_space<vmem>>, vector<16xi32>,
        %add3A_1333 = arith.constant 848 : i32
        %add3A_1334 = arith.addi %mul3A_21, %add3A_1333 : i32
        %get3A_1335 = arith.index_cast %add3A_1334 : i32 to index
        %get3A_1336 = tpu.vector_load %arg9[%get3A_1335] {strides = array<i32>} : memref<8192xi32, #tpu.memory_space<vmem>>, vector<16xi32>,
        %add3A_1337 = arith.constant 864 : i32
        %add3A_1338 = arith.addi %mul3A_21, %add3A_1337 : i32
        %get3A_1339 = arith.index_cast %add3A_1338 : i32 to index
        %get3A_1340 = tpu.vector_load %arg9[%get3A_1339] {strides = array<i32>} : memref<8192xi32, #tpu.memory_space<vmem>>, vector<16xi32>,
        %add3A_1341 = arith.constant 880 : i32
        %add3A_1342 = arith.addi %mul3A_21, %add3A_1341 : i32
        %get3A_1343 = arith.index_cast %add3A_1342 : i32 to index
        %get3A_1344 = tpu.vector_load %arg9[%get3A_1343] {strides = array<i32>} : memref<8192xi32, #tpu.memory_space<vmem>>, vector<16xi32>,
        %add3A_1345 = arith.constant 896 : i32
        %add3A_1346 = arith.addi %mul3A_21, %add3A_1345 : i32
        %get3A_1347 = arith.index_cast %add3A_1346 : i32 to index
        %get3A_1348 = tpu.vector_load %arg9[%get3A_1347] {strides = array<i32>} : memref<8192xi32, #tpu.memory_space<vmem>>, vector<16xi32>,
        %add3A_1349 = arith.constant 912 : i32
        %add3A_1350 = arith.addi %mul3A_21, %add3A_1349 : i32
        %get3A_1351 = arith.index_cast %add3A_1350 : i32 to index
        %get3A_1352 = tpu.vector_load %arg9[%get3A_1351] {strides = array<i32>} : memref<8192xi32, #tpu.memory_space<vmem>>, vector<16xi32>,
        %add3A_1353 = arith.constant 928 : i32
        %add3A_1354 = arith.addi %mul3A_21, %add3A_1353 : i32
        %get3A_1355 = arith.index_cast %add3A_1354 : i32 to index
        %get3A_1356 = tpu.vector_load %arg9[%get3A_1355] {strides = array<i32>} : memref<8192xi32, #tpu.memory_space<vmem>>, vector<16xi32>,
        %add3A_1357 = arith.constant 944 : i32
        %add3A_1358 = arith.addi %mul3A_21, %add3A_1357 : i32
        %get3A_1359 = arith.index_cast %add3A_1358 : i32 to index
        %get3A_1360 = tpu.vector_load %arg9[%get3A_1359] {strides = array<i32>} : memref<8192xi32, #tpu.memory_space<vmem>>, vector<16xi32>,
        %add3A_1361 = arith.constant 960 : i32
        %add3A_1362 = arith.addi %mul3A_21, %add3A_1361 : i32
        %get3A_1363 = arith.index_cast %add3A_1362 : i32 to index
        %get3A_1364 = tpu.vector_load %arg9[%get3A_1363] {strides = array<i32>} : memref<8192xi32, #tpu.memory_space<vmem>>, vector<16xi32>,
        %add3A_1365 = arith.constant 976 : i32
        %add3A_1366 = arith.addi %mul3A_21, %add3A_1365 : i32
        %get3A_1367 = arith.index_cast %add3A_1366 : i32 to index
        %get3A_1368 = tpu.vector_load %arg9[%get3A_1367] {strides = array<i32>} : memref<8192xi32, #tpu.memory_space<vmem>>, vector<16xi32>,
        %add3A_1369 = arith.constant 992 : i32
        %add3A_1370 = arith.addi %mul3A_21, %add3A_1369 : i32
        %get3A_1371 = arith.index_cast %add3A_1370 : i32 to index
        %get3A_1372 = tpu.vector_load %arg9[%get3A_1371] {strides = array<i32>} : memref<8192xi32, #tpu.memory_space<vmem>>, vector<16xi32>,
        %add3A_1373 = arith.constant 1008 : i32
        %add3A_1374 = arith.addi %mul3A_21, %add3A_1373 : i32
        %get3A_1375 = arith.index_cast %add3A_1374 : i32 to index
        %get3A_1376 = tpu.vector_load %arg9[%get3A_1375] {strides = array<i32>} : memref<8192xi32, #tpu.memory_space<vmem>>, vector<16xi32>,
        %ge3A_1377 = arith.cmpi sge, %get3A_1316, %broadcast_in_dim3A : vector<16xi32>
        %ge3A_1378 = arith.cmpi sge, %get3A_1320, %broadcast_in_dim3A : vector<16xi32>
        %ge3A_1379 = arith.cmpi sge, %get3A_1324, %broadcast_in_dim3A : vector<16xi32>
        %ge3A_1380 = arith.cmpi sge, %get3A_1328, %broadcast_in_dim3A : vector<16xi32>
        %ge3A_1381 = arith.cmpi sge, %get3A_1332, %broadcast_in_dim3A : vector<16xi32>
        %ge3A_1382 = arith.cmpi sge, %get3A_1336, %broadcast_in_dim3A : vector<16xi32>
        %ge3A_1383 = arith.cmpi sge, %get3A_1340, %broadcast_in_dim3A : vector<16xi32>
        %ge3A_1384 = arith.cmpi sge, %get3A_1344, %broadcast_in_dim3A : vector<16xi32>
        %ge3A_1385 = arith.cmpi sge, %get3A_1348, %broadcast_in_dim3A : vector<16xi32>
        %ge3A_1386 = arith.cmpi sge, %get3A_1352, %broadcast_in_dim3A : vector<16xi32>
        %ge3A_1387 = arith.cmpi sge, %get3A_1356, %broadcast_in_dim3A : vector<16xi32>
        %ge3A_1388 = arith.cmpi sge, %get3A_1360, %broadcast_in_dim3A : vector<16xi32>
        %ge3A_1389 = arith.cmpi sge, %get3A_1364, %broadcast_in_dim3A : vector<16xi32>
        %ge3A_1390 = arith.cmpi sge, %get3A_1368, %broadcast_in_dim3A : vector<16xi32>
        %ge3A_1391 = arith.cmpi sge, %get3A_1372, %broadcast_in_dim3A : vector<16xi32>
        %ge3A_1392 = arith.cmpi sge, %get3A_1376, %broadcast_in_dim3A : vector<16xi32>
        %all_reduce_population_count3A_1393 = tpu.all_reduce %ge3A_1377 {dim = 0 : i64, kind = #tpu.reduction_kind<sum>} : vector<16xi1> -> vector<16xi32>
        %all_reduce_population_count3A_1394 = tpu.all_reduce %ge3A_1378 {dim = 0 : i64, kind = #tpu.reduction_kind<sum>} : vector<16xi1> -> vector<16xi32>
        %all_reduce_population_count3A_1395 = tpu.all_reduce %ge3A_1379 {dim = 0 : i64, kind = #tpu.reduction_kind<sum>} : vector<16xi1> -> vector<16xi32>
        %all_reduce_population_count3A_1396 = tpu.all_reduce %ge3A_1380 {dim = 0 : i64, kind = #tpu.reduction_kind<sum>} : vector<16xi1> -> vector<16xi32>
        %all_reduce_population_count3A_1397 = tpu.all_reduce %ge3A_1381 {dim = 0 : i64, kind = #tpu.reduction_kind<sum>} : vector<16xi1> -> vector<16xi32>
        %all_reduce_population_count3A_1398 = tpu.all_reduce %ge3A_1382 {dim = 0 : i64, kind = #tpu.reduction_kind<sum>} : vector<16xi1> -> vector<16xi32>
        %all_reduce_population_count3A_1399 = tpu.all_reduce %ge3A_1383 {dim = 0 : i64, kind = #tpu.reduction_kind<sum>} : vector<16xi1> -> vector<16xi32>
        %all_reduce_population_count3A_1400 = tpu.all_reduce %ge3A_1384 {dim = 0 : i64, kind = #tpu.reduction_kind<sum>} : vector<16xi1> -> vector<16xi32>
        %all_reduce_population_count3A_1401 = tpu.all_reduce %ge3A_1385 {dim = 0 : i64, kind = #tpu.reduction_kind<sum>} : vector<16xi1> -> vector<16xi32>
        %all_reduce_population_count3A_1402 = tpu.all_reduce %ge3A_1386 {dim = 0 : i64, kind = #tpu.reduction_kind<sum>} : vector<16xi1> -> vector<16xi32>
        %all_reduce_population_count3A_1403 = tpu.all_reduce %ge3A_1387 {dim = 0 : i64, kind = #tpu.reduction_kind<sum>} : vector<16xi1> -> vector<16xi32>
        %all_reduce_population_count3A_1404 = tpu.all_reduce %ge3A_1388 {dim = 0 : i64, kind = #tpu.reduction_kind<sum>} : vector<16xi1> -> vector<16xi32>
        %all_reduce_population_count3A_1405 = tpu.all_reduce %ge3A_1389 {dim = 0 : i64, kind = #tpu.reduction_kind<sum>} : vector<16xi1> -> vector<16xi32>
        %all_reduce_population_count3A_1406 = tpu.all_reduce %ge3A_1390 {dim = 0 : i64, kind = #tpu.reduction_kind<sum>} : vector<16xi1> -> vector<16xi32>
        %all_reduce_population_count3A_1407 = tpu.all_reduce %ge3A_1391 {dim = 0 : i64, kind = #tpu.reduction_kind<sum>} : vector<16xi1> -> vector<16xi32>
        %all_reduce_population_count3A_1408 = tpu.all_reduce %ge3A_1392 {dim = 0 : i64, kind = #tpu.reduction_kind<sum>} : vector<16xi1> -> vector<16xi32>
        %convert_element_type3A_1409 = arith.extui %ge3A_1377 : vector<16xi1> to vector<16xi32>
        %broadcast_in_dim3A_1410 = arith.constant true
        %broadcast_in_dim3A_1411 = vector.broadcast %broadcast_in_dim3A_1410 : i1 to vector<16xi1>
        %masked_cumsum3A_1412 = tpu.scan <sum>, %convert_element_type3A_1409 masked %broadcast_in_dim3A_1411 : vector<16xi32>, vector<16xi1> -> vector<16xi32>
        %convert_element_type3A_1413 = arith.extui %ge3A_1378 : vector<16xi1> to vector<16xi32>
        %broadcast_in_dim3A_1414 = arith.constant true
        %broadcast_in_dim3A_1415 = vector.broadcast %broadcast_in_dim3A_1414 : i1 to vector<16xi1>
        %masked_cumsum3A_1416 = tpu.scan <sum>, %convert_element_type3A_1413 masked %broadcast_in_dim3A_1415 : vector<16xi32>, vector<16xi1> -> vector<16xi32>
        %convert_element_type3A_1417 = arith.extui %ge3A_1379 : vector<16xi1> to vector<16xi32>
        %broadcast_in_dim3A_1418 = arith.constant true
        %broadcast_in_dim3A_1419 = vector.broadcast %broadcast_in_dim3A_1418 : i1 to vector<16xi1>
        %masked_cumsum3A_1420 = tpu.scan <sum>, %convert_element_type3A_1417 masked %broadcast_in_dim3A_1419 : vector<16xi32>, vector<16xi1> -> vector<16xi32>
        %convert_element_type3A_1421 = arith.extui %ge3A_1380 : vector<16xi1> to vector<16xi32>
        %broadcast_in_dim3A_1422 = arith.constant true
        %broadcast_in_dim3A_1423 = vector.broadcast %broadcast_in_dim3A_1422 : i1 to vector<16xi1>
        %masked_cumsum3A_1424 = tpu.scan <sum>, %convert_element_type3A_1421 masked %broadcast_in_dim3A_1423 : vector<16xi32>, vector<16xi1> -> vector<16xi32>
        %convert_element_type3A_1425 = arith.extui %ge3A_1381 : vector<16xi1> to vector<16xi32>
        %broadcast_in_dim3A_1426 = arith.constant true
        %broadcast_in_dim3A_1427 = vector.broadcast %broadcast_in_dim3A_1426 : i1 to vector<16xi1>
        %masked_cumsum3A_1428 = tpu.scan <sum>, %convert_element_type3A_1425 masked %broadcast_in_dim3A_1427 : vector<16xi32>, vector<16xi1> -> vector<16xi32>
        %convert_element_type3A_1429 = arith.extui %ge3A_1382 : vector<16xi1> to vector<16xi32>
        %broadcast_in_dim3A_1430 = arith.constant true
        %broadcast_in_dim3A_1431 = vector.broadcast %broadcast_in_dim3A_1430 : i1 to vector<16xi1>
        %masked_cumsum3A_1432 = tpu.scan <sum>, %convert_element_type3A_1429 masked %broadcast_in_dim3A_1431 : vector<16xi32>, vector<16xi1> -> vector<16xi32>
        %convert_element_type3A_1433 = arith.extui %ge3A_1383 : vector<16xi1> to vector<16xi32>
        %broadcast_in_dim3A_1434 = arith.constant true
        %broadcast_in_dim3A_1435 = vector.broadcast %broadcast_in_dim3A_1434 : i1 to vector<16xi1>
        %masked_cumsum3A_1436 = tpu.scan <sum>, %convert_element_type3A_1433 masked %broadcast_in_dim3A_1435 : vector<16xi32>, vector<16xi1> -> vector<16xi32>
        %convert_element_type3A_1437 = arith.extui %ge3A_1384 : vector<16xi1> to vector<16xi32>
        %broadcast_in_dim3A_1438 = arith.constant true
        %broadcast_in_dim3A_1439 = vector.broadcast %broadcast_in_dim3A_1438 : i1 to vector<16xi1>
        %masked_cumsum3A_1440 = tpu.scan <sum>, %convert_element_type3A_1437 masked %broadcast_in_dim3A_1439 : vector<16xi32>, vector<16xi1> -> vector<16xi32>
        %convert_element_type3A_1441 = arith.extui %ge3A_1385 : vector<16xi1> to vector<16xi32>
        %broadcast_in_dim3A_1442 = arith.constant true
        %broadcast_in_dim3A_1443 = vector.broadcast %broadcast_in_dim3A_1442 : i1 to vector<16xi1>
        %masked_cumsum3A_1444 = tpu.scan <sum>, %convert_element_type3A_1441 masked %broadcast_in_dim3A_1443 : vector<16xi32>, vector<16xi1> -> vector<16xi32>
        %convert_element_type3A_1445 = arith.extui %ge3A_1386 : vector<16xi1> to vector<16xi32>
        %broadcast_in_dim3A_1446 = arith.constant true
        %broadcast_in_dim3A_1447 = vector.broadcast %broadcast_in_dim3A_1446 : i1 to vector<16xi1>
        %masked_cumsum3A_1448 = tpu.scan <sum>, %convert_element_type3A_1445 masked %broadcast_in_dim3A_1447 : vector<16xi32>, vector<16xi1> -> vector<16xi32>
        %convert_element_type3A_1449 = arith.extui %ge3A_1387 : vector<16xi1> to vector<16xi32>
        %broadcast_in_dim3A_1450 = arith.constant true
        %broadcast_in_dim3A_1451 = vector.broadcast %broadcast_in_dim3A_1450 : i1 to vector<16xi1>
        %masked_cumsum3A_1452 = tpu.scan <sum>, %convert_element_type3A_1449 masked %broadcast_in_dim3A_1451 : vector<16xi32>, vector<16xi1> -> vector<16xi32>
        %convert_element_type3A_1453 = arith.extui %ge3A_1388 : vector<16xi1> to vector<16xi32>
        %broadcast_in_dim3A_1454 = arith.constant true
        %broadcast_in_dim3A_1455 = vector.broadcast %broadcast_in_dim3A_1454 : i1 to vector<16xi1>
        %masked_cumsum3A_1456 = tpu.scan <sum>, %convert_element_type3A_1453 masked %broadcast_in_dim3A_1455 : vector<16xi32>, vector<16xi1> -> vector<16xi32>
        %convert_element_type3A_1457 = arith.extui %ge3A_1389 : vector<16xi1> to vector<16xi32>
        %broadcast_in_dim3A_1458 = arith.constant true
        %broadcast_in_dim3A_1459 = vector.broadcast %broadcast_in_dim3A_1458 : i1 to vector<16xi1>
        %masked_cumsum3A_1460 = tpu.scan <sum>, %convert_element_type3A_1457 masked %broadcast_in_dim3A_1459 : vector<16xi32>, vector<16xi1> -> vector<16xi32>
        %convert_element_type3A_1461 = arith.extui %ge3A_1390 : vector<16xi1> to vector<16xi32>
        %broadcast_in_dim3A_1462 = arith.constant true
        %broadcast_in_dim3A_1463 = vector.broadcast %broadcast_in_dim3A_1462 : i1 to vector<16xi1>
        %masked_cumsum3A_1464 = tpu.scan <sum>, %convert_element_type3A_1461 masked %broadcast_in_dim3A_1463 : vector<16xi32>, vector<16xi1> -> vector<16xi32>
        %convert_element_type3A_1465 = arith.extui %ge3A_1391 : vector<16xi1> to vector<16xi32>
        %broadcast_in_dim3A_1466 = arith.constant true
        %broadcast_in_dim3A_1467 = vector.broadcast %broadcast_in_dim3A_1466 : i1 to vector<16xi1>
        %masked_cumsum3A_1468 = tpu.scan <sum>, %convert_element_type3A_1465 masked %broadcast_in_dim3A_1467 : vector<16xi32>, vector<16xi1> -> vector<16xi32>
        %convert_element_type3A_1469 = arith.extui %ge3A_1392 : vector<16xi1> to vector<16xi32>
        %broadcast_in_dim3A_1470 = arith.constant true
        %broadcast_in_dim3A_1471 = vector.broadcast %broadcast_in_dim3A_1470 : i1 to vector<16xi1>
        %masked_cumsum3A_1472 = tpu.scan <sum>, %convert_element_type3A_1469 masked %broadcast_in_dim3A_1471 : vector<16xi32>, vector<16xi1> -> vector<16xi32>
        %add3A_1473 = arith.addi %add3A_1312, %all_reduce_population_count3A_1393 : vector<16xi32>
        %add3A_1474 = arith.addi %add3A_1473, %all_reduce_population_count3A_1394 : vector<16xi32>
        %add3A_1475 = arith.addi %add3A_1474, %all_reduce_population_count3A_1395 : vector<16xi32>
        %add3A_1476 = arith.addi %add3A_1475, %all_reduce_population_count3A_1396 : vector<16xi32>
        %add3A_1477 = arith.addi %add3A_1476, %all_reduce_population_count3A_1397 : vector<16xi32>
        %add3A_1478 = arith.addi %add3A_1477, %all_reduce_population_count3A_1398 : vector<16xi32>
        %add3A_1479 = arith.addi %add3A_1478, %all_reduce_population_count3A_1399 : vector<16xi32>
        %add3A_1480 = arith.addi %add3A_1479, %all_reduce_population_count3A_1400 : vector<16xi32>
        %add3A_1481 = arith.addi %add3A_1480, %all_reduce_population_count3A_1401 : vector<16xi32>
        %add3A_1482 = arith.addi %add3A_1481, %all_reduce_population_count3A_1402 : vector<16xi32>
        %add3A_1483 = arith.addi %add3A_1482, %all_reduce_population_count3A_1403 : vector<16xi32>
        %add3A_1484 = arith.addi %add3A_1483, %all_reduce_population_count3A_1404 : vector<16xi32>
        %add3A_1485 = arith.addi %add3A_1484, %all_reduce_population_count3A_1405 : vector<16xi32>
        %add3A_1486 = arith.addi %add3A_1485, %all_reduce_population_count3A_1406 : vector<16xi32>
        %add3A_1487 = arith.addi %add3A_1486, %all_reduce_population_count3A_1407 : vector<16xi32>
        %add3A_1488 = arith.addi %add3A_1312, %masked_cumsum3A_1412 : vector<16xi32>
        %add3A_1489 = arith.constant 768 : i32
        %add3A_1490 = vector.broadcast %add3A_1489 : i32 to vector<16xi32>
        %add3A_1491 = arith.addi %iota3A, %add3A_1490 : vector<16xi32>
        tpu.vector_store_idx %arg13[%add3A_1488], %add3A_1491 masked %ge3A_1377 : memref<1024xi32, #tpu.memory_space<vmem>>[vector<16xi32>], vector<16xi32>, vector<16xi1>
        %add3A_1492 = arith.addi %add3A_1473, %masked_cumsum3A_1416 : vector<16xi32>
        %add3A_1493 = arith.constant 784 : i32
        %add3A_1494 = vector.broadcast %add3A_1493 : i32 to vector<16xi32>
        %add3A_1495 = arith.addi %iota3A, %add3A_1494 : vector<16xi32>
        tpu.vector_store_idx %arg13[%add3A_1492], %add3A_1495 masked %ge3A_1378 : memref<1024xi32, #tpu.memory_space<vmem>>[vector<16xi32>], vector<16xi32>, vector<16xi1>
        %add3A_1496 = arith.addi %add3A_1474, %masked_cumsum3A_1420 : vector<16xi32>
        %add3A_1497 = arith.constant 800 : i32
        %add3A_1498 = vector.broadcast %add3A_1497 : i32 to vector<16xi32>
        %add3A_1499 = arith.addi %iota3A, %add3A_1498 : vector<16xi32>
        tpu.vector_store_idx %arg13[%add3A_1496], %add3A_1499 masked %ge3A_1379 : memref<1024xi32, #tpu.memory_space<vmem>>[vector<16xi32>], vector<16xi32>, vector<16xi1>
        %add3A_1500 = arith.addi %add3A_1475, %masked_cumsum3A_1424 : vector<16xi32>
        %add3A_1501 = arith.constant 816 : i32
        %add3A_1502 = vector.broadcast %add3A_1501 : i32 to vector<16xi32>
        %add3A_1503 = arith.addi %iota3A, %add3A_1502 : vector<16xi32>
        tpu.vector_store_idx %arg13[%add3A_1500], %add3A_1503 masked %ge3A_1380 : memref<1024xi32, #tpu.memory_space<vmem>>[vector<16xi32>], vector<16xi32>, vector<16xi1>
        %add3A_1504 = arith.addi %add3A_1476, %masked_cumsum3A_1428 : vector<16xi32>
        %add3A_1505 = arith.constant 832 : i32
        %add3A_1506 = vector.broadcast %add3A_1505 : i32 to vector<16xi32>
        %add3A_1507 = arith.addi %iota3A, %add3A_1506 : vector<16xi32>
        tpu.vector_store_idx %arg13[%add3A_1504], %add3A_1507 masked %ge3A_1381 : memref<1024xi32, #tpu.memory_space<vmem>>[vector<16xi32>], vector<16xi32>, vector<16xi1>
        %add3A_1508 = arith.addi %add3A_1477, %masked_cumsum3A_1432 : vector<16xi32>
        %add3A_1509 = arith.constant 848 : i32
        %add3A_1510 = vector.broadcast %add3A_1509 : i32 to vector<16xi32>
        %add3A_1511 = arith.addi %iota3A, %add3A_1510 : vector<16xi32>
        tpu.vector_store_idx %arg13[%add3A_1508], %add3A_1511 masked %ge3A_1382 : memref<1024xi32, #tpu.memory_space<vmem>>[vector<16xi32>], vector<16xi32>, vector<16xi1>
        %add3A_1512 = arith.addi %add3A_1478, %masked_cumsum3A_1436 : vector<16xi32>
        %add3A_1513 = arith.constant 864 : i32
        %add3A_1514 = vector.broadcast %add3A_1513 : i32 to vector<16xi32>
        %add3A_1515 = arith.addi %iota3A, %add3A_1514 : vector<16xi32>
        tpu.vector_store_idx %arg13[%add3A_1512], %add3A_1515 masked %ge3A_1383 : memref<1024xi32, #tpu.memory_space<vmem>>[vector<16xi32>], vector<16xi32>, vector<16xi1>
        %add3A_1516 = arith.addi %add3A_1479, %masked_cumsum3A_1440 : vector<16xi32>
        %add3A_1517 = arith.constant 880 : i32
        %add3A_1518 = vector.broadcast %add3A_1517 : i32 to vector<16xi32>
        %add3A_1519 = arith.addi %iota3A, %add3A_1518 : vector<16xi32>
        tpu.vector_store_idx %arg13[%add3A_1516], %add3A_1519 masked %ge3A_1384 : memref<1024xi32, #tpu.memory_space<vmem>>[vector<16xi32>], vector<16xi32>, vector<16xi1>
        %add3A_1520 = arith.addi %add3A_1480, %masked_cumsum3A_1444 : vector<16xi32>
        %add3A_1521 = arith.constant 896 : i32
        %add3A_1522 = vector.broadcast %add3A_1521 : i32 to vector<16xi32>
        %add3A_1523 = arith.addi %iota3A, %add3A_1522 : vector<16xi32>
        tpu.vector_store_idx %arg13[%add3A_1520], %add3A_1523 masked %ge3A_1385 : memref<1024xi32, #tpu.memory_space<vmem>>[vector<16xi32>], vector<16xi32>, vector<16xi1>
        %add3A_1524 = arith.addi %add3A_1481, %masked_cumsum3A_1448 : vector<16xi32>
        %add3A_1525 = arith.constant 912 : i32
        %add3A_1526 = vector.broadcast %add3A_1525 : i32 to vector<16xi32>
        %add3A_1527 = arith.addi %iota3A, %add3A_1526 : vector<16xi32>
        tpu.vector_store_idx %arg13[%add3A_1524], %add3A_1527 masked %ge3A_1386 : memref<1024xi32, #tpu.memory_space<vmem>>[vector<16xi32>], vector<16xi32>, vector<16xi1>
        %add3A_1528 = arith.addi %add3A_1482, %masked_cumsum3A_1452 : vector<16xi32>
        %add3A_1529 = arith.constant 928 : i32
        %add3A_1530 = vector.broadcast %add3A_1529 : i32 to vector<16xi32>
        %add3A_1531 = arith.addi %iota3A, %add3A_1530 : vector<16xi32>
        tpu.vector_store_idx %arg13[%add3A_1528], %add3A_1531 masked %ge3A_1387 : memref<1024xi32, #tpu.memory_space<vmem>>[vector<16xi32>], vector<16xi32>, vector<16xi1>
        %add3A_1532 = arith.addi %add3A_1483, %masked_cumsum3A_1456 : vector<16xi32>
        %add3A_1533 = arith.constant 944 : i32
        %add3A_1534 = vector.broadcast %add3A_1533 : i32 to vector<16xi32>
        %add3A_1535 = arith.addi %iota3A, %add3A_1534 : vector<16xi32>
        tpu.vector_store_idx %arg13[%add3A_1532], %add3A_1535 masked %ge3A_1388 : memref<1024xi32, #tpu.memory_space<vmem>>[vector<16xi32>], vector<16xi32>, vector<16xi1>
        %add3A_1536 = arith.addi %add3A_1484, %masked_cumsum3A_1460 : vector<16xi32>
        %add3A_1537 = arith.constant 960 : i32
        %add3A_1538 = vector.broadcast %add3A_1537 : i32 to vector<16xi32>
        %add3A_1539 = arith.addi %iota3A, %add3A_1538 : vector<16xi32>
        tpu.vector_store_idx %arg13[%add3A_1536], %add3A_1539 masked %ge3A_1389 : memref<1024xi32, #tpu.memory_space<vmem>>[vector<16xi32>], vector<16xi32>, vector<16xi1>
        %add3A_1540 = arith.addi %add3A_1485, %masked_cumsum3A_1464 : vector<16xi32>
        %add3A_1541 = arith.constant 976 : i32
        %add3A_1542 = vector.broadcast %add3A_1541 : i32 to vector<16xi32>
        %add3A_1543 = arith.addi %iota3A, %add3A_1542 : vector<16xi32>
        tpu.vector_store_idx %arg13[%add3A_1540], %add3A_1543 masked %ge3A_1390 : memref<1024xi32, #tpu.memory_space<vmem>>[vector<16xi32>], vector<16xi32>, vector<16xi1>
        %add3A_1544 = arith.addi %add3A_1486, %masked_cumsum3A_1468 : vector<16xi32>
        %add3A_1545 = arith.constant 992 : i32
        %add3A_1546 = vector.broadcast %add3A_1545 : i32 to vector<16xi32>
        %add3A_1547 = arith.addi %iota3A, %add3A_1546 : vector<16xi32>
        tpu.vector_store_idx %arg13[%add3A_1544], %add3A_1547 masked %ge3A_1391 : memref<1024xi32, #tpu.memory_space<vmem>>[vector<16xi32>], vector<16xi32>, vector<16xi1>
        %add3A_1548 = arith.addi %add3A_1487, %masked_cumsum3A_1472 : vector<16xi32>
        %add3A_1549 = arith.constant 1008 : i32
        %add3A_1550 = vector.broadcast %add3A_1549 : i32 to vector<16xi32>
        %add3A_1551 = arith.addi %iota3A, %add3A_1550 : vector<16xi32>
        tpu.vector_store_idx %arg13[%add3A_1548], %add3A_1551 masked %ge3A_1392 : memref<1024xi32, #tpu.memory_space<vmem>>[vector<16xi32>], vector<16xi32>, vector<16xi1>
        %add3A_1552 = arith.addi %add3A_1487, %all_reduce_population_count3A_1408 : vector<16xi32>
        %broadcast_in_dim3A_1553 = vector.broadcast %mul3A_21 : i32 to vector<16xi32>
        %slice3A_1554 = vector.extract_strided_slice %add3A_1552 {offsets = [0], sizes = [1], strides = [1]} : vector<16xi32> to vector<1xi32>
        %squeeze3A_1555 = vector.extract %slice3A_1554[0] : i32 from vector<1xi32>
        %le3A = arith.constant 127 : i32
        %le3A_1556 = arith.cmpi sle, %squeeze3A_1555, %le3A : i32
        %convert_element_type3A_1557 = arith.extui %le3A_1556 : i1 to i32
        %cond3A = arith.constant 0 : i32
        %cond3A_1558 = arith.cmpi ne, %convert_element_type3A_1557, %cond3A : i32
        scf.if %cond3A_1558 {
          %get3A_1726 = arith.constant 0 : index
          %get3A_1727 = tpu.vector_load %arg13[%get3A_1726] {strides = array<i32>} : memref<1024xi32, #tpu.memory_space<vmem>>, vector<16xi32>,
          %add3A_1728 = arith.addi %broadcast_in_dim3A_1553, %get3A_1727 : vector<16xi32>
          %gather3A_1729 = tpu.vector_load_idx %arg9[%add3A_1728] : memref<8192xi32, #tpu.memory_space<vmem>>[vector<16xi32>], vector<16xi32>,
          %get3A_1730 = arith.constant 16 : index
          %get3A_1731 = tpu.vector_load %arg13[%get3A_1730] {strides = array<i32>} : memref<1024xi32, #tpu.memory_space<vmem>>, vector<16xi32>,
          %add3A_1732 = arith.addi %broadcast_in_dim3A_1553, %get3A_1731 : vector<16xi32>
          %gather3A_1733 = tpu.vector_load_idx %arg9[%add3A_1732] : memref<8192xi32, #tpu.memory_space<vmem>>[vector<16xi32>], vector<16xi32>,
          %get3A_1734 = arith.constant 32 : index
          %get3A_1735 = tpu.vector_load %arg13[%get3A_1734] {strides = array<i32>} : memref<1024xi32, #tpu.memory_space<vmem>>, vector<16xi32>,
          %add3A_1736 = arith.addi %broadcast_in_dim3A_1553, %get3A_1735 : vector<16xi32>
          %gather3A_1737 = tpu.vector_load_idx %arg9[%add3A_1736] : memref<8192xi32, #tpu.memory_space<vmem>>[vector<16xi32>], vector<16xi32>,
          %get3A_1738 = arith.constant 48 : index
          %get3A_1739 = tpu.vector_load %arg13[%get3A_1738] {strides = array<i32>} : memref<1024xi32, #tpu.memory_space<vmem>>, vector<16xi32>,
          %add3A_1740 = arith.addi %broadcast_in_dim3A_1553, %get3A_1739 : vector<16xi32>
          %gather3A_1741 = tpu.vector_load_idx %arg9[%add3A_1740] : memref<8192xi32, #tpu.memory_space<vmem>>[vector<16xi32>], vector<16xi32>,
          %get3A_1742 = arith.constant 64 : index
          %get3A_1743 = tpu.vector_load %arg13[%get3A_1742] {strides = array<i32>} : memref<1024xi32, #tpu.memory_space<vmem>>, vector<16xi32>,
          %add3A_1744 = arith.addi %broadcast_in_dim3A_1553, %get3A_1743 : vector<16xi32>
          %gather3A_1745 = tpu.vector_load_idx %arg9[%add3A_1744] : memref<8192xi32, #tpu.memory_space<vmem>>[vector<16xi32>], vector<16xi32>,
          %get3A_1746 = arith.constant 80 : index
          %get3A_1747 = tpu.vector_load %arg13[%get3A_1746] {strides = array<i32>} : memref<1024xi32, #tpu.memory_space<vmem>>, vector<16xi32>,
          %add3A_1748 = arith.addi %broadcast_in_dim3A_1553, %get3A_1747 : vector<16xi32>
          %gather3A_1749 = tpu.vector_load_idx %arg9[%add3A_1748] : memref<8192xi32, #tpu.memory_space<vmem>>[vector<16xi32>], vector<16xi32>,
          %get3A_1750 = arith.constant 96 : index
          %get3A_1751 = tpu.vector_load %arg13[%get3A_1750] {strides = array<i32>} : memref<1024xi32, #tpu.memory_space<vmem>>, vector<16xi32>,
          %add3A_1752 = arith.addi %broadcast_in_dim3A_1553, %get3A_1751 : vector<16xi32>
          %gather3A_1753 = tpu.vector_load_idx %arg9[%add3A_1752] : memref<8192xi32, #tpu.memory_space<vmem>>[vector<16xi32>], vector<16xi32>,
          %get3A_1754 = arith.constant 112 : index
          %get3A_1755 = tpu.vector_load %arg13[%get3A_1754] {strides = array<i32>} : memref<1024xi32, #tpu.memory_space<vmem>>, vector<16xi32>,
          %add3A_1756 = arith.addi %broadcast_in_dim3A_1553, %get3A_1755 : vector<16xi32>
          %gather3A_1757 = tpu.vector_load_idx %arg9[%add3A_1756] : memref<8192xi32, #tpu.memory_space<vmem>>[vector<16xi32>], vector<16xi32>,
          %masked_sort3A_1758 = arith.constant dense<true> : vector<16xi1>
          %masked_sort3A_1759 = arith.constant -2147483648 : i32
          %masked_sort3A_1760 = vector.broadcast %masked_sort3A_1759 : i32 to vector<16xi32>
          %masked_sort3A_1761 = arith.xori %gather3A_1729, %masked_sort3A_1760 : vector<16xi32>
          %masked_sort3A_1762, %masked_sort3A_1763, %masked_sort3A_1764 = tpu.sort %masked_sort3A_1761, %get3A_1727 masked %masked_sort3A_1758 {descending = true} : (vector<16xi32>, vector<16xi32>, vector<16xi1>) -> (vector<16xi1>, vector<16xi32>, vector<16xi32>)
          %masked_sort3A_1765 = arith.xori %masked_sort3A_1763, %masked_sort3A_1760 : vector<16xi32>
          %masked_sort3A_1766 = arith.constant dense<true> : vector<16xi1>
          %masked_sort3A_1767 = arith.constant -2147483648 : i32
          %masked_sort3A_1768 = vector.broadcast %masked_sort3A_1767 : i32 to vector<16xi32>
          %masked_sort3A_1769 = arith.xori %gather3A_1733, %masked_sort3A_1768 : vector<16xi32>
          %masked_sort3A_1770, %masked_sort3A_1771, %masked_sort3A_1772 = tpu.sort %masked_sort3A_1769, %get3A_1731 masked %masked_sort3A_1766 {descending = true} : (vector<16xi32>, vector<16xi32>, vector<16xi1>) -> (vector<16xi1>, vector<16xi32>, vector<16xi32>)
          %masked_sort3A_1773 = arith.xori %masked_sort3A_1771, %masked_sort3A_1768 : vector<16xi32>
          %masked_sort3A_1774 = arith.constant dense<true> : vector<16xi1>
          %masked_sort3A_1775 = arith.constant -2147483648 : i32
          %masked_sort3A_1776 = vector.broadcast %masked_sort3A_1775 : i32 to vector<16xi32>
          %masked_sort3A_1777 = arith.xori %gather3A_1737, %masked_sort3A_1776 : vector<16xi32>
          %masked_sort3A_1778, %masked_sort3A_1779, %masked_sort3A_1780 = tpu.sort %masked_sort3A_1777, %get3A_1735 masked %masked_sort3A_1774 {descending = true} : (vector<16xi32>, vector<16xi32>, vector<16xi1>) -> (vector<16xi1>, vector<16xi32>, vector<16xi32>)
          %masked_sort3A_1781 = arith.xori %masked_sort3A_1779, %masked_sort3A_1776 : vector<16xi32>
          %masked_sort3A_1782 = arith.constant dense<true> : vector<16xi1>
          %masked_sort3A_1783 = arith.constant -2147483648 : i32
          %masked_sort3A_1784 = vector.broadcast %masked_sort3A_1783 : i32 to vector<16xi32>
          %masked_sort3A_1785 = arith.xori %gather3A_1741, %masked_sort3A_1784 : vector<16xi32>
          %masked_sort3A_1786, %masked_sort3A_1787, %masked_sort3A_1788 = tpu.sort %masked_sort3A_1785, %get3A_1739 masked %masked_sort3A_1782 {descending = true} : (vector<16xi32>, vector<16xi32>, vector<16xi1>) -> (vector<16xi1>, vector<16xi32>, vector<16xi32>)
          %masked_sort3A_1789 = arith.xori %masked_sort3A_1787, %masked_sort3A_1784 : vector<16xi32>
          %masked_sort3A_1790 = arith.constant dense<true> : vector<16xi1>
          %masked_sort3A_1791 = arith.constant -2147483648 : i32
          %masked_sort3A_1792 = vector.broadcast %masked_sort3A_1791 : i32 to vector<16xi32>
          %masked_sort3A_1793 = arith.xori %gather3A_1745, %masked_sort3A_1792 : vector<16xi32>
          %masked_sort3A_1794, %masked_sort3A_1795, %masked_sort3A_1796 = tpu.sort %masked_sort3A_1793, %get3A_1743 masked %masked_sort3A_1790 {descending = true} : (vector<16xi32>, vector<16xi32>, vector<16xi1>) -> (vector<16xi1>, vector<16xi32>, vector<16xi32>)
          %masked_sort3A_1797 = arith.xori %masked_sort3A_1795, %masked_sort3A_1792 : vector<16xi32>
          %masked_sort3A_1798 = arith.constant dense<true> : vector<16xi1>
          %masked_sort3A_1799 = arith.constant -2147483648 : i32
          %masked_sort3A_1800 = vector.broadcast %masked_sort3A_1799 : i32 to vector<16xi32>
          %masked_sort3A_1801 = arith.xori %gather3A_1749, %masked_sort3A_1800 : vector<16xi32>
          %masked_sort3A_1802, %masked_sort3A_1803, %masked_sort3A_1804 = tpu.sort %masked_sort3A_1801, %get3A_1747 masked %masked_sort3A_1798 {descending = true} : (vector<16xi32>, vector<16xi32>, vector<16xi1>) -> (vector<16xi1>, vector<16xi32>, vector<16xi32>)
          %masked_sort3A_1805 = arith.xori %masked_sort3A_1803, %masked_sort3A_1800 : vector<16xi32>
          %masked_sort3A_1806 = arith.constant dense<true> : vector<16xi1>
          %masked_sort3A_1807 = arith.constant -2147483648 : i32
          %masked_sort3A_1808 = vector.broadcast %masked_sort3A_1807 : i32 to vector<16xi32>
          %masked_sort3A_1809 = arith.xori %gather3A_1753, %masked_sort3A_1808 : vector<16xi32>
          %masked_sort3A_1810, %masked_sort3A_1811, %masked_sort3A_1812 = tpu.sort %masked_sort3A_1809, %get3A_1751 masked %masked_sort3A_1806 {descending = true} : (vector<16xi32>, vector<16xi32>, vector<16xi1>) -> (vector<16xi1>, vector<16xi32>, vector<16xi32>)
          %masked_sort3A_1813 = arith.xori %masked_sort3A_1811, %masked_sort3A_1808 : vector<16xi32>
          %masked_sort3A_1814 = arith.constant dense<true> : vector<16xi1>
          %masked_sort3A_1815 = arith.constant -2147483648 : i32
          %masked_sort3A_1816 = vector.broadcast %masked_sort3A_1815 : i32 to vector<16xi32>
          %masked_sort3A_1817 = arith.xori %gather3A_1757, %masked_sort3A_1816 : vector<16xi32>
          %masked_sort3A_1818, %masked_sort3A_1819, %masked_sort3A_1820 = tpu.sort %masked_sort3A_1817, %get3A_1755 masked %masked_sort3A_1814 {descending = true} : (vector<16xi32>, vector<16xi32>, vector<16xi1>) -> (vector<16xi1>, vector<16xi32>, vector<16xi32>)
          %masked_sort3A_1821 = arith.xori %masked_sort3A_1819, %masked_sort3A_1816 : vector<16xi32>
          %rev3A_1822 = arith.constant 15 : i32
          %rev3A_1823 = vector.broadcast %rev3A_1822 : i32 to vector<16xi32>
          %rev3A_1824 = tpu.iota {dimensions = array<i32: 0>} : vector<16xi32>
          %rev3A_1825 = arith.subi %rev3A_1823, %rev3A_1824 : vector<16xi32>
          %rev3A_1826 = tpu.dynamic_gather %masked_sort3A_1773[%rev3A_1825] in [0] : vector<16xi32>, vector<16xi32> -> vector<16xi32>
          %rev3A_1827 = arith.constant 15 : i32
          %rev3A_1828 = vector.broadcast %rev3A_1827 : i32 to vector<16xi32>
          %rev3A_1829 = tpu.iota {dimensions = array<i32: 0>} : vector<16xi32>
          %rev3A_1830 = arith.subi %rev3A_1828, %rev3A_1829 : vector<16xi32>
          %rev3A_1831 = tpu.dynamic_gather %masked_sort3A_1772[%rev3A_1830] in [0] : vector<16xi32>, vector<16xi32> -> vector<16xi32>
          %ge3A_1832 = arith.cmpi sge, %masked_sort3A_1765, %rev3A_1826 : vector<16xi32>
          %select_n3A_1833 = arith.select %ge3A_1832, %masked_sort3A_1765, %rev3A_1826 : vector<16xi1>, vector<16xi32>
          %select_n3A_1834 = arith.select %ge3A_1832, %masked_sort3A_1764, %rev3A_1831 : vector<16xi1>, vector<16xi32>
          %select_n3A_1835 = arith.select %ge3A_1832, %rev3A_1826, %masked_sort3A_1765 : vector<16xi1>, vector<16xi32>
          %select_n3A_1836 = arith.select %ge3A_1832, %rev3A_1831, %masked_sort3A_1764 : vector<16xi1>, vector<16xi32>
          %masked_sort3A_1837 = arith.constant dense<true> : vector<16xi1>
          %masked_sort3A_1838 = arith.constant -2147483648 : i32
          %masked_sort3A_1839 = vector.broadcast %masked_sort3A_1838 : i32 to vector<16xi32>
          %masked_sort3A_1840 = arith.xori %select_n3A_1833, %masked_sort3A_1839 : vector<16xi32>
          %masked_sort3A_1841, %masked_sort3A_1842, %masked_sort3A_1843 = tpu.sort %masked_sort3A_1840, %select_n3A_1834 masked %masked_sort3A_1837 {descending = true} : (vector<16xi32>, vector<16xi32>, vector<16xi1>) -> (vector<16xi1>, vector<16xi32>, vector<16xi32>)
          %masked_sort3A_1844 = arith.xori %masked_sort3A_1842, %masked_sort3A_1839 : vector<16xi32>
          %masked_sort3A_1845 = arith.constant dense<true> : vector<16xi1>
          %masked_sort3A_1846 = arith.constant -2147483648 : i32
          %masked_sort3A_1847 = vector.broadcast %masked_sort3A_1846 : i32 to vector<16xi32>
          %masked_sort3A_1848 = arith.xori %select_n3A_1835, %masked_sort3A_1847 : vector<16xi32>
          %masked_sort3A_1849, %masked_sort3A_1850, %masked_sort3A_1851 = tpu.sort %masked_sort3A_1848, %select_n3A_1836 masked %masked_sort3A_1845 {descending = true} : (vector<16xi32>, vector<16xi32>, vector<16xi1>) -> (vector<16xi1>, vector<16xi32>, vector<16xi32>)
          %masked_sort3A_1852 = arith.xori %masked_sort3A_1850, %masked_sort3A_1847 : vector<16xi32>
          %rev3A_1853 = arith.constant 15 : i32
          %rev3A_1854 = vector.broadcast %rev3A_1853 : i32 to vector<16xi32>
          %rev3A_1855 = tpu.iota {dimensions = array<i32: 0>} : vector<16xi32>
          %rev3A_1856 = arith.subi %rev3A_1854, %rev3A_1855 : vector<16xi32>
          %rev3A_1857 = tpu.dynamic_gather %masked_sort3A_1789[%rev3A_1856] in [0] : vector<16xi32>, vector<16xi32> -> vector<16xi32>
          %rev3A_1858 = arith.constant 15 : i32
          %rev3A_1859 = vector.broadcast %rev3A_1858 : i32 to vector<16xi32>
          %rev3A_1860 = tpu.iota {dimensions = array<i32: 0>} : vector<16xi32>
          %rev3A_1861 = arith.subi %rev3A_1859, %rev3A_1860 : vector<16xi32>
          %rev3A_1862 = tpu.dynamic_gather %masked_sort3A_1788[%rev3A_1861] in [0] : vector<16xi32>, vector<16xi32> -> vector<16xi32>
          %ge3A_1863 = arith.cmpi sge, %masked_sort3A_1781, %rev3A_1857 : vector<16xi32>
          %select_n3A_1864 = arith.select %ge3A_1863, %masked_sort3A_1781, %rev3A_1857 : vector<16xi1>, vector<16xi32>
          %select_n3A_1865 = arith.select %ge3A_1863, %masked_sort3A_1780, %rev3A_1862 : vector<16xi1>, vector<16xi32>
          %select_n3A_1866 = arith.select %ge3A_1863, %rev3A_1857, %masked_sort3A_1781 : vector<16xi1>, vector<16xi32>
          %select_n3A_1867 = arith.select %ge3A_1863, %rev3A_1862, %masked_sort3A_1780 : vector<16xi1>, vector<16xi32>
          %masked_sort3A_1868 = arith.constant dense<true> : vector<16xi1>
          %masked_sort3A_1869 = arith.constant -2147483648 : i32
          %masked_sort3A_1870 = vector.broadcast %masked_sort3A_1869 : i32 to vector<16xi32>
          %masked_sort3A_1871 = arith.xori %select_n3A_1864, %masked_sort3A_1870 : vector<16xi32>
          %masked_sort3A_1872, %masked_sort3A_1873, %masked_sort3A_1874 = tpu.sort %masked_sort3A_1871, %select_n3A_1865 masked %masked_sort3A_1868 {descending = true} : (vector<16xi32>, vector<16xi32>, vector<16xi1>) -> (vector<16xi1>, vector<16xi32>, vector<16xi32>)
          %masked_sort3A_1875 = arith.xori %masked_sort3A_1873, %masked_sort3A_1870 : vector<16xi32>
          %masked_sort3A_1876 = arith.constant dense<true> : vector<16xi1>
          %masked_sort3A_1877 = arith.constant -2147483648 : i32
          %masked_sort3A_1878 = vector.broadcast %masked_sort3A_1877 : i32 to vector<16xi32>
          %masked_sort3A_1879 = arith.xori %select_n3A_1866, %masked_sort3A_1878 : vector<16xi32>
          %masked_sort3A_1880, %masked_sort3A_1881, %masked_sort3A_1882 = tpu.sort %masked_sort3A_1879, %select_n3A_1867 masked %masked_sort3A_1876 {descending = true} : (vector<16xi32>, vector<16xi32>, vector<16xi1>) -> (vector<16xi1>, vector<16xi32>, vector<16xi32>)
          %masked_sort3A_1883 = arith.xori %masked_sort3A_1881, %masked_sort3A_1878 : vector<16xi32>
          %rev3A_1884 = arith.constant 15 : i32
          %rev3A_1885 = vector.broadcast %rev3A_1884 : i32 to vector<16xi32>
          %rev3A_1886 = tpu.iota {dimensions = array<i32: 0>} : vector<16xi32>
          %rev3A_1887 = arith.subi %rev3A_1885, %rev3A_1886 : vector<16xi32>
          %rev3A_1888 = tpu.dynamic_gather %masked_sort3A_1805[%rev3A_1887] in [0] : vector<16xi32>, vector<16xi32> -> vector<16xi32>
          %rev3A_1889 = arith.constant 15 : i32
          %rev3A_1890 = vector.broadcast %rev3A_1889 : i32 to vector<16xi32>
          %rev3A_1891 = tpu.iota {dimensions = array<i32: 0>} : vector<16xi32>
          %rev3A_1892 = arith.subi %rev3A_1890, %rev3A_1891 : vector<16xi32>
          %rev3A_1893 = tpu.dynamic_gather %masked_sort3A_1804[%rev3A_1892] in [0] : vector<16xi32>, vector<16xi32> -> vector<16xi32>
          %ge3A_1894 = arith.cmpi sge, %masked_sort3A_1797, %rev3A_1888 : vector<16xi32>
          %select_n3A_1895 = arith.select %ge3A_1894, %masked_sort3A_1797, %rev3A_1888 : vector<16xi1>, vector<16xi32>
          %select_n3A_1896 = arith.select %ge3A_1894, %masked_sort3A_1796, %rev3A_1893 : vector<16xi1>, vector<16xi32>
          %select_n3A_1897 = arith.select %ge3A_1894, %rev3A_1888, %masked_sort3A_1797 : vector<16xi1>, vector<16xi32>
          %select_n3A_1898 = arith.select %ge3A_1894, %rev3A_1893, %masked_sort3A_1796 : vector<16xi1>, vector<16xi32>
          %masked_sort3A_1899 = arith.constant dense<true> : vector<16xi1>
          %masked_sort3A_1900 = arith.constant -2147483648 : i32
          %masked_sort3A_1901 = vector.broadcast %masked_sort3A_1900 : i32 to vector<16xi32>
          %masked_sort3A_1902 = arith.xori %select_n3A_1895, %masked_sort3A_1901 : vector<16xi32>
          %masked_sort3A_1903, %masked_sort3A_1904, %masked_sort3A_1905 = tpu.sort %masked_sort3A_1902, %select_n3A_1896 masked %masked_sort3A_1899 {descending = true} : (vector<16xi32>, vector<16xi32>, vector<16xi1>) -> (vector<16xi1>, vector<16xi32>, vector<16xi32>)
          %masked_sort3A_1906 = arith.xori %masked_sort3A_1904, %masked_sort3A_1901 : vector<16xi32>
          %masked_sort3A_1907 = arith.constant dense<true> : vector<16xi1>
          %masked_sort3A_1908 = arith.constant -2147483648 : i32
          %masked_sort3A_1909 = vector.broadcast %masked_sort3A_1908 : i32 to vector<16xi32>
          %masked_sort3A_1910 = arith.xori %select_n3A_1897, %masked_sort3A_1909 : vector<16xi32>
          %masked_sort3A_1911, %masked_sort3A_1912, %masked_sort3A_1913 = tpu.sort %masked_sort3A_1910, %select_n3A_1898 masked %masked_sort3A_1907 {descending = true} : (vector<16xi32>, vector<16xi32>, vector<16xi1>) -> (vector<16xi1>, vector<16xi32>, vector<16xi32>)
          %masked_sort3A_1914 = arith.xori %masked_sort3A_1912, %masked_sort3A_1909 : vector<16xi32>
          %rev3A_1915 = arith.constant 15 : i32
          %rev3A_1916 = vector.broadcast %rev3A_1915 : i32 to vector<16xi32>
          %rev3A_1917 = tpu.iota {dimensions = array<i32: 0>} : vector<16xi32>
          %rev3A_1918 = arith.subi %rev3A_1916, %rev3A_1917 : vector<16xi32>
          %rev3A_1919 = tpu.dynamic_gather %masked_sort3A_1821[%rev3A_1918] in [0] : vector<16xi32>, vector<16xi32> -> vector<16xi32>
          %rev3A_1920 = arith.constant 15 : i32
          %rev3A_1921 = vector.broadcast %rev3A_1920 : i32 to vector<16xi32>
          %rev3A_1922 = tpu.iota {dimensions = array<i32: 0>} : vector<16xi32>
          %rev3A_1923 = arith.subi %rev3A_1921, %rev3A_1922 : vector<16xi32>
          %rev3A_1924 = tpu.dynamic_gather %masked_sort3A_1820[%rev3A_1923] in [0] : vector<16xi32>, vector<16xi32> -> vector<16xi32>
          %ge3A_1925 = arith.cmpi sge, %masked_sort3A_1813, %rev3A_1919 : vector<16xi32>
          %select_n3A_1926 = arith.select %ge3A_1925, %masked_sort3A_1813, %rev3A_1919 : vector<16xi1>, vector<16xi32>
          %select_n3A_1927 = arith.select %ge3A_1925, %masked_sort3A_1812, %rev3A_1924 : vector<16xi1>, vector<16xi32>
          %select_n3A_1928 = arith.select %ge3A_1925, %rev3A_1919, %masked_sort3A_1813 : vector<16xi1>, vector<16xi32>
          %select_n3A_1929 = arith.select %ge3A_1925, %rev3A_1924, %masked_sort3A_1812 : vector<16xi1>, vector<16xi32>
          %masked_sort3A_1930 = arith.constant dense<true> : vector<16xi1>
          %masked_sort3A_1931 = arith.constant -2147483648 : i32
          %masked_sort3A_1932 = vector.broadcast %masked_sort3A_1931 : i32 to vector<16xi32>
          %masked_sort3A_1933 = arith.xori %select_n3A_1926, %masked_sort3A_1932 : vector<16xi32>
          %masked_sort3A_1934, %masked_sort3A_1935, %masked_sort3A_1936 = tpu.sort %masked_sort3A_1933, %select_n3A_1927 masked %masked_sort3A_1930 {descending = true} : (vector<16xi32>, vector<16xi32>, vector<16xi1>) -> (vector<16xi1>, vector<16xi32>, vector<16xi32>)
          %masked_sort3A_1937 = arith.xori %masked_sort3A_1935, %masked_sort3A_1932 : vector<16xi32>
          %masked_sort3A_1938 = arith.constant dense<true> : vector<16xi1>
          %masked_sort3A_1939 = arith.constant -2147483648 : i32
          %masked_sort3A_1940 = vector.broadcast %masked_sort3A_1939 : i32 to vector<16xi32>
          %masked_sort3A_1941 = arith.xori %select_n3A_1928, %masked_sort3A_1940 : vector<16xi32>
          %masked_sort3A_1942, %masked_sort3A_1943, %masked_sort3A_1944 = tpu.sort %masked_sort3A_1941, %select_n3A_1929 masked %masked_sort3A_1938 {descending = true} : (vector<16xi32>, vector<16xi32>, vector<16xi1>) -> (vector<16xi1>, vector<16xi32>, vector<16xi32>)
          %masked_sort3A_1945 = arith.xori %masked_sort3A_1943, %masked_sort3A_1940 : vector<16xi32>
          %rev3A_1946 = arith.constant 15 : i32
          %rev3A_1947 = vector.broadcast %rev3A_1946 : i32 to vector<16xi32>
          %rev3A_1948 = tpu.iota {dimensions = array<i32: 0>} : vector<16xi32>
          %rev3A_1949 = arith.subi %rev3A_1947, %rev3A_1948 : vector<16xi32>
          %rev3A_1950 = tpu.dynamic_gather %masked_sort3A_1883[%rev3A_1949] in [0] : vector<16xi32>, vector<16xi32> -> vector<16xi32>
          %rev3A_1951 = arith.constant 15 : i32
          %rev3A_1952 = vector.broadcast %rev3A_1951 : i32 to vector<16xi32>
          %rev3A_1953 = tpu.iota {dimensions = array<i32: 0>} : vector<16xi32>
          %rev3A_1954 = arith.subi %rev3A_1952, %rev3A_1953 : vector<16xi32>
          %rev3A_1955 = tpu.dynamic_gather %masked_sort3A_1882[%rev3A_1954] in [0] : vector<16xi32>, vector<16xi32> -> vector<16xi32>
          %ge3A_1956 = arith.cmpi sge, %masked_sort3A_1844, %rev3A_1950 : vector<16xi32>
          %select_n3A_1957 = arith.select %ge3A_1956, %masked_sort3A_1844, %rev3A_1950 : vector<16xi1>, vector<16xi32>
          %select_n3A_1958 = arith.select %ge3A_1956, %masked_sort3A_1843, %rev3A_1955 : vector<16xi1>, vector<16xi32>
          %select_n3A_1959 = arith.select %ge3A_1956, %rev3A_1950, %masked_sort3A_1844 : vector<16xi1>, vector<16xi32>
          %select_n3A_1960 = arith.select %ge3A_1956, %rev3A_1955, %masked_sort3A_1843 : vector<16xi1>, vector<16xi32>
          %rev3A_1961 = arith.constant 15 : i32
          %rev3A_1962 = vector.broadcast %rev3A_1961 : i32 to vector<16xi32>
          %rev3A_1963 = tpu.iota {dimensions = array<i32: 0>} : vector<16xi32>
          %rev3A_1964 = arith.subi %rev3A_1962, %rev3A_1963 : vector<16xi32>
          %rev3A_1965 = tpu.dynamic_gather %masked_sort3A_1875[%rev3A_1964] in [0] : vector<16xi32>, vector<16xi32> -> vector<16xi32>
          %rev3A_1966 = arith.constant 15 : i32
          %rev3A_1967 = vector.broadcast %rev3A_1966 : i32 to vector<16xi32>
          %rev3A_1968 = tpu.iota {dimensions = array<i32: 0>} : vector<16xi32>
          %rev3A_1969 = arith.subi %rev3A_1967, %rev3A_1968 : vector<16xi32>
          %rev3A_1970 = tpu.dynamic_gather %masked_sort3A_1874[%rev3A_1969] in [0] : vector<16xi32>, vector<16xi32> -> vector<16xi32>
          %ge3A_1971 = arith.cmpi sge, %masked_sort3A_1852, %rev3A_1965 : vector<16xi32>
          %select_n3A_1972 = arith.select %ge3A_1971, %masked_sort3A_1852, %rev3A_1965 : vector<16xi1>, vector<16xi32>
          %select_n3A_1973 = arith.select %ge3A_1971, %masked_sort3A_1851, %rev3A_1970 : vector<16xi1>, vector<16xi32>
          %select_n3A_1974 = arith.select %ge3A_1971, %rev3A_1965, %masked_sort3A_1852 : vector<16xi1>, vector<16xi32>
          %select_n3A_1975 = arith.select %ge3A_1971, %rev3A_1970, %masked_sort3A_1851 : vector<16xi1>, vector<16xi32>
          %ge3A_1976 = arith.cmpi sge, %select_n3A_1957, %select_n3A_1972 : vector<16xi32>
          %select_n3A_1977 = arith.select %ge3A_1976, %select_n3A_1957, %select_n3A_1972 : vector<16xi1>, vector<16xi32>
          %select_n3A_1978 = arith.select %ge3A_1976, %select_n3A_1958, %select_n3A_1973 : vector<16xi1>, vector<16xi32>
          %select_n3A_1979 = arith.select %ge3A_1976, %select_n3A_1972, %select_n3A_1957 : vector<16xi1>, vector<16xi32>
          %select_n3A_1980 = arith.select %ge3A_1976, %select_n3A_1973, %select_n3A_1958 : vector<16xi1>, vector<16xi32>
          %masked_sort3A_1981 = arith.constant dense<true> : vector<16xi1>
          %masked_sort3A_1982 = arith.constant -2147483648 : i32
          %masked_sort3A_1983 = vector.broadcast %masked_sort3A_1982 : i32 to vector<16xi32>
          %masked_sort3A_1984 = arith.xori %select_n3A_1977, %masked_sort3A_1983 : vector<16xi32>
          %masked_sort3A_1985, %masked_sort3A_1986, %masked_sort3A_1987 = tpu.sort %masked_sort3A_1984, %select_n3A_1978 masked %masked_sort3A_1981 {descending = true} : (vector<16xi32>, vector<16xi32>, vector<16xi1>) -> (vector<16xi1>, vector<16xi32>, vector<16xi32>)
          %masked_sort3A_1988 = arith.xori %masked_sort3A_1986, %masked_sort3A_1983 : vector<16xi32>
          %masked_sort3A_1989 = arith.constant dense<true> : vector<16xi1>
          %masked_sort3A_1990 = arith.constant -2147483648 : i32
          %masked_sort3A_1991 = vector.broadcast %masked_sort3A_1990 : i32 to vector<16xi32>
          %masked_sort3A_1992 = arith.xori %select_n3A_1979, %masked_sort3A_1991 : vector<16xi32>
          %masked_sort3A_1993, %masked_sort3A_1994, %masked_sort3A_1995 = tpu.sort %masked_sort3A_1992, %select_n3A_1980 masked %masked_sort3A_1989 {descending = true} : (vector<16xi32>, vector<16xi32>, vector<16xi1>) -> (vector<16xi1>, vector<16xi32>, vector<16xi32>)
          %masked_sort3A_1996 = arith.xori %masked_sort3A_1994, %masked_sort3A_1991 : vector<16xi32>
          %ge3A_1997 = arith.cmpi sge, %select_n3A_1959, %select_n3A_1974 : vector<16xi32>
          %select_n3A_1998 = arith.select %ge3A_1997, %select_n3A_1959, %select_n3A_1974 : vector<16xi1>, vector<16xi32>
          %select_n3A_1999 = arith.select %ge3A_1997, %select_n3A_1960, %select_n3A_1975 : vector<16xi1>, vector<16xi32>
          %select_n3A_2000 = arith.select %ge3A_1997, %select_n3A_1974, %select_n3A_1959 : vector<16xi1>, vector<16xi32>
          %select_n3A_2001 = arith.select %ge3A_1997, %select_n3A_1975, %select_n3A_1960 : vector<16xi1>, vector<16xi32>
          %masked_sort3A_2002 = arith.constant dense<true> : vector<16xi1>
          %masked_sort3A_2003 = arith.constant -2147483648 : i32
          %masked_sort3A_2004 = vector.broadcast %masked_sort3A_2003 : i32 to vector<16xi32>
          %masked_sort3A_2005 = arith.xori %select_n3A_1998, %masked_sort3A_2004 : vector<16xi32>
          %masked_sort3A_2006, %masked_sort3A_2007, %masked_sort3A_2008 = tpu.sort %masked_sort3A_2005, %select_n3A_1999 masked %masked_sort3A_2002 {descending = true} : (vector<16xi32>, vector<16xi32>, vector<16xi1>) -> (vector<16xi1>, vector<16xi32>, vector<16xi32>)
          %masked_sort3A_2009 = arith.xori %masked_sort3A_2007, %masked_sort3A_2004 : vector<16xi32>
          %masked_sort3A_2010 = arith.constant dense<true> : vector<16xi1>
          %masked_sort3A_2011 = arith.constant -2147483648 : i32
          %masked_sort3A_2012 = vector.broadcast %masked_sort3A_2011 : i32 to vector<16xi32>
          %masked_sort3A_2013 = arith.xori %select_n3A_2000, %masked_sort3A_2012 : vector<16xi32>
          %masked_sort3A_2014, %masked_sort3A_2015, %masked_sort3A_2016 = tpu.sort %masked_sort3A_2013, %select_n3A_2001 masked %masked_sort3A_2010 {descending = true} : (vector<16xi32>, vector<16xi32>, vector<16xi1>) -> (vector<16xi1>, vector<16xi32>, vector<16xi32>)
          %masked_sort3A_2017 = arith.xori %masked_sort3A_2015, %masked_sort3A_2012 : vector<16xi32>
          %rev3A_2018 = arith.constant 15 : i32
          %rev3A_2019 = vector.broadcast %rev3A_2018 : i32 to vector<16xi32>
          %rev3A_2020 = tpu.iota {dimensions = array<i32: 0>} : vector<16xi32>
          %rev3A_2021 = arith.subi %rev3A_2019, %rev3A_2020 : vector<16xi32>
          %rev3A_2022 = tpu.dynamic_gather %masked_sort3A_1945[%rev3A_2021] in [0] : vector<16xi32>, vector<16xi32> -> vector<16xi32>
          %rev3A_2023 = arith.constant 15 : i32
          %rev3A_2024 = vector.broadcast %rev3A_2023 : i32 to vector<16xi32>
          %rev3A_2025 = tpu.iota {dimensions = array<i32: 0>} : vector<16xi32>
          %rev3A_2026 = arith.subi %rev3A_2024, %rev3A_2025 : vector<16xi32>
          %rev3A_2027 = tpu.dynamic_gather %masked_sort3A_1944[%rev3A_2026] in [0] : vector<16xi32>, vector<16xi32> -> vector<16xi32>
          %ge3A_2028 = arith.cmpi sge, %masked_sort3A_1906, %rev3A_2022 : vector<16xi32>
          %select_n3A_2029 = arith.select %ge3A_2028, %masked_sort3A_1906, %rev3A_2022 : vector<16xi1>, vector<16xi32>
          %select_n3A_2030 = arith.select %ge3A_2028, %masked_sort3A_1905, %rev3A_2027 : vector<16xi1>, vector<16xi32>
          %select_n3A_2031 = arith.select %ge3A_2028, %rev3A_2022, %masked_sort3A_1906 : vector<16xi1>, vector<16xi32>
          %select_n3A_2032 = arith.select %ge3A_2028, %rev3A_2027, %masked_sort3A_1905 : vector<16xi1>, vector<16xi32>
          %rev3A_2033 = arith.constant 15 : i32
          %rev3A_2034 = vector.broadcast %rev3A_2033 : i32 to vector<16xi32>
          %rev3A_2035 = tpu.iota {dimensions = array<i32: 0>} : vector<16xi32>
          %rev3A_2036 = arith.subi %rev3A_2034, %rev3A_2035 : vector<16xi32>
          %rev3A_2037 = tpu.dynamic_gather %masked_sort3A_1937[%rev3A_2036] in [0] : vector<16xi32>, vector<16xi32> -> vector<16xi32>
          %rev3A_2038 = arith.constant 15 : i32
          %rev3A_2039 = vector.broadcast %rev3A_2038 : i32 to vector<16xi32>
          %rev3A_2040 = tpu.iota {dimensions = array<i32: 0>} : vector<16xi32>
          %rev3A_2041 = arith.subi %rev3A_2039, %rev3A_2040 : vector<16xi32>
          %rev3A_2042 = tpu.dynamic_gather %masked_sort3A_1936[%rev3A_2041] in [0] : vector<16xi32>, vector<16xi32> -> vector<16xi32>
          %ge3A_2043 = arith.cmpi sge, %masked_sort3A_1914, %rev3A_2037 : vector<16xi32>
          %select_n3A_2044 = arith.select %ge3A_2043, %masked_sort3A_1914, %rev3A_2037 : vector<16xi1>, vector<16xi32>
          %select_n3A_2045 = arith.select %ge3A_2043, %masked_sort3A_1913, %rev3A_2042 : vector<16xi1>, vector<16xi32>
          %select_n3A_2046 = arith.select %ge3A_2043, %rev3A_2037, %masked_sort3A_1914 : vector<16xi1>, vector<16xi32>
          %select_n3A_2047 = arith.select %ge3A_2043, %rev3A_2042, %masked_sort3A_1913 : vector<16xi1>, vector<16xi32>
          %ge3A_2048 = arith.cmpi sge, %select_n3A_2029, %select_n3A_2044 : vector<16xi32>
          %select_n3A_2049 = arith.select %ge3A_2048, %select_n3A_2029, %select_n3A_2044 : vector<16xi1>, vector<16xi32>
          %select_n3A_2050 = arith.select %ge3A_2048, %select_n3A_2030, %select_n3A_2045 : vector<16xi1>, vector<16xi32>
          %select_n3A_2051 = arith.select %ge3A_2048, %select_n3A_2044, %select_n3A_2029 : vector<16xi1>, vector<16xi32>
          %select_n3A_2052 = arith.select %ge3A_2048, %select_n3A_2045, %select_n3A_2030 : vector<16xi1>, vector<16xi32>
          %masked_sort3A_2053 = arith.constant dense<true> : vector<16xi1>
          %masked_sort3A_2054 = arith.constant -2147483648 : i32
          %masked_sort3A_2055 = vector.broadcast %masked_sort3A_2054 : i32 to vector<16xi32>
          %masked_sort3A_2056 = arith.xori %select_n3A_2049, %masked_sort3A_2055 : vector<16xi32>
          %masked_sort3A_2057, %masked_sort3A_2058, %masked_sort3A_2059 = tpu.sort %masked_sort3A_2056, %select_n3A_2050 masked %masked_sort3A_2053 {descending = true} : (vector<16xi32>, vector<16xi32>, vector<16xi1>) -> (vector<16xi1>, vector<16xi32>, vector<16xi32>)
          %masked_sort3A_2060 = arith.xori %masked_sort3A_2058, %masked_sort3A_2055 : vector<16xi32>
          %masked_sort3A_2061 = arith.constant dense<true> : vector<16xi1>
          %masked_sort3A_2062 = arith.constant -2147483648 : i32
          %masked_sort3A_2063 = vector.broadcast %masked_sort3A_2062 : i32 to vector<16xi32>
          %masked_sort3A_2064 = arith.xori %select_n3A_2051, %masked_sort3A_2063 : vector<16xi32>
          %masked_sort3A_2065, %masked_sort3A_2066, %masked_sort3A_2067 = tpu.sort %masked_sort3A_2064, %select_n3A_2052 masked %masked_sort3A_2061 {descending = true} : (vector<16xi32>, vector<16xi32>, vector<16xi1>) -> (vector<16xi1>, vector<16xi32>, vector<16xi32>)
          %masked_sort3A_2068 = arith.xori %masked_sort3A_2066, %masked_sort3A_2063 : vector<16xi32>
          %ge3A_2069 = arith.cmpi sge, %select_n3A_2031, %select_n3A_2046 : vector<16xi32>
          %select_n3A_2070 = arith.select %ge3A_2069, %select_n3A_2031, %select_n3A_2046 : vector<16xi1>, vector<16xi32>
          %select_n3A_2071 = arith.select %ge3A_2069, %select_n3A_2032, %select_n3A_2047 : vector<16xi1>, vector<16xi32>
          %select_n3A_2072 = arith.select %ge3A_2069, %select_n3A_2046, %select_n3A_2031 : vector<16xi1>, vector<16xi32>
          %select_n3A_2073 = arith.select %ge3A_2069, %select_n3A_2047, %select_n3A_2032 : vector<16xi1>, vector<16xi32>
          %masked_sort3A_2074 = arith.constant dense<true> : vector<16xi1>
          %masked_sort3A_2075 = arith.constant -2147483648 : i32
          %masked_sort3A_2076 = vector.broadcast %masked_sort3A_2075 : i32 to vector<16xi32>
          %masked_sort3A_2077 = arith.xori %select_n3A_2070, %masked_sort3A_2076 : vector<16xi32>
          %masked_sort3A_2078, %masked_sort3A_2079, %masked_sort3A_2080 = tpu.sort %masked_sort3A_2077, %select_n3A_2071 masked %masked_sort3A_2074 {descending = true} : (vector<16xi32>, vector<16xi32>, vector<16xi1>) -> (vector<16xi1>, vector<16xi32>, vector<16xi32>)
          %masked_sort3A_2081 = arith.xori %masked_sort3A_2079, %masked_sort3A_2076 : vector<16xi32>
          %masked_sort3A_2082 = arith.constant dense<true> : vector<16xi1>
          %masked_sort3A_2083 = arith.constant -2147483648 : i32
          %masked_sort3A_2084 = vector.broadcast %masked_sort3A_2083 : i32 to vector<16xi32>
          %masked_sort3A_2085 = arith.xori %select_n3A_2072, %masked_sort3A_2084 : vector<16xi32>
          %masked_sort3A_2086, %masked_sort3A_2087, %masked_sort3A_2088 = tpu.sort %masked_sort3A_2085, %select_n3A_2073 masked %masked_sort3A_2082 {descending = true} : (vector<16xi32>, vector<16xi32>, vector<16xi1>) -> (vector<16xi1>, vector<16xi32>, vector<16xi32>)
          %masked_sort3A_2089 = arith.xori %masked_sort3A_2087, %masked_sort3A_2084 : vector<16xi32>
          %rev3A_2090 = arith.constant 15 : i32
          %rev3A_2091 = vector.broadcast %rev3A_2090 : i32 to vector<16xi32>
          %rev3A_2092 = tpu.iota {dimensions = array<i32: 0>} : vector<16xi32>
          %rev3A_2093 = arith.subi %rev3A_2091, %rev3A_2092 : vector<16xi32>
          %rev3A_2094 = tpu.dynamic_gather %masked_sort3A_2089[%rev3A_2093] in [0] : vector<16xi32>, vector<16xi32> -> vector<16xi32>
          %rev3A_2095 = arith.constant 15 : i32
          %rev3A_2096 = vector.broadcast %rev3A_2095 : i32 to vector<16xi32>
          %rev3A_2097 = tpu.iota {dimensions = array<i32: 0>} : vector<16xi32>
          %rev3A_2098 = arith.subi %rev3A_2096, %rev3A_2097 : vector<16xi32>
          %rev3A_2099 = tpu.dynamic_gather %masked_sort3A_2088[%rev3A_2098] in [0] : vector<16xi32>, vector<16xi32> -> vector<16xi32>
          %ge3A_2100 = arith.cmpi sge, %masked_sort3A_1988, %rev3A_2094 : vector<16xi32>
          %select_n3A_2101 = arith.select %ge3A_2100, %masked_sort3A_1988, %rev3A_2094 : vector<16xi1>, vector<16xi32>
          %select_n3A_2102 = arith.select %ge3A_2100, %masked_sort3A_1987, %rev3A_2099 : vector<16xi1>, vector<16xi32>
          %select_n3A_2103 = arith.select %ge3A_2100, %rev3A_2094, %masked_sort3A_1988 : vector<16xi1>, vector<16xi32>
          %select_n3A_2104 = arith.select %ge3A_2100, %rev3A_2099, %masked_sort3A_1987 : vector<16xi1>, vector<16xi32>
          %rev3A_2105 = arith.constant 15 : i32
          %rev3A_2106 = vector.broadcast %rev3A_2105 : i32 to vector<16xi32>
          %rev3A_2107 = tpu.iota {dimensions = array<i32: 0>} : vector<16xi32>
          %rev3A_2108 = arith.subi %rev3A_2106, %rev3A_2107 : vector<16xi32>
          %rev3A_2109 = tpu.dynamic_gather %masked_sort3A_2081[%rev3A_2108] in [0] : vector<16xi32>, vector<16xi32> -> vector<16xi32>
          %rev3A_2110 = arith.constant 15 : i32
          %rev3A_2111 = vector.broadcast %rev3A_2110 : i32 to vector<16xi32>
          %rev3A_2112 = tpu.iota {dimensions = array<i32: 0>} : vector<16xi32>
          %rev3A_2113 = arith.subi %rev3A_2111, %rev3A_2112 : vector<16xi32>
          %rev3A_2114 = tpu.dynamic_gather %masked_sort3A_2080[%rev3A_2113] in [0] : vector<16xi32>, vector<16xi32> -> vector<16xi32>
          %ge3A_2115 = arith.cmpi sge, %masked_sort3A_1996, %rev3A_2109 : vector<16xi32>
          %select_n3A_2116 = arith.select %ge3A_2115, %masked_sort3A_1996, %rev3A_2109 : vector<16xi1>, vector<16xi32>
          %select_n3A_2117 = arith.select %ge3A_2115, %masked_sort3A_1995, %rev3A_2114 : vector<16xi1>, vector<16xi32>
          %select_n3A_2118 = arith.select %ge3A_2115, %rev3A_2109, %masked_sort3A_1996 : vector<16xi1>, vector<16xi32>
          %select_n3A_2119 = arith.select %ge3A_2115, %rev3A_2114, %masked_sort3A_1995 : vector<16xi1>, vector<16xi32>
          %rev3A_2120 = arith.constant 15 : i32
          %rev3A_2121 = vector.broadcast %rev3A_2120 : i32 to vector<16xi32>
          %rev3A_2122 = tpu.iota {dimensions = array<i32: 0>} : vector<16xi32>
          %rev3A_2123 = arith.subi %rev3A_2121, %rev3A_2122 : vector<16xi32>
          %rev3A_2124 = tpu.dynamic_gather %masked_sort3A_2068[%rev3A_2123] in [0] : vector<16xi32>, vector<16xi32> -> vector<16xi32>
          %rev3A_2125 = arith.constant 15 : i32
          %rev3A_2126 = vector.broadcast %rev3A_2125 : i32 to vector<16xi32>
          %rev3A_2127 = tpu.iota {dimensions = array<i32: 0>} : vector<16xi32>
          %rev3A_2128 = arith.subi %rev3A_2126, %rev3A_2127 : vector<16xi32>
          %rev3A_2129 = tpu.dynamic_gather %masked_sort3A_2067[%rev3A_2128] in [0] : vector<16xi32>, vector<16xi32> -> vector<16xi32>
          %ge3A_2130 = arith.cmpi sge, %masked_sort3A_2009, %rev3A_2124 : vector<16xi32>
          %select_n3A_2131 = arith.select %ge3A_2130, %masked_sort3A_2009, %rev3A_2124 : vector<16xi1>, vector<16xi32>
          %select_n3A_2132 = arith.select %ge3A_2130, %masked_sort3A_2008, %rev3A_2129 : vector<16xi1>, vector<16xi32>
          %select_n3A_2133 = arith.select %ge3A_2130, %rev3A_2124, %masked_sort3A_2009 : vector<16xi1>, vector<16xi32>
          %select_n3A_2134 = arith.select %ge3A_2130, %rev3A_2129, %masked_sort3A_2008 : vector<16xi1>, vector<16xi32>
          %rev3A_2135 = arith.constant 15 : i32
          %rev3A_2136 = vector.broadcast %rev3A_2135 : i32 to vector<16xi32>
          %rev3A_2137 = tpu.iota {dimensions = array<i32: 0>} : vector<16xi32>
          %rev3A_2138 = arith.subi %rev3A_2136, %rev3A_2137 : vector<16xi32>
          %rev3A_2139 = tpu.dynamic_gather %masked_sort3A_2060[%rev3A_2138] in [0] : vector<16xi32>, vector<16xi32> -> vector<16xi32>
          %rev3A_2140 = arith.constant 15 : i32
          %rev3A_2141 = vector.broadcast %rev3A_2140 : i32 to vector<16xi32>
          %rev3A_2142 = tpu.iota {dimensions = array<i32: 0>} : vector<16xi32>
          %rev3A_2143 = arith.subi %rev3A_2141, %rev3A_2142 : vector<16xi32>
          %rev3A_2144 = tpu.dynamic_gather %masked_sort3A_2059[%rev3A_2143] in [0] : vector<16xi32>, vector<16xi32> -> vector<16xi32>
          %ge3A_2145 = arith.cmpi sge, %masked_sort3A_2017, %rev3A_2139 : vector<16xi32>
          %select_n3A_2146 = arith.select %ge3A_2145, %masked_sort3A_2017, %rev3A_2139 : vector<16xi1>, vector<16xi32>
          %select_n3A_2147 = arith.select %ge3A_2145, %masked_sort3A_2016, %rev3A_2144 : vector<16xi1>, vector<16xi32>
          %select_n3A_2148 = arith.select %ge3A_2145, %rev3A_2139, %masked_sort3A_2017 : vector<16xi1>, vector<16xi32>
          %select_n3A_2149 = arith.select %ge3A_2145, %rev3A_2144, %masked_sort3A_2016 : vector<16xi1>, vector<16xi32>
          %ge3A_2150 = arith.cmpi sge, %select_n3A_2101, %select_n3A_2131 : vector<16xi32>
          %select_n3A_2151 = arith.select %ge3A_2150, %select_n3A_2101, %select_n3A_2131 : vector<16xi1>, vector<16xi32>
          %select_n3A_2152 = arith.select %ge3A_2150, %select_n3A_2102, %select_n3A_2132 : vector<16xi1>, vector<16xi32>
          %select_n3A_2153 = arith.select %ge3A_2150, %select_n3A_2131, %select_n3A_2101 : vector<16xi1>, vector<16xi32>
          %select_n3A_2154 = arith.select %ge3A_2150, %select_n3A_2132, %select_n3A_2102 : vector<16xi1>, vector<16xi32>
          %ge3A_2155 = arith.cmpi sge, %select_n3A_2116, %select_n3A_2146 : vector<16xi32>
          %select_n3A_2156 = arith.select %ge3A_2155, %select_n3A_2116, %select_n3A_2146 : vector<16xi1>, vector<16xi32>
          %select_n3A_2157 = arith.select %ge3A_2155, %select_n3A_2117, %select_n3A_2147 : vector<16xi1>, vector<16xi32>
          %select_n3A_2158 = arith.select %ge3A_2155, %select_n3A_2146, %select_n3A_2116 : vector<16xi1>, vector<16xi32>
          %select_n3A_2159 = arith.select %ge3A_2155, %select_n3A_2147, %select_n3A_2117 : vector<16xi1>, vector<16xi32>
          %ge3A_2160 = arith.cmpi sge, %select_n3A_2151, %select_n3A_2156 : vector<16xi32>
          %select_n3A_2161 = arith.select %ge3A_2160, %select_n3A_2151, %select_n3A_2156 : vector<16xi1>, vector<16xi32>
          %select_n3A_2162 = arith.select %ge3A_2160, %select_n3A_2152, %select_n3A_2157 : vector<16xi1>, vector<16xi32>
          %select_n3A_2163 = arith.select %ge3A_2160, %select_n3A_2156, %select_n3A_2151 : vector<16xi1>, vector<16xi32>
          %select_n3A_2164 = arith.select %ge3A_2160, %select_n3A_2157, %select_n3A_2152 : vector<16xi1>, vector<16xi32>
          %masked_sort3A_2165 = arith.constant dense<true> : vector<16xi1>
          %masked_sort3A_2166 = arith.constant -2147483648 : i32
          %masked_sort3A_2167 = vector.broadcast %masked_sort3A_2166 : i32 to vector<16xi32>
          %masked_sort3A_2168 = arith.xori %select_n3A_2161, %masked_sort3A_2167 : vector<16xi32>
          %masked_sort3A_2169, %masked_sort3A_2170, %masked_sort3A_2171 = tpu.sort %masked_sort3A_2168, %select_n3A_2162 masked %masked_sort3A_2165 {descending = true} : (vector<16xi32>, vector<16xi32>, vector<16xi1>) -> (vector<16xi1>, vector<16xi32>, vector<16xi32>)
          %masked_sort3A_2172 = arith.xori %masked_sort3A_2170, %masked_sort3A_2167 : vector<16xi32>
          %masked_sort3A_2173 = arith.constant dense<true> : vector<16xi1>
          %masked_sort3A_2174 = arith.constant -2147483648 : i32
          %masked_sort3A_2175 = vector.broadcast %masked_sort3A_2174 : i32 to vector<16xi32>
          %masked_sort3A_2176 = arith.xori %select_n3A_2163, %masked_sort3A_2175 : vector<16xi32>
          %masked_sort3A_2177, %masked_sort3A_2178, %masked_sort3A_2179 = tpu.sort %masked_sort3A_2176, %select_n3A_2164 masked %masked_sort3A_2173 {descending = true} : (vector<16xi32>, vector<16xi32>, vector<16xi1>) -> (vector<16xi1>, vector<16xi32>, vector<16xi32>)
          %masked_sort3A_2180 = arith.xori %masked_sort3A_2178, %masked_sort3A_2175 : vector<16xi32>
          %ge3A_2181 = arith.cmpi sge, %select_n3A_2153, %select_n3A_2158 : vector<16xi32>
          %select_n3A_2182 = arith.select %ge3A_2181, %select_n3A_2153, %select_n3A_2158 : vector<16xi1>, vector<16xi32>
          %select_n3A_2183 = arith.select %ge3A_2181, %select_n3A_2154, %select_n3A_2159 : vector<16xi1>, vector<16xi32>
          %select_n3A_2184 = arith.select %ge3A_2181, %select_n3A_2158, %select_n3A_2153 : vector<16xi1>, vector<16xi32>
          %select_n3A_2185 = arith.select %ge3A_2181, %select_n3A_2159, %select_n3A_2154 : vector<16xi1>, vector<16xi32>
          %masked_sort3A_2186 = arith.constant dense<true> : vector<16xi1>
          %masked_sort3A_2187 = arith.constant -2147483648 : i32
          %masked_sort3A_2188 = vector.broadcast %masked_sort3A_2187 : i32 to vector<16xi32>
          %masked_sort3A_2189 = arith.xori %select_n3A_2182, %masked_sort3A_2188 : vector<16xi32>
          %masked_sort3A_2190, %masked_sort3A_2191, %masked_sort3A_2192 = tpu.sort %masked_sort3A_2189, %select_n3A_2183 masked %masked_sort3A_2186 {descending = true} : (vector<16xi32>, vector<16xi32>, vector<16xi1>) -> (vector<16xi1>, vector<16xi32>, vector<16xi32>)
          %masked_sort3A_2193 = arith.xori %masked_sort3A_2191, %masked_sort3A_2188 : vector<16xi32>
          %masked_sort3A_2194 = arith.constant dense<true> : vector<16xi1>
          %masked_sort3A_2195 = arith.constant -2147483648 : i32
          %masked_sort3A_2196 = vector.broadcast %masked_sort3A_2195 : i32 to vector<16xi32>
          %masked_sort3A_2197 = arith.xori %select_n3A_2184, %masked_sort3A_2196 : vector<16xi32>
          %masked_sort3A_2198, %masked_sort3A_2199, %masked_sort3A_2200 = tpu.sort %masked_sort3A_2197, %select_n3A_2185 masked %masked_sort3A_2194 {descending = true} : (vector<16xi32>, vector<16xi32>, vector<16xi1>) -> (vector<16xi1>, vector<16xi32>, vector<16xi32>)
          %masked_sort3A_2201 = arith.xori %masked_sort3A_2199, %masked_sort3A_2196 : vector<16xi32>
          %swap3A_2202 = arith.constant 0 : index
          %swap3A_2203 = tpu.vector_load %arg12[%swap3A_2202] {strides = array<i32>} : memref<64xi32, #tpu.memory_space<vmem>>, vector<16xi32>,
          tpu.vector_store %arg12[%swap3A_2202], %masked_sort3A_2172 {strides = array<i32>} : memref<64xi32, #tpu.memory_space<vmem>>, vector<16xi32>,
          %swap3A_2204 = arith.constant 0 : index
          %swap3A_2205 = tpu.vector_load %arg13[%swap3A_2204] {strides = array<i32>} : memref<1024xi32, #tpu.memory_space<vmem>>, vector<16xi32>,
          tpu.vector_store %arg13[%swap3A_2204], %masked_sort3A_2171 {strides = array<i32>} : memref<1024xi32, #tpu.memory_space<vmem>>, vector<16xi32>,
          %swap3A_2206 = arith.constant 16 : index
          %swap3A_2207 = tpu.vector_load %arg12[%swap3A_2206] {strides = array<i32>} : memref<64xi32, #tpu.memory_space<vmem>>, vector<16xi32>,
          tpu.vector_store %arg12[%swap3A_2206], %masked_sort3A_2180 {strides = array<i32>} : memref<64xi32, #tpu.memory_space<vmem>>, vector<16xi32>,
          %swap3A_2208 = arith.constant 16 : index
          %swap3A_2209 = tpu.vector_load %arg13[%swap3A_2208] {strides = array<i32>} : memref<1024xi32, #tpu.memory_space<vmem>>, vector<16xi32>,
          tpu.vector_store %arg13[%swap3A_2208], %masked_sort3A_2179 {strides = array<i32>} : memref<1024xi32, #tpu.memory_space<vmem>>, vector<16xi32>,
          %swap3A_2210 = arith.constant 32 : index
          %swap3A_2211 = tpu.vector_load %arg12[%swap3A_2210] {strides = array<i32>} : memref<64xi32, #tpu.memory_space<vmem>>, vector<16xi32>,
          tpu.vector_store %arg12[%swap3A_2210], %masked_sort3A_2193 {strides = array<i32>} : memref<64xi32, #tpu.memory_space<vmem>>, vector<16xi32>,
          %swap3A_2212 = arith.constant 32 : index
          %swap3A_2213 = tpu.vector_load %arg13[%swap3A_2212] {strides = array<i32>} : memref<1024xi32, #tpu.memory_space<vmem>>, vector<16xi32>,
          tpu.vector_store %arg13[%swap3A_2212], %masked_sort3A_2192 {strides = array<i32>} : memref<1024xi32, #tpu.memory_space<vmem>>, vector<16xi32>,
          %swap3A_2214 = arith.constant 48 : index
          %swap3A_2215 = tpu.vector_load %arg12[%swap3A_2214] {strides = array<i32>} : memref<64xi32, #tpu.memory_space<vmem>>, vector<16xi32>,
          tpu.vector_store %arg12[%swap3A_2214], %masked_sort3A_2201 {strides = array<i32>} : memref<64xi32, #tpu.memory_space<vmem>>, vector<16xi32>,
          %swap3A_2216 = arith.constant 48 : index
          %swap3A_2217 = tpu.vector_load %arg13[%swap3A_2216] {strides = array<i32>} : memref<1024xi32, #tpu.memory_space<vmem>>, vector<16xi32>,
          tpu.vector_store %arg13[%swap3A_2216], %masked_sort3A_2200 {strides = array<i32>} : memref<1024xi32, #tpu.memory_space<vmem>>, vector<16xi32>,
        } else {
          %get3A_1726 = arith.constant 0 : index
          %get3A_1727 = tpu.vector_load %arg13[%get3A_1726] {strides = array<i32>} : memref<1024xi32, #tpu.memory_space<vmem>>, vector<16xi32>,
          %add3A_1728 = arith.addi %broadcast_in_dim3A_1553, %get3A_1727 : vector<16xi32>
          %gather3A_1729 = tpu.vector_load_idx %arg9[%add3A_1728] : memref<8192xi32, #tpu.memory_space<vmem>>[vector<16xi32>], vector<16xi32>,
          %get3A_1730 = arith.constant 16 : index
          %get3A_1731 = tpu.vector_load %arg13[%get3A_1730] {strides = array<i32>} : memref<1024xi32, #tpu.memory_space<vmem>>, vector<16xi32>,
          %add3A_1732 = arith.addi %broadcast_in_dim3A_1553, %get3A_1731 : vector<16xi32>
          %gather3A_1733 = tpu.vector_load_idx %arg9[%add3A_1732] : memref<8192xi32, #tpu.memory_space<vmem>>[vector<16xi32>], vector<16xi32>,
          %get3A_1734 = arith.constant 32 : index
          %get3A_1735 = tpu.vector_load %arg13[%get3A_1734] {strides = array<i32>} : memref<1024xi32, #tpu.memory_space<vmem>>, vector<16xi32>,
          %add3A_1736 = arith.addi %broadcast_in_dim3A_1553, %get3A_1735 : vector<16xi32>
          %gather3A_1737 = tpu.vector_load_idx %arg9[%add3A_1736] : memref<8192xi32, #tpu.memory_space<vmem>>[vector<16xi32>], vector<16xi32>,
          %get3A_1738 = arith.constant 48 : index
          %get3A_1739 = tpu.vector_load %arg13[%get3A_1738] {strides = array<i32>} : memref<1024xi32, #tpu.memory_space<vmem>>, vector<16xi32>,
          %add3A_1740 = arith.addi %broadcast_in_dim3A_1553, %get3A_1739 : vector<16xi32>
          %gather3A_1741 = tpu.vector_load_idx %arg9[%add3A_1740] : memref<8192xi32, #tpu.memory_space<vmem>>[vector<16xi32>], vector<16xi32>,
          %get3A_1742 = arith.constant 64 : index
          %get3A_1743 = tpu.vector_load %arg13[%get3A_1742] {strides = array<i32>} : memref<1024xi32, #tpu.memory_space<vmem>>, vector<16xi32>,
          %add3A_1744 = arith.addi %broadcast_in_dim3A_1553, %get3A_1743 : vector<16xi32>
          %gather3A_1745 = tpu.vector_load_idx %arg9[%add3A_1744] : memref<8192xi32, #tpu.memory_space<vmem>>[vector<16xi32>], vector<16xi32>,
          %get3A_1746 = arith.constant 80 : index
          %get3A_1747 = tpu.vector_load %arg13[%get3A_1746] {strides = array<i32>} : memref<1024xi32, #tpu.memory_space<vmem>>, vector<16xi32>,
          %add3A_1748 = arith.addi %broadcast_in_dim3A_1553, %get3A_1747 : vector<16xi32>
          %gather3A_1749 = tpu.vector_load_idx %arg9[%add3A_1748] : memref<8192xi32, #tpu.memory_space<vmem>>[vector<16xi32>], vector<16xi32>,
          %get3A_1750 = arith.constant 96 : index
          %get3A_1751 = tpu.vector_load %arg13[%get3A_1750] {strides = array<i32>} : memref<1024xi32, #tpu.memory_space<vmem>>, vector<16xi32>,
          %add3A_1752 = arith.addi %broadcast_in_dim3A_1553, %get3A_1751 : vector<16xi32>
          %gather3A_1753 = tpu.vector_load_idx %arg9[%add3A_1752] : memref<8192xi32, #tpu.memory_space<vmem>>[vector<16xi32>], vector<16xi32>,
          %get3A_1754 = arith.constant 112 : index
          %get3A_1755 = tpu.vector_load %arg13[%get3A_1754] {strides = array<i32>} : memref<1024xi32, #tpu.memory_space<vmem>>, vector<16xi32>,
          %add3A_1756 = arith.addi %broadcast_in_dim3A_1553, %get3A_1755 : vector<16xi32>
          %gather3A_1757 = tpu.vector_load_idx %arg9[%add3A_1756] : memref<8192xi32, #tpu.memory_space<vmem>>[vector<16xi32>], vector<16xi32>,
          %get3A_1758 = arith.constant 128 : index
          %get3A_1759 = tpu.vector_load %arg13[%get3A_1758] {strides = array<i32>} : memref<1024xi32, #tpu.memory_space<vmem>>, vector<16xi32>,
          %add3A_1760 = arith.addi %broadcast_in_dim3A_1553, %get3A_1759 : vector<16xi32>
          %gather3A_1761 = tpu.vector_load_idx %arg9[%add3A_1760] : memref<8192xi32, #tpu.memory_space<vmem>>[vector<16xi32>], vector<16xi32>,
          %get3A_1762 = arith.constant 144 : index
          %get3A_1763 = tpu.vector_load %arg13[%get3A_1762] {strides = array<i32>} : memref<1024xi32, #tpu.memory_space<vmem>>, vector<16xi32>,
          %add3A_1764 = arith.addi %broadcast_in_dim3A_1553, %get3A_1763 : vector<16xi32>
          %gather3A_1765 = tpu.vector_load_idx %arg9[%add3A_1764] : memref<8192xi32, #tpu.memory_space<vmem>>[vector<16xi32>], vector<16xi32>,
          %get3A_1766 = arith.constant 160 : index
          %get3A_1767 = tpu.vector_load %arg13[%get3A_1766] {strides = array<i32>} : memref<1024xi32, #tpu.memory_space<vmem>>, vector<16xi32>,
          %add3A_1768 = arith.addi %broadcast_in_dim3A_1553, %get3A_1767 : vector<16xi32>
          %gather3A_1769 = tpu.vector_load_idx %arg9[%add3A_1768] : memref<8192xi32, #tpu.memory_space<vmem>>[vector<16xi32>], vector<16xi32>,
          %get3A_1770 = arith.constant 176 : index
          %get3A_1771 = tpu.vector_load %arg13[%get3A_1770] {strides = array<i32>} : memref<1024xi32, #tpu.memory_space<vmem>>, vector<16xi32>,
          %add3A_1772 = arith.addi %broadcast_in_dim3A_1553, %get3A_1771 : vector<16xi32>
          %gather3A_1773 = tpu.vector_load_idx %arg9[%add3A_1772] : memref<8192xi32, #tpu.memory_space<vmem>>[vector<16xi32>], vector<16xi32>,
          %get3A_1774 = arith.constant 192 : index
          %get3A_1775 = tpu.vector_load %arg13[%get3A_1774] {strides = array<i32>} : memref<1024xi32, #tpu.memory_space<vmem>>, vector<16xi32>,
          %add3A_1776 = arith.addi %broadcast_in_dim3A_1553, %get3A_1775 : vector<16xi32>
          %gather3A_1777 = tpu.vector_load_idx %arg9[%add3A_1776] : memref<8192xi32, #tpu.memory_space<vmem>>[vector<16xi32>], vector<16xi32>,
          %get3A_1778 = arith.constant 208 : index
          %get3A_1779 = tpu.vector_load %arg13[%get3A_1778] {strides = array<i32>} : memref<1024xi32, #tpu.memory_space<vmem>>, vector<16xi32>,
          %add3A_1780 = arith.addi %broadcast_in_dim3A_1553, %get3A_1779 : vector<16xi32>
          %gather3A_1781 = tpu.vector_load_idx %arg9[%add3A_1780] : memref<8192xi32, #tpu.memory_space<vmem>>[vector<16xi32>], vector<16xi32>,
          %get3A_1782 = arith.constant 224 : index
          %get3A_1783 = tpu.vector_load %arg13[%get3A_1782] {strides = array<i32>} : memref<1024xi32, #tpu.memory_space<vmem>>, vector<16xi32>,
          %add3A_1784 = arith.addi %broadcast_in_dim3A_1553, %get3A_1783 : vector<16xi32>
          %gather3A_1785 = tpu.vector_load_idx %arg9[%add3A_1784] : memref<8192xi32, #tpu.memory_space<vmem>>[vector<16xi32>], vector<16xi32>,
          %get3A_1786 = arith.constant 240 : index
          %get3A_1787 = tpu.vector_load %arg13[%get3A_1786] {strides = array<i32>} : memref<1024xi32, #tpu.memory_space<vmem>>, vector<16xi32>,
          %add3A_1788 = arith.addi %broadcast_in_dim3A_1553, %get3A_1787 : vector<16xi32>
          %gather3A_1789 = tpu.vector_load_idx %arg9[%add3A_1788] : memref<8192xi32, #tpu.memory_space<vmem>>[vector<16xi32>], vector<16xi32>,
          %masked_sort3A_1790 = arith.constant dense<true> : vector<16xi1>
          %masked_sort3A_1791 = arith.constant -2147483648 : i32
          %masked_sort3A_1792 = vector.broadcast %masked_sort3A_1791 : i32 to vector<16xi32>
          %masked_sort3A_1793 = arith.xori %gather3A_1729, %masked_sort3A_1792 : vector<16xi32>
          %masked_sort3A_1794, %masked_sort3A_1795, %masked_sort3A_1796 = tpu.sort %masked_sort3A_1793, %get3A_1727 masked %masked_sort3A_1790 {descending = true} : (vector<16xi32>, vector<16xi32>, vector<16xi1>) -> (vector<16xi1>, vector<16xi32>, vector<16xi32>)
          %masked_sort3A_1797 = arith.xori %masked_sort3A_1795, %masked_sort3A_1792 : vector<16xi32>
          %masked_sort3A_1798 = arith.constant dense<true> : vector<16xi1>
          %masked_sort3A_1799 = arith.constant -2147483648 : i32
          %masked_sort3A_1800 = vector.broadcast %masked_sort3A_1799 : i32 to vector<16xi32>
          %masked_sort3A_1801 = arith.xori %gather3A_1733, %masked_sort3A_1800 : vector<16xi32>
          %masked_sort3A_1802, %masked_sort3A_1803, %masked_sort3A_1804 = tpu.sort %masked_sort3A_1801, %get3A_1731 masked %masked_sort3A_1798 {descending = true} : (vector<16xi32>, vector<16xi32>, vector<16xi1>) -> (vector<16xi1>, vector<16xi32>, vector<16xi32>)
          %masked_sort3A_1805 = arith.xori %masked_sort3A_1803, %masked_sort3A_1800 : vector<16xi32>
          %masked_sort3A_1806 = arith.constant dense<true> : vector<16xi1>
          %masked_sort3A_1807 = arith.constant -2147483648 : i32
          %masked_sort3A_1808 = vector.broadcast %masked_sort3A_1807 : i32 to vector<16xi32>
          %masked_sort3A_1809 = arith.xori %gather3A_1737, %masked_sort3A_1808 : vector<16xi32>
          %masked_sort3A_1810, %masked_sort3A_1811, %masked_sort3A_1812 = tpu.sort %masked_sort3A_1809, %get3A_1735 masked %masked_sort3A_1806 {descending = true} : (vector<16xi32>, vector<16xi32>, vector<16xi1>) -> (vector<16xi1>, vector<16xi32>, vector<16xi32>)
          %masked_sort3A_1813 = arith.xori %masked_sort3A_1811, %masked_sort3A_1808 : vector<16xi32>
          %masked_sort3A_1814 = arith.constant dense<true> : vector<16xi1>
          %masked_sort3A_1815 = arith.constant -2147483648 : i32
          %masked_sort3A_1816 = vector.broadcast %masked_sort3A_1815 : i32 to vector<16xi32>
          %masked_sort3A_1817 = arith.xori %gather3A_1741, %masked_sort3A_1816 : vector<16xi32>
          %masked_sort3A_1818, %masked_sort3A_1819, %masked_sort3A_1820 = tpu.sort %masked_sort3A_1817, %get3A_1739 masked %masked_sort3A_1814 {descending = true} : (vector<16xi32>, vector<16xi32>, vector<16xi1>) -> (vector<16xi1>, vector<16xi32>, vector<16xi32>)
          %masked_sort3A_1821 = arith.xori %masked_sort3A_1819, %masked_sort3A_1816 : vector<16xi32>
          %masked_sort3A_1822 = arith.constant dense<true> : vector<16xi1>
          %masked_sort3A_1823 = arith.constant -2147483648 : i32
          %masked_sort3A_1824 = vector.broadcast %masked_sort3A_1823 : i32 to vector<16xi32>
          %masked_sort3A_1825 = arith.xori %gather3A_1745, %masked_sort3A_1824 : vector<16xi32>
          %masked_sort3A_1826, %masked_sort3A_1827, %masked_sort3A_1828 = tpu.sort %masked_sort3A_1825, %get3A_1743 masked %masked_sort3A_1822 {descending = true} : (vector<16xi32>, vector<16xi32>, vector<16xi1>) -> (vector<16xi1>, vector<16xi32>, vector<16xi32>)
          %masked_sort3A_1829 = arith.xori %masked_sort3A_1827, %masked_sort3A_1824 : vector<16xi32>
          %masked_sort3A_1830 = arith.constant dense<true> : vector<16xi1>
          %masked_sort3A_1831 = arith.constant -2147483648 : i32
          %masked_sort3A_1832 = vector.broadcast %masked_sort3A_1831 : i32 to vector<16xi32>
          %masked_sort3A_1833 = arith.xori %gather3A_1749, %masked_sort3A_1832 : vector<16xi32>
          %masked_sort3A_1834, %masked_sort3A_1835, %masked_sort3A_1836 = tpu.sort %masked_sort3A_1833, %get3A_1747 masked %masked_sort3A_1830 {descending = true} : (vector<16xi32>, vector<16xi32>, vector<16xi1>) -> (vector<16xi1>, vector<16xi32>, vector<16xi32>)
          %masked_sort3A_1837 = arith.xori %masked_sort3A_1835, %masked_sort3A_1832 : vector<16xi32>
          %masked_sort3A_1838 = arith.constant dense<true> : vector<16xi1>
          %masked_sort3A_1839 = arith.constant -2147483648 : i32
          %masked_sort3A_1840 = vector.broadcast %masked_sort3A_1839 : i32 to vector<16xi32>
          %masked_sort3A_1841 = arith.xori %gather3A_1753, %masked_sort3A_1840 : vector<16xi32>
          %masked_sort3A_1842, %masked_sort3A_1843, %masked_sort3A_1844 = tpu.sort %masked_sort3A_1841, %get3A_1751 masked %masked_sort3A_1838 {descending = true} : (vector<16xi32>, vector<16xi32>, vector<16xi1>) -> (vector<16xi1>, vector<16xi32>, vector<16xi32>)
          %masked_sort3A_1845 = arith.xori %masked_sort3A_1843, %masked_sort3A_1840 : vector<16xi32>
          %masked_sort3A_1846 = arith.constant dense<true> : vector<16xi1>
          %masked_sort3A_1847 = arith.constant -2147483648 : i32
          %masked_sort3A_1848 = vector.broadcast %masked_sort3A_1847 : i32 to vector<16xi32>
          %masked_sort3A_1849 = arith.xori %gather3A_1757, %masked_sort3A_1848 : vector<16xi32>
          %masked_sort3A_1850, %masked_sort3A_1851, %masked_sort3A_1852 = tpu.sort %masked_sort3A_1849, %get3A_1755 masked %masked_sort3A_1846 {descending = true} : (vector<16xi32>, vector<16xi32>, vector<16xi1>) -> (vector<16xi1>, vector<16xi32>, vector<16xi32>)
          %masked_sort3A_1853 = arith.xori %masked_sort3A_1851, %masked_sort3A_1848 : vector<16xi32>
          %masked_sort3A_1854 = arith.constant dense<true> : vector<16xi1>
          %masked_sort3A_1855 = arith.constant -2147483648 : i32
          %masked_sort3A_1856 = vector.broadcast %masked_sort3A_1855 : i32 to vector<16xi32>
          %masked_sort3A_1857 = arith.xori %gather3A_1761, %masked_sort3A_1856 : vector<16xi32>
          %masked_sort3A_1858, %masked_sort3A_1859, %masked_sort3A_1860 = tpu.sort %masked_sort3A_1857, %get3A_1759 masked %masked_sort3A_1854 {descending = true} : (vector<16xi32>, vector<16xi32>, vector<16xi1>) -> (vector<16xi1>, vector<16xi32>, vector<16xi32>)
          %masked_sort3A_1861 = arith.xori %masked_sort3A_1859, %masked_sort3A_1856 : vector<16xi32>
          %masked_sort3A_1862 = arith.constant dense<true> : vector<16xi1>
          %masked_sort3A_1863 = arith.constant -2147483648 : i32
          %masked_sort3A_1864 = vector.broadcast %masked_sort3A_1863 : i32 to vector<16xi32>
          %masked_sort3A_1865 = arith.xori %gather3A_1765, %masked_sort3A_1864 : vector<16xi32>
          %masked_sort3A_1866, %masked_sort3A_1867, %masked_sort3A_1868 = tpu.sort %masked_sort3A_1865, %get3A_1763 masked %masked_sort3A_1862 {descending = true} : (vector<16xi32>, vector<16xi32>, vector<16xi1>) -> (vector<16xi1>, vector<16xi32>, vector<16xi32>)
          %masked_sort3A_1869 = arith.xori %masked_sort3A_1867, %masked_sort3A_1864 : vector<16xi32>
          %masked_sort3A_1870 = arith.constant dense<true> : vector<16xi1>
          %masked_sort3A_1871 = arith.constant -2147483648 : i32
          %masked_sort3A_1872 = vector.broadcast %masked_sort3A_1871 : i32 to vector<16xi32>
          %masked_sort3A_1873 = arith.xori %gather3A_1769, %masked_sort3A_1872 : vector<16xi32>
          %masked_sort3A_1874, %masked_sort3A_1875, %masked_sort3A_1876 = tpu.sort %masked_sort3A_1873, %get3A_1767 masked %masked_sort3A_1870 {descending = true} : (vector<16xi32>, vector<16xi32>, vector<16xi1>) -> (vector<16xi1>, vector<16xi32>, vector<16xi32>)
          %masked_sort3A_1877 = arith.xori %masked_sort3A_1875, %masked_sort3A_1872 : vector<16xi32>
          %masked_sort3A_1878 = arith.constant dense<true> : vector<16xi1>
          %masked_sort3A_1879 = arith.constant -2147483648 : i32
          %masked_sort3A_1880 = vector.broadcast %masked_sort3A_1879 : i32 to vector<16xi32>
          %masked_sort3A_1881 = arith.xori %gather3A_1773, %masked_sort3A_1880 : vector<16xi32>
          %masked_sort3A_1882, %masked_sort3A_1883, %masked_sort3A_1884 = tpu.sort %masked_sort3A_1881, %get3A_1771 masked %masked_sort3A_1878 {descending = true} : (vector<16xi32>, vector<16xi32>, vector<16xi1>) -> (vector<16xi1>, vector<16xi32>, vector<16xi32>)
          %masked_sort3A_1885 = arith.xori %masked_sort3A_1883, %masked_sort3A_1880 : vector<16xi32>
          %masked_sort3A_1886 = arith.constant dense<true> : vector<16xi1>
          %masked_sort3A_1887 = arith.constant -2147483648 : i32
          %masked_sort3A_1888 = vector.broadcast %masked_sort3A_1887 : i32 to vector<16xi32>
          %masked_sort3A_1889 = arith.xori %gather3A_1777, %masked_sort3A_1888 : vector<16xi32>
          %masked_sort3A_1890, %masked_sort3A_1891, %masked_sort3A_1892 = tpu.sort %masked_sort3A_1889, %get3A_1775 masked %masked_sort3A_1886 {descending = true} : (vector<16xi32>, vector<16xi32>, vector<16xi1>) -> (vector<16xi1>, vector<16xi32>, vector<16xi32>)
          %masked_sort3A_1893 = arith.xori %masked_sort3A_1891, %masked_sort3A_1888 : vector<16xi32>
          %masked_sort3A_1894 = arith.constant dense<true> : vector<16xi1>
          %masked_sort3A_1895 = arith.constant -2147483648 : i32
          %masked_sort3A_1896 = vector.broadcast %masked_sort3A_1895 : i32 to vector<16xi32>
          %masked_sort3A_1897 = arith.xori %gather3A_1781, %masked_sort3A_1896 : vector<16xi32>
          %masked_sort3A_1898, %masked_sort3A_1899, %masked_sort3A_1900 = tpu.sort %masked_sort3A_1897, %get3A_1779 masked %masked_sort3A_1894 {descending = true} : (vector<16xi32>, vector<16xi32>, vector<16xi1>) -> (vector<16xi1>, vector<16xi32>, vector<16xi32>)
          %masked_sort3A_1901 = arith.xori %masked_sort3A_1899, %masked_sort3A_1896 : vector<16xi32>
          %masked_sort3A_1902 = arith.constant dense<true> : vector<16xi1>
          %masked_sort3A_1903 = arith.constant -2147483648 : i32
          %masked_sort3A_1904 = vector.broadcast %masked_sort3A_1903 : i32 to vector<16xi32>
          %masked_sort3A_1905 = arith.xori %gather3A_1785, %masked_sort3A_1904 : vector<16xi32>
          %masked_sort3A_1906, %masked_sort3A_1907, %masked_sort3A_1908 = tpu.sort %masked_sort3A_1905, %get3A_1783 masked %masked_sort3A_1902 {descending = true} : (vector<16xi32>, vector<16xi32>, vector<16xi1>) -> (vector<16xi1>, vector<16xi32>, vector<16xi32>)
          %masked_sort3A_1909 = arith.xori %masked_sort3A_1907, %masked_sort3A_1904 : vector<16xi32>
          %masked_sort3A_1910 = arith.constant dense<true> : vector<16xi1>
          %masked_sort3A_1911 = arith.constant -2147483648 : i32
          %masked_sort3A_1912 = vector.broadcast %masked_sort3A_1911 : i32 to vector<16xi32>
          %masked_sort3A_1913 = arith.xori %gather3A_1789, %masked_sort3A_1912 : vector<16xi32>
          %masked_sort3A_1914, %masked_sort3A_1915, %masked_sort3A_1916 = tpu.sort %masked_sort3A_1913, %get3A_1787 masked %masked_sort3A_1910 {descending = true} : (vector<16xi32>, vector<16xi32>, vector<16xi1>) -> (vector<16xi1>, vector<16xi32>, vector<16xi32>)
          %masked_sort3A_1917 = arith.xori %masked_sort3A_1915, %masked_sort3A_1912 : vector<16xi32>
          %rev3A_1918 = arith.constant 15 : i32
          %rev3A_1919 = vector.broadcast %rev3A_1918 : i32 to vector<16xi32>
          %rev3A_1920 = tpu.iota {dimensions = array<i32: 0>} : vector<16xi32>
          %rev3A_1921 = arith.subi %rev3A_1919, %rev3A_1920 : vector<16xi32>
          %rev3A_1922 = tpu.dynamic_gather %masked_sort3A_1805[%rev3A_1921] in [0] : vector<16xi32>, vector<16xi32> -> vector<16xi32>
          %rev3A_1923 = arith.constant 15 : i32
          %rev3A_1924 = vector.broadcast %rev3A_1923 : i32 to vector<16xi32>
          %rev3A_1925 = tpu.iota {dimensions = array<i32: 0>} : vector<16xi32>
          %rev3A_1926 = arith.subi %rev3A_1924, %rev3A_1925 : vector<16xi32>
          %rev3A_1927 = tpu.dynamic_gather %masked_sort3A_1804[%rev3A_1926] in [0] : vector<16xi32>, vector<16xi32> -> vector<16xi32>
          %ge3A_1928 = arith.cmpi sge, %masked_sort3A_1797, %rev3A_1922 : vector<16xi32>
          %select_n3A_1929 = arith.select %ge3A_1928, %masked_sort3A_1797, %rev3A_1922 : vector<16xi1>, vector<16xi32>
          %select_n3A_1930 = arith.select %ge3A_1928, %masked_sort3A_1796, %rev3A_1927 : vector<16xi1>, vector<16xi32>
          %select_n3A_1931 = arith.select %ge3A_1928, %rev3A_1922, %masked_sort3A_1797 : vector<16xi1>, vector<16xi32>
          %select_n3A_1932 = arith.select %ge3A_1928, %rev3A_1927, %masked_sort3A_1796 : vector<16xi1>, vector<16xi32>
          %masked_sort3A_1933 = arith.constant dense<true> : vector<16xi1>
          %masked_sort3A_1934 = arith.constant -2147483648 : i32
          %masked_sort3A_1935 = vector.broadcast %masked_sort3A_1934 : i32 to vector<16xi32>
          %masked_sort3A_1936 = arith.xori %select_n3A_1929, %masked_sort3A_1935 : vector<16xi32>
          %masked_sort3A_1937, %masked_sort3A_1938, %masked_sort3A_1939 = tpu.sort %masked_sort3A_1936, %select_n3A_1930 masked %masked_sort3A_1933 {descending = true} : (vector<16xi32>, vector<16xi32>, vector<16xi1>) -> (vector<16xi1>, vector<16xi32>, vector<16xi32>)
          %masked_sort3A_1940 = arith.xori %masked_sort3A_1938, %masked_sort3A_1935 : vector<16xi32>
          %masked_sort3A_1941 = arith.constant dense<true> : vector<16xi1>
          %masked_sort3A_1942 = arith.constant -2147483648 : i32
          %masked_sort3A_1943 = vector.broadcast %masked_sort3A_1942 : i32 to vector<16xi32>
          %masked_sort3A_1944 = arith.xori %select_n3A_1931, %masked_sort3A_1943 : vector<16xi32>
          %masked_sort3A_1945, %masked_sort3A_1946, %masked_sort3A_1947 = tpu.sort %masked_sort3A_1944, %select_n3A_1932 masked %masked_sort3A_1941 {descending = true} : (vector<16xi32>, vector<16xi32>, vector<16xi1>) -> (vector<16xi1>, vector<16xi32>, vector<16xi32>)
          %masked_sort3A_1948 = arith.xori %masked_sort3A_1946, %masked_sort3A_1943 : vector<16xi32>
          %rev3A_1949 = arith.constant 15 : i32
          %rev3A_1950 = vector.broadcast %rev3A_1949 : i32 to vector<16xi32>
          %rev3A_1951 = tpu.iota {dimensions = array<i32: 0>} : vector<16xi32>
          %rev3A_1952 = arith.subi %rev3A_1950, %rev3A_1951 : vector<16xi32>
          %rev3A_1953 = tpu.dynamic_gather %masked_sort3A_1821[%rev3A_1952] in [0] : vector<16xi32>, vector<16xi32> -> vector<16xi32>
          %rev3A_1954 = arith.constant 15 : i32
          %rev3A_1955 = vector.broadcast %rev3A_1954 : i32 to vector<16xi32>
          %rev3A_1956 = tpu.iota {dimensions = array<i32: 0>} : vector<16xi32>
          %rev3A_1957 = arith.subi %rev3A_1955, %rev3A_1956 : vector<16xi32>
          %rev3A_1958 = tpu.dynamic_gather %masked_sort3A_1820[%rev3A_1957] in [0] : vector<16xi32>, vector<16xi32> -> vector<16xi32>
          %ge3A_1959 = arith.cmpi sge, %masked_sort3A_1813, %rev3A_1953 : vector<16xi32>
          %select_n3A_1960 = arith.select %ge3A_1959, %masked_sort3A_1813, %rev3A_1953 : vector<16xi1>, vector<16xi32>
          %select_n3A_1961 = arith.select %ge3A_1959, %masked_sort3A_1812, %rev3A_1958 : vector<16xi1>, vector<16xi32>
          %select_n3A_1962 = arith.select %ge3A_1959, %rev3A_1953, %masked_sort3A_1813 : vector<16xi1>, vector<16xi32>
          %select_n3A_1963 = arith.select %ge3A_1959, %rev3A_1958, %masked_sort3A_1812 : vector<16xi1>, vector<16xi32>
          %masked_sort3A_1964 = arith.constant dense<true> : vector<16xi1>
          %masked_sort3A_1965 = arith.constant -2147483648 : i32
          %masked_sort3A_1966 = vector.broadcast %masked_sort3A_1965 : i32 to vector<16xi32>
          %masked_sort3A_1967 = arith.xori %select_n3A_1960, %masked_sort3A_1966 : vector<16xi32>
          %masked_sort3A_1968, %masked_sort3A_1969, %masked_sort3A_1970 = tpu.sort %masked_sort3A_1967, %select_n3A_1961 masked %masked_sort3A_1964 {descending = true} : (vector<16xi32>, vector<16xi32>, vector<16xi1>) -> (vector<16xi1>, vector<16xi32>, vector<16xi32>)
          %masked_sort3A_1971 = arith.xori %masked_sort3A_1969, %masked_sort3A_1966 : vector<16xi32>
          %masked_sort3A_1972 = arith.constant dense<true> : vector<16xi1>
          %masked_sort3A_1973 = arith.constant -2147483648 : i32
          %masked_sort3A_1974 = vector.broadcast %masked_sort3A_1973 : i32 to vector<16xi32>
          %masked_sort3A_1975 = arith.xori %select_n3A_1962, %masked_sort3A_1974 : vector<16xi32>
          %masked_sort3A_1976, %masked_sort3A_1977, %masked_sort3A_1978 = tpu.sort %masked_sort3A_1975, %select_n3A_1963 masked %masked_sort3A_1972 {descending = true} : (vector<16xi32>, vector<16xi32>, vector<16xi1>) -> (vector<16xi1>, vector<16xi32>, vector<16xi32>)
          %masked_sort3A_1979 = arith.xori %masked_sort3A_1977, %masked_sort3A_1974 : vector<16xi32>
          %rev3A_1980 = arith.constant 15 : i32
          %rev3A_1981 = vector.broadcast %rev3A_1980 : i32 to vector<16xi32>
          %rev3A_1982 = tpu.iota {dimensions = array<i32: 0>} : vector<16xi32>
          %rev3A_1983 = arith.subi %rev3A_1981, %rev3A_1982 : vector<16xi32>
          %rev3A_1984 = tpu.dynamic_gather %masked_sort3A_1837[%rev3A_1983] in [0] : vector<16xi32>, vector<16xi32> -> vector<16xi32>
          %rev3A_1985 = arith.constant 15 : i32
          %rev3A_1986 = vector.broadcast %rev3A_1985 : i32 to vector<16xi32>
          %rev3A_1987 = tpu.iota {dimensions = array<i32: 0>} : vector<16xi32>
          %rev3A_1988 = arith.subi %rev3A_1986, %rev3A_1987 : vector<16xi32>
          %rev3A_1989 = tpu.dynamic_gather %masked_sort3A_1836[%rev3A_1988] in [0] : vector<16xi32>, vector<16xi32> -> vector<16xi32>
          %ge3A_1990 = arith.cmpi sge, %masked_sort3A_1829, %rev3A_1984 : vector<16xi32>
          %select_n3A_1991 = arith.select %ge3A_1990, %masked_sort3A_1829, %rev3A_1984 : vector<16xi1>, vector<16xi32>
          %select_n3A_1992 = arith.select %ge3A_1990, %masked_sort3A_1828, %rev3A_1989 : vector<16xi1>, vector<16xi32>
          %select_n3A_1993 = arith.select %ge3A_1990, %rev3A_1984, %masked_sort3A_1829 : vector<16xi1>, vector<16xi32>
          %select_n3A_1994 = arith.select %ge3A_1990, %rev3A_1989, %masked_sort3A_1828 : vector<16xi1>, vector<16xi32>
          %masked_sort3A_1995 = arith.constant dense<true> : vector<16xi1>
          %masked_sort3A_1996 = arith.constant -2147483648 : i32
          %masked_sort3A_1997 = vector.broadcast %masked_sort3A_1996 : i32 to vector<16xi32>
          %masked_sort3A_1998 = arith.xori %select_n3A_1991, %masked_sort3A_1997 : vector<16xi32>
          %masked_sort3A_1999, %masked_sort3A_2000, %masked_sort3A_2001 = tpu.sort %masked_sort3A_1998, %select_n3A_1992 masked %masked_sort3A_1995 {descending = true} : (vector<16xi32>, vector<16xi32>, vector<16xi1>) -> (vector<16xi1>, vector<16xi32>, vector<16xi32>)
          %masked_sort3A_2002 = arith.xori %masked_sort3A_2000, %masked_sort3A_1997 : vector<16xi32>
          %masked_sort3A_2003 = arith.constant dense<true> : vector<16xi1>
          %masked_sort3A_2004 = arith.constant -2147483648 : i32
          %masked_sort3A_2005 = vector.broadcast %masked_sort3A_2004 : i32 to vector<16xi32>
          %masked_sort3A_2006 = arith.xori %select_n3A_1993, %masked_sort3A_2005 : vector<16xi32>
          %masked_sort3A_2007, %masked_sort3A_2008, %masked_sort3A_2009 = tpu.sort %masked_sort3A_2006, %select_n3A_1994 masked %masked_sort3A_2003 {descending = true} : (vector<16xi32>, vector<16xi32>, vector<16xi1>) -> (vector<16xi1>, vector<16xi32>, vector<16xi32>)
          %masked_sort3A_2010 = arith.xori %masked_sort3A_2008, %masked_sort3A_2005 : vector<16xi32>
          %rev3A_2011 = arith.constant 15 : i32
          %rev3A_2012 = vector.broadcast %rev3A_2011 : i32 to vector<16xi32>
          %rev3A_2013 = tpu.iota {dimensions = array<i32: 0>} : vector<16xi32>
          %rev3A_2014 = arith.subi %rev3A_2012, %rev3A_2013 : vector<16xi32>
          %rev3A_2015 = tpu.dynamic_gather %masked_sort3A_1853[%rev3A_2014] in [0] : vector<16xi32>, vector<16xi32> -> vector<16xi32>
          %rev3A_2016 = arith.constant 15 : i32
          %rev3A_2017 = vector.broadcast %rev3A_2016 : i32 to vector<16xi32>
          %rev3A_2018 = tpu.iota {dimensions = array<i32: 0>} : vector<16xi32>
          %rev3A_2019 = arith.subi %rev3A_2017, %rev3A_2018 : vector<16xi32>
          %rev3A_2020 = tpu.dynamic_gather %masked_sort3A_1852[%rev3A_2019] in [0] : vector<16xi32>, vector<16xi32> -> vector<16xi32>
          %ge3A_2021 = arith.cmpi sge, %masked_sort3A_1845, %rev3A_2015 : vector<16xi32>
          %select_n3A_2022 = arith.select %ge3A_2021, %masked_sort3A_1845, %rev3A_2015 : vector<16xi1>, vector<16xi32>
          %select_n3A_2023 = arith.select %ge3A_2021, %masked_sort3A_1844, %rev3A_2020 : vector<16xi1>, vector<16xi32>
          %select_n3A_2024 = arith.select %ge3A_2021, %rev3A_2015, %masked_sort3A_1845 : vector<16xi1>, vector<16xi32>
          %select_n3A_2025 = arith.select %ge3A_2021, %rev3A_2020, %masked_sort3A_1844 : vector<16xi1>, vector<16xi32>
          %masked_sort3A_2026 = arith.constant dense<true> : vector<16xi1>
          %masked_sort3A_2027 = arith.constant -2147483648 : i32
          %masked_sort3A_2028 = vector.broadcast %masked_sort3A_2027 : i32 to vector<16xi32>
          %masked_sort3A_2029 = arith.xori %select_n3A_2022, %masked_sort3A_2028 : vector<16xi32>
          %masked_sort3A_2030, %masked_sort3A_2031, %masked_sort3A_2032 = tpu.sort %masked_sort3A_2029, %select_n3A_2023 masked %masked_sort3A_2026 {descending = true} : (vector<16xi32>, vector<16xi32>, vector<16xi1>) -> (vector<16xi1>, vector<16xi32>, vector<16xi32>)
          %masked_sort3A_2033 = arith.xori %masked_sort3A_2031, %masked_sort3A_2028 : vector<16xi32>
          %masked_sort3A_2034 = arith.constant dense<true> : vector<16xi1>
          %masked_sort3A_2035 = arith.constant -2147483648 : i32
          %masked_sort3A_2036 = vector.broadcast %masked_sort3A_2035 : i32 to vector<16xi32>
          %masked_sort3A_2037 = arith.xori %select_n3A_2024, %masked_sort3A_2036 : vector<16xi32>
          %masked_sort3A_2038, %masked_sort3A_2039, %masked_sort3A_2040 = tpu.sort %masked_sort3A_2037, %select_n3A_2025 masked %masked_sort3A_2034 {descending = true} : (vector<16xi32>, vector<16xi32>, vector<16xi1>) -> (vector<16xi1>, vector<16xi32>, vector<16xi32>)
          %masked_sort3A_2041 = arith.xori %masked_sort3A_2039, %masked_sort3A_2036 : vector<16xi32>
          %rev3A_2042 = arith.constant 15 : i32
          %rev3A_2043 = vector.broadcast %rev3A_2042 : i32 to vector<16xi32>
          %rev3A_2044 = tpu.iota {dimensions = array<i32: 0>} : vector<16xi32>
          %rev3A_2045 = arith.subi %rev3A_2043, %rev3A_2044 : vector<16xi32>
          %rev3A_2046 = tpu.dynamic_gather %masked_sort3A_1869[%rev3A_2045] in [0] : vector<16xi32>, vector<16xi32> -> vector<16xi32>
          %rev3A_2047 = arith.constant 15 : i32
          %rev3A_2048 = vector.broadcast %rev3A_2047 : i32 to vector<16xi32>
          %rev3A_2049 = tpu.iota {dimensions = array<i32: 0>} : vector<16xi32>
          %rev3A_2050 = arith.subi %rev3A_2048, %rev3A_2049 : vector<16xi32>
          %rev3A_2051 = tpu.dynamic_gather %masked_sort3A_1868[%rev3A_2050] in [0] : vector<16xi32>, vector<16xi32> -> vector<16xi32>
          %ge3A_2052 = arith.cmpi sge, %masked_sort3A_1861, %rev3A_2046 : vector<16xi32>
          %select_n3A_2053 = arith.select %ge3A_2052, %masked_sort3A_1861, %rev3A_2046 : vector<16xi1>, vector<16xi32>
          %select_n3A_2054 = arith.select %ge3A_2052, %masked_sort3A_1860, %rev3A_2051 : vector<16xi1>, vector<16xi32>
          %select_n3A_2055 = arith.select %ge3A_2052, %rev3A_2046, %masked_sort3A_1861 : vector<16xi1>, vector<16xi32>
          %select_n3A_2056 = arith.select %ge3A_2052, %rev3A_2051, %masked_sort3A_1860 : vector<16xi1>, vector<16xi32>
          %masked_sort3A_2057 = arith.constant dense<true> : vector<16xi1>
          %masked_sort3A_2058 = arith.constant -2147483648 : i32
          %masked_sort3A_2059 = vector.broadcast %masked_sort3A_2058 : i32 to vector<16xi32>
          %masked_sort3A_2060 = arith.xori %select_n3A_2053, %masked_sort3A_2059 : vector<16xi32>
          %masked_sort3A_2061, %masked_sort3A_2062, %masked_sort3A_2063 = tpu.sort %masked_sort3A_2060, %select_n3A_2054 masked %masked_sort3A_2057 {descending = true} : (vector<16xi32>, vector<16xi32>, vector<16xi1>) -> (vector<16xi1>, vector<16xi32>, vector<16xi32>)
          %masked_sort3A_2064 = arith.xori %masked_sort3A_2062, %masked_sort3A_2059 : vector<16xi32>
          %masked_sort3A_2065 = arith.constant dense<true> : vector<16xi1>
          %masked_sort3A_2066 = arith.constant -2147483648 : i32
          %masked_sort3A_2067 = vector.broadcast %masked_sort3A_2066 : i32 to vector<16xi32>
          %masked_sort3A_2068 = arith.xori %select_n3A_2055, %masked_sort3A_2067 : vector<16xi32>
          %masked_sort3A_2069, %masked_sort3A_2070, %masked_sort3A_2071 = tpu.sort %masked_sort3A_2068, %select_n3A_2056 masked %masked_sort3A_2065 {descending = true} : (vector<16xi32>, vector<16xi32>, vector<16xi1>) -> (vector<16xi1>, vector<16xi32>, vector<16xi32>)
          %masked_sort3A_2072 = arith.xori %masked_sort3A_2070, %masked_sort3A_2067 : vector<16xi32>
          %rev3A_2073 = arith.constant 15 : i32
          %rev3A_2074 = vector.broadcast %rev3A_2073 : i32 to vector<16xi32>
          %rev3A_2075 = tpu.iota {dimensions = array<i32: 0>} : vector<16xi32>
          %rev3A_2076 = arith.subi %rev3A_2074, %rev3A_2075 : vector<16xi32>
          %rev3A_2077 = tpu.dynamic_gather %masked_sort3A_1885[%rev3A_2076] in [0] : vector<16xi32>, vector<16xi32> -> vector<16xi32>
          %rev3A_2078 = arith.constant 15 : i32
          %rev3A_2079 = vector.broadcast %rev3A_2078 : i32 to vector<16xi32>
          %rev3A_2080 = tpu.iota {dimensions = array<i32: 0>} : vector<16xi32>
          %rev3A_2081 = arith.subi %rev3A_2079, %rev3A_2080 : vector<16xi32>
          %rev3A_2082 = tpu.dynamic_gather %masked_sort3A_1884[%rev3A_2081] in [0] : vector<16xi32>, vector<16xi32> -> vector<16xi32>
          %ge3A_2083 = arith.cmpi sge, %masked_sort3A_1877, %rev3A_2077 : vector<16xi32>
          %select_n3A_2084 = arith.select %ge3A_2083, %masked_sort3A_1877, %rev3A_2077 : vector<16xi1>, vector<16xi32>
          %select_n3A_2085 = arith.select %ge3A_2083, %masked_sort3A_1876, %rev3A_2082 : vector<16xi1>, vector<16xi32>
          %select_n3A_2086 = arith.select %ge3A_2083, %rev3A_2077, %masked_sort3A_1877 : vector<16xi1>, vector<16xi32>
          %select_n3A_2087 = arith.select %ge3A_2083, %rev3A_2082, %masked_sort3A_1876 : vector<16xi1>, vector<16xi32>
          %masked_sort3A_2088 = arith.constant dense<true> : vector<16xi1>
          %masked_sort3A_2089 = arith.constant -2147483648 : i32
          %masked_sort3A_2090 = vector.broadcast %masked_sort3A_2089 : i32 to vector<16xi32>
          %masked_sort3A_2091 = arith.xori %select_n3A_2084, %masked_sort3A_2090 : vector<16xi32>
          %masked_sort3A_2092, %masked_sort3A_2093, %masked_sort3A_2094 = tpu.sort %masked_sort3A_2091, %select_n3A_2085 masked %masked_sort3A_2088 {descending = true} : (vector<16xi32>, vector<16xi32>, vector<16xi1>) -> (vector<16xi1>, vector<16xi32>, vector<16xi32>)
          %masked_sort3A_2095 = arith.xori %masked_sort3A_2093, %masked_sort3A_2090 : vector<16xi32>
          %masked_sort3A_2096 = arith.constant dense<true> : vector<16xi1>
          %masked_sort3A_2097 = arith.constant -2147483648 : i32
          %masked_sort3A_2098 = vector.broadcast %masked_sort3A_2097 : i32 to vector<16xi32>
          %masked_sort3A_2099 = arith.xori %select_n3A_2086, %masked_sort3A_2098 : vector<16xi32>
          %masked_sort3A_2100, %masked_sort3A_2101, %masked_sort3A_2102 = tpu.sort %masked_sort3A_2099, %select_n3A_2087 masked %masked_sort3A_2096 {descending = true} : (vector<16xi32>, vector<16xi32>, vector<16xi1>) -> (vector<16xi1>, vector<16xi32>, vector<16xi32>)
          %masked_sort3A_2103 = arith.xori %masked_sort3A_2101, %masked_sort3A_2098 : vector<16xi32>
          %rev3A_2104 = arith.constant 15 : i32
          %rev3A_2105 = vector.broadcast %rev3A_2104 : i32 to vector<16xi32>
          %rev3A_2106 = tpu.iota {dimensions = array<i32: 0>} : vector<16xi32>
          %rev3A_2107 = arith.subi %rev3A_2105, %rev3A_2106 : vector<16xi32>
          %rev3A_2108 = tpu.dynamic_gather %masked_sort3A_1901[%rev3A_2107] in [0] : vector<16xi32>, vector<16xi32> -> vector<16xi32>
          %rev3A_2109 = arith.constant 15 : i32
          %rev3A_2110 = vector.broadcast %rev3A_2109 : i32 to vector<16xi32>
          %rev3A_2111 = tpu.iota {dimensions = array<i32: 0>} : vector<16xi32>
          %rev3A_2112 = arith.subi %rev3A_2110, %rev3A_2111 : vector<16xi32>
          %rev3A_2113 = tpu.dynamic_gather %masked_sort3A_1900[%rev3A_2112] in [0] : vector<16xi32>, vector<16xi32> -> vector<16xi32>
          %ge3A_2114 = arith.cmpi sge, %masked_sort3A_1893, %rev3A_2108 : vector<16xi32>
          %select_n3A_2115 = arith.select %ge3A_2114, %masked_sort3A_1893, %rev3A_2108 : vector<16xi1>, vector<16xi32>
          %select_n3A_2116 = arith.select %ge3A_2114, %masked_sort3A_1892, %rev3A_2113 : vector<16xi1>, vector<16xi32>
          %select_n3A_2117 = arith.select %ge3A_2114, %rev3A_2108, %masked_sort3A_1893 : vector<16xi1>, vector<16xi32>
          %select_n3A_2118 = arith.select %ge3A_2114, %rev3A_2113, %masked_sort3A_1892 : vector<16xi1>, vector<16xi32>
          %masked_sort3A_2119 = arith.constant dense<true> : vector<16xi1>
          %masked_sort3A_2120 = arith.constant -2147483648 : i32
          %masked_sort3A_2121 = vector.broadcast %masked_sort3A_2120 : i32 to vector<16xi32>
          %masked_sort3A_2122 = arith.xori %select_n3A_2115, %masked_sort3A_2121 : vector<16xi32>
          %masked_sort3A_2123, %masked_sort3A_2124, %masked_sort3A_2125 = tpu.sort %masked_sort3A_2122, %select_n3A_2116 masked %masked_sort3A_2119 {descending = true} : (vector<16xi32>, vector<16xi32>, vector<16xi1>) -> (vector<16xi1>, vector<16xi32>, vector<16xi32>)
          %masked_sort3A_2126 = arith.xori %masked_sort3A_2124, %masked_sort3A_2121 : vector<16xi32>
          %masked_sort3A_2127 = arith.constant dense<true> : vector<16xi1>
          %masked_sort3A_2128 = arith.constant -2147483648 : i32
          %masked_sort3A_2129 = vector.broadcast %masked_sort3A_2128 : i32 to vector<16xi32>
          %masked_sort3A_2130 = arith.xori %select_n3A_2117, %masked_sort3A_2129 : vector<16xi32>
          %masked_sort3A_2131, %masked_sort3A_2132, %masked_sort3A_2133 = tpu.sort %masked_sort3A_2130, %select_n3A_2118 masked %masked_sort3A_2127 {descending = true} : (vector<16xi32>, vector<16xi32>, vector<16xi1>) -> (vector<16xi1>, vector<16xi32>, vector<16xi32>)
          %masked_sort3A_2134 = arith.xori %masked_sort3A_2132, %masked_sort3A_2129 : vector<16xi32>
          %rev3A_2135 = arith.constant 15 : i32
          %rev3A_2136 = vector.broadcast %rev3A_2135 : i32 to vector<16xi32>
          %rev3A_2137 = tpu.iota {dimensions = array<i32: 0>} : vector<16xi32>
          %rev3A_2138 = arith.subi %rev3A_2136, %rev3A_2137 : vector<16xi32>
          %rev3A_2139 = tpu.dynamic_gather %masked_sort3A_1917[%rev3A_2138] in [0] : vector<16xi32>, vector<16xi32> -> vector<16xi32>
          %rev3A_2140 = arith.constant 15 : i32
          %rev3A_2141 = vector.broadcast %rev3A_2140 : i32 to vector<16xi32>
          %rev3A_2142 = tpu.iota {dimensions = array<i32: 0>} : vector<16xi32>
          %rev3A_2143 = arith.subi %rev3A_2141, %rev3A_2142 : vector<16xi32>
          %rev3A_2144 = tpu.dynamic_gather %masked_sort3A_1916[%rev3A_2143] in [0] : vector<16xi32>, vector<16xi32> -> vector<16xi32>
          %ge3A_2145 = arith.cmpi sge, %masked_sort3A_1909, %rev3A_2139 : vector<16xi32>
          %select_n3A_2146 = arith.select %ge3A_2145, %masked_sort3A_1909, %rev3A_2139 : vector<16xi1>, vector<16xi32>
          %select_n3A_2147 = arith.select %ge3A_2145, %masked_sort3A_1908, %rev3A_2144 : vector<16xi1>, vector<16xi32>
          %select_n3A_2148 = arith.select %ge3A_2145, %rev3A_2139, %masked_sort3A_1909 : vector<16xi1>, vector<16xi32>
          %select_n3A_2149 = arith.select %ge3A_2145, %rev3A_2144, %masked_sort3A_1908 : vector<16xi1>, vector<16xi32>
          %masked_sort3A_2150 = arith.constant dense<true> : vector<16xi1>
          %masked_sort3A_2151 = arith.constant -2147483648 : i32
          %masked_sort3A_2152 = vector.broadcast %masked_sort3A_2151 : i32 to vector<16xi32>
          %masked_sort3A_2153 = arith.xori %select_n3A_2146, %masked_sort3A_2152 : vector<16xi32>
          %masked_sort3A_2154, %masked_sort3A_2155, %masked_sort3A_2156 = tpu.sort %masked_sort3A_2153, %select_n3A_2147 masked %masked_sort3A_2150 {descending = true} : (vector<16xi32>, vector<16xi32>, vector<16xi1>) -> (vector<16xi1>, vector<16xi32>, vector<16xi32>)
          %masked_sort3A_2157 = arith.xori %masked_sort3A_2155, %masked_sort3A_2152 : vector<16xi32>
          %masked_sort3A_2158 = arith.constant dense<true> : vector<16xi1>
          %masked_sort3A_2159 = arith.constant -2147483648 : i32
          %masked_sort3A_2160 = vector.broadcast %masked_sort3A_2159 : i32 to vector<16xi32>
          %masked_sort3A_2161 = arith.xori %select_n3A_2148, %masked_sort3A_2160 : vector<16xi32>
          %masked_sort3A_2162, %masked_sort3A_2163, %masked_sort3A_2164 = tpu.sort %masked_sort3A_2161, %select_n3A_2149 masked %masked_sort3A_2158 {descending = true} : (vector<16xi32>, vector<16xi32>, vector<16xi1>) -> (vector<16xi1>, vector<16xi32>, vector<16xi32>)
          %masked_sort3A_2165 = arith.xori %masked_sort3A_2163, %masked_sort3A_2160 : vector<16xi32>
          %rev3A_2166 = arith.constant 15 : i32
          %rev3A_2167 = vector.broadcast %rev3A_2166 : i32 to vector<16xi32>
          %rev3A_2168 = tpu.iota {dimensions = array<i32: 0>} : vector<16xi32>
          %rev3A_2169 = arith.subi %rev3A_2167, %rev3A_2168 : vector<16xi32>
          %rev3A_2170 = tpu.dynamic_gather %masked_sort3A_1979[%rev3A_2169] in [0] : vector<16xi32>, vector<16xi32> -> vector<16xi32>
          %rev3A_2171 = arith.constant 15 : i32
          %rev3A_2172 = vector.broadcast %rev3A_2171 : i32 to vector<16xi32>
          %rev3A_2173 = tpu.iota {dimensions = array<i32: 0>} : vector<16xi32>
          %rev3A_2174 = arith.subi %rev3A_2172, %rev3A_2173 : vector<16xi32>
          %rev3A_2175 = tpu.dynamic_gather %masked_sort3A_1978[%rev3A_2174] in [0] : vector<16xi32>, vector<16xi32> -> vector<16xi32>
          %ge3A_2176 = arith.cmpi sge, %masked_sort3A_1940, %rev3A_2170 : vector<16xi32>
          %select_n3A_2177 = arith.select %ge3A_2176, %masked_sort3A_1940, %rev3A_2170 : vector<16xi1>, vector<16xi32>
          %select_n3A_2178 = arith.select %ge3A_2176, %masked_sort3A_1939, %rev3A_2175 : vector<16xi1>, vector<16xi32>
          %select_n3A_2179 = arith.select %ge3A_2176, %rev3A_2170, %masked_sort3A_1940 : vector<16xi1>, vector<16xi32>
          %select_n3A_2180 = arith.select %ge3A_2176, %rev3A_2175, %masked_sort3A_1939 : vector<16xi1>, vector<16xi32>
          %rev3A_2181 = arith.constant 15 : i32
          %rev3A_2182 = vector.broadcast %rev3A_2181 : i32 to vector<16xi32>
          %rev3A_2183 = tpu.iota {dimensions = array<i32: 0>} : vector<16xi32>
          %rev3A_2184 = arith.subi %rev3A_2182, %rev3A_2183 : vector<16xi32>
          %rev3A_2185 = tpu.dynamic_gather %masked_sort3A_1971[%rev3A_2184] in [0] : vector<16xi32>, vector<16xi32> -> vector<16xi32>
          %rev3A_2186 = arith.constant 15 : i32
          %rev3A_2187 = vector.broadcast %rev3A_2186 : i32 to vector<16xi32>
          %rev3A_2188 = tpu.iota {dimensions = array<i32: 0>} : vector<16xi32>
          %rev3A_2189 = arith.subi %rev3A_2187, %rev3A_2188 : vector<16xi32>
          %rev3A_2190 = tpu.dynamic_gather %masked_sort3A_1970[%rev3A_2189] in [0] : vector<16xi32>, vector<16xi32> -> vector<16xi32>
          %ge3A_2191 = arith.cmpi sge, %masked_sort3A_1948, %rev3A_2185 : vector<16xi32>
          %select_n3A_2192 = arith.select %ge3A_2191, %masked_sort3A_1948, %rev3A_2185 : vector<16xi1>, vector<16xi32>
          %select_n3A_2193 = arith.select %ge3A_2191, %masked_sort3A_1947, %rev3A_2190 : vector<16xi1>, vector<16xi32>
          %select_n3A_2194 = arith.select %ge3A_2191, %rev3A_2185, %masked_sort3A_1948 : vector<16xi1>, vector<16xi32>
          %select_n3A_2195 = arith.select %ge3A_2191, %rev3A_2190, %masked_sort3A_1947 : vector<16xi1>, vector<16xi32>
          %ge3A_2196 = arith.cmpi sge, %select_n3A_2177, %select_n3A_2192 : vector<16xi32>
          %select_n3A_2197 = arith.select %ge3A_2196, %select_n3A_2177, %select_n3A_2192 : vector<16xi1>, vector<16xi32>
          %select_n3A_2198 = arith.select %ge3A_2196, %select_n3A_2178, %select_n3A_2193 : vector<16xi1>, vector<16xi32>
          %select_n3A_2199 = arith.select %ge3A_2196, %select_n3A_2192, %select_n3A_2177 : vector<16xi1>, vector<16xi32>
          %select_n3A_2200 = arith.select %ge3A_2196, %select_n3A_2193, %select_n3A_2178 : vector<16xi1>, vector<16xi32>
          %masked_sort3A_2201 = arith.constant dense<true> : vector<16xi1>
          %masked_sort3A_2202 = arith.constant -2147483648 : i32
          %masked_sort3A_2203 = vector.broadcast %masked_sort3A_2202 : i32 to vector<16xi32>
          %masked_sort3A_2204 = arith.xori %select_n3A_2197, %masked_sort3A_2203 : vector<16xi32>
          %masked_sort3A_2205, %masked_sort3A_2206, %masked_sort3A_2207 = tpu.sort %masked_sort3A_2204, %select_n3A_2198 masked %masked_sort3A_2201 {descending = true} : (vector<16xi32>, vector<16xi32>, vector<16xi1>) -> (vector<16xi1>, vector<16xi32>, vector<16xi32>)
          %masked_sort3A_2208 = arith.xori %masked_sort3A_2206, %masked_sort3A_2203 : vector<16xi32>
          %masked_sort3A_2209 = arith.constant dense<true> : vector<16xi1>
          %masked_sort3A_2210 = arith.constant -2147483648 : i32
          %masked_sort3A_2211 = vector.broadcast %masked_sort3A_2210 : i32 to vector<16xi32>
          %masked_sort3A_2212 = arith.xori %select_n3A_2199, %masked_sort3A_2211 : vector<16xi32>
          %masked_sort3A_2213, %masked_sort3A_2214, %masked_sort3A_2215 = tpu.sort %masked_sort3A_2212, %select_n3A_2200 masked %masked_sort3A_2209 {descending = true} : (vector<16xi32>, vector<16xi32>, vector<16xi1>) -> (vector<16xi1>, vector<16xi32>, vector<16xi32>)
          %masked_sort3A_2216 = arith.xori %masked_sort3A_2214, %masked_sort3A_2211 : vector<16xi32>
          %ge3A_2217 = arith.cmpi sge, %select_n3A_2179, %select_n3A_2194 : vector<16xi32>
          %select_n3A_2218 = arith.select %ge3A_2217, %select_n3A_2179, %select_n3A_2194 : vector<16xi1>, vector<16xi32>
          %select_n3A_2219 = arith.select %ge3A_2217, %select_n3A_2180, %select_n3A_2195 : vector<16xi1>, vector<16xi32>
          %select_n3A_2220 = arith.select %ge3A_2217, %select_n3A_2194, %select_n3A_2179 : vector<16xi1>, vector<16xi32>
          %select_n3A_2221 = arith.select %ge3A_2217, %select_n3A_2195, %select_n3A_2180 : vector<16xi1>, vector<16xi32>
          %masked_sort3A_2222 = arith.constant dense<true> : vector<16xi1>
          %masked_sort3A_2223 = arith.constant -2147483648 : i32
          %masked_sort3A_2224 = vector.broadcast %masked_sort3A_2223 : i32 to vector<16xi32>
          %masked_sort3A_2225 = arith.xori %select_n3A_2218, %masked_sort3A_2224 : vector<16xi32>
          %masked_sort3A_2226, %masked_sort3A_2227, %masked_sort3A_2228 = tpu.sort %masked_sort3A_2225, %select_n3A_2219 masked %masked_sort3A_2222 {descending = true} : (vector<16xi32>, vector<16xi32>, vector<16xi1>) -> (vector<16xi1>, vector<16xi32>, vector<16xi32>)
          %masked_sort3A_2229 = arith.xori %masked_sort3A_2227, %masked_sort3A_2224 : vector<16xi32>
          %masked_sort3A_2230 = arith.constant dense<true> : vector<16xi1>
          %masked_sort3A_2231 = arith.constant -2147483648 : i32
          %masked_sort3A_2232 = vector.broadcast %masked_sort3A_2231 : i32 to vector<16xi32>
          %masked_sort3A_2233 = arith.xori %select_n3A_2220, %masked_sort3A_2232 : vector<16xi32>
          %masked_sort3A_2234, %masked_sort3A_2235, %masked_sort3A_2236 = tpu.sort %masked_sort3A_2233, %select_n3A_2221 masked %masked_sort3A_2230 {descending = true} : (vector<16xi32>, vector<16xi32>, vector<16xi1>) -> (vector<16xi1>, vector<16xi32>, vector<16xi32>)
          %masked_sort3A_2237 = arith.xori %masked_sort3A_2235, %masked_sort3A_2232 : vector<16xi32>
          %rev3A_2238 = arith.constant 15 : i32
          %rev3A_2239 = vector.broadcast %rev3A_2238 : i32 to vector<16xi32>
          %rev3A_2240 = tpu.iota {dimensions = array<i32: 0>} : vector<16xi32>
          %rev3A_2241 = arith.subi %rev3A_2239, %rev3A_2240 : vector<16xi32>
          %rev3A_2242 = tpu.dynamic_gather %masked_sort3A_2041[%rev3A_2241] in [0] : vector<16xi32>, vector<16xi32> -> vector<16xi32>
          %rev3A_2243 = arith.constant 15 : i32
          %rev3A_2244 = vector.broadcast %rev3A_2243 : i32 to vector<16xi32>
          %rev3A_2245 = tpu.iota {dimensions = array<i32: 0>} : vector<16xi32>
          %rev3A_2246 = arith.subi %rev3A_2244, %rev3A_2245 : vector<16xi32>
          %rev3A_2247 = tpu.dynamic_gather %masked_sort3A_2040[%rev3A_2246] in [0] : vector<16xi32>, vector<16xi32> -> vector<16xi32>
          %ge3A_2248 = arith.cmpi sge, %masked_sort3A_2002, %rev3A_2242 : vector<16xi32>
          %select_n3A_2249 = arith.select %ge3A_2248, %masked_sort3A_2002, %rev3A_2242 : vector<16xi1>, vector<16xi32>
          %select_n3A_2250 = arith.select %ge3A_2248, %masked_sort3A_2001, %rev3A_2247 : vector<16xi1>, vector<16xi32>
          %select_n3A_2251 = arith.select %ge3A_2248, %rev3A_2242, %masked_sort3A_2002 : vector<16xi1>, vector<16xi32>
          %select_n3A_2252 = arith.select %ge3A_2248, %rev3A_2247, %masked_sort3A_2001 : vector<16xi1>, vector<16xi32>
          %rev3A_2253 = arith.constant 15 : i32
          %rev3A_2254 = vector.broadcast %rev3A_2253 : i32 to vector<16xi32>
          %rev3A_2255 = tpu.iota {dimensions = array<i32: 0>} : vector<16xi32>
          %rev3A_2256 = arith.subi %rev3A_2254, %rev3A_2255 : vector<16xi32>
          %rev3A_2257 = tpu.dynamic_gather %masked_sort3A_2033[%rev3A_2256] in [0] : vector<16xi32>, vector<16xi32> -> vector<16xi32>
          %rev3A_2258 = arith.constant 15 : i32
          %rev3A_2259 = vector.broadcast %rev3A_2258 : i32 to vector<16xi32>
          %rev3A_2260 = tpu.iota {dimensions = array<i32: 0>} : vector<16xi32>
          %rev3A_2261 = arith.subi %rev3A_2259, %rev3A_2260 : vector<16xi32>
          %rev3A_2262 = tpu.dynamic_gather %masked_sort3A_2032[%rev3A_2261] in [0] : vector<16xi32>, vector<16xi32> -> vector<16xi32>
          %ge3A_2263 = arith.cmpi sge, %masked_sort3A_2010, %rev3A_2257 : vector<16xi32>
          %select_n3A_2264 = arith.select %ge3A_2263, %masked_sort3A_2010, %rev3A_2257 : vector<16xi1>, vector<16xi32>
          %select_n3A_2265 = arith.select %ge3A_2263, %masked_sort3A_2009, %rev3A_2262 : vector<16xi1>, vector<16xi32>
          %select_n3A_2266 = arith.select %ge3A_2263, %rev3A_2257, %masked_sort3A_2010 : vector<16xi1>, vector<16xi32>
          %select_n3A_2267 = arith.select %ge3A_2263, %rev3A_2262, %masked_sort3A_2009 : vector<16xi1>, vector<16xi32>
          %ge3A_2268 = arith.cmpi sge, %select_n3A_2249, %select_n3A_2264 : vector<16xi32>
          %select_n3A_2269 = arith.select %ge3A_2268, %select_n3A_2249, %select_n3A_2264 : vector<16xi1>, vector<16xi32>
          %select_n3A_2270 = arith.select %ge3A_2268, %select_n3A_2250, %select_n3A_2265 : vector<16xi1>, vector<16xi32>
          %select_n3A_2271 = arith.select %ge3A_2268, %select_n3A_2264, %select_n3A_2249 : vector<16xi1>, vector<16xi32>
          %select_n3A_2272 = arith.select %ge3A_2268, %select_n3A_2265, %select_n3A_2250 : vector<16xi1>, vector<16xi32>
          %masked_sort3A_2273 = arith.constant dense<true> : vector<16xi1>
          %masked_sort3A_2274 = arith.constant -2147483648 : i32
          %masked_sort3A_2275 = vector.broadcast %masked_sort3A_2274 : i32 to vector<16xi32>
          %masked_sort3A_2276 = arith.xori %select_n3A_2269, %masked_sort3A_2275 : vector<16xi32>
          %masked_sort3A_2277, %masked_sort3A_2278, %masked_sort3A_2279 = tpu.sort %masked_sort3A_2276, %select_n3A_2270 masked %masked_sort3A_2273 {descending = true} : (vector<16xi32>, vector<16xi32>, vector<16xi1>) -> (vector<16xi1>, vector<16xi32>, vector<16xi32>)
          %masked_sort3A_2280 = arith.xori %masked_sort3A_2278, %masked_sort3A_2275 : vector<16xi32>
          %masked_sort3A_2281 = arith.constant dense<true> : vector<16xi1>
          %masked_sort3A_2282 = arith.constant -2147483648 : i32
          %masked_sort3A_2283 = vector.broadcast %masked_sort3A_2282 : i32 to vector<16xi32>
          %masked_sort3A_2284 = arith.xori %select_n3A_2271, %masked_sort3A_2283 : vector<16xi32>
          %masked_sort3A_2285, %masked_sort3A_2286, %masked_sort3A_2287 = tpu.sort %masked_sort3A_2284, %select_n3A_2272 masked %masked_sort3A_2281 {descending = true} : (vector<16xi32>, vector<16xi32>, vector<16xi1>) -> (vector<16xi1>, vector<16xi32>, vector<16xi32>)
          %masked_sort3A_2288 = arith.xori %masked_sort3A_2286, %masked_sort3A_2283 : vector<16xi32>
          %ge3A_2289 = arith.cmpi sge, %select_n3A_2251, %select_n3A_2266 : vector<16xi32>
          %select_n3A_2290 = arith.select %ge3A_2289, %select_n3A_2251, %select_n3A_2266 : vector<16xi1>, vector<16xi32>
          %select_n3A_2291 = arith.select %ge3A_2289, %select_n3A_2252, %select_n3A_2267 : vector<16xi1>, vector<16xi32>
          %select_n3A_2292 = arith.select %ge3A_2289, %select_n3A_2266, %select_n3A_2251 : vector<16xi1>, vector<16xi32>
          %select_n3A_2293 = arith.select %ge3A_2289, %select_n3A_2267, %select_n3A_2252 : vector<16xi1>, vector<16xi32>
          %masked_sort3A_2294 = arith.constant dense<true> : vector<16xi1>
          %masked_sort3A_2295 = arith.constant -2147483648 : i32
          %masked_sort3A_2296 = vector.broadcast %masked_sort3A_2295 : i32 to vector<16xi32>
          %masked_sort3A_2297 = arith.xori %select_n3A_2290, %masked_sort3A_2296 : vector<16xi32>
          %masked_sort3A_2298, %masked_sort3A_2299, %masked_sort3A_2300 = tpu.sort %masked_sort3A_2297, %select_n3A_2291 masked %masked_sort3A_2294 {descending = true} : (vector<16xi32>, vector<16xi32>, vector<16xi1>) -> (vector<16xi1>, vector<16xi32>, vector<16xi32>)
          %masked_sort3A_2301 = arith.xori %masked_sort3A_2299, %masked_sort3A_2296 : vector<16xi32>
          %masked_sort3A_2302 = arith.constant dense<true> : vector<16xi1>
          %masked_sort3A_2303 = arith.constant -2147483648 : i32
          %masked_sort3A_2304 = vector.broadcast %masked_sort3A_2303 : i32 to vector<16xi32>
          %masked_sort3A_2305 = arith.xori %select_n3A_2292, %masked_sort3A_2304 : vector<16xi32>
          %masked_sort3A_2306, %masked_sort3A_2307, %masked_sort3A_2308 = tpu.sort %masked_sort3A_2305, %select_n3A_2293 masked %masked_sort3A_2302 {descending = true} : (vector<16xi32>, vector<16xi32>, vector<16xi1>) -> (vector<16xi1>, vector<16xi32>, vector<16xi32>)
          %masked_sort3A_2309 = arith.xori %masked_sort3A_2307, %masked_sort3A_2304 : vector<16xi32>
          %rev3A_2310 = arith.constant 15 : i32
          %rev3A_2311 = vector.broadcast %rev3A_2310 : i32 to vector<16xi32>
          %rev3A_2312 = tpu.iota {dimensions = array<i32: 0>} : vector<16xi32>
          %rev3A_2313 = arith.subi %rev3A_2311, %rev3A_2312 : vector<16xi32>
          %rev3A_2314 = tpu.dynamic_gather %masked_sort3A_2103[%rev3A_2313] in [0] : vector<16xi32>, vector<16xi32> -> vector<16xi32>
          %rev3A_2315 = arith.constant 15 : i32
          %rev3A_2316 = vector.broadcast %rev3A_2315 : i32 to vector<16xi32>
          %rev3A_2317 = tpu.iota {dimensions = array<i32: 0>} : vector<16xi32>
          %rev3A_2318 = arith.subi %rev3A_2316, %rev3A_2317 : vector<16xi32>
          %rev3A_2319 = tpu.dynamic_gather %masked_sort3A_2102[%rev3A_2318] in [0] : vector<16xi32>, vector<16xi32> -> vector<16xi32>
          %ge3A_2320 = arith.cmpi sge, %masked_sort3A_2064, %rev3A_2314 : vector<16xi32>
          %select_n3A_2321 = arith.select %ge3A_2320, %masked_sort3A_2064, %rev3A_2314 : vector<16xi1>, vector<16xi32>
          %select_n3A_2322 = arith.select %ge3A_2320, %masked_sort3A_2063, %rev3A_2319 : vector<16xi1>, vector<16xi32>
          %select_n3A_2323 = arith.select %ge3A_2320, %rev3A_2314, %masked_sort3A_2064 : vector<16xi1>, vector<16xi32>
          %select_n3A_2324 = arith.select %ge3A_2320, %rev3A_2319, %masked_sort3A_2063 : vector<16xi1>, vector<16xi32>
          %rev3A_2325 = arith.constant 15 : i32
          %rev3A_2326 = vector.broadcast %rev3A_2325 : i32 to vector<16xi32>
          %rev3A_2327 = tpu.iota {dimensions = array<i32: 0>} : vector<16xi32>
          %rev3A_2328 = arith.subi %rev3A_2326, %rev3A_2327 : vector<16xi32>
          %rev3A_2329 = tpu.dynamic_gather %masked_sort3A_2095[%rev3A_2328] in [0] : vector<16xi32>, vector<16xi32> -> vector<16xi32>
          %rev3A_2330 = arith.constant 15 : i32
          %rev3A_2331 = vector.broadcast %rev3A_2330 : i32 to vector<16xi32>
          %rev3A_2332 = tpu.iota {dimensions = array<i32: 0>} : vector<16xi32>
          %rev3A_2333 = arith.subi %rev3A_2331, %rev3A_2332 : vector<16xi32>
          %rev3A_2334 = tpu.dynamic_gather %masked_sort3A_2094[%rev3A_2333] in [0] : vector<16xi32>, vector<16xi32> -> vector<16xi32>
          %ge3A_2335 = arith.cmpi sge, %masked_sort3A_2072, %rev3A_2329 : vector<16xi32>
          %select_n3A_2336 = arith.select %ge3A_2335, %masked_sort3A_2072, %rev3A_2329 : vector<16xi1>, vector<16xi32>
          %select_n3A_2337 = arith.select %ge3A_2335, %masked_sort3A_2071, %rev3A_2334 : vector<16xi1>, vector<16xi32>
          %select_n3A_2338 = arith.select %ge3A_2335, %rev3A_2329, %masked_sort3A_2072 : vector<16xi1>, vector<16xi32>
          %select_n3A_2339 = arith.select %ge3A_2335, %rev3A_2334, %masked_sort3A_2071 : vector<16xi1>, vector<16xi32>
          %ge3A_2340 = arith.cmpi sge, %select_n3A_2321, %select_n3A_2336 : vector<16xi32>
          %select_n3A_2341 = arith.select %ge3A_2340, %select_n3A_2321, %select_n3A_2336 : vector<16xi1>, vector<16xi32>
          %select_n3A_2342 = arith.select %ge3A_2340, %select_n3A_2322, %select_n3A_2337 : vector<16xi1>, vector<16xi32>
          %select_n3A_2343 = arith.select %ge3A_2340, %select_n3A_2336, %select_n3A_2321 : vector<16xi1>, vector<16xi32>
          %select_n3A_2344 = arith.select %ge3A_2340, %select_n3A_2337, %select_n3A_2322 : vector<16xi1>, vector<16xi32>
          %masked_sort3A_2345 = arith.constant dense<true> : vector<16xi1>
          %masked_sort3A_2346 = arith.constant -2147483648 : i32
          %masked_sort3A_2347 = vector.broadcast %masked_sort3A_2346 : i32 to vector<16xi32>
          %masked_sort3A_2348 = arith.xori %select_n3A_2341, %masked_sort3A_2347 : vector<16xi32>
          %masked_sort3A_2349, %masked_sort3A_2350, %masked_sort3A_2351 = tpu.sort %masked_sort3A_2348, %select_n3A_2342 masked %masked_sort3A_2345 {descending = true} : (vector<16xi32>, vector<16xi32>, vector<16xi1>) -> (vector<16xi1>, vector<16xi32>, vector<16xi32>)
          %masked_sort3A_2352 = arith.xori %masked_sort3A_2350, %masked_sort3A_2347 : vector<16xi32>
          %masked_sort3A_2353 = arith.constant dense<true> : vector<16xi1>
          %masked_sort3A_2354 = arith.constant -2147483648 : i32
          %masked_sort3A_2355 = vector.broadcast %masked_sort3A_2354 : i32 to vector<16xi32>
          %masked_sort3A_2356 = arith.xori %select_n3A_2343, %masked_sort3A_2355 : vector<16xi32>
          %masked_sort3A_2357, %masked_sort3A_2358, %masked_sort3A_2359 = tpu.sort %masked_sort3A_2356, %select_n3A_2344 masked %masked_sort3A_2353 {descending = true} : (vector<16xi32>, vector<16xi32>, vector<16xi1>) -> (vector<16xi1>, vector<16xi32>, vector<16xi32>)
          %masked_sort3A_2360 = arith.xori %masked_sort3A_2358, %masked_sort3A_2355 : vector<16xi32>
          %ge3A_2361 = arith.cmpi sge, %select_n3A_2323, %select_n3A_2338 : vector<16xi32>
          %select_n3A_2362 = arith.select %ge3A_2361, %select_n3A_2323, %select_n3A_2338 : vector<16xi1>, vector<16xi32>
          %select_n3A_2363 = arith.select %ge3A_2361, %select_n3A_2324, %select_n3A_2339 : vector<16xi1>, vector<16xi32>
          %select_n3A_2364 = arith.select %ge3A_2361, %select_n3A_2338, %select_n3A_2323 : vector<16xi1>, vector<16xi32>
          %select_n3A_2365 = arith.select %ge3A_2361, %select_n3A_2339, %select_n3A_2324 : vector<16xi1>, vector<16xi32>
          %masked_sort3A_2366 = arith.constant dense<true> : vector<16xi1>
          %masked_sort3A_2367 = arith.constant -2147483648 : i32
          %masked_sort3A_2368 = vector.broadcast %masked_sort3A_2367 : i32 to vector<16xi32>
          %masked_sort3A_2369 = arith.xori %select_n3A_2362, %masked_sort3A_2368 : vector<16xi32>
          %masked_sort3A_2370, %masked_sort3A_2371, %masked_sort3A_2372 = tpu.sort %masked_sort3A_2369, %select_n3A_2363 masked %masked_sort3A_2366 {descending = true} : (vector<16xi32>, vector<16xi32>, vector<16xi1>) -> (vector<16xi1>, vector<16xi32>, vector<16xi32>)
          %masked_sort3A_2373 = arith.xori %masked_sort3A_2371, %masked_sort3A_2368 : vector<16xi32>
          %masked_sort3A_2374 = arith.constant dense<true> : vector<16xi1>
          %masked_sort3A_2375 = arith.constant -2147483648 : i32
          %masked_sort3A_2376 = vector.broadcast %masked_sort3A_2375 : i32 to vector<16xi32>
          %masked_sort3A_2377 = arith.xori %select_n3A_2364, %masked_sort3A_2376 : vector<16xi32>
          %masked_sort3A_2378, %masked_sort3A_2379, %masked_sort3A_2380 = tpu.sort %masked_sort3A_2377, %select_n3A_2365 masked %masked_sort3A_2374 {descending = true} : (vector<16xi32>, vector<16xi32>, vector<16xi1>) -> (vector<16xi1>, vector<16xi32>, vector<16xi32>)
          %masked_sort3A_2381 = arith.xori %masked_sort3A_2379, %masked_sort3A_2376 : vector<16xi32>
          %rev3A_2382 = arith.constant 15 : i32
          %rev3A_2383 = vector.broadcast %rev3A_2382 : i32 to vector<16xi32>
          %rev3A_2384 = tpu.iota {dimensions = array<i32: 0>} : vector<16xi32>
          %rev3A_2385 = arith.subi %rev3A_2383, %rev3A_2384 : vector<16xi32>
          %rev3A_2386 = tpu.dynamic_gather %masked_sort3A_2165[%rev3A_2385] in [0] : vector<16xi32>, vector<16xi32> -> vector<16xi32>
          %rev3A_2387 = arith.constant 15 : i32
          %rev3A_2388 = vector.broadcast %rev3A_2387 : i32 to vector<16xi32>
          %rev3A_2389 = tpu.iota {dimensions = array<i32: 0>} : vector<16xi32>
          %rev3A_2390 = arith.subi %rev3A_2388, %rev3A_2389 : vector<16xi32>
          %rev3A_2391 = tpu.dynamic_gather %masked_sort3A_2164[%rev3A_2390] in [0] : vector<16xi32>, vector<16xi32> -> vector<16xi32>
          %ge3A_2392 = arith.cmpi sge, %masked_sort3A_2126, %rev3A_2386 : vector<16xi32>
          %select_n3A_2393 = arith.select %ge3A_2392, %masked_sort3A_2126, %rev3A_2386 : vector<16xi1>, vector<16xi32>
          %select_n3A_2394 = arith.select %ge3A_2392, %masked_sort3A_2125, %rev3A_2391 : vector<16xi1>, vector<16xi32>
          %select_n3A_2395 = arith.select %ge3A_2392, %rev3A_2386, %masked_sort3A_2126 : vector<16xi1>, vector<16xi32>
          %select_n3A_2396 = arith.select %ge3A_2392, %rev3A_2391, %masked_sort3A_2125 : vector<16xi1>, vector<16xi32>
          %rev3A_2397 = arith.constant 15 : i32
          %rev3A_2398 = vector.broadcast %rev3A_2397 : i32 to vector<16xi32>
          %rev3A_2399 = tpu.iota {dimensions = array<i32: 0>} : vector<16xi32>
          %rev3A_2400 = arith.subi %rev3A_2398, %rev3A_2399 : vector<16xi32>
          %rev3A_2401 = tpu.dynamic_gather %masked_sort3A_2157[%rev3A_2400] in [0] : vector<16xi32>, vector<16xi32> -> vector<16xi32>
          %rev3A_2402 = arith.constant 15 : i32
          %rev3A_2403 = vector.broadcast %rev3A_2402 : i32 to vector<16xi32>
          %rev3A_2404 = tpu.iota {dimensions = array<i32: 0>} : vector<16xi32>
          %rev3A_2405 = arith.subi %rev3A_2403, %rev3A_2404 : vector<16xi32>
          %rev3A_2406 = tpu.dynamic_gather %masked_sort3A_2156[%rev3A_2405] in [0] : vector<16xi32>, vector<16xi32> -> vector<16xi32>
          %ge3A_2407 = arith.cmpi sge, %masked_sort3A_2134, %rev3A_2401 : vector<16xi32>
          %select_n3A_2408 = arith.select %ge3A_2407, %masked_sort3A_2134, %rev3A_2401 : vector<16xi1>, vector<16xi32>
          %select_n3A_2409 = arith.select %ge3A_2407, %masked_sort3A_2133, %rev3A_2406 : vector<16xi1>, vector<16xi32>
          %select_n3A_2410 = arith.select %ge3A_2407, %rev3A_2401, %masked_sort3A_2134 : vector<16xi1>, vector<16xi32>
          %select_n3A_2411 = arith.select %ge3A_2407, %rev3A_2406, %masked_sort3A_2133 : vector<16xi1>, vector<16xi32>
          %ge3A_2412 = arith.cmpi sge, %select_n3A_2393, %select_n3A_2408 : vector<16xi32>
          %select_n3A_2413 = arith.select %ge3A_2412, %select_n3A_2393, %select_n3A_2408 : vector<16xi1>, vector<16xi32>
          %select_n3A_2414 = arith.select %ge3A_2412, %select_n3A_2394, %select_n3A_2409 : vector<16xi1>, vector<16xi32>
          %select_n3A_2415 = arith.select %ge3A_2412, %select_n3A_2408, %select_n3A_2393 : vector<16xi1>, vector<16xi32>
          %select_n3A_2416 = arith.select %ge3A_2412, %select_n3A_2409, %select_n3A_2394 : vector<16xi1>, vector<16xi32>
          %masked_sort3A_2417 = arith.constant dense<true> : vector<16xi1>
          %masked_sort3A_2418 = arith.constant -2147483648 : i32
          %masked_sort3A_2419 = vector.broadcast %masked_sort3A_2418 : i32 to vector<16xi32>
          %masked_sort3A_2420 = arith.xori %select_n3A_2413, %masked_sort3A_2419 : vector<16xi32>
          %masked_sort3A_2421, %masked_sort3A_2422, %masked_sort3A_2423 = tpu.sort %masked_sort3A_2420, %select_n3A_2414 masked %masked_sort3A_2417 {descending = true} : (vector<16xi32>, vector<16xi32>, vector<16xi1>) -> (vector<16xi1>, vector<16xi32>, vector<16xi32>)
          %masked_sort3A_2424 = arith.xori %masked_sort3A_2422, %masked_sort3A_2419 : vector<16xi32>
          %masked_sort3A_2425 = arith.constant dense<true> : vector<16xi1>
          %masked_sort3A_2426 = arith.constant -2147483648 : i32
          %masked_sort3A_2427 = vector.broadcast %masked_sort3A_2426 : i32 to vector<16xi32>
          %masked_sort3A_2428 = arith.xori %select_n3A_2415, %masked_sort3A_2427 : vector<16xi32>
          %masked_sort3A_2429, %masked_sort3A_2430, %masked_sort3A_2431 = tpu.sort %masked_sort3A_2428, %select_n3A_2416 masked %masked_sort3A_2425 {descending = true} : (vector<16xi32>, vector<16xi32>, vector<16xi1>) -> (vector<16xi1>, vector<16xi32>, vector<16xi32>)
          %masked_sort3A_2432 = arith.xori %masked_sort3A_2430, %masked_sort3A_2427 : vector<16xi32>
          %ge3A_2433 = arith.cmpi sge, %select_n3A_2395, %select_n3A_2410 : vector<16xi32>
          %select_n3A_2434 = arith.select %ge3A_2433, %select_n3A_2395, %select_n3A_2410 : vector<16xi1>, vector<16xi32>
          %select_n3A_2435 = arith.select %ge3A_2433, %select_n3A_2396, %select_n3A_2411 : vector<16xi1>, vector<16xi32>
          %select_n3A_2436 = arith.select %ge3A_2433, %select_n3A_2410, %select_n3A_2395 : vector<16xi1>, vector<16xi32>
          %select_n3A_2437 = arith.select %ge3A_2433, %select_n3A_2411, %select_n3A_2396 : vector<16xi1>, vector<16xi32>
          %masked_sort3A_2438 = arith.constant dense<true> : vector<16xi1>
          %masked_sort3A_2439 = arith.constant -2147483648 : i32
          %masked_sort3A_2440 = vector.broadcast %masked_sort3A_2439 : i32 to vector<16xi32>
          %masked_sort3A_2441 = arith.xori %select_n3A_2434, %masked_sort3A_2440 : vector<16xi32>
          %masked_sort3A_2442, %masked_sort3A_2443, %masked_sort3A_2444 = tpu.sort %masked_sort3A_2441, %select_n3A_2435 masked %masked_sort3A_2438 {descending = true} : (vector<16xi32>, vector<16xi32>, vector<16xi1>) -> (vector<16xi1>, vector<16xi32>, vector<16xi32>)
          %masked_sort3A_2445 = arith.xori %masked_sort3A_2443, %masked_sort3A_2440 : vector<16xi32>
          %masked_sort3A_2446 = arith.constant dense<true> : vector<16xi1>
          %masked_sort3A_2447 = arith.constant -2147483648 : i32
          %masked_sort3A_2448 = vector.broadcast %masked_sort3A_2447 : i32 to vector<16xi32>
          %masked_sort3A_2449 = arith.xori %select_n3A_2436, %masked_sort3A_2448 : vector<16xi32>
          %masked_sort3A_2450, %masked_sort3A_2451, %masked_sort3A_2452 = tpu.sort %masked_sort3A_2449, %select_n3A_2437 masked %masked_sort3A_2446 {descending = true} : (vector<16xi32>, vector<16xi32>, vector<16xi1>) -> (vector<16xi1>, vector<16xi32>, vector<16xi32>)
          %masked_sort3A_2453 = arith.xori %masked_sort3A_2451, %masked_sort3A_2448 : vector<16xi32>
          %rev3A_2454 = arith.constant 15 : i32
          %rev3A_2455 = vector.broadcast %rev3A_2454 : i32 to vector<16xi32>
          %rev3A_2456 = tpu.iota {dimensions = array<i32: 0>} : vector<16xi32>
          %rev3A_2457 = arith.subi %rev3A_2455, %rev3A_2456 : vector<16xi32>
          %rev3A_2458 = tpu.dynamic_gather %masked_sort3A_2309[%rev3A_2457] in [0] : vector<16xi32>, vector<16xi32> -> vector<16xi32>
          %rev3A_2459 = arith.constant 15 : i32
          %rev3A_2460 = vector.broadcast %rev3A_2459 : i32 to vector<16xi32>
          %rev3A_2461 = tpu.iota {dimensions = array<i32: 0>} : vector<16xi32>
          %rev3A_2462 = arith.subi %rev3A_2460, %rev3A_2461 : vector<16xi32>
          %rev3A_2463 = tpu.dynamic_gather %masked_sort3A_2308[%rev3A_2462] in [0] : vector<16xi32>, vector<16xi32> -> vector<16xi32>
          %ge3A_2464 = arith.cmpi sge, %masked_sort3A_2208, %rev3A_2458 : vector<16xi32>
          %select_n3A_2465 = arith.select %ge3A_2464, %masked_sort3A_2208, %rev3A_2458 : vector<16xi1>, vector<16xi32>
          %select_n3A_2466 = arith.select %ge3A_2464, %masked_sort3A_2207, %rev3A_2463 : vector<16xi1>, vector<16xi32>
          %select_n3A_2467 = arith.select %ge3A_2464, %rev3A_2458, %masked_sort3A_2208 : vector<16xi1>, vector<16xi32>
          %select_n3A_2468 = arith.select %ge3A_2464, %rev3A_2463, %masked_sort3A_2207 : vector<16xi1>, vector<16xi32>
          %rev3A_2469 = arith.constant 15 : i32
          %rev3A_2470 = vector.broadcast %rev3A_2469 : i32 to vector<16xi32>
          %rev3A_2471 = tpu.iota {dimensions = array<i32: 0>} : vector<16xi32>
          %rev3A_2472 = arith.subi %rev3A_2470, %rev3A_2471 : vector<16xi32>
          %rev3A_2473 = tpu.dynamic_gather %masked_sort3A_2301[%rev3A_2472] in [0] : vector<16xi32>, vector<16xi32> -> vector<16xi32>
          %rev3A_2474 = arith.constant 15 : i32
          %rev3A_2475 = vector.broadcast %rev3A_2474 : i32 to vector<16xi32>
          %rev3A_2476 = tpu.iota {dimensions = array<i32: 0>} : vector<16xi32>
          %rev3A_2477 = arith.subi %rev3A_2475, %rev3A_2476 : vector<16xi32>
          %rev3A_2478 = tpu.dynamic_gather %masked_sort3A_2300[%rev3A_2477] in [0] : vector<16xi32>, vector<16xi32> -> vector<16xi32>
          %ge3A_2479 = arith.cmpi sge, %masked_sort3A_2216, %rev3A_2473 : vector<16xi32>
          %select_n3A_2480 = arith.select %ge3A_2479, %masked_sort3A_2216, %rev3A_2473 : vector<16xi1>, vector<16xi32>
          %select_n3A_2481 = arith.select %ge3A_2479, %masked_sort3A_2215, %rev3A_2478 : vector<16xi1>, vector<16xi32>
          %select_n3A_2482 = arith.select %ge3A_2479, %rev3A_2473, %masked_sort3A_2216 : vector<16xi1>, vector<16xi32>
          %select_n3A_2483 = arith.select %ge3A_2479, %rev3A_2478, %masked_sort3A_2215 : vector<16xi1>, vector<16xi32>
          %rev3A_2484 = arith.constant 15 : i32
          %rev3A_2485 = vector.broadcast %rev3A_2484 : i32 to vector<16xi32>
          %rev3A_2486 = tpu.iota {dimensions = array<i32: 0>} : vector<16xi32>
          %rev3A_2487 = arith.subi %rev3A_2485, %rev3A_2486 : vector<16xi32>
          %rev3A_2488 = tpu.dynamic_gather %masked_sort3A_2288[%rev3A_2487] in [0] : vector<16xi32>, vector<16xi32> -> vector<16xi32>
          %rev3A_2489 = arith.constant 15 : i32
          %rev3A_2490 = vector.broadcast %rev3A_2489 : i32 to vector<16xi32>
          %rev3A_2491 = tpu.iota {dimensions = array<i32: 0>} : vector<16xi32>
          %rev3A_2492 = arith.subi %rev3A_2490, %rev3A_2491 : vector<16xi32>
          %rev3A_2493 = tpu.dynamic_gather %masked_sort3A_2287[%rev3A_2492] in [0] : vector<16xi32>, vector<16xi32> -> vector<16xi32>
          %ge3A_2494 = arith.cmpi sge, %masked_sort3A_2229, %rev3A_2488 : vector<16xi32>
          %select_n3A_2495 = arith.select %ge3A_2494, %masked_sort3A_2229, %rev3A_2488 : vector<16xi1>, vector<16xi32>
          %select_n3A_2496 = arith.select %ge3A_2494, %masked_sort3A_2228, %rev3A_2493 : vector<16xi1>, vector<16xi32>
          %select_n3A_2497 = arith.select %ge3A_2494, %rev3A_2488, %masked_sort3A_2229 : vector<16xi1>, vector<16xi32>
          %select_n3A_2498 = arith.select %ge3A_2494, %rev3A_2493, %masked_sort3A_2228 : vector<16xi1>, vector<16xi32>
          %rev3A_2499 = arith.constant 15 : i32
          %rev3A_2500 = vector.broadcast %rev3A_2499 : i32 to vector<16xi32>
          %rev3A_2501 = tpu.iota {dimensions = array<i32: 0>} : vector<16xi32>
          %rev3A_2502 = arith.subi %rev3A_2500, %rev3A_2501 : vector<16xi32>
          %rev3A_2503 = tpu.dynamic_gather %masked_sort3A_2280[%rev3A_2502] in [0] : vector<16xi32>, vector<16xi32> -> vector<16xi32>
          %rev3A_2504 = arith.constant 15 : i32
          %rev3A_2505 = vector.broadcast %rev3A_2504 : i32 to vector<16xi32>
          %rev3A_2506 = tpu.iota {dimensions = array<i32: 0>} : vector<16xi32>
          %rev3A_2507 = arith.subi %rev3A_2505, %rev3A_2506 : vector<16xi32>
          %rev3A_2508 = tpu.dynamic_gather %masked_sort3A_2279[%rev3A_2507] in [0] : vector<16xi32>, vector<16xi32> -> vector<16xi32>
          %ge3A_2509 = arith.cmpi sge, %masked_sort3A_2237, %rev3A_2503 : vector<16xi32>
          %select_n3A_2510 = arith.select %ge3A_2509, %masked_sort3A_2237, %rev3A_2503 : vector<16xi1>, vector<16xi32>
          %select_n3A_2511 = arith.select %ge3A_2509, %masked_sort3A_2236, %rev3A_2508 : vector<16xi1>, vector<16xi32>
          %select_n3A_2512 = arith.select %ge3A_2509, %rev3A_2503, %masked_sort3A_2237 : vector<16xi1>, vector<16xi32>
          %select_n3A_2513 = arith.select %ge3A_2509, %rev3A_2508, %masked_sort3A_2236 : vector<16xi1>, vector<16xi32>
          %ge3A_2514 = arith.cmpi sge, %select_n3A_2465, %select_n3A_2495 : vector<16xi32>
          %select_n3A_2515 = arith.select %ge3A_2514, %select_n3A_2465, %select_n3A_2495 : vector<16xi1>, vector<16xi32>
          %select_n3A_2516 = arith.select %ge3A_2514, %select_n3A_2466, %select_n3A_2496 : vector<16xi1>, vector<16xi32>
          %select_n3A_2517 = arith.select %ge3A_2514, %select_n3A_2495, %select_n3A_2465 : vector<16xi1>, vector<16xi32>
          %select_n3A_2518 = arith.select %ge3A_2514, %select_n3A_2496, %select_n3A_2466 : vector<16xi1>, vector<16xi32>
          %ge3A_2519 = arith.cmpi sge, %select_n3A_2480, %select_n3A_2510 : vector<16xi32>
          %select_n3A_2520 = arith.select %ge3A_2519, %select_n3A_2480, %select_n3A_2510 : vector<16xi1>, vector<16xi32>
          %select_n3A_2521 = arith.select %ge3A_2519, %select_n3A_2481, %select_n3A_2511 : vector<16xi1>, vector<16xi32>
          %select_n3A_2522 = arith.select %ge3A_2519, %select_n3A_2510, %select_n3A_2480 : vector<16xi1>, vector<16xi32>
          %select_n3A_2523 = arith.select %ge3A_2519, %select_n3A_2511, %select_n3A_2481 : vector<16xi1>, vector<16xi32>
          %ge3A_2524 = arith.cmpi sge, %select_n3A_2515, %select_n3A_2520 : vector<16xi32>
          %select_n3A_2525 = arith.select %ge3A_2524, %select_n3A_2515, %select_n3A_2520 : vector<16xi1>, vector<16xi32>
          %select_n3A_2526 = arith.select %ge3A_2524, %select_n3A_2516, %select_n3A_2521 : vector<16xi1>, vector<16xi32>
          %select_n3A_2527 = arith.select %ge3A_2524, %select_n3A_2520, %select_n3A_2515 : vector<16xi1>, vector<16xi32>
          %select_n3A_2528 = arith.select %ge3A_2524, %select_n3A_2521, %select_n3A_2516 : vector<16xi1>, vector<16xi32>
          %masked_sort3A_2529 = arith.constant dense<true> : vector<16xi1>
          %masked_sort3A_2530 = arith.constant -2147483648 : i32
          %masked_sort3A_2531 = vector.broadcast %masked_sort3A_2530 : i32 to vector<16xi32>
          %masked_sort3A_2532 = arith.xori %select_n3A_2525, %masked_sort3A_2531 : vector<16xi32>
          %masked_sort3A_2533, %masked_sort3A_2534, %masked_sort3A_2535 = tpu.sort %masked_sort3A_2532, %select_n3A_2526 masked %masked_sort3A_2529 {descending = true} : (vector<16xi32>, vector<16xi32>, vector<16xi1>) -> (vector<16xi1>, vector<16xi32>, vector<16xi32>)
          %masked_sort3A_2536 = arith.xori %masked_sort3A_2534, %masked_sort3A_2531 : vector<16xi32>
          %masked_sort3A_2537 = arith.constant dense<true> : vector<16xi1>
          %masked_sort3A_2538 = arith.constant -2147483648 : i32
          %masked_sort3A_2539 = vector.broadcast %masked_sort3A_2538 : i32 to vector<16xi32>
          %masked_sort3A_2540 = arith.xori %select_n3A_2527, %masked_sort3A_2539 : vector<16xi32>
          %masked_sort3A_2541, %masked_sort3A_2542, %masked_sort3A_2543 = tpu.sort %masked_sort3A_2540, %select_n3A_2528 masked %masked_sort3A_2537 {descending = true} : (vector<16xi32>, vector<16xi32>, vector<16xi1>) -> (vector<16xi1>, vector<16xi32>, vector<16xi32>)
          %masked_sort3A_2544 = arith.xori %masked_sort3A_2542, %masked_sort3A_2539 : vector<16xi32>
          %ge3A_2545 = arith.cmpi sge, %select_n3A_2517, %select_n3A_2522 : vector<16xi32>
          %select_n3A_2546 = arith.select %ge3A_2545, %select_n3A_2517, %select_n3A_2522 : vector<16xi1>, vector<16xi32>
          %select_n3A_2547 = arith.select %ge3A_2545, %select_n3A_2518, %select_n3A_2523 : vector<16xi1>, vector<16xi32>
          %select_n3A_2548 = arith.select %ge3A_2545, %select_n3A_2522, %select_n3A_2517 : vector<16xi1>, vector<16xi32>
          %select_n3A_2549 = arith.select %ge3A_2545, %select_n3A_2523, %select_n3A_2518 : vector<16xi1>, vector<16xi32>
          %masked_sort3A_2550 = arith.constant dense<true> : vector<16xi1>
          %masked_sort3A_2551 = arith.constant -2147483648 : i32
          %masked_sort3A_2552 = vector.broadcast %masked_sort3A_2551 : i32 to vector<16xi32>
          %masked_sort3A_2553 = arith.xori %select_n3A_2546, %masked_sort3A_2552 : vector<16xi32>
          %masked_sort3A_2554, %masked_sort3A_2555, %masked_sort3A_2556 = tpu.sort %masked_sort3A_2553, %select_n3A_2547 masked %masked_sort3A_2550 {descending = true} : (vector<16xi32>, vector<16xi32>, vector<16xi1>) -> (vector<16xi1>, vector<16xi32>, vector<16xi32>)
          %masked_sort3A_2557 = arith.xori %masked_sort3A_2555, %masked_sort3A_2552 : vector<16xi32>
          %masked_sort3A_2558 = arith.constant dense<true> : vector<16xi1>
          %masked_sort3A_2559 = arith.constant -2147483648 : i32
          %masked_sort3A_2560 = vector.broadcast %masked_sort3A_2559 : i32 to vector<16xi32>
          %masked_sort3A_2561 = arith.xori %select_n3A_2548, %masked_sort3A_2560 : vector<16xi32>
          %masked_sort3A_2562, %masked_sort3A_2563, %masked_sort3A_2564 = tpu.sort %masked_sort3A_2561, %select_n3A_2549 masked %masked_sort3A_2558 {descending = true} : (vector<16xi32>, vector<16xi32>, vector<16xi1>) -> (vector<16xi1>, vector<16xi32>, vector<16xi32>)
          %masked_sort3A_2565 = arith.xori %masked_sort3A_2563, %masked_sort3A_2560 : vector<16xi32>
          %rev3A_2566 = arith.constant 15 : i32
          %rev3A_2567 = vector.broadcast %rev3A_2566 : i32 to vector<16xi32>
          %rev3A_2568 = tpu.iota {dimensions = array<i32: 0>} : vector<16xi32>
          %rev3A_2569 = arith.subi %rev3A_2567, %rev3A_2568 : vector<16xi32>
          %rev3A_2570 = tpu.dynamic_gather %masked_sort3A_2453[%rev3A_2569] in [0] : vector<16xi32>, vector<16xi32> -> vector<16xi32>
          %rev3A_2571 = arith.constant 15 : i32
          %rev3A_2572 = vector.broadcast %rev3A_2571 : i32 to vector<16xi32>
          %rev3A_2573 = tpu.iota {dimensions = array<i32: 0>} : vector<16xi32>
          %rev3A_2574 = arith.subi %rev3A_2572, %rev3A_2573 : vector<16xi32>
          %rev3A_2575 = tpu.dynamic_gather %masked_sort3A_2452[%rev3A_2574] in [0] : vector<16xi32>, vector<16xi32> -> vector<16xi32>
          %ge3A_2576 = arith.cmpi sge, %masked_sort3A_2352, %rev3A_2570 : vector<16xi32>
          %select_n3A_2577 = arith.select %ge3A_2576, %masked_sort3A_2352, %rev3A_2570 : vector<16xi1>, vector<16xi32>
          %select_n3A_2578 = arith.select %ge3A_2576, %masked_sort3A_2351, %rev3A_2575 : vector<16xi1>, vector<16xi32>
          %select_n3A_2579 = arith.select %ge3A_2576, %rev3A_2570, %masked_sort3A_2352 : vector<16xi1>, vector<16xi32>
          %select_n3A_2580 = arith.select %ge3A_2576, %rev3A_2575, %masked_sort3A_2351 : vector<16xi1>, vector<16xi32>
          %rev3A_2581 = arith.constant 15 : i32
          %rev3A_2582 = vector.broadcast %rev3A_2581 : i32 to vector<16xi32>
          %rev3A_2583 = tpu.iota {dimensions = array<i32: 0>} : vector<16xi32>
          %rev3A_2584 = arith.subi %rev3A_2582, %rev3A_2583 : vector<16xi32>
          %rev3A_2585 = tpu.dynamic_gather %masked_sort3A_2445[%rev3A_2584] in [0] : vector<16xi32>, vector<16xi32> -> vector<16xi32>
          %rev3A_2586 = arith.constant 15 : i32
          %rev3A_2587 = vector.broadcast %rev3A_2586 : i32 to vector<16xi32>
          %rev3A_2588 = tpu.iota {dimensions = array<i32: 0>} : vector<16xi32>
          %rev3A_2589 = arith.subi %rev3A_2587, %rev3A_2588 : vector<16xi32>
          %rev3A_2590 = tpu.dynamic_gather %masked_sort3A_2444[%rev3A_2589] in [0] : vector<16xi32>, vector<16xi32> -> vector<16xi32>
          %ge3A_2591 = arith.cmpi sge, %masked_sort3A_2360, %rev3A_2585 : vector<16xi32>
          %select_n3A_2592 = arith.select %ge3A_2591, %masked_sort3A_2360, %rev3A_2585 : vector<16xi1>, vector<16xi32>
          %select_n3A_2593 = arith.select %ge3A_2591, %masked_sort3A_2359, %rev3A_2590 : vector<16xi1>, vector<16xi32>
          %select_n3A_2594 = arith.select %ge3A_2591, %rev3A_2585, %masked_sort3A_2360 : vector<16xi1>, vector<16xi32>
          %select_n3A_2595 = arith.select %ge3A_2591, %rev3A_2590, %masked_sort3A_2359 : vector<16xi1>, vector<16xi32>
          %rev3A_2596 = arith.constant 15 : i32
          %rev3A_2597 = vector.broadcast %rev3A_2596 : i32 to vector<16xi32>
          %rev3A_2598 = tpu.iota {dimensions = array<i32: 0>} : vector<16xi32>
          %rev3A_2599 = arith.subi %rev3A_2597, %rev3A_2598 : vector<16xi32>
          %rev3A_2600 = tpu.dynamic_gather %masked_sort3A_2432[%rev3A_2599] in [0] : vector<16xi32>, vector<16xi32> -> vector<16xi32>
          %rev3A_2601 = arith.constant 15 : i32
          %rev3A_2602 = vector.broadcast %rev3A_2601 : i32 to vector<16xi32>
          %rev3A_2603 = tpu.iota {dimensions = array<i32: 0>} : vector<16xi32>
          %rev3A_2604 = arith.subi %rev3A_2602, %rev3A_2603 : vector<16xi32>
          %rev3A_2605 = tpu.dynamic_gather %masked_sort3A_2431[%rev3A_2604] in [0] : vector<16xi32>, vector<16xi32> -> vector<16xi32>
          %ge3A_2606 = arith.cmpi sge, %masked_sort3A_2373, %rev3A_2600 : vector<16xi32>
          %select_n3A_2607 = arith.select %ge3A_2606, %masked_sort3A_2373, %rev3A_2600 : vector<16xi1>, vector<16xi32>
          %select_n3A_2608 = arith.select %ge3A_2606, %masked_sort3A_2372, %rev3A_2605 : vector<16xi1>, vector<16xi32>
          %select_n3A_2609 = arith.select %ge3A_2606, %rev3A_2600, %masked_sort3A_2373 : vector<16xi1>, vector<16xi32>
          %select_n3A_2610 = arith.select %ge3A_2606, %rev3A_2605, %masked_sort3A_2372 : vector<16xi1>, vector<16xi32>
          %rev3A_2611 = arith.constant 15 : i32
          %rev3A_2612 = vector.broadcast %rev3A_2611 : i32 to vector<16xi32>
          %rev3A_2613 = tpu.iota {dimensions = array<i32: 0>} : vector<16xi32>
          %rev3A_2614 = arith.subi %rev3A_2612, %rev3A_2613 : vector<16xi32>
          %rev3A_2615 = tpu.dynamic_gather %masked_sort3A_2424[%rev3A_2614] in [0] : vector<16xi32>, vector<16xi32> -> vector<16xi32>
          %rev3A_2616 = arith.constant 15 : i32
          %rev3A_2617 = vector.broadcast %rev3A_2616 : i32 to vector<16xi32>
          %rev3A_2618 = tpu.iota {dimensions = array<i32: 0>} : vector<16xi32>
          %rev3A_2619 = arith.subi %rev3A_2617, %rev3A_2618 : vector<16xi32>
          %rev3A_2620 = tpu.dynamic_gather %masked_sort3A_2423[%rev3A_2619] in [0] : vector<16xi32>, vector<16xi32> -> vector<16xi32>
          %ge3A_2621 = arith.cmpi sge, %masked_sort3A_2381, %rev3A_2615 : vector<16xi32>
          %select_n3A_2622 = arith.select %ge3A_2621, %masked_sort3A_2381, %rev3A_2615 : vector<16xi1>, vector<16xi32>
          %select_n3A_2623 = arith.select %ge3A_2621, %masked_sort3A_2380, %rev3A_2620 : vector<16xi1>, vector<16xi32>
          %select_n3A_2624 = arith.select %ge3A_2621, %rev3A_2615, %masked_sort3A_2381 : vector<16xi1>, vector<16xi32>
          %select_n3A_2625 = arith.select %ge3A_2621, %rev3A_2620, %masked_sort3A_2380 : vector<16xi1>, vector<16xi32>
          %ge3A_2626 = arith.cmpi sge, %select_n3A_2577, %select_n3A_2607 : vector<16xi32>
          %select_n3A_2627 = arith.select %ge3A_2626, %select_n3A_2577, %select_n3A_2607 : vector<16xi1>, vector<16xi32>
          %select_n3A_2628 = arith.select %ge3A_2626, %select_n3A_2578, %select_n3A_2608 : vector<16xi1>, vector<16xi32>
          %select_n3A_2629 = arith.select %ge3A_2626, %select_n3A_2607, %select_n3A_2577 : vector<16xi1>, vector<16xi32>
          %select_n3A_2630 = arith.select %ge3A_2626, %select_n3A_2608, %select_n3A_2578 : vector<16xi1>, vector<16xi32>
          %ge3A_2631 = arith.cmpi sge, %select_n3A_2592, %select_n3A_2622 : vector<16xi32>
          %select_n3A_2632 = arith.select %ge3A_2631, %select_n3A_2592, %select_n3A_2622 : vector<16xi1>, vector<16xi32>
          %select_n3A_2633 = arith.select %ge3A_2631, %select_n3A_2593, %select_n3A_2623 : vector<16xi1>, vector<16xi32>
          %select_n3A_2634 = arith.select %ge3A_2631, %select_n3A_2622, %select_n3A_2592 : vector<16xi1>, vector<16xi32>
          %select_n3A_2635 = arith.select %ge3A_2631, %select_n3A_2623, %select_n3A_2593 : vector<16xi1>, vector<16xi32>
          %ge3A_2636 = arith.cmpi sge, %select_n3A_2627, %select_n3A_2632 : vector<16xi32>
          %select_n3A_2637 = arith.select %ge3A_2636, %select_n3A_2627, %select_n3A_2632 : vector<16xi1>, vector<16xi32>
          %select_n3A_2638 = arith.select %ge3A_2636, %select_n3A_2628, %select_n3A_2633 : vector<16xi1>, vector<16xi32>
          %select_n3A_2639 = arith.select %ge3A_2636, %select_n3A_2632, %select_n3A_2627 : vector<16xi1>, vector<16xi32>
          %select_n3A_2640 = arith.select %ge3A_2636, %select_n3A_2633, %select_n3A_2628 : vector<16xi1>, vector<16xi32>
          %masked_sort3A_2641 = arith.constant dense<true> : vector<16xi1>
          %masked_sort3A_2642 = arith.constant -2147483648 : i32
          %masked_sort3A_2643 = vector.broadcast %masked_sort3A_2642 : i32 to vector<16xi32>
          %masked_sort3A_2644 = arith.xori %select_n3A_2637, %masked_sort3A_2643 : vector<16xi32>
          %masked_sort3A_2645, %masked_sort3A_2646, %masked_sort3A_2647 = tpu.sort %masked_sort3A_2644, %select_n3A_2638 masked %masked_sort3A_2641 {descending = true} : (vector<16xi32>, vector<16xi32>, vector<16xi1>) -> (vector<16xi1>, vector<16xi32>, vector<16xi32>)
          %masked_sort3A_2648 = arith.xori %masked_sort3A_2646, %masked_sort3A_2643 : vector<16xi32>
          %masked_sort3A_2649 = arith.constant dense<true> : vector<16xi1>
          %masked_sort3A_2650 = arith.constant -2147483648 : i32
          %masked_sort3A_2651 = vector.broadcast %masked_sort3A_2650 : i32 to vector<16xi32>
          %masked_sort3A_2652 = arith.xori %select_n3A_2639, %masked_sort3A_2651 : vector<16xi32>
          %masked_sort3A_2653, %masked_sort3A_2654, %masked_sort3A_2655 = tpu.sort %masked_sort3A_2652, %select_n3A_2640 masked %masked_sort3A_2649 {descending = true} : (vector<16xi32>, vector<16xi32>, vector<16xi1>) -> (vector<16xi1>, vector<16xi32>, vector<16xi32>)
          %masked_sort3A_2656 = arith.xori %masked_sort3A_2654, %masked_sort3A_2651 : vector<16xi32>
          %ge3A_2657 = arith.cmpi sge, %select_n3A_2629, %select_n3A_2634 : vector<16xi32>
          %select_n3A_2658 = arith.select %ge3A_2657, %select_n3A_2629, %select_n3A_2634 : vector<16xi1>, vector<16xi32>
          %select_n3A_2659 = arith.select %ge3A_2657, %select_n3A_2630, %select_n3A_2635 : vector<16xi1>, vector<16xi32>
          %select_n3A_2660 = arith.select %ge3A_2657, %select_n3A_2634, %select_n3A_2629 : vector<16xi1>, vector<16xi32>
          %select_n3A_2661 = arith.select %ge3A_2657, %select_n3A_2635, %select_n3A_2630 : vector<16xi1>, vector<16xi32>
          %masked_sort3A_2662 = arith.constant dense<true> : vector<16xi1>
          %masked_sort3A_2663 = arith.constant -2147483648 : i32
          %masked_sort3A_2664 = vector.broadcast %masked_sort3A_2663 : i32 to vector<16xi32>
          %masked_sort3A_2665 = arith.xori %select_n3A_2658, %masked_sort3A_2664 : vector<16xi32>
          %masked_sort3A_2666, %masked_sort3A_2667, %masked_sort3A_2668 = tpu.sort %masked_sort3A_2665, %select_n3A_2659 masked %masked_sort3A_2662 {descending = true} : (vector<16xi32>, vector<16xi32>, vector<16xi1>) -> (vector<16xi1>, vector<16xi32>, vector<16xi32>)
          %masked_sort3A_2669 = arith.xori %masked_sort3A_2667, %masked_sort3A_2664 : vector<16xi32>
          %masked_sort3A_2670 = arith.constant dense<true> : vector<16xi1>
          %masked_sort3A_2671 = arith.constant -2147483648 : i32
          %masked_sort3A_2672 = vector.broadcast %masked_sort3A_2671 : i32 to vector<16xi32>
          %masked_sort3A_2673 = arith.xori %select_n3A_2660, %masked_sort3A_2672 : vector<16xi32>
          %masked_sort3A_2674, %masked_sort3A_2675, %masked_sort3A_2676 = tpu.sort %masked_sort3A_2673, %select_n3A_2661 masked %masked_sort3A_2670 {descending = true} : (vector<16xi32>, vector<16xi32>, vector<16xi1>) -> (vector<16xi1>, vector<16xi32>, vector<16xi32>)
          %masked_sort3A_2677 = arith.xori %masked_sort3A_2675, %masked_sort3A_2672 : vector<16xi32>
          %rev3A_2678 = arith.constant 15 : i32
          %rev3A_2679 = vector.broadcast %rev3A_2678 : i32 to vector<16xi32>
          %rev3A_2680 = tpu.iota {dimensions = array<i32: 0>} : vector<16xi32>
          %rev3A_2681 = arith.subi %rev3A_2679, %rev3A_2680 : vector<16xi32>
          %rev3A_2682 = tpu.dynamic_gather %masked_sort3A_2677[%rev3A_2681] in [0] : vector<16xi32>, vector<16xi32> -> vector<16xi32>
          %rev3A_2683 = arith.constant 15 : i32
          %rev3A_2684 = vector.broadcast %rev3A_2683 : i32 to vector<16xi32>
          %rev3A_2685 = tpu.iota {dimensions = array<i32: 0>} : vector<16xi32>
          %rev3A_2686 = arith.subi %rev3A_2684, %rev3A_2685 : vector<16xi32>
          %rev3A_2687 = tpu.dynamic_gather %masked_sort3A_2676[%rev3A_2686] in [0] : vector<16xi32>, vector<16xi32> -> vector<16xi32>
          %ge3A_2688 = arith.cmpi sge, %masked_sort3A_2536, %rev3A_2682 : vector<16xi32>
          %select_n3A_2689 = arith.select %ge3A_2688, %masked_sort3A_2536, %rev3A_2682 : vector<16xi1>, vector<16xi32>
          %select_n3A_2690 = arith.select %ge3A_2688, %masked_sort3A_2535, %rev3A_2687 : vector<16xi1>, vector<16xi32>
          %select_n3A_2691 = arith.select %ge3A_2688, %rev3A_2682, %masked_sort3A_2536 : vector<16xi1>, vector<16xi32>
          %select_n3A_2692 = arith.select %ge3A_2688, %rev3A_2687, %masked_sort3A_2535 : vector<16xi1>, vector<16xi32>
          %rev3A_2693 = arith.constant 15 : i32
          %rev3A_2694 = vector.broadcast %rev3A_2693 : i32 to vector<16xi32>
          %rev3A_2695 = tpu.iota {dimensions = array<i32: 0>} : vector<16xi32>
          %rev3A_2696 = arith.subi %rev3A_2694, %rev3A_2695 : vector<16xi32>
          %rev3A_2697 = tpu.dynamic_gather %masked_sort3A_2669[%rev3A_2696] in [0] : vector<16xi32>, vector<16xi32> -> vector<16xi32>
          %rev3A_2698 = arith.constant 15 : i32
          %rev3A_2699 = vector.broadcast %rev3A_2698 : i32 to vector<16xi32>
          %rev3A_2700 = tpu.iota {dimensions = array<i32: 0>} : vector<16xi32>
          %rev3A_2701 = arith.subi %rev3A_2699, %rev3A_2700 : vector<16xi32>
          %rev3A_2702 = tpu.dynamic_gather %masked_sort3A_2668[%rev3A_2701] in [0] : vector<16xi32>, vector<16xi32> -> vector<16xi32>
          %ge3A_2703 = arith.cmpi sge, %masked_sort3A_2544, %rev3A_2697 : vector<16xi32>
          %select_n3A_2704 = arith.select %ge3A_2703, %masked_sort3A_2544, %rev3A_2697 : vector<16xi1>, vector<16xi32>
          %select_n3A_2705 = arith.select %ge3A_2703, %masked_sort3A_2543, %rev3A_2702 : vector<16xi1>, vector<16xi32>
          %select_n3A_2706 = arith.select %ge3A_2703, %rev3A_2697, %masked_sort3A_2544 : vector<16xi1>, vector<16xi32>
          %select_n3A_2707 = arith.select %ge3A_2703, %rev3A_2702, %masked_sort3A_2543 : vector<16xi1>, vector<16xi32>
          %rev3A_2708 = arith.constant 15 : i32
          %rev3A_2709 = vector.broadcast %rev3A_2708 : i32 to vector<16xi32>
          %rev3A_2710 = tpu.iota {dimensions = array<i32: 0>} : vector<16xi32>
          %rev3A_2711 = arith.subi %rev3A_2709, %rev3A_2710 : vector<16xi32>
          %rev3A_2712 = tpu.dynamic_gather %masked_sort3A_2656[%rev3A_2711] in [0] : vector<16xi32>, vector<16xi32> -> vector<16xi32>
          %rev3A_2713 = arith.constant 15 : i32
          %rev3A_2714 = vector.broadcast %rev3A_2713 : i32 to vector<16xi32>
          %rev3A_2715 = tpu.iota {dimensions = array<i32: 0>} : vector<16xi32>
          %rev3A_2716 = arith.subi %rev3A_2714, %rev3A_2715 : vector<16xi32>
          %rev3A_2717 = tpu.dynamic_gather %masked_sort3A_2655[%rev3A_2716] in [0] : vector<16xi32>, vector<16xi32> -> vector<16xi32>
          %ge3A_2718 = arith.cmpi sge, %masked_sort3A_2557, %rev3A_2712 : vector<16xi32>
          %select_n3A_2719 = arith.select %ge3A_2718, %masked_sort3A_2557, %rev3A_2712 : vector<16xi1>, vector<16xi32>
          %select_n3A_2720 = arith.select %ge3A_2718, %masked_sort3A_2556, %rev3A_2717 : vector<16xi1>, vector<16xi32>
          %select_n3A_2721 = arith.select %ge3A_2718, %rev3A_2712, %masked_sort3A_2557 : vector<16xi1>, vector<16xi32>
          %select_n3A_2722 = arith.select %ge3A_2718, %rev3A_2717, %masked_sort3A_2556 : vector<16xi1>, vector<16xi32>
          %rev3A_2723 = arith.constant 15 : i32
          %rev3A_2724 = vector.broadcast %rev3A_2723 : i32 to vector<16xi32>
          %rev3A_2725 = tpu.iota {dimensions = array<i32: 0>} : vector<16xi32>
          %rev3A_2726 = arith.subi %rev3A_2724, %rev3A_2725 : vector<16xi32>
          %rev3A_2727 = tpu.dynamic_gather %masked_sort3A_2648[%rev3A_2726] in [0] : vector<16xi32>, vector<16xi32> -> vector<16xi32>
          %rev3A_2728 = arith.constant 15 : i32
          %rev3A_2729 = vector.broadcast %rev3A_2728 : i32 to vector<16xi32>
          %rev3A_2730 = tpu.iota {dimensions = array<i32: 0>} : vector<16xi32>
          %rev3A_2731 = arith.subi %rev3A_2729, %rev3A_2730 : vector<16xi32>
          %rev3A_2732 = tpu.dynamic_gather %masked_sort3A_2647[%rev3A_2731] in [0] : vector<16xi32>, vector<16xi32> -> vector<16xi32>
          %ge3A_2733 = arith.cmpi sge, %masked_sort3A_2565, %rev3A_2727 : vector<16xi32>
          %select_n3A_2734 = arith.select %ge3A_2733, %masked_sort3A_2565, %rev3A_2727 : vector<16xi1>, vector<16xi32>
          %select_n3A_2735 = arith.select %ge3A_2733, %masked_sort3A_2564, %rev3A_2732 : vector<16xi1>, vector<16xi32>
          %select_n3A_2736 = arith.select %ge3A_2733, %rev3A_2727, %masked_sort3A_2565 : vector<16xi1>, vector<16xi32>
          %select_n3A_2737 = arith.select %ge3A_2733, %rev3A_2732, %masked_sort3A_2564 : vector<16xi1>, vector<16xi32>
          %ge3A_2738 = arith.cmpi sge, %select_n3A_2689, %select_n3A_2719 : vector<16xi32>
          %select_n3A_2739 = arith.select %ge3A_2738, %select_n3A_2689, %select_n3A_2719 : vector<16xi1>, vector<16xi32>
          %select_n3A_2740 = arith.select %ge3A_2738, %select_n3A_2690, %select_n3A_2720 : vector<16xi1>, vector<16xi32>
          %select_n3A_2741 = arith.select %ge3A_2738, %select_n3A_2719, %select_n3A_2689 : vector<16xi1>, vector<16xi32>
          %select_n3A_2742 = arith.select %ge3A_2738, %select_n3A_2720, %select_n3A_2690 : vector<16xi1>, vector<16xi32>
          %ge3A_2743 = arith.cmpi sge, %select_n3A_2704, %select_n3A_2734 : vector<16xi32>
          %select_n3A_2744 = arith.select %ge3A_2743, %select_n3A_2704, %select_n3A_2734 : vector<16xi1>, vector<16xi32>
          %select_n3A_2745 = arith.select %ge3A_2743, %select_n3A_2705, %select_n3A_2735 : vector<16xi1>, vector<16xi32>
          %select_n3A_2746 = arith.select %ge3A_2743, %select_n3A_2734, %select_n3A_2704 : vector<16xi1>, vector<16xi32>
          %select_n3A_2747 = arith.select %ge3A_2743, %select_n3A_2735, %select_n3A_2705 : vector<16xi1>, vector<16xi32>
          %ge3A_2748 = arith.cmpi sge, %select_n3A_2739, %select_n3A_2744 : vector<16xi32>
          %select_n3A_2749 = arith.select %ge3A_2748, %select_n3A_2739, %select_n3A_2744 : vector<16xi1>, vector<16xi32>
          %select_n3A_2750 = arith.select %ge3A_2748, %select_n3A_2740, %select_n3A_2745 : vector<16xi1>, vector<16xi32>
          %select_n3A_2751 = arith.select %ge3A_2748, %select_n3A_2744, %select_n3A_2739 : vector<16xi1>, vector<16xi32>
          %select_n3A_2752 = arith.select %ge3A_2748, %select_n3A_2745, %select_n3A_2740 : vector<16xi1>, vector<16xi32>
          %masked_sort3A_2753 = arith.constant dense<true> : vector<16xi1>
          %masked_sort3A_2754 = arith.constant -2147483648 : i32
          %masked_sort3A_2755 = vector.broadcast %masked_sort3A_2754 : i32 to vector<16xi32>
          %masked_sort3A_2756 = arith.xori %select_n3A_2749, %masked_sort3A_2755 : vector<16xi32>
          %masked_sort3A_2757, %masked_sort3A_2758, %masked_sort3A_2759 = tpu.sort %masked_sort3A_2756, %select_n3A_2750 masked %masked_sort3A_2753 {descending = true} : (vector<16xi32>, vector<16xi32>, vector<16xi1>) -> (vector<16xi1>, vector<16xi32>, vector<16xi32>)
          %masked_sort3A_2760 = arith.xori %masked_sort3A_2758, %masked_sort3A_2755 : vector<16xi32>
          %masked_sort3A_2761 = arith.constant dense<true> : vector<16xi1>
          %masked_sort3A_2762 = arith.constant -2147483648 : i32
          %masked_sort3A_2763 = vector.broadcast %masked_sort3A_2762 : i32 to vector<16xi32>
          %masked_sort3A_2764 = arith.xori %select_n3A_2751, %masked_sort3A_2763 : vector<16xi32>
          %masked_sort3A_2765, %masked_sort3A_2766, %masked_sort3A_2767 = tpu.sort %masked_sort3A_2764, %select_n3A_2752 masked %masked_sort3A_2761 {descending = true} : (vector<16xi32>, vector<16xi32>, vector<16xi1>) -> (vector<16xi1>, vector<16xi32>, vector<16xi32>)
          %masked_sort3A_2768 = arith.xori %masked_sort3A_2766, %masked_sort3A_2763 : vector<16xi32>
          %ge3A_2769 = arith.cmpi sge, %select_n3A_2741, %select_n3A_2746 : vector<16xi32>
          %select_n3A_2770 = arith.select %ge3A_2769, %select_n3A_2741, %select_n3A_2746 : vector<16xi1>, vector<16xi32>
          %select_n3A_2771 = arith.select %ge3A_2769, %select_n3A_2742, %select_n3A_2747 : vector<16xi1>, vector<16xi32>
          %select_n3A_2772 = arith.select %ge3A_2769, %select_n3A_2746, %select_n3A_2741 : vector<16xi1>, vector<16xi32>
          %select_n3A_2773 = arith.select %ge3A_2769, %select_n3A_2747, %select_n3A_2742 : vector<16xi1>, vector<16xi32>
          %masked_sort3A_2774 = arith.constant dense<true> : vector<16xi1>
          %masked_sort3A_2775 = arith.constant -2147483648 : i32
          %masked_sort3A_2776 = vector.broadcast %masked_sort3A_2775 : i32 to vector<16xi32>
          %masked_sort3A_2777 = arith.xori %select_n3A_2770, %masked_sort3A_2776 : vector<16xi32>
          %masked_sort3A_2778, %masked_sort3A_2779, %masked_sort3A_2780 = tpu.sort %masked_sort3A_2777, %select_n3A_2771 masked %masked_sort3A_2774 {descending = true} : (vector<16xi32>, vector<16xi32>, vector<16xi1>) -> (vector<16xi1>, vector<16xi32>, vector<16xi32>)
          %masked_sort3A_2781 = arith.xori %masked_sort3A_2779, %masked_sort3A_2776 : vector<16xi32>
          %masked_sort3A_2782 = arith.constant dense<true> : vector<16xi1>
          %masked_sort3A_2783 = arith.constant -2147483648 : i32
          %masked_sort3A_2784 = vector.broadcast %masked_sort3A_2783 : i32 to vector<16xi32>
          %masked_sort3A_2785 = arith.xori %select_n3A_2772, %masked_sort3A_2784 : vector<16xi32>
          %masked_sort3A_2786, %masked_sort3A_2787, %masked_sort3A_2788 = tpu.sort %masked_sort3A_2785, %select_n3A_2773 masked %masked_sort3A_2782 {descending = true} : (vector<16xi32>, vector<16xi32>, vector<16xi1>) -> (vector<16xi1>, vector<16xi32>, vector<16xi32>)
          %masked_sort3A_2789 = arith.xori %masked_sort3A_2787, %masked_sort3A_2784 : vector<16xi32>
          %swap3A_2790 = arith.constant 0 : index
          %swap3A_2791 = tpu.vector_load %arg12[%swap3A_2790] {strides = array<i32>} : memref<64xi32, #tpu.memory_space<vmem>>, vector<16xi32>,
          tpu.vector_store %arg12[%swap3A_2790], %masked_sort3A_2760 {strides = array<i32>} : memref<64xi32, #tpu.memory_space<vmem>>, vector<16xi32>,
          %swap3A_2792 = arith.constant 0 : index
          %swap3A_2793 = tpu.vector_load %arg13[%swap3A_2792] {strides = array<i32>} : memref<1024xi32, #tpu.memory_space<vmem>>, vector<16xi32>,
          tpu.vector_store %arg13[%swap3A_2792], %masked_sort3A_2759 {strides = array<i32>} : memref<1024xi32, #tpu.memory_space<vmem>>, vector<16xi32>,
          %swap3A_2794 = arith.constant 16 : index
          %swap3A_2795 = tpu.vector_load %arg12[%swap3A_2794] {strides = array<i32>} : memref<64xi32, #tpu.memory_space<vmem>>, vector<16xi32>,
          tpu.vector_store %arg12[%swap3A_2794], %masked_sort3A_2768 {strides = array<i32>} : memref<64xi32, #tpu.memory_space<vmem>>, vector<16xi32>,
          %swap3A_2796 = arith.constant 16 : index
          %swap3A_2797 = tpu.vector_load %arg13[%swap3A_2796] {strides = array<i32>} : memref<1024xi32, #tpu.memory_space<vmem>>, vector<16xi32>,
          tpu.vector_store %arg13[%swap3A_2796], %masked_sort3A_2767 {strides = array<i32>} : memref<1024xi32, #tpu.memory_space<vmem>>, vector<16xi32>,
          %swap3A_2798 = arith.constant 32 : index
          %swap3A_2799 = tpu.vector_load %arg12[%swap3A_2798] {strides = array<i32>} : memref<64xi32, #tpu.memory_space<vmem>>, vector<16xi32>,
          tpu.vector_store %arg12[%swap3A_2798], %masked_sort3A_2781 {strides = array<i32>} : memref<64xi32, #tpu.memory_space<vmem>>, vector<16xi32>,
          %swap3A_2800 = arith.constant 32 : index
          %swap3A_2801 = tpu.vector_load %arg13[%swap3A_2800] {strides = array<i32>} : memref<1024xi32, #tpu.memory_space<vmem>>, vector<16xi32>,
          tpu.vector_store %arg13[%swap3A_2800], %masked_sort3A_2780 {strides = array<i32>} : memref<1024xi32, #tpu.memory_space<vmem>>, vector<16xi32>,
          %swap3A_2802 = arith.constant 48 : index
          %swap3A_2803 = tpu.vector_load %arg12[%swap3A_2802] {strides = array<i32>} : memref<64xi32, #tpu.memory_space<vmem>>, vector<16xi32>,
          tpu.vector_store %arg12[%swap3A_2802], %masked_sort3A_2789 {strides = array<i32>} : memref<64xi32, #tpu.memory_space<vmem>>, vector<16xi32>,
          %swap3A_2804 = arith.constant 48 : index
          %swap3A_2805 = tpu.vector_load %arg13[%swap3A_2804] {strides = array<i32>} : memref<1024xi32, #tpu.memory_space<vmem>>, vector<16xi32>,
          tpu.vector_store %arg13[%swap3A_2804], %masked_sort3A_2788 {strides = array<i32>} : memref<1024xi32, #tpu.memory_space<vmem>>, vector<16xi32>,
        }
        %get3A_1559 = arith.constant 0 : index
        %get3A_1560 = tpu.vector_load %arg12[%get3A_1559] {strides = array<i32>} : memref<64xi32, #tpu.memory_space<vmem>>, vector<16xi32>,
        %add3A_1561 = arith.constant 1 : i32
        %add3A_1562 = vector.broadcast %add3A_1561 : i32 to vector<16xi32>
        %add3A_1563 = arith.addi %iota3A, %add3A_1562 : vector<16xi32>
        %min3A_1564 = arith.constant 63 : i32
        %min3A_1565 = vector.broadcast %min3A_1564 : i32 to vector<16xi32>
        %min3A_1566 = arith.minsi %add3A_1563, %min3A_1565 : vector<16xi32>
        %gather3A = tpu.vector_load_idx %arg12[%min3A_1566] : memref<64xi32, #tpu.memory_space<vmem>>[vector<16xi32>], vector<16xi32>,
        %eq3A = arith.cmpi eq, %get3A_1560, %gather3A : vector<16xi32>
        %get3A_1567 = arith.constant 16 : index
        %get3A_1568 = tpu.vector_load %arg12[%get3A_1567] {strides = array<i32>} : memref<64xi32, #tpu.memory_space<vmem>>, vector<16xi32>,
        %add3A_1569 = arith.constant 17 : i32
        %add3A_1570 = vector.broadcast %add3A_1569 : i32 to vector<16xi32>
        %add3A_1571 = arith.addi %iota3A, %add3A_1570 : vector<16xi32>
        %min3A_1572 = arith.constant 63 : i32
        %min3A_1573 = vector.broadcast %min3A_1572 : i32 to vector<16xi32>
        %min3A_1574 = arith.minsi %add3A_1571, %min3A_1573 : vector<16xi32>
        %gather3A_1575 = tpu.vector_load_idx %arg12[%min3A_1574] : memref<64xi32, #tpu.memory_space<vmem>>[vector<16xi32>], vector<16xi32>,
        %eq3A_1576 = arith.cmpi eq, %get3A_1568, %gather3A_1575 : vector<16xi32>
        %or3A = arith.ori %eq3A, %eq3A_1576 : vector<16xi1>
        %get3A_1577 = arith.constant 32 : index
        %get3A_1578 = tpu.vector_load %arg12[%get3A_1577] {strides = array<i32>} : memref<64xi32, #tpu.memory_space<vmem>>, vector<16xi32>,
        %add3A_1579 = arith.constant 33 : i32
        %add3A_1580 = vector.broadcast %add3A_1579 : i32 to vector<16xi32>
        %add3A_1581 = arith.addi %iota3A, %add3A_1580 : vector<16xi32>
        %min3A_1582 = arith.constant 63 : i32
        %min3A_1583 = vector.broadcast %min3A_1582 : i32 to vector<16xi32>
        %min3A_1584 = arith.minsi %add3A_1581, %min3A_1583 : vector<16xi32>
        %gather3A_1585 = tpu.vector_load_idx %arg12[%min3A_1584] : memref<64xi32, #tpu.memory_space<vmem>>[vector<16xi32>], vector<16xi32>,
        %eq3A_1586 = arith.cmpi eq, %get3A_1578, %gather3A_1585 : vector<16xi32>
        %or3A_1587 = arith.ori %or3A, %eq3A_1586 : vector<16xi1>
        %get3A_1588 = arith.constant 48 : index
        %get3A_1589 = tpu.vector_load %arg12[%get3A_1588] {strides = array<i32>} : memref<64xi32, #tpu.memory_space<vmem>>, vector<16xi32>,
        %add3A_1590 = arith.constant 49 : i32
        %add3A_1591 = vector.broadcast %add3A_1590 : i32 to vector<16xi32>
        %add3A_1592 = arith.addi %iota3A, %add3A_1591 : vector<16xi32>
        %min3A_1593 = arith.constant 63 : i32
        %min3A_1594 = vector.broadcast %min3A_1593 : i32 to vector<16xi32>
        %min3A_1595 = arith.minsi %add3A_1592, %min3A_1594 : vector<16xi32>
        %gather3A_1596 = tpu.vector_load_idx %arg12[%min3A_1595] : memref<64xi32, #tpu.memory_space<vmem>>[vector<16xi32>], vector<16xi32>,
        %eq3A_1597 = arith.cmpi eq, %get3A_1589, %gather3A_1596 : vector<16xi32>
        %lt3A = arith.constant 15 : i32
        %lt3A_1598 = vector.broadcast %lt3A : i32 to vector<16xi32>
        %lt3A_1599 = arith.cmpi slt, %iota3A, %lt3A_1598 : vector<16xi32>
        %and3A = arith.andi %eq3A_1597, %lt3A_1599 : vector<16xi1>
        %or3A_1600 = arith.ori %or3A_1587, %and3A : vector<16xi1>
        %all_reduce_population_count3A_1601 = tpu.all_reduce %or3A_1600 {dim = 0 : i64, kind = #tpu.reduction_kind<sum>} : vector<16xi1> -> vector<16xi32>
        %slice3A_1602 = vector.extract_strided_slice %all_reduce_population_count3A_1601 {offsets = [0], sizes = [1], strides = [1]} : vector<16xi32> to vector<1xi32>
        %squeeze3A_1603 = vector.extract %slice3A_1602[0] : i32 from vector<1xi32>
        %gt3A = arith.constant 0 : i32
        %gt3A_1604 = arith.cmpi sgt, %squeeze3A_1603, %gt3A : i32
        %convert_element_type3A_1605 = arith.extui %gt3A_1604 : i1 to i32
        %cond3A_1606 = arith.constant 0 : i32
        %cond3A_1607 = arith.cmpi ne, %convert_element_type3A_1605, %cond3A_1606 : i32
        scf.if %cond3A_1607 {
          %add3A_1726 = arith.constant 0 : i32
          %add3A_1727 = vector.broadcast %add3A_1726 : i32 to vector<16xi32>
          %add3A_1728 = arith.addi %iota3A, %add3A_1727 : vector<16xi32>
          %mul3A_1729 = arith.constant 2 : i32
          %mul3A_1730 = vector.broadcast %mul3A_1729 : i32 to vector<16xi32>
          %mul3A_1731 = arith.muli %add3A_1728, %mul3A_1730 : vector<16xi32>
          %add3A_1732 = arith.constant 0 : i32
          %add3A_1733 = vector.broadcast %add3A_1732 : i32 to vector<16xi32>
          %add3A_1734 = arith.addi %mul3A_1731, %add3A_1733 : vector<16xi32>
          %add3A_1735 = arith.constant 1 : i32
          %add3A_1736 = vector.broadcast %add3A_1735 : i32 to vector<16xi32>
          %add3A_1737 = arith.addi %add3A_1734, %add3A_1736 : vector<16xi32>
          %min3A_1738 = arith.constant 63 : i32
          %min3A_1739 = vector.broadcast %min3A_1738 : i32 to vector<16xi32>
          %min3A_1740 = arith.minsi %add3A_1737, %min3A_1739 : vector<16xi32>
          %gather3A_1741 = tpu.vector_load_idx %arg12[%add3A_1734] : memref<64xi32, #tpu.memory_space<vmem>>[vector<16xi32>], vector<16xi32>,
          %gather3A_1742 = tpu.vector_load_idx %arg12[%min3A_1740] : memref<64xi32, #tpu.memory_space<vmem>>[vector<16xi32>], vector<16xi32>,
          %gather3A_1743 = tpu.vector_load_idx %arg13[%add3A_1734] : memref<1024xi32, #tpu.memory_space<vmem>>[vector<16xi32>], vector<16xi32>,
          %gather3A_1744 = tpu.vector_load_idx %arg13[%min3A_1740] : memref<1024xi32, #tpu.memory_space<vmem>>[vector<16xi32>], vector<16xi32>,
          %eq3A_1745 = arith.cmpi eq, %gather3A_1741, %gather3A_1742 : vector<16xi32>
          %gt3A_1746 = arith.cmpi sgt, %gather3A_1743, %gather3A_1744 : vector<16xi32>
          %and3A_1747 = arith.andi %eq3A_1745, %gt3A_1746 : vector<16xi1>
          tpu.vector_store_idx %arg13[%add3A_1734], %gather3A_1744 masked %and3A_1747 : memref<1024xi32, #tpu.memory_space<vmem>>[vector<16xi32>], vector<16xi32>, vector<16xi1>
          tpu.vector_store_idx %arg13[%min3A_1740], %gather3A_1743 masked %and3A_1747 : memref<1024xi32, #tpu.memory_space<vmem>>[vector<16xi32>], vector<16xi32>, vector<16xi1>
          %add3A_1748 = arith.constant 16 : i32
          %add3A_1749 = vector.broadcast %add3A_1748 : i32 to vector<16xi32>
          %add3A_1750 = arith.addi %iota3A, %add3A_1749 : vector<16xi32>
          %mul3A_1751 = arith.constant 2 : i32
          %mul3A_1752 = vector.broadcast %mul3A_1751 : i32 to vector<16xi32>
          %mul3A_1753 = arith.muli %add3A_1750, %mul3A_1752 : vector<16xi32>
          %add3A_1754 = arith.constant 0 : i32
          %add3A_1755 = vector.broadcast %add3A_1754 : i32 to vector<16xi32>
          %add3A_1756 = arith.addi %mul3A_1753, %add3A_1755 : vector<16xi32>
          %add3A_1757 = arith.constant 1 : i32
          %add3A_1758 = vector.broadcast %add3A_1757 : i32 to vector<16xi32>
          %add3A_1759 = arith.addi %add3A_1756, %add3A_1758 : vector<16xi32>
          %min3A_1760 = arith.constant 63 : i32
          %min3A_1761 = vector.broadcast %min3A_1760 : i32 to vector<16xi32>
          %min3A_1762 = arith.minsi %add3A_1759, %min3A_1761 : vector<16xi32>
          %gather3A_1763 = tpu.vector_load_idx %arg12[%add3A_1756] : memref<64xi32, #tpu.memory_space<vmem>>[vector<16xi32>], vector<16xi32>,
          %gather3A_1764 = tpu.vector_load_idx %arg12[%min3A_1762] : memref<64xi32, #tpu.memory_space<vmem>>[vector<16xi32>], vector<16xi32>,
          %gather3A_1765 = tpu.vector_load_idx %arg13[%add3A_1756] : memref<1024xi32, #tpu.memory_space<vmem>>[vector<16xi32>], vector<16xi32>,
          %gather3A_1766 = tpu.vector_load_idx %arg13[%min3A_1762] : memref<1024xi32, #tpu.memory_space<vmem>>[vector<16xi32>], vector<16xi32>,
          %eq3A_1767 = arith.cmpi eq, %gather3A_1763, %gather3A_1764 : vector<16xi32>
          %gt3A_1768 = arith.cmpi sgt, %gather3A_1765, %gather3A_1766 : vector<16xi32>
          %and3A_1769 = arith.andi %eq3A_1767, %gt3A_1768 : vector<16xi1>
          tpu.vector_store_idx %arg13[%add3A_1756], %gather3A_1766 masked %and3A_1769 : memref<1024xi32, #tpu.memory_space<vmem>>[vector<16xi32>], vector<16xi32>, vector<16xi1>
          tpu.vector_store_idx %arg13[%min3A_1762], %gather3A_1765 masked %and3A_1769 : memref<1024xi32, #tpu.memory_space<vmem>>[vector<16xi32>], vector<16xi32>, vector<16xi1>
          %add3A_1770 = arith.constant 0 : i32
          %add3A_1771 = vector.broadcast %add3A_1770 : i32 to vector<16xi32>
          %add3A_1772 = arith.addi %iota3A, %add3A_1771 : vector<16xi32>
          %mul3A_1773 = arith.constant 2 : i32
          %mul3A_1774 = vector.broadcast %mul3A_1773 : i32 to vector<16xi32>
          %mul3A_1775 = arith.muli %add3A_1772, %mul3A_1774 : vector<16xi32>
          %add3A_1776 = arith.constant 1 : i32
          %add3A_1777 = vector.broadcast %add3A_1776 : i32 to vector<16xi32>
          %add3A_1778 = arith.addi %mul3A_1775, %add3A_1777 : vector<16xi32>
          %add3A_1779 = arith.constant 1 : i32
          %add3A_1780 = vector.broadcast %add3A_1779 : i32 to vector<16xi32>
          %add3A_1781 = arith.addi %add3A_1778, %add3A_1780 : vector<16xi32>
          %min3A_1782 = arith.constant 63 : i32
          %min3A_1783 = vector.broadcast %min3A_1782 : i32 to vector<16xi32>
          %min3A_1784 = arith.minsi %add3A_1781, %min3A_1783 : vector<16xi32>
          %gather3A_1785 = tpu.vector_load_idx %arg12[%add3A_1778] : memref<64xi32, #tpu.memory_space<vmem>>[vector<16xi32>], vector<16xi32>,
          %gather3A_1786 = tpu.vector_load_idx %arg12[%min3A_1784] : memref<64xi32, #tpu.memory_space<vmem>>[vector<16xi32>], vector<16xi32>,
          %gather3A_1787 = tpu.vector_load_idx %arg13[%add3A_1778] : memref<1024xi32, #tpu.memory_space<vmem>>[vector<16xi32>], vector<16xi32>,
          %gather3A_1788 = tpu.vector_load_idx %arg13[%min3A_1784] : memref<1024xi32, #tpu.memory_space<vmem>>[vector<16xi32>], vector<16xi32>,
          %eq3A_1789 = arith.cmpi eq, %gather3A_1785, %gather3A_1786 : vector<16xi32>
          %gt3A_1790 = arith.cmpi sgt, %gather3A_1787, %gather3A_1788 : vector<16xi32>
          %and3A_1791 = arith.andi %eq3A_1789, %gt3A_1790 : vector<16xi1>
          tpu.vector_store_idx %arg13[%add3A_1778], %gather3A_1788 masked %and3A_1791 : memref<1024xi32, #tpu.memory_space<vmem>>[vector<16xi32>], vector<16xi32>, vector<16xi1>
          tpu.vector_store_idx %arg13[%min3A_1784], %gather3A_1787 masked %and3A_1791 : memref<1024xi32, #tpu.memory_space<vmem>>[vector<16xi32>], vector<16xi32>, vector<16xi1>
          %add3A_1792 = arith.constant 16 : i32
          %add3A_1793 = vector.broadcast %add3A_1792 : i32 to vector<16xi32>
          %add3A_1794 = arith.addi %iota3A, %add3A_1793 : vector<16xi32>
          %mul3A_1795 = arith.constant 2 : i32
          %mul3A_1796 = vector.broadcast %mul3A_1795 : i32 to vector<16xi32>
          %mul3A_1797 = arith.muli %add3A_1794, %mul3A_1796 : vector<16xi32>
          %add3A_1798 = arith.constant 1 : i32
          %add3A_1799 = vector.broadcast %add3A_1798 : i32 to vector<16xi32>
          %add3A_1800 = arith.addi %mul3A_1797, %add3A_1799 : vector<16xi32>
          %add3A_1801 = arith.constant 1 : i32
          %add3A_1802 = vector.broadcast %add3A_1801 : i32 to vector<16xi32>
          %add3A_1803 = arith.addi %add3A_1800, %add3A_1802 : vector<16xi32>
          %min3A_1804 = arith.constant 63 : i32
          %min3A_1805 = vector.broadcast %min3A_1804 : i32 to vector<16xi32>
          %min3A_1806 = arith.minsi %add3A_1803, %min3A_1805 : vector<16xi32>
          %gather3A_1807 = tpu.vector_load_idx %arg12[%add3A_1800] : memref<64xi32, #tpu.memory_space<vmem>>[vector<16xi32>], vector<16xi32>,
          %gather3A_1808 = tpu.vector_load_idx %arg12[%min3A_1806] : memref<64xi32, #tpu.memory_space<vmem>>[vector<16xi32>], vector<16xi32>,
          %gather3A_1809 = tpu.vector_load_idx %arg13[%add3A_1800] : memref<1024xi32, #tpu.memory_space<vmem>>[vector<16xi32>], vector<16xi32>,
          %gather3A_1810 = tpu.vector_load_idx %arg13[%min3A_1806] : memref<1024xi32, #tpu.memory_space<vmem>>[vector<16xi32>], vector<16xi32>,
          %eq3A_1811 = arith.cmpi eq, %gather3A_1807, %gather3A_1808 : vector<16xi32>
          %gt3A_1812 = arith.cmpi sgt, %gather3A_1809, %gather3A_1810 : vector<16xi32>
          %and3A_1813 = arith.andi %eq3A_1811, %gt3A_1812 : vector<16xi1>
          tpu.vector_store_idx %arg13[%add3A_1800], %gather3A_1810 masked %and3A_1813 : memref<1024xi32, #tpu.memory_space<vmem>>[vector<16xi32>], vector<16xi32>, vector<16xi1>
          tpu.vector_store_idx %arg13[%min3A_1806], %gather3A_1809 masked %and3A_1813 : memref<1024xi32, #tpu.memory_space<vmem>>[vector<16xi32>], vector<16xi32>, vector<16xi1>
          %add3A_1814 = arith.constant 0 : i32
          %add3A_1815 = vector.broadcast %add3A_1814 : i32 to vector<16xi32>
          %add3A_1816 = arith.addi %iota3A, %add3A_1815 : vector<16xi32>
          %mul3A_1817 = arith.constant 2 : i32
          %mul3A_1818 = vector.broadcast %mul3A_1817 : i32 to vector<16xi32>
          %mul3A_1819 = arith.muli %add3A_1816, %mul3A_1818 : vector<16xi32>
          %add3A_1820 = arith.constant 0 : i32
          %add3A_1821 = vector.broadcast %add3A_1820 : i32 to vector<16xi32>
          %add3A_1822 = arith.addi %mul3A_1819, %add3A_1821 : vector<16xi32>
          %add3A_1823 = arith.constant 1 : i32
          %add3A_1824 = vector.broadcast %add3A_1823 : i32 to vector<16xi32>
          %add3A_1825 = arith.addi %add3A_1822, %add3A_1824 : vector<16xi32>
          %min3A_1826 = arith.constant 63 : i32
          %min3A_1827 = vector.broadcast %min3A_1826 : i32 to vector<16xi32>
          %min3A_1828 = arith.minsi %add3A_1825, %min3A_1827 : vector<16xi32>
          %gather3A_1829 = tpu.vector_load_idx %arg12[%add3A_1822] : memref<64xi32, #tpu.memory_space<vmem>>[vector<16xi32>], vector<16xi32>,
          %gather3A_1830 = tpu.vector_load_idx %arg12[%min3A_1828] : memref<64xi32, #tpu.memory_space<vmem>>[vector<16xi32>], vector<16xi32>,
          %gather3A_1831 = tpu.vector_load_idx %arg13[%add3A_1822] : memref<1024xi32, #tpu.memory_space<vmem>>[vector<16xi32>], vector<16xi32>,
          %gather3A_1832 = tpu.vector_load_idx %arg13[%min3A_1828] : memref<1024xi32, #tpu.memory_space<vmem>>[vector<16xi32>], vector<16xi32>,
          %eq3A_1833 = arith.cmpi eq, %gather3A_1829, %gather3A_1830 : vector<16xi32>
          %gt3A_1834 = arith.cmpi sgt, %gather3A_1831, %gather3A_1832 : vector<16xi32>
          %and3A_1835 = arith.andi %eq3A_1833, %gt3A_1834 : vector<16xi1>
          tpu.vector_store_idx %arg13[%add3A_1822], %gather3A_1832 masked %and3A_1835 : memref<1024xi32, #tpu.memory_space<vmem>>[vector<16xi32>], vector<16xi32>, vector<16xi1>
          tpu.vector_store_idx %arg13[%min3A_1828], %gather3A_1831 masked %and3A_1835 : memref<1024xi32, #tpu.memory_space<vmem>>[vector<16xi32>], vector<16xi32>, vector<16xi1>
          %add3A_1836 = arith.constant 16 : i32
          %add3A_1837 = vector.broadcast %add3A_1836 : i32 to vector<16xi32>
          %add3A_1838 = arith.addi %iota3A, %add3A_1837 : vector<16xi32>
          %mul3A_1839 = arith.constant 2 : i32
          %mul3A_1840 = vector.broadcast %mul3A_1839 : i32 to vector<16xi32>
          %mul3A_1841 = arith.muli %add3A_1838, %mul3A_1840 : vector<16xi32>
          %add3A_1842 = arith.constant 0 : i32
          %add3A_1843 = vector.broadcast %add3A_1842 : i32 to vector<16xi32>
          %add3A_1844 = arith.addi %mul3A_1841, %add3A_1843 : vector<16xi32>
          %add3A_1845 = arith.constant 1 : i32
          %add3A_1846 = vector.broadcast %add3A_1845 : i32 to vector<16xi32>
          %add3A_1847 = arith.addi %add3A_1844, %add3A_1846 : vector<16xi32>
          %min3A_1848 = arith.constant 63 : i32
          %min3A_1849 = vector.broadcast %min3A_1848 : i32 to vector<16xi32>
          %min3A_1850 = arith.minsi %add3A_1847, %min3A_1849 : vector<16xi32>
          %gather3A_1851 = tpu.vector_load_idx %arg12[%add3A_1844] : memref<64xi32, #tpu.memory_space<vmem>>[vector<16xi32>], vector<16xi32>,
          %gather3A_1852 = tpu.vector_load_idx %arg12[%min3A_1850] : memref<64xi32, #tpu.memory_space<vmem>>[vector<16xi32>], vector<16xi32>,
          %gather3A_1853 = tpu.vector_load_idx %arg13[%add3A_1844] : memref<1024xi32, #tpu.memory_space<vmem>>[vector<16xi32>], vector<16xi32>,
          %gather3A_1854 = tpu.vector_load_idx %arg13[%min3A_1850] : memref<1024xi32, #tpu.memory_space<vmem>>[vector<16xi32>], vector<16xi32>,
          %eq3A_1855 = arith.cmpi eq, %gather3A_1851, %gather3A_1852 : vector<16xi32>
          %gt3A_1856 = arith.cmpi sgt, %gather3A_1853, %gather3A_1854 : vector<16xi32>
          %and3A_1857 = arith.andi %eq3A_1855, %gt3A_1856 : vector<16xi1>
          tpu.vector_store_idx %arg13[%add3A_1844], %gather3A_1854 masked %and3A_1857 : memref<1024xi32, #tpu.memory_space<vmem>>[vector<16xi32>], vector<16xi32>, vector<16xi1>
          tpu.vector_store_idx %arg13[%min3A_1850], %gather3A_1853 masked %and3A_1857 : memref<1024xi32, #tpu.memory_space<vmem>>[vector<16xi32>], vector<16xi32>, vector<16xi1>
          %add3A_1858 = arith.constant 0 : i32
          %add3A_1859 = vector.broadcast %add3A_1858 : i32 to vector<16xi32>
          %add3A_1860 = arith.addi %iota3A, %add3A_1859 : vector<16xi32>
          %mul3A_1861 = arith.constant 2 : i32
          %mul3A_1862 = vector.broadcast %mul3A_1861 : i32 to vector<16xi32>
          %mul3A_1863 = arith.muli %add3A_1860, %mul3A_1862 : vector<16xi32>
          %add3A_1864 = arith.constant 1 : i32
          %add3A_1865 = vector.broadcast %add3A_1864 : i32 to vector<16xi32>
          %add3A_1866 = arith.addi %mul3A_1863, %add3A_1865 : vector<16xi32>
          %add3A_1867 = arith.constant 1 : i32
          %add3A_1868 = vector.broadcast %add3A_1867 : i32 to vector<16xi32>
          %add3A_1869 = arith.addi %add3A_1866, %add3A_1868 : vector<16xi32>
          %min3A_1870 = arith.constant 63 : i32
          %min3A_1871 = vector.broadcast %min3A_1870 : i32 to vector<16xi32>
          %min3A_1872 = arith.minsi %add3A_1869, %min3A_1871 : vector<16xi32>
          %gather3A_1873 = tpu.vector_load_idx %arg12[%add3A_1866] : memref<64xi32, #tpu.memory_space<vmem>>[vector<16xi32>], vector<16xi32>,
          %gather3A_1874 = tpu.vector_load_idx %arg12[%min3A_1872] : memref<64xi32, #tpu.memory_space<vmem>>[vector<16xi32>], vector<16xi32>,
          %gather3A_1875 = tpu.vector_load_idx %arg13[%add3A_1866] : memref<1024xi32, #tpu.memory_space<vmem>>[vector<16xi32>], vector<16xi32>,
          %gather3A_1876 = tpu.vector_load_idx %arg13[%min3A_1872] : memref<1024xi32, #tpu.memory_space<vmem>>[vector<16xi32>], vector<16xi32>,
          %eq3A_1877 = arith.cmpi eq, %gather3A_1873, %gather3A_1874 : vector<16xi32>
          %gt3A_1878 = arith.cmpi sgt, %gather3A_1875, %gather3A_1876 : vector<16xi32>
          %and3A_1879 = arith.andi %eq3A_1877, %gt3A_1878 : vector<16xi1>
          tpu.vector_store_idx %arg13[%add3A_1866], %gather3A_1876 masked %and3A_1879 : memref<1024xi32, #tpu.memory_space<vmem>>[vector<16xi32>], vector<16xi32>, vector<16xi1>
          tpu.vector_store_idx %arg13[%min3A_1872], %gather3A_1875 masked %and3A_1879 : memref<1024xi32, #tpu.memory_space<vmem>>[vector<16xi32>], vector<16xi32>, vector<16xi1>
          %add3A_1880 = arith.constant 16 : i32
          %add3A_1881 = vector.broadcast %add3A_1880 : i32 to vector<16xi32>
          %add3A_1882 = arith.addi %iota3A, %add3A_1881 : vector<16xi32>
          %mul3A_1883 = arith.constant 2 : i32
          %mul3A_1884 = vector.broadcast %mul3A_1883 : i32 to vector<16xi32>
          %mul3A_1885 = arith.muli %add3A_1882, %mul3A_1884 : vector<16xi32>
          %add3A_1886 = arith.constant 1 : i32
          %add3A_1887 = vector.broadcast %add3A_1886 : i32 to vector<16xi32>
          %add3A_1888 = arith.addi %mul3A_1885, %add3A_1887 : vector<16xi32>
          %add3A_1889 = arith.constant 1 : i32
          %add3A_1890 = vector.broadcast %add3A_1889 : i32 to vector<16xi32>
          %add3A_1891 = arith.addi %add3A_1888, %add3A_1890 : vector<16xi32>
          %min3A_1892 = arith.constant 63 : i32
          %min3A_1893 = vector.broadcast %min3A_1892 : i32 to vector<16xi32>
          %min3A_1894 = arith.minsi %add3A_1891, %min3A_1893 : vector<16xi32>
          %gather3A_1895 = tpu.vector_load_idx %arg12[%add3A_1888] : memref<64xi32, #tpu.memory_space<vmem>>[vector<16xi32>], vector<16xi32>,
          %gather3A_1896 = tpu.vector_load_idx %arg12[%min3A_1894] : memref<64xi32, #tpu.memory_space<vmem>>[vector<16xi32>], vector<16xi32>,
          %gather3A_1897 = tpu.vector_load_idx %arg13[%add3A_1888] : memref<1024xi32, #tpu.memory_space<vmem>>[vector<16xi32>], vector<16xi32>,
          %gather3A_1898 = tpu.vector_load_idx %arg13[%min3A_1894] : memref<1024xi32, #tpu.memory_space<vmem>>[vector<16xi32>], vector<16xi32>,
          %eq3A_1899 = arith.cmpi eq, %gather3A_1895, %gather3A_1896 : vector<16xi32>
          %gt3A_1900 = arith.cmpi sgt, %gather3A_1897, %gather3A_1898 : vector<16xi32>
          %and3A_1901 = arith.andi %eq3A_1899, %gt3A_1900 : vector<16xi1>
          tpu.vector_store_idx %arg13[%add3A_1888], %gather3A_1898 masked %and3A_1901 : memref<1024xi32, #tpu.memory_space<vmem>>[vector<16xi32>], vector<16xi32>, vector<16xi1>
          tpu.vector_store_idx %arg13[%min3A_1894], %gather3A_1897 masked %and3A_1901 : memref<1024xi32, #tpu.memory_space<vmem>>[vector<16xi32>], vector<16xi32>, vector<16xi1>
        } else {
        }
        %mul3A_1608 = arith.constant 8 : i32
        %mul3A_1609 = arith.muli %scan3A_8, %mul3A_1608 : i32
        %add3A_1610 = arith.addi %mul3A_1609, %scan3A_19 : i32
        %get3A_1611 = arith.index_cast %add3A_1610 : i32 to index
        %get3A_1612 = arith.constant 0 : index
        %get3A_1613 = tpu.vector_load %arg10[%get3A_1611, %get3A_1612] {strides = array<i32>} : memref<512x16xf32, #tpu.memory_space<vmem>>, vector<16xf32>,
        %slice3A_1614 = vector.extract_strided_slice %get3A_1613 {offsets = [0], sizes = [1], strides = [1]} : vector<16xf32> to vector<1xf32>
        %squeeze3A_1615 = vector.extract %slice3A_1614[0] : f32 from vector<1xf32>
        %broadcast_in_dim3A_1616 = vector.broadcast %squeeze3A_1615 : f32 to vector<16xf32>
        %slice3A_1617 = vector.extract_strided_slice %get3A_1613 {offsets = [1], sizes = [1], strides = [1]} : vector<16xf32> to vector<1xf32>
        %squeeze3A_1618 = vector.extract %slice3A_1617[0] : f32 from vector<1xf32>
        %broadcast_in_dim3A_1619 = vector.broadcast %squeeze3A_1618 : f32 to vector<16xf32>
        %get3A_1620 = arith.constant 0 : index
        %get3A_1621 = tpu.vector_load %arg12[%get3A_1620] {strides = array<i32>} : memref<64xi32, #tpu.memory_space<vmem>>, vector<16xi32>,
        %get3A_1622 = arith.constant 0 : index
        %get3A_1623 = tpu.vector_load %arg13[%get3A_1622] {strides = array<i32>} : memref<1024xi32, #tpu.memory_space<vmem>>, vector<16xi32>,
        %ge3A_1624 = arith.constant 0 : i32
        %ge3A_1625 = vector.broadcast %ge3A_1624 : i32 to vector<16xi32>
        %ge3A_1626 = arith.cmpi sge, %get3A_1621, %ge3A_1625 : vector<16xi32>
        %xor3A = arith.constant 2147483647 : i32
        %xor3A_1627 = vector.broadcast %xor3A : i32 to vector<16xi32>
        %xor3A_1628 = arith.xori %get3A_1621, %xor3A_1627 : vector<16xi32>
        %select_n3A = arith.select %ge3A_1626, %get3A_1621, %xor3A_1628 : vector<16xi1>, vector<16xi32>
        %bitcast_convert_type3A = tpu.bitcast %select_n3A : vector<16xi32> -> vector<16xf32>
        %swap3A_1629 = arith.index_cast %scan3A_19 : i32 to index
        %swap3A_1630 = arith.constant 0 : index
        %swap3A_1631 = tpu.vector_load %arg14[%swap3A_1629, %swap3A_1630] {strides = array<i32>} : memref<8x64xf32, #tpu.memory_space<vmem>>, vector<16xf32>,
        tpu.vector_store %arg14[%swap3A_1629, %swap3A_1630], %bitcast_convert_type3A {strides = array<i32>} : memref<8x64xf32, #tpu.memory_space<vmem>>, vector<16xf32>,
        %swap3A_1632 = arith.index_cast %scan3A_19 : i32 to index
        %swap3A_1633 = arith.constant 0 : index
        %swap3A_1634 = tpu.vector_load %arg15[%swap3A_1632, %swap3A_1633] {strides = array<i32>} : memref<8x64xi32, #tpu.memory_space<vmem>>, vector<16xi32>,
        tpu.vector_store %arg15[%swap3A_1632, %swap3A_1633], %get3A_1623 {strides = array<i32>} : memref<8x64xi32, #tpu.memory_space<vmem>>, vector<16xi32>,
        %gather3A_1635 = tpu.vector_load_idx %arg11[%get3A_1623] : memref<1024xi32, #tpu.memory_space<vmem>>[vector<16xi32>], vector<16xi32>,
        %swap3A_1636 = arith.index_cast %scan3A_19 : i32 to index
        %swap3A_1637 = arith.constant 0 : index
        %swap3A_1638 = tpu.vector_load %arg16[%swap3A_1636, %swap3A_1637] {strides = array<i32>} : memref<8x64xi32, #tpu.memory_space<vmem>>, vector<16xi32>,
        tpu.vector_store %arg16[%swap3A_1636, %swap3A_1637], %gather3A_1635 {strides = array<i32>} : memref<8x64xi32, #tpu.memory_space<vmem>>, vector<16xi32>,
        %sub3A = arith.subf %bitcast_convert_type3A, %broadcast_in_dim3A_1616 : vector<16xf32>
        %exp3A = math.exp %sub3A : vector<16xf32>
        %div3A = arith.divf %exp3A, %broadcast_in_dim3A_1619 : vector<16xf32>
        %swap3A_1639 = arith.index_cast %scan3A_19 : i32 to index
        %swap3A_1640 = arith.constant 0 : index
        %swap3A_1641 = tpu.vector_load %arg17[%swap3A_1639, %swap3A_1640] {strides = array<i32>} : memref<8x64xf32, #tpu.memory_space<vmem>>, vector<16xf32>,
        tpu.vector_store %arg17[%swap3A_1639, %swap3A_1640], %div3A {strides = array<i32>} : memref<8x64xf32, #tpu.memory_space<vmem>>, vector<16xf32>,
        %get3A_1642 = arith.constant 16 : index
        %get3A_1643 = tpu.vector_load %arg12[%get3A_1642] {strides = array<i32>} : memref<64xi32, #tpu.memory_space<vmem>>, vector<16xi32>,
        %get3A_1644 = arith.constant 16 : index
        %get3A_1645 = tpu.vector_load %arg13[%get3A_1644] {strides = array<i32>} : memref<1024xi32, #tpu.memory_space<vmem>>, vector<16xi32>,
        %ge3A_1646 = arith.constant 0 : i32
        %ge3A_1647 = vector.broadcast %ge3A_1646 : i32 to vector<16xi32>
        %ge3A_1648 = arith.cmpi sge, %get3A_1643, %ge3A_1647 : vector<16xi32>
        %xor3A_1649 = arith.constant 2147483647 : i32
        %xor3A_1650 = vector.broadcast %xor3A_1649 : i32 to vector<16xi32>
        %xor3A_1651 = arith.xori %get3A_1643, %xor3A_1650 : vector<16xi32>
        %select_n3A_1652 = arith.select %ge3A_1648, %get3A_1643, %xor3A_1651 : vector<16xi1>, vector<16xi32>
        %bitcast_convert_type3A_1653 = tpu.bitcast %select_n3A_1652 : vector<16xi32> -> vector<16xf32>
        %swap3A_1654 = arith.index_cast %scan3A_19 : i32 to index
        %swap3A_1655 = arith.constant 16 : index
        %swap3A_1656 = tpu.vector_load %arg14[%swap3A_1654, %swap3A_1655] {strides = array<i32>} : memref<8x64xf32, #tpu.memory_space<vmem>>, vector<16xf32>,
        tpu.vector_store %arg14[%swap3A_1654, %swap3A_1655], %bitcast_convert_type3A_1653 {strides = array<i32>} : memref<8x64xf32, #tpu.memory_space<vmem>>, vector<16xf32>,
        %swap3A_1657 = arith.index_cast %scan3A_19 : i32 to index
        %swap3A_1658 = arith.constant 16 : index
        %swap3A_1659 = tpu.vector_load %arg15[%swap3A_1657, %swap3A_1658] {strides = array<i32>} : memref<8x64xi32, #tpu.memory_space<vmem>>, vector<16xi32>,
        tpu.vector_store %arg15[%swap3A_1657, %swap3A_1658], %get3A_1645 {strides = array<i32>} : memref<8x64xi32, #tpu.memory_space<vmem>>, vector<16xi32>,
        %gather3A_1660 = tpu.vector_load_idx %arg11[%get3A_1645] : memref<1024xi32, #tpu.memory_space<vmem>>[vector<16xi32>], vector<16xi32>,
        %swap3A_1661 = arith.index_cast %scan3A_19 : i32 to index
        %swap3A_1662 = arith.constant 16 : index
        %swap3A_1663 = tpu.vector_load %arg16[%swap3A_1661, %swap3A_1662] {strides = array<i32>} : memref<8x64xi32, #tpu.memory_space<vmem>>, vector<16xi32>,
        tpu.vector_store %arg16[%swap3A_1661, %swap3A_1662], %gather3A_1660 {strides = array<i32>} : memref<8x64xi32, #tpu.memory_space<vmem>>, vector<16xi32>,
        %sub3A_1664 = arith.subf %bitcast_convert_type3A_1653, %broadcast_in_dim3A_1616 : vector<16xf32>
        %exp3A_1665 = math.exp %sub3A_1664 : vector<16xf32>
        %div3A_1666 = arith.divf %exp3A_1665, %broadcast_in_dim3A_1619 : vector<16xf32>
        %swap3A_1667 = arith.index_cast %scan3A_19 : i32 to index
        %swap3A_1668 = arith.constant 16 : index
        %swap3A_1669 = tpu.vector_load %arg17[%swap3A_1667, %swap3A_1668] {strides = array<i32>} : memref<8x64xf32, #tpu.memory_space<vmem>>, vector<16xf32>,
        tpu.vector_store %arg17[%swap3A_1667, %swap3A_1668], %div3A_1666 {strides = array<i32>} : memref<8x64xf32, #tpu.memory_space<vmem>>, vector<16xf32>,
        %get3A_1670 = arith.constant 32 : index
        %get3A_1671 = tpu.vector_load %arg12[%get3A_1670] {strides = array<i32>} : memref<64xi32, #tpu.memory_space<vmem>>, vector<16xi32>,
        %get3A_1672 = arith.constant 32 : index
        %get3A_1673 = tpu.vector_load %arg13[%get3A_1672] {strides = array<i32>} : memref<1024xi32, #tpu.memory_space<vmem>>, vector<16xi32>,
        %ge3A_1674 = arith.constant 0 : i32
        %ge3A_1675 = vector.broadcast %ge3A_1674 : i32 to vector<16xi32>
        %ge3A_1676 = arith.cmpi sge, %get3A_1671, %ge3A_1675 : vector<16xi32>
        %xor3A_1677 = arith.constant 2147483647 : i32
        %xor3A_1678 = vector.broadcast %xor3A_1677 : i32 to vector<16xi32>
        %xor3A_1679 = arith.xori %get3A_1671, %xor3A_1678 : vector<16xi32>
        %select_n3A_1680 = arith.select %ge3A_1676, %get3A_1671, %xor3A_1679 : vector<16xi1>, vector<16xi32>
        %bitcast_convert_type3A_1681 = tpu.bitcast %select_n3A_1680 : vector<16xi32> -> vector<16xf32>
        %swap3A_1682 = arith.index_cast %scan3A_19 : i32 to index
        %swap3A_1683 = arith.constant 32 : index
        %swap3A_1684 = tpu.vector_load %arg14[%swap3A_1682, %swap3A_1683] {strides = array<i32>} : memref<8x64xf32, #tpu.memory_space<vmem>>, vector<16xf32>,
        tpu.vector_store %arg14[%swap3A_1682, %swap3A_1683], %bitcast_convert_type3A_1681 {strides = array<i32>} : memref<8x64xf32, #tpu.memory_space<vmem>>, vector<16xf32>,
        %swap3A_1685 = arith.index_cast %scan3A_19 : i32 to index
        %swap3A_1686 = arith.constant 32 : index
        %swap3A_1687 = tpu.vector_load %arg15[%swap3A_1685, %swap3A_1686] {strides = array<i32>} : memref<8x64xi32, #tpu.memory_space<vmem>>, vector<16xi32>,
        tpu.vector_store %arg15[%swap3A_1685, %swap3A_1686], %get3A_1673 {strides = array<i32>} : memref<8x64xi32, #tpu.memory_space<vmem>>, vector<16xi32>,
        %gather3A_1688 = tpu.vector_load_idx %arg11[%get3A_1673] : memref<1024xi32, #tpu.memory_space<vmem>>[vector<16xi32>], vector<16xi32>,
        %swap3A_1689 = arith.index_cast %scan3A_19 : i32 to index
        %swap3A_1690 = arith.constant 32 : index
        %swap3A_1691 = tpu.vector_load %arg16[%swap3A_1689, %swap3A_1690] {strides = array<i32>} : memref<8x64xi32, #tpu.memory_space<vmem>>, vector<16xi32>,
        tpu.vector_store %arg16[%swap3A_1689, %swap3A_1690], %gather3A_1688 {strides = array<i32>} : memref<8x64xi32, #tpu.memory_space<vmem>>, vector<16xi32>,
        %sub3A_1692 = arith.subf %bitcast_convert_type3A_1681, %broadcast_in_dim3A_1616 : vector<16xf32>
        %exp3A_1693 = math.exp %sub3A_1692 : vector<16xf32>
        %div3A_1694 = arith.divf %exp3A_1693, %broadcast_in_dim3A_1619 : vector<16xf32>
        %swap3A_1695 = arith.index_cast %scan3A_19 : i32 to index
        %swap3A_1696 = arith.constant 32 : index
        %swap3A_1697 = tpu.vector_load %arg17[%swap3A_1695, %swap3A_1696] {strides = array<i32>} : memref<8x64xf32, #tpu.memory_space<vmem>>, vector<16xf32>,
        tpu.vector_store %arg17[%swap3A_1695, %swap3A_1696], %div3A_1694 {strides = array<i32>} : memref<8x64xf32, #tpu.memory_space<vmem>>, vector<16xf32>,
        %get3A_1698 = arith.constant 48 : index
        %get3A_1699 = tpu.vector_load %arg12[%get3A_1698] {strides = array<i32>} : memref<64xi32, #tpu.memory_space<vmem>>, vector<16xi32>,
        %get3A_1700 = arith.constant 48 : index
        %get3A_1701 = tpu.vector_load %arg13[%get3A_1700] {strides = array<i32>} : memref<1024xi32, #tpu.memory_space<vmem>>, vector<16xi32>,
        %ge3A_1702 = arith.constant 0 : i32
        %ge3A_1703 = vector.broadcast %ge3A_1702 : i32 to vector<16xi32>
        %ge3A_1704 = arith.cmpi sge, %get3A_1699, %ge3A_1703 : vector<16xi32>
        %xor3A_1705 = arith.constant 2147483647 : i32
        %xor3A_1706 = vector.broadcast %xor3A_1705 : i32 to vector<16xi32>
        %xor3A_1707 = arith.xori %get3A_1699, %xor3A_1706 : vector<16xi32>
        %select_n3A_1708 = arith.select %ge3A_1704, %get3A_1699, %xor3A_1707 : vector<16xi1>, vector<16xi32>
        %bitcast_convert_type3A_1709 = tpu.bitcast %select_n3A_1708 : vector<16xi32> -> vector<16xf32>
        %swap3A_1710 = arith.index_cast %scan3A_19 : i32 to index
        %swap3A_1711 = arith.constant 48 : index
        %swap3A_1712 = tpu.vector_load %arg14[%swap3A_1710, %swap3A_1711] {strides = array<i32>} : memref<8x64xf32, #tpu.memory_space<vmem>>, vector<16xf32>,
        tpu.vector_store %arg14[%swap3A_1710, %swap3A_1711], %bitcast_convert_type3A_1709 {strides = array<i32>} : memref<8x64xf32, #tpu.memory_space<vmem>>, vector<16xf32>,
        %swap3A_1713 = arith.index_cast %scan3A_19 : i32 to index
        %swap3A_1714 = arith.constant 48 : index
        %swap3A_1715 = tpu.vector_load %arg15[%swap3A_1713, %swap3A_1714] {strides = array<i32>} : memref<8x64xi32, #tpu.memory_space<vmem>>, vector<16xi32>,
        tpu.vector_store %arg15[%swap3A_1713, %swap3A_1714], %get3A_1701 {strides = array<i32>} : memref<8x64xi32, #tpu.memory_space<vmem>>, vector<16xi32>,
        %gather3A_1716 = tpu.vector_load_idx %arg11[%get3A_1701] : memref<1024xi32, #tpu.memory_space<vmem>>[vector<16xi32>], vector<16xi32>,
        %swap3A_1717 = arith.index_cast %scan3A_19 : i32 to index
        %swap3A_1718 = arith.constant 48 : index
        %swap3A_1719 = tpu.vector_load %arg16[%swap3A_1717, %swap3A_1718] {strides = array<i32>} : memref<8x64xi32, #tpu.memory_space<vmem>>, vector<16xi32>,
        tpu.vector_store %arg16[%swap3A_1717, %swap3A_1718], %gather3A_1716 {strides = array<i32>} : memref<8x64xi32, #tpu.memory_space<vmem>>, vector<16xi32>,
        %sub3A_1720 = arith.subf %bitcast_convert_type3A_1709, %broadcast_in_dim3A_1616 : vector<16xf32>
        %exp3A_1721 = math.exp %sub3A_1720 : vector<16xf32>
        %div3A_1722 = arith.divf %exp3A_1721, %broadcast_in_dim3A_1619 : vector<16xf32>
        %swap3A_1723 = arith.index_cast %scan3A_19 : i32 to index
        %swap3A_1724 = arith.constant 48 : index
        %swap3A_1725 = tpu.vector_load %arg17[%swap3A_1723, %swap3A_1724] {strides = array<i32>} : memref<8x64xf32, #tpu.memory_space<vmem>>, vector<16xf32>,
        tpu.vector_store %arg17[%swap3A_1723, %swap3A_1724], %div3A_1722 {strides = array<i32>} : memref<8x64xf32, #tpu.memory_space<vmem>>, vector<16xf32>,
      }
      %scan3A_18 = arith.constant 8 : i32
      "tpu.region"() ({
        %run_scoped3A = tpu.sem_alloc : memref<!tpu.dma_semaphore, #tpu.memory_space<semaphore_mem>>
        %dma_start3A = arith.constant 0 : i32
        %dma_start3A_19 = tpu.memref_slice %arg5[%add3A_11, %dma_start3A] : memref<16384x64xf32, #tpu.memory_space<hbm>> -> memref<8x64xf32, #tpu.memory_space<hbm>>
        %dma_start3A_20 = arith.constant 0 : i32
        %dma_start3A_21 = tpu.memref_slice %arg5[%add3A_11, %dma_start3A_20] : memref<16384x64xf32, #tpu.memory_space<hbm>> -> memref<8x64xf32, #tpu.memory_space<hbm>>
        tpu.enqueue_dma source(%arg14 : memref<8x64xf32, #tpu.memory_space<vmem>>) target(%dma_start3A_21 : memref<8x64xf32, #tpu.memory_space<hbm>>) target_semaphore(%run_scoped3A : memref<!tpu.dma_semaphore, #tpu.memory_space<semaphore_mem>>)
        %dma_wait3A = arith.constant 0 : i32
        %dma_wait3A_22 = tpu.memref_slice %arg5[%add3A_11, %dma_wait3A] : memref<16384x64xf32, #tpu.memory_space<hbm>> -> memref<8x64xf32, #tpu.memory_space<hbm>>
        %dma_wait3A_23 = arith.constant 0 : i32
        %dma_wait3A_24 = tpu.memref_slice %arg5[%add3A_11, %dma_wait3A_23] : memref<16384x64xf32, #tpu.memory_space<hbm>> -> memref<8x64xf32, #tpu.memory_space<hbm>>
        tpu.wait_dma2 semaphore(%run_scoped3A : memref<!tpu.dma_semaphore, #tpu.memory_space<semaphore_mem>>) src(%arg14 : memref<8x64xf32, #tpu.memory_space<vmem>>) dst(%dma_wait3A_24 : memref<8x64xf32, #tpu.memory_space<hbm>>)
        tpu.yield
      }) : () -> ()
      "tpu.region"() ({
        %run_scoped3A = tpu.sem_alloc : memref<!tpu.dma_semaphore, #tpu.memory_space<semaphore_mem>>
        %dma_start3A = arith.constant 0 : i32
        %dma_start3A_19 = tpu.memref_slice %arg6[%add3A_11, %dma_start3A] : memref<16384x64xi32, #tpu.memory_space<hbm>> -> memref<8x64xi32, #tpu.memory_space<hbm>>
        %dma_start3A_20 = arith.constant 0 : i32
        %dma_start3A_21 = tpu.memref_slice %arg6[%add3A_11, %dma_start3A_20] : memref<16384x64xi32, #tpu.memory_space<hbm>> -> memref<8x64xi32, #tpu.memory_space<hbm>>
        tpu.enqueue_dma source(%arg15 : memref<8x64xi32, #tpu.memory_space<vmem>>) target(%dma_start3A_21 : memref<8x64xi32, #tpu.memory_space<hbm>>) target_semaphore(%run_scoped3A : memref<!tpu.dma_semaphore, #tpu.memory_space<semaphore_mem>>)
        %dma_wait3A = arith.constant 0 : i32
        %dma_wait3A_22 = tpu.memref_slice %arg6[%add3A_11, %dma_wait3A] : memref<16384x64xi32, #tpu.memory_space<hbm>> -> memref<8x64xi32, #tpu.memory_space<hbm>>
        %dma_wait3A_23 = arith.constant 0 : i32
        %dma_wait3A_24 = tpu.memref_slice %arg6[%add3A_11, %dma_wait3A_23] : memref<16384x64xi32, #tpu.memory_space<hbm>> -> memref<8x64xi32, #tpu.memory_space<hbm>>
        tpu.wait_dma2 semaphore(%run_scoped3A : memref<!tpu.dma_semaphore, #tpu.memory_space<semaphore_mem>>) src(%arg15 : memref<8x64xi32, #tpu.memory_space<vmem>>) dst(%dma_wait3A_24 : memref<8x64xi32, #tpu.memory_space<hbm>>)
        tpu.yield
      }) : () -> ()
      "tpu.region"() ({
        %run_scoped3A = tpu.sem_alloc : memref<!tpu.dma_semaphore, #tpu.memory_space<semaphore_mem>>
        %dma_start3A = arith.constant 0 : i32
        %dma_start3A_19 = tpu.memref_slice %arg7[%add3A_11, %dma_start3A] : memref<16384x64xi32, #tpu.memory_space<hbm>> -> memref<8x64xi32, #tpu.memory_space<hbm>>
        %dma_start3A_20 = arith.constant 0 : i32
        %dma_start3A_21 = tpu.memref_slice %arg7[%add3A_11, %dma_start3A_20] : memref<16384x64xi32, #tpu.memory_space<hbm>> -> memref<8x64xi32, #tpu.memory_space<hbm>>
        tpu.enqueue_dma source(%arg16 : memref<8x64xi32, #tpu.memory_space<vmem>>) target(%dma_start3A_21 : memref<8x64xi32, #tpu.memory_space<hbm>>) target_semaphore(%run_scoped3A : memref<!tpu.dma_semaphore, #tpu.memory_space<semaphore_mem>>)
        %dma_wait3A = arith.constant 0 : i32
        %dma_wait3A_22 = tpu.memref_slice %arg7[%add3A_11, %dma_wait3A] : memref<16384x64xi32, #tpu.memory_space<hbm>> -> memref<8x64xi32, #tpu.memory_space<hbm>>
        %dma_wait3A_23 = arith.constant 0 : i32
        %dma_wait3A_24 = tpu.memref_slice %arg7[%add3A_11, %dma_wait3A_23] : memref<16384x64xi32, #tpu.memory_space<hbm>> -> memref<8x64xi32, #tpu.memory_space<hbm>>
        tpu.wait_dma2 semaphore(%run_scoped3A : memref<!tpu.dma_semaphore, #tpu.memory_space<semaphore_mem>>) src(%arg16 : memref<8x64xi32, #tpu.memory_space<vmem>>) dst(%dma_wait3A_24 : memref<8x64xi32, #tpu.memory_space<hbm>>)
        tpu.yield
      }) : () -> ()
      "tpu.region"() ({
        %run_scoped3A = tpu.sem_alloc : memref<!tpu.dma_semaphore, #tpu.memory_space<semaphore_mem>>
        %dma_start3A = arith.constant 0 : i32
        %dma_start3A_19 = tpu.memref_slice %arg8[%add3A_11, %dma_start3A] : memref<16384x64xf32, #tpu.memory_space<hbm>> -> memref<8x64xf32, #tpu.memory_space<hbm>>
        %dma_start3A_20 = arith.constant 0 : i32
        %dma_start3A_21 = tpu.memref_slice %arg8[%add3A_11, %dma_start3A_20] : memref<16384x64xf32, #tpu.memory_space<hbm>> -> memref<8x64xf32, #tpu.memory_space<hbm>>
        tpu.enqueue_dma source(%arg17 : memref<8x64xf32, #tpu.memory_space<vmem>>) target(%dma_start3A_21 : memref<8x64xf32, #tpu.memory_space<hbm>>) target_semaphore(%run_scoped3A : memref<!tpu.dma_semaphore, #tpu.memory_space<semaphore_mem>>)
        %dma_wait3A = arith.constant 0 : i32
        %dma_wait3A_22 = tpu.memref_slice %arg8[%add3A_11, %dma_wait3A] : memref<16384x64xf32, #tpu.memory_space<hbm>> -> memref<8x64xf32, #tpu.memory_space<hbm>>
        %dma_wait3A_23 = arith.constant 0 : i32
        %dma_wait3A_24 = tpu.memref_slice %arg8[%add3A_11, %dma_wait3A_23] : memref<16384x64xf32, #tpu.memory_space<hbm>> -> memref<8x64xf32, #tpu.memory_space<hbm>>
        tpu.wait_dma2 semaphore(%run_scoped3A : memref<!tpu.dma_semaphore, #tpu.memory_space<semaphore_mem>>) src(%arg17 : memref<8x64xf32, #tpu.memory_space<vmem>>) dst(%dma_wait3A_24 : memref<8x64xf32, #tpu.memory_space<hbm>>)
        tpu.yield
      }) : () -> ()
    }
    %scan3A_7 = arith.constant 64 : i32
    return
  }
}

module attributes {stable_mosaic.version = 14 : i64} {
  func.func @_tc_body(%arg0: i32, %arg1: memref<256x256xf32, #tpu.memory_space<vmem>>, %arg2: memref<256x128xf32, #tpu.memory_space<vmem>>, %arg3: memref<128xf32, #tpu.memory_space<vmem>>, %arg4: memref<1024x128xf32, #tpu.memory_space<vmem>>, %arg5: memref<256x1000xf32, #tpu.memory_space<vmem>>, %arg6: memref<256x1000xf32, #tpu.memory_space<vmem>>, %arg7: memref<256x128xf32, #tpu.memory_space<vmem>>, %arg8: memref<256x1024xi32, #tpu.memory_space<vmem>>, %arg9: memref<256x16xf32, #tpu.memory_space<vmem>>) attributes {dimension_semantics = [#tpu.dimension_semantics<arbitrary>], iteration_bounds = array<i64: 64>, scalar_prefetch = 0 : i64, scratch_operands = 0 : i64, tpu.core_type = #tpu.core_type<tc>, window_params = [{transform_indices = @transform_0, window_bounds = array<i64: 256, 256>}, {pipeline_mode = #tpu.pipeline_mode<synchronous>, transform_indices = @transform_1, window_bounds = array<i64: 256, 128>}, {pipeline_mode = #tpu.pipeline_mode<synchronous>, transform_indices = @transform_2, window_bounds = array<i64: 128>}, {pipeline_mode = #tpu.pipeline_mode<synchronous>, transform_indices = @transform_3, window_bounds = array<i64: 1024, 128>}, {transform_indices = @transform_4, window_bounds = array<i64: 256, 1000>}, {transform_indices = @transform_5, window_bounds = array<i64: 256, 1000>}, {transform_indices = @transform_6, window_bounds = array<i64: 256, 128>}, {transform_indices = @transform_7, window_bounds = array<i64: 256, 1024>}, {transform_indices = @transform_8, window_bounds = array<i64: 256, 16>}]} {
    %get3A = arith.constant 0 : index
    %get3A_0 = arith.constant 0 : index
    %get3A_1 = vector.load %arg1[%get3A, %get3A_0] : memref<256x256xf32, #tpu.memory_space<vmem>>, vector<256x256xf32>
    %get3A_2 = arith.constant 0 : index
    %get3A_3 = arith.constant 0 : index
    %get3A_4 = vector.load %arg2[%get3A_2, %get3A_3] : memref<256x128xf32, #tpu.memory_space<vmem>>, vector<256x128xf32>
    %dot_general3A = arith.constant dense<0.000000e+00> : vector<256x128xf32>
    %dot_general3A_5 = tpu.matmul %get3A_1, %get3A_4, %dot_general3A {dimension_numbers = #tpu.dot_dimension_numbers<[1], [0], [0], [1], [0, 0, 1, 1], [], []>, transpose_lhs_hint = false} : vector<256x256xf32>, vector<256x128xf32>, vector<256x128xf32> -> vector<256x128xf32>
    %get3A_6 = arith.constant 0 : index
    %get3A_7 = vector.load %arg3[%get3A_6] : memref<128xf32, #tpu.memory_space<vmem>>, vector<128xf32>
    %broadcast_in_dim3A = vector.shape_cast %get3A_7 : vector<128xf32> to vector<1x128xf32>
    %add3A = vector.broadcast %broadcast_in_dim3A : vector<1x128xf32> to vector<256x128xf32>
    %add3A_8 = arith.addf %dot_general3A_5, %add3A : vector<256x128xf32>
    %swap3A = arith.constant 0 : index
    %swap3A_9 = arith.constant 0 : index
    %swap3A_10 = vector.load %arg7[%swap3A, %swap3A_9] : memref<256x128xf32, #tpu.memory_space<vmem>>, vector<256x128xf32>
    tpu.vector_store %arg7[%swap3A, %swap3A_9], %add3A_8 {strides = array<i32>} : memref<256x128xf32, #tpu.memory_space<vmem>>, vector<256x128xf32>,
    %get3A_11 = arith.constant 0 : index
    %get3A_12 = arith.constant 0 : index
    %get3A_13 = vector.load %arg4[%get3A_11, %get3A_12] : memref<1024x128xf32, #tpu.memory_space<vmem>>, vector<1024x128xf32>
    %dot_general3A_14 = arith.constant dense<0.000000e+00> : vector<256x1024xf32>
    %dot_general3A_15 = tpu.matmul %add3A_8, %get3A_13, %dot_general3A_14 {dimension_numbers = #tpu.dot_dimension_numbers<[1], [1], [0], [0], [0, 0, 1, 0], [], []>, transpose_lhs_hint = false} : vector<256x128xf32>, vector<1024x128xf32>, vector<256x1024xf32> -> vector<256x1024xf32>
    %mul3A = arith.constant 0.0883883461 : f32
    %mul3A_16 = vector.broadcast %mul3A : f32 to vector<256x1024xf32>
    %mul3A_17 = arith.mulf %dot_general3A_15, %mul3A_16 : vector<256x1024xf32>
    %iota3A = tpu.iota {dimensions = array<i32: 1>} : vector<256x1024xi32>
    %lt3A = arith.constant 1000 : i32
    %lt3A_18 = vector.broadcast %lt3A : i32 to vector<256x1024xi32>
    %lt3A_19 = arith.cmpi slt, %iota3A, %lt3A_18 : vector<256x1024xi32>
    %jit3A = arith.constant 0xFF800000 : f32
    %broadcast_in_dim3A_20 = vector.broadcast %jit3A : f32 to vector<256x1024xf32>
    %select_n3A = arith.select %lt3A_19, %mul3A_17, %broadcast_in_dim3A_20 : vector<256x1024xi1>, vector<256x1024xf32>
    %reduce_max3A = arith.constant dense<0xFF800000> : vector<256xf32>
    %reduce_max3A_21 = vector.multi_reduction <maximumf>, %select_n3A, %reduce_max3A [1] : vector<256x1024xf32> to vector<256xf32>
    %broadcast_in_dim3A_22 = vector.shape_cast %reduce_max3A_21 : vector<256xf32> to vector<256x1xf32>
    %sub3A = vector.broadcast %broadcast_in_dim3A_22 : vector<256x1xf32> to vector<256x1024xf32>
    %sub3A_23 = arith.subf %select_n3A, %sub3A : vector<256x1024xf32>
    %exp3A = math.exp %sub3A_23 : vector<256x1024xf32>
    %reduce_sum3A = arith.constant dense<0.000000e+00> : vector<256xf32>
    %reduce_sum3A_24 = vector.multi_reduction <add>, %exp3A, %reduce_sum3A [1] : vector<256x1024xf32> to vector<256xf32>
    %broadcast_in_dim3A_25 = vector.shape_cast %reduce_sum3A_24 : vector<256xf32> to vector<256x1xf32>
    %div3A = vector.broadcast %broadcast_in_dim3A_25 : vector<256x1xf32> to vector<256x1024xf32>
    %div3A_26 = arith.divf %exp3A, %div3A : vector<256x1024xf32>
    %slice3A = vector.extract_strided_slice %div3A_26 {offsets = [0, 0], sizes = [256, 1000], strides = [1, 1]} : vector<256x1024xf32> to vector<256x1000xf32>
    %swap3A_27 = arith.constant 0 : index
    %swap3A_28 = arith.constant 0 : index
    %swap3A_29 = vector.load %arg6[%swap3A_27, %swap3A_28] : memref<256x1000xf32, #tpu.memory_space<vmem>>, vector<256x1000xf32>
    tpu.vector_store %arg6[%swap3A_27, %swap3A_28], %slice3A {strides = array<i32>} : memref<256x1000xf32, #tpu.memory_space<vmem>>, vector<256x1000xf32>,
    %slice3A_30 = vector.extract_strided_slice %mul3A_17 {offsets = [0, 0], sizes = [256, 1000], strides = [1, 1]} : vector<256x1024xf32> to vector<256x1000xf32>
    %swap3A_31 = arith.constant 0 : index
    %swap3A_32 = arith.constant 0 : index
    %swap3A_33 = vector.load %arg5[%swap3A_31, %swap3A_32] : memref<256x1000xf32, #tpu.memory_space<vmem>>, vector<256x1000xf32>
    tpu.vector_store %arg5[%swap3A_31, %swap3A_32], %slice3A_30 {strides = array<i32>} : memref<256x1000xf32, #tpu.memory_space<vmem>>, vector<256x1000xf32>,
    %bitcast_convert_type3A = tpu.bitcast %mul3A_17 : vector<256x1024xf32> -> vector<256x1024xi32>
    %ge3A = arith.constant 0 : i32
    %ge3A_34 = vector.broadcast %ge3A : i32 to vector<256x1024xi32>
    %ge3A_35 = arith.cmpi sge, %bitcast_convert_type3A, %ge3A_34 : vector<256x1024xi32>
    %xor3A = arith.constant 2147483647 : i32
    %xor3A_36 = vector.broadcast %xor3A : i32 to vector<256x1024xi32>
    %xor3A_37 = arith.xori %bitcast_convert_type3A, %xor3A_36 : vector<256x1024xi32>
    %select_n3A_38 = arith.select %ge3A_35, %bitcast_convert_type3A, %xor3A_37 : vector<256x1024xi1>, vector<256x1024xi32>
    %jit3A_39 = arith.constant -2147483648 : i32
    %broadcast_in_dim3A_40 = vector.broadcast %jit3A_39 : i32 to vector<256x1024xi32>
    %select_n3A_41 = arith.select %lt3A_19, %select_n3A_38, %broadcast_in_dim3A_40 : vector<256x1024xi1>, vector<256x1024xi32>
    %swap3A_42 = arith.constant 0 : index
    %swap3A_43 = arith.constant 0 : index
    %swap3A_44 = vector.load %arg8[%swap3A_42, %swap3A_43] : memref<256x1024xi32, #tpu.memory_space<vmem>>, vector<256x1024xi32>
    tpu.vector_store %arg8[%swap3A_42, %swap3A_43], %select_n3A_41 {strides = array<i32>} : memref<256x1024xi32, #tpu.memory_space<vmem>>, vector<256x1024xi32>,
    %broadcast_in_dim3A_45 = arith.constant 0.000000e+00 : f32
    %broadcast_in_dim3A_46 = vector.broadcast %broadcast_in_dim3A_45 : f32 to vector<256x14xf32>
    %concatenate3A = tpu.concatenate %broadcast_in_dim3A_22, %broadcast_in_dim3A_25, %broadcast_in_dim3A_46 in 1 : vector<256x1xf32>, vector<256x1xf32>, vector<256x14xf32> -> vector<256x16xf32>
    %swap3A_47 = arith.constant 0 : index
    %swap3A_48 = arith.constant 0 : index
    %swap3A_49 = vector.load %arg9[%swap3A_47, %swap3A_48] : memref<256x16xf32, #tpu.memory_space<vmem>>, vector<256x16xf32>
    tpu.vector_store %arg9[%swap3A_47, %swap3A_48], %concatenate3A {strides = array<i32>} : memref<256x16xf32, #tpu.memory_space<vmem>>, vector<256x16xf32>,
    return
  }
  func.func @transform_0(%arg0: i32) -> (i32, i32) {
    %c0_i32 = arith.constant 0 : i32
    %c0_i32_0 = arith.constant 0 : i32
    return %arg0, %c0_i32 : i32, i32
  }
  func.func @transform_1(%arg0: i32) -> (i32, i32) {
    %c0_i32 = arith.constant 0 : i32
    %c0_i32_0 = arith.constant 0 : i32
    %c0_i32_1 = arith.constant 0 : i32
    return %c0_i32, %c0_i32_0 : i32, i32
  }
  func.func @transform_2(%arg0: i32) -> i32 {
    %c0_i32 = arith.constant 0 : i32
    %c0_i32_0 = arith.constant 0 : i32
    return %c0_i32 : i32
  }
  func.func @transform_3(%arg0: i32) -> (i32, i32) {
    %c0_i32 = arith.constant 0 : i32
    %c0_i32_0 = arith.constant 0 : i32
    %c0_i32_1 = arith.constant 0 : i32
    return %c0_i32, %c0_i32_0 : i32, i32
  }
  func.func @transform_4(%arg0: i32) -> (i32, i32) {
    %c0_i32 = arith.constant 0 : i32
    %c0_i32_0 = arith.constant 0 : i32
    return %arg0, %c0_i32 : i32, i32
  }
  func.func @transform_5(%arg0: i32) -> (i32, i32) {
    %c0_i32 = arith.constant 0 : i32
    %c0_i32_0 = arith.constant 0 : i32
    return %arg0, %c0_i32 : i32, i32
  }
  func.func @transform_6(%arg0: i32) -> (i32, i32) {
    %c0_i32 = arith.constant 0 : i32
    %c0_i32_0 = arith.constant 0 : i32
    return %arg0, %c0_i32 : i32, i32
  }
  func.func @transform_7(%arg0: i32) -> (i32, i32) {
    %c0_i32 = arith.constant 0 : i32
    %c0_i32_0 = arith.constant 0 : i32
    return %arg0, %c0_i32 : i32, i32
  }
  func.func @transform_8(%arg0: i32) -> (i32, i32) {
    %c0_i32 = arith.constant 0 : i32
    %c0_i32_0 = arith.constant 0 : i32
    return %arg0, %c0_i32 : i32, i32
  }
}

</mosaic_0001>

<sc_bundles>
// kernel: kernel.4.cloned.1.call-start
scs
__scs_entry_jumppad:
0x0: {  	(pc) =	sbr.rel $0x88, $3  }
0x1: {  	(tag) =	ssettag $0x0;
	lr =	simm.s32 $0x1  }
0x2: {  	[smem:$0x3F9C] =	sst lr;
	_ =	strace $0xD0000000  }
0x3: {  	_ = 	snop  }
0x4: {  	_ = 	snop  }
0x5: {  	_ = 	snop  }
0x6: {  	_ = 	snop  }
0x7: {  	_ = 	snop  }
__scs_overlays_trampoline_lowered:
0x8: {  	[smem:$0x3FAB] =	sst s0  }
0x9: {  	[smem:$0x3FAC] =	sst s1  }
0xa: {  	[smem:$0x3FAD] =	sst s2  }
0xb: {  	[smem:$0x3FAE] =	sst s3  }
0xc: {  	[smem:$0x3FAF] =	sst s4  }
0xd: {  	[smem:$0x3FB0] =	sst s5  }
0xe: {  	[smem:$0x3FB1] =	sst s6  }
0xf: {  	[smem:$0x3FB2] =	sst s7  }
0x10: {  	[smem:$0x3FB3] =	sst s8  }
0x11: {  	[smem:$0x3FB4] =	sst s9;
	s0 =	simm.s32 @!p0 $0x0  }
0x12: {  	s1 =	sld [smem:$0x3F9A];
	s0 =	simm.s32 @p0 $0x1  }
0x13: {  	[smem:$0x3FB5] =	sst s0;
	s0 =	simm.s32 @!p1 $0x0  }
0x14: {  	s2 =	sld [smem:$0x3F99];
	s0 =	simm.s32 @p1 $0x1  }
0x15: {  	[smem:$0x3FB6] =	sst s0;
	s0 =	simm.s32 @!p2 $0x0  }
0x16: {  	s3 =	sld [smem:$0x3FDB];
	s0 =	simm.s32 @p2 $0x1  }
0x17: {  	s4 =	simm.s32 $0x1BF5;
	[smem:$0x3FB8] =	sst s0  }
0x18: {  	s0 =	sld [smem:$0x3F9B];
	_ =	swait.ge [sflag:s4], $0x0  }
0x19: {  	s7 =	sld [smem:$0x3F9C]  }
0x1a: {  	s8 =	sadd.s32 $0xFFFFE003, lr  }
0x1b: {  	s9 =	sadd.s32 $0xFFFFFEF7, lr;
	s5 =	simm.s32 $0xFFFFFFFF;
	p2 =	slt.u32 s8, $0xFFFFF086  }
0x1c: {  	p1 =	slt.u32 s9, $0xF7A;
	s5 =	simm.s32 @!p2 $0x0  }
0x1d: {  	s5 =	simm.s32 @p1 $0x1;
	p0 =	seq.s32 s7, s2  }
0x1e: {  	s7 =	smul.u32 @!p0 $0xF7A, s2;
	p2 =	seq.s32 @!p0 s5, $0x0  }
0x1f: {  	s9 =	smul.u32 $0xF7A, s1;
	s8 =	simm.s32 @!p0 $0x1BF5;
	p2 =	por !p2, p0  }
0x20: {  	[sflag:s8] =	ssyncset.s32 @!p0 $0xFFFFF086;
	s6 =	sadd.s32 @!p0 s3, s7;
	s7 =	simm.s32 @!p0 $0x108  }
0x21: {  	s3 =	sadd.s32 s3, s9;
	s6 =	sadd.s32 @!p0 $0x88, s6;
	s7 =	simm.s32 @p2 $0x1082  }
0x22: {  	[simem:s7], [sflag:s8] =	dma.local @!p0 [hbm:s6], $0xF7A  }
0x23: {  	s9 =	sor.u32 $0xD0000000, s2;
	s6 =	simm.s32 $0x108;
	_ =	swait.ge @!p0 [sflag:s8], $0x0  }
0x24: {  	s3 =	sadd.s32 $0x88, s3;
	s6 =	simm.s32 @!p1 $0x1082;
	[sflag:s4] =	ssyncset.s32 $0xFFFFF086  }
0x25: {  	[simem:s6], [sflag:s4] =	dma.local [hbm:s3], $0xF7A  }
0x26: {  	[smem:$0x3F9C] =	sst s1;
	(tag) =	ssettag s2;
	_ =	strace s9  }
0x27: {  	s1 =	sld [smem:$0x3FAC]  }
0x28: {  	s2 =	sld [smem:$0x3FAD]  }
0x29: {  	s4 =	sld [smem:$0x3FAF]  }
0x2a: {  	p0 =	seq.s32 s5, $0x0;
	s5 =	sld [smem:$0x3FB0]  }
0x2b: {  	s6 =	sld [smem:$0x3FB1]  }
0x2c: {  	s7 =	sld [smem:$0x3FB2]  }
0x2d: {  	s3 =	simm.s32 $0x108;
	s8 =	sld [smem:$0x3FB3]  }
0x2e: {  	s3 =	simm.s32 @!p0 $0x1082;
	s9 =	sld [smem:$0x3FB4]  }
0x2f: {  	lr =	sadd.s32 s0, s3;
	s0 =	sld [smem:$0x3FAB]  }
0x30: {  	s3 =	sld [smem:$0x3FAE]  }
0x31: {  	[smem:$0x3FB7] =	sst s10  }
0x32: {  	s10 =	sld [smem:$0x3FB5];
	_ =	sdelay $0x3  }
0x33: {  	p0 =	seq.s32 s10, $0x1;
	s10 =	sld [smem:$0x3FB7];
	_ =	sdelay $0x3  }
0x34: {  	[smem:$0x3FB7] =	sst s10  }
0x35: {  	s10 =	sld [smem:$0x3FB6];
	_ =	sdelay $0x3  }
0x36: {  	p1 =	seq.s32 s10, $0x1;
	s10 =	sld [smem:$0x3FB7];
	_ =	sdelay $0x3  }
0x37: {  	[smem:$0x3FB7] =	sst s10  }
0x38: {  	s10 =	sld [smem:$0x3FB8]  }
0x39: {  	_ = 	snop;
	(pc) =	sbr.ind lr, $3  }
0x3a: {  	_ = 	snop  }
0x3b: {  	_ = 	snop  }
0x3c: {  	p2 =	seq.s32 s10, $0x1;
	s10 =	sld [smem:$0x3FB7]  }
0x3d: {  	_ =	shalt  }
0x3e: {  	_ =	shalt  }
0x3f: {  	_ =	shalt  }
0x40: {  	_ =	shalt  }
0x41: {  	_ =	shalt  }
0x42: {  	_ =	shalt  }
0x43: {  	_ =	shalt  }
0x44: {  	_ =	shalt  }
0x45: {  	_ =	shalt  }
0x46: {  	_ =	shalt  }
0x47: {  	_ =	shalt  }
0x48: {  	_ =	shalt  }
0x49: {  	_ =	shalt  }
0x4a: {  	_ =	shalt  }
0x4b: {  	_ =	shalt  }
0x4c: {  	_ =	shalt  }
0x4d: {  	_ =	shalt  }
0x4e: {  	_ =	shalt  }
0x4f: {  	_ =	shalt  }
0x50: {  	_ =	shalt  }
0x51: {  	_ =	shalt  }
0x52: {  	_ =	shalt  }
0x53: {  	_ =	shalt  }
0x54: {  	_ =	shalt  }
0x55: {  	_ =	shalt  }
0x56: {  	_ =	shalt  }
0x57: {  	_ =	shalt  }
0x58: {  	_ =	shalt  }
0x59: {  	_ =	shalt  }
0x5a: {  	_ =	shalt  }
0x5b: {  	_ =	shalt  }
0x5c: {  	_ =	shalt  }
0x5d: {  	_ =	shalt  }
0x5e: {  	_ =	shalt  }
0x5f: {  	_ =	shalt  }
0x60: {  	_ =	shalt  }
0x61: {  	_ =	shalt  }
0x62: {  	_ =	shalt  }
0x63: {  	_ =	shalt  }
0x64: {  	_ =	shalt  }
0x65: {  	_ =	shalt  }
0x66: {  	_ =	shalt  }
0x67: {  	_ =	shalt  }
0x68: {  	_ =	shalt  }
0x69: {  	_ =	shalt  }
0x6a: {  	_ =	shalt  }
0x6b: {  	_ =	shalt  }
0x6c: {  	_ =	shalt  }
0x6d: {  	_ =	shalt  }
0x6e: {  	_ =	shalt  }
0x6f: {  	_ =	shalt  }
0x70: {  	_ =	shalt  }
0x71: {  	_ =	shalt  }
0x72: {  	_ =	shalt  }
0x73: {  	_ =	shalt  }
0x74: {  	_ =	shalt  }
0x75: {  	_ =	shalt  }
0x76: {  	_ =	shalt  }
0x77: {  	_ =	shalt  }
0x78: {  	_ =	shalt  }
0x79: {  	_ =	shalt  }
0x7a: {  	_ =	shalt  }
0x7b: {  	_ =	shalt  }
0x7c: {  	_ =	shalt  }
0x7d: {  	_ =	shalt  }
0x7e: {  	_ =	shalt  }
0x7f: {  	_ =	shalt  }
0x80: {  	_ =	shalt  }
0x81: {  	_ =	shalt  }
0x82: {  	_ =	shalt  }
0x83: {  	_ =	shalt  }
0x84: {  	_ =	shalt  }
0x85: {  	_ =	shalt  }
0x86: {  	_ =	shalt  }
0x87: {  	_ =	shalt  }
.Lfunc_end0:
.L_simem_size_0:
called_computation.1_lowered:
.L_overlay_start_0:
0x88: {  	s2 =	sld [smem:$0x3FD9]  }
0x89: {  	s3 =	sld [smem:$0x3FFE];
	_ =	sdelay $0x1  }
0x8a: {  	s1 =	srdreg.scid  }
0x8b: {  	s0 =	sand.u32 $0x1, s1  }
0x8c: {  	s14 =	sshll.u32 s0, $0xA;
	s2 =	sadd.s32 s3, s2  }
0x8d: {  	s2 =	sadd.s32 s2, s14  }
0x8e: {  	[smem:$0x3FC3] =	sst s2  }
0x8f: {  	_ = 	snop  }
0x90: {  	s2 =	sld [smem:$0x3FD0];
	_ =	sdelay $0x2  }
0x91: {  	s15 =	simm.s32 $0xA;
	s4 =	simm.s32 $0x10  }
0x92: {  	[smem:s4], [sflag:s15] =	dma.local [hbm:s2], $0x1  }
0x93: {  	_ =	swait.eq [sflag:s15], $0x1  }
0x94: {  	[sflag:s15] =	ssyncset.done $0x0  }
0x95: {  	[sflag:s15] =	ssyncadd.s32 $0xFFFFFFFF  }
0x96: {  	s16 =	sld [smem:$0x15];
	(tm) =	ssettm $0x1  }
0x97: {  	s17 =	sld [smem:$0x3FFB];
	_ =	sdelay $0x3  }
0x98: {  	_ =	strace s17  }
0x99: {  	s3 =	sld [smem:$0x3FFC];
	_ =	sdelay $0x3  }
0x9a: {  	_ =	strace s3  }
0x9b: {  	s3 =	sld [smem:$0x3FFD];
	_ =	sdelay $0x3  }
0x9c: {  	_ =	strace s3  }
0x9d: {  	_ =	strace $0x8FFFFFFF  }
0x9e: {  	s18 =	sld [smem:$0x3FDB];
	_ =	sdelay $0x1  }
0x9f: {  	s19 =	simm.s32 $_scs_section_size  }
0xa0: {  	s5 =	simm.s32 $_size__tile_overlayer_lowered;
	s6 =	simm.s32 $_tile_overlayer_lowered  }
0xa1: {  	s22 =	simm.s32 $0x1BFF;
	s21 =	sshll.u32 s6, $0x1;
	s3 =	sadd.s32 s19, s18  }
0xa2: {  	s7 =	simm.s32 $0x0;
	s20 =	sshll.u32 s5, $0x1;
	s5 =	sadd.s32 s21, s3  }
0xa3: {  	[timem:s7], [sflag:s22] =	dma.local [hbm:s5], s20  }
0xa4: {  	_ =	swait.ge [sflag:s22], s20  }
0xa5: {  	s4 =	ssub.s32 $0x0, s20;
	[sflag:s22] =	ssyncset.done $0x0  }
0xa6: {  	[sflag:s22] =	ssyncadd.s32 s4;
	_ =	sdelay $0x1  }
0xa7: {  	s23 =	simm.s32 $0x1B8B  }
0xa8: {  	_ =	swait.ge [sflag:s23], $0x1  }
0xa9: {  	[sflag:s23] =	ssyncset.done $0x0  }
0xaa: {  	s25 =	simm.s32 $0x1B8E;
	s24 =	sld [smem:$0x3FFE];
	[sflag:s23] =	ssyncadd.s32 $0xFFFFFFFF  }
0xab: {  	s26 =	simm.s32 $execute0_lowered;
	[smem:$0x3FD2] =	sst s25  }
0xac: {  	s5 =	sshll.u32 s26, $0x1;
	_ =	strace $0x80000049;
	[dreg:$0x1] =	wrdreg $0xFFFFFFFF  }
0xad: {  	s28 =	simm.s32 $_size_execute0_lowered;
	s3 =	sadd.s32 s3, s5;
	[dreg:$0x0] =	wrdreg $0x0  }
0xae: {  	s5 =	sshll.u32 s28, $0x1;
	[dreg:$0x2] =	wrdreg s3  }
0xaf: {  	[dreg:$0x3] =	wrdreg s5  }
0xb0: {  	[dreg:$0x4] =	wrdreg $0xC0  }
0xb1: {  	_ =	task [dreg:s7], $0x5FFFF  }
0xb2: {  	[dreg:$0x1] =	wrdreg $0xFFFFFFFF  }
0xb3: {  	[dreg:$0x0] =	wrdreg $0x60  }
0xb4: {  	[dreg:$0x2] =	wrdreg s24  }
0xb5: {  	[dreg:$0x3] =	wrdreg s16  }
0xb6: {  	[dreg:$0x4] =	wrdreg $0x9  }
0xb7: {  	_ =	task.clear_ibuf [dreg:s7], $0x5FFFF;
	_ =	strace $0x90000049  }
0xb8: {  	s29 =	simm.s32 $0x9;
	_ =	strace $0x8000004B  }
0xb9: {  	_ =	swait.ge [sflag:s29], $0x1  }
0xba: {  	[sflag:s29] =	ssyncadd.s32 $0xFFFFFFFF  }
0xbb: {  	_ =	strace $0x9000004B  }
0xbc: {  	_ =	sfence  }
0xbd: {  	s30 =	sld [smem:$0x0];
	_ =	sdelay $0x2  }
0xbe: {  	s31 =	sshll.u32 s1, $0xD;
	s1 =	sshrl.u32 s1, $0x2  }
0xbf: {  	s3 =	sand.u32 $0x4000, s31;
	s1 =	sadd.s32 s1, s30  }
0xc0: {  	s0 =	sor.u32 s3, s0;
	s1 =	sshll.u32 s1, $0x11  }
0xc1: {  	s0 =	sor.u32 s1, s0  }
0xc2: {  	s0 =	sadd.s32 $0x8F2B, s0  }
0xc3: {  	[sflag:s0] =	ssyncadd.remote.s32 $0x1  }
0xc4: {  	_ =	sfence.sel $0xFFFF  }
0xc5: {  	[dreg:$0x0] =	wrdreg $0xFFFFFFFF;
	(pc) =	sbr.abs _section_cstart, $3  }
0xc6: {  	[dreg:$0x1] =	wrdreg $0xFFFFFFFF  }
0xc7: {  	_ =	task.clear_ibuf [dreg:s7], $0x2FFFF;
	_ =	strace $0x9FFFFFFF  }
0xc8: {  	(tm) =	ssettm $0x7FFFFFFF  }
0xc9: {  	_ =	shalt  }
tec
execute0_lowered:
.L_overlay_start_1:
0x0: {  	(tag) =	ssettag $0x1  }
0x1: {  	v0 =	vlaneseq.u32  }
0x2: {  	v4 =	vor.u32 $0x90, v0  }
0x3: {  	v6 =	vor.u32 $0x310, v0;
	[tilespmem:$0x1FDD0] =	vst v4  }
0x4: {  	v4 =	vor.u32 $0x130, v0;
	[tilespmem:$0x1FEF0] =	vst v6  }
0x5: {  	v6 =	vor.u32 $0x320, v0;
	[tilespmem:$0x1FDE0] =	vst v4  }
0x6: {  	v4 =	vor.u32 $0x1D0, v0;
	[tilespmem:$0x1FF00] =	vst v6  }
0x7: {  	v6 =	vor.u32 $0x330, v0;
	[tilespmem:$0x1FDF0] =	vst v4  }
0x8: {  	v4 =	vor.u32 $0x220, v0;
	[tilespmem:$0x1FF10] =	vst v6  }
0x9: {  	v6 =	vor.u32 $0x340, v0;
	[tilespmem:$0x1FE00] =	vst v4  }
0xa: {  	v4 =	vor.u32 $0x230, v0;
	[tilespmem:$0x1FF20] =	vst v6  }
0xb: {  	[tilespmem:$0x1FE10] =	vst v4;
	v4 =	vor.u32 $0x240, v0  }
0xc: {  	v2 =	vimm.s32 $0x3FF;
	[tilespmem:$0x1FE20] =	vst v4;
	v4 =	vor.u32 $0x250, v0  }
0xd: {  	v3 =	vimm.s32 $0x0;
	v5 =	vimm.s32 $0x3F3F3E3D;
	[tilespmem:$0x1FE30] =	vst v4;
	v4 =	vor.u32 $0x260, v0  }
0xe: {  	vm0 =	vcmask $0x1F10;
	v7 =	vimm.s32 $0x38363432;
	[tilespmem:$0x1FE40] =	vst v4;
	v4 =	vor.u32 $0x270, v0  }
0xf: {  	v8 =	vimm.s32 $0x3F3E3C3A;
	v9 =	vimm.s32 $0x28262422;
	[tilespmem:$0x1FE50] =	vst v4;
	v4 =	vor.u32 $0x280, v0  }
0x10: {  	v10 =	vimm.s32 $0x302E2C2A;
	v1 =	vmul.u32 $0xFFFFFFFF, v0;
	[tilespmem:$0x1FE60] =	vst v4;
	v4 =	vor.u32 $0x290, v0  }
0x11: {  	v31 =	vor.u32 $0x10, v0;
	v32 =	vor.u32 $0x20, v0;
	[tilespmem:$0x1FE70] =	vst v4;
	v4 =	vor.u32 $0x2A0, v0  }
0x12: {  	v33 =	vor.u32 $0x30, v0;
	v34 =	vor.u32 $0x40, v0;
	[tilespmem:$0x1FE80] =	vst v4;
	v4 =	vor.u32 $0x2B0, v0  }
0x13: {  	v35 =	vor.u32 $0x50, v0;
	v36 =	vor.u32 $0x60, v0;
	[tilespmem:$0x1FE90] =	vst v4;
	v4 =	vor.u32 $0x2C0, v0  }
0x14: {  	v37 =	vor.u32 $0x70, v0;
	v38 =	vor.u32 $0x80, v0;
	[tilespmem:$0x1FEA0] =	vst v4;
	v4 =	vor.u32 $0x2D0, v0  }
0x15: {  	v40 =	vor.u32 $0xA0, v0;
	v41 =	vor.u32 $0xB0, v0;
	[tilespmem:$0x1FEB0] =	vst v4;
	v4 =	vor.u32 $0x2E0, v0  }
0x16: {  	s9 =	rddreg [dreg:$0x0];
	v60 =	vor.u32 $0xC0, v0;
	v43 =	vor.u32 $0xD0, v0;
	[tilespmem:$0x1FEC0] =	vst v4;
	v4 =	vor.u32 $0x2F0, v0  }
0x17: {  	s1 =	rddreg [dreg:$0x1];
	s3 =	simm.s32 $0x0;
	v39 =	vor.u32 $0xE0, v0;
	v45 =	vor.u32 $0xF0, v0;
	[tilespmem:$0x1FED0] =	vst v4;
	v4 =	vor.u32 $0x300, v0  }
0x18: {  	v46 =	vor.u32 $0x100, v0;
	v47 =	vor.u32 $0x110, v0;
	[smem:$0x7FF] =	sst s3;
	v11 =	vor.u32 $0x350, v0;
	[tilespmem:$0x1FEE0] =	vst v4  }
0x19: {  	s0 =	rddreg [dreg:$0x2];
	v48 =	vor.u32 $0x120, v0;
	v50 =	vor.u32 $0x140, v0;
	v51 =	vor.u32 $0x150, v0;
	_ =	strace $0x8000004A;
	[tilespmem:$0x1FF30] =	vst v11  }
0x1a: {  	v52 =	vor.u32 $0x160, v0;
	v53 =	vor.u32 $0x170, v0;
	v4 =	vimm.s32 $0x3C3B3A39;
	[tilespmem:$0x1FF80] =	vst v60  }
0x1b: {  	v54 =	vor.u32 $0x180, v0;
	v5 =	vunpack.c.0.s8.s32 v5;
	v4 =	vunpack.c.0.s8.s32 v4;
	[tilespmem:$0x1FF90] =	vst v52  }
0x1c: {  	s13 =	simm.s32 $0x12000;
	v55 =	vor.u32 $0x190, v0;
	v42 =	vor.u32 $0x1E0, v0;
	v61 =	vor.u32 $0x1F0, v0;
	[tilespmem:$0x1FFA0] =	vst v32  }
0x1d: {  	s4 =	srdreg.scid;
	s2 =	stileid.u32;
	s14 =	simm.s32 $0x12480;
	v6 =	vimm.s32 $0x38373635;
	[tilespmem:$0x1FFB0] =	vst v61;
	v4 =	vsel vm0, v5, v4;
	v5 =	vimm.s32 $0x34333231  }
0x1e: {  	s15 =	simm.s32 $0x12400;
	s16 =	simm.s32 $0x12880;
	s17 =	simm.s32 $0x12C80;
	v59 =	vor.u32 $0x210, v0;
	v6 =	vunpack.c.0.s8.s32 v6;
	[tilespmem:$0x1FFC0] =	vst v42;
	v5 =	vunpack.c.0.s8.s32 v5  }
0x1f: {  	s18 =	simm.s32 $0x13080;
	s19 =	simm.s32 $0x13480;
	s20 =	simm.s32 $0x0;
	v7 =	vunpack.c.0.s8.s32 v7;
	v8 =	vunpack.c.0.s8.s32 v8;
	v9 =	vunpack.c.0.s8.s32 v9;
	[tilespmem:$0x1FFD0] =	vst v59  }
0x20: {  	s6 =	sand.u32 $0x1, s4;
	s31 =	sshll.u32 s2, $0xA;
	s8 =	sadd.s32 $0x82800, s9;
	v10 =	vunpack.c.0.s8.s32 v10;
	[tilespmem:$0x1FFE0] =	vst v51;
	v5 =	vsel vm0, v6, v5;
	v6 =	vor.u32 $0x360, v0  }
.Ltmp0:
0x21: {  	v56 =	vor.u32 $0x1A0, v0;
	s5 =	sshll.u32 s6, $0x9;
	s10 =	ssub.s32 $0x2, s6;
	[tilespmem:$0x1FF40] =	vst v6;
	v6 =	vsel vm0, v8, v7;
	v7 =	vor.u32 $0x370, v0;
	(pc) =	sbr.rel .LBB2_1-.Ltmp0, $4  }
0x22: {  	v57 =	vor.u32 $0x1B0, v0;
	v63 =	vor.u32 $0x3C0, v0;
	s6 =	sadd.s32 $0x2800, s9;
	s4 =	sor.u32 s5, s31;
	s12 =	sshrl.u32 s10, $0x1;
	[tilespmem:$0x1FF50] =	vst v7;
	v7 =	vsel vm0, v10, v9  }
0x23: {  	s5 =	sadd.s32 $0x642800, s9;
	s7 =	sshll.u32 s4, $0x4;
	s12 =	ssub.s32 s10, s12;
	[tilespmem:$0x1FFF0] =	vst v63;
	v8 =	vor.u32 $0x380, v0;
	v5 =	vcombine.low v5, v4;
	v4 =	vcombine.low v7, v6  }
0x24: {  	v58 =	vor.u32 $0x1C0, v0;
	v62 =	vor.u32 $0x200, v0;
	v44 =	vor.u32 $0x390, v0;
	s11 =	sadd.s32 s7, s9;
	s7 =	sadd.s32 $0x42800, s9;
	s9 =	sadd.s32 $0xC2800, s9;
	[tilespmem:$0x1FF60] =	vst v8  }
0x25: {  	v49 =	vor.u32 $0x3B0, v0;
	v1 =	vadd.s32 $0xF, v1;
	s10 =	sadd.s32 $0x602800, s11;
	s11 =	smax.u32 s12, $0x1;
	s12 =	simm.s32 $0x1;
	v6 =	vor.u32 $0x3A0, v0;
	[tilespmem:$0x1FF70] =	vst v4  }
.LBB2_10:
0x26: {  	s20 =	sadd.s32 $0x1, s20  }
0x27: {  	p0 =	sne.s32 s20, s11  }
.Ltmp1:
0x28: {  	_ = 	snop;
	(pc) =	sbr.rel @!p0 .LBB2_11-.Ltmp1, $1  }
0x29: {  	_ =	sdelay $0x3  }
.LBB2_1:
0x2a: {  	s21 =	simm.s32 $0x2000  }
0x2b: {  	[tilespmem:s21], [sflag:$0x1] =	stream.linear.gather [hbm4b:s10+s3], $0x10000, $0x38;
	[tilespmem:$0x13880] =	vst v63  }
0x2c: {  	_ =	swait.ge [sflag:s12], $0x10000  }
0x2d: {  	[sflag:s12] =	ssyncset.done $0x0  }
.Ltmp2:
0x2e: {  	[sflag:s12] =	ssyncadd.s32 $0xFFFF0000;
	(pc) =	sbr.rel .LBB2_2-.Ltmp2, $4  }
0x2f: {  	[tilespmem:s13], [sflag:$0x1] =	stream.linear.gather [hbm4b:s1+s3], $0x400, $0x38;
	[tilespmem:$0x13880] =	vst v63  }
0x30: {  	_ =	swait.ge [sflag:s12], $0x400  }
0x31: {  	[sflag:s12] =	ssyncset.done $0x0  }
0x32: {  	s22 =	simm.s32 $0x0;
	[sflag:s12] =	ssyncadd.s32 $0xFFFFFC00  }
.LBB2_9:
0x33: {  	s23 =	sshll.u32 s23, $0x4  }
0x34: {  	s24 =	sadd.s32 s6, s23  }
0x35: {  	[hbm4b:s24+s3] =	stream.linear.scatter [tilespmem:s16], [sflag:$0x1], $0x400, $0x38;
	[tilespmem:$0x13880] =	vst v63  }
0x36: {  	_ =	swait.ge [sflag:s12], $0x400  }
0x37: {  	[sflag:s12] =	ssyncset.done $0x0  }
0x38: {  	s30 =	sadd.s32 s7, s23;
	[sflag:s12] =	ssyncadd.s32 $0xFFFFFC00  }
0x39: {  	[hbm4b:s30+s3] =	stream.linear.scatter [tilespmem:s17], [sflag:$0x1], $0x400, $0x38;
	[tilespmem:$0x13880] =	vst v63  }
0x3a: {  	_ =	swait.ge [sflag:s12], $0x400  }
0x3b: {  	[sflag:s12] =	ssyncset.done $0x0  }
0x3c: {  	s31 =	sadd.s32 s8, s23;
	[sflag:s12] =	ssyncadd.s32 $0xFFFFFC00  }
0x3d: {  	[hbm4b:s31+s3] =	stream.linear.scatter [tilespmem:s18], [sflag:$0x1], $0x400, $0x38;
	[tilespmem:$0x13880] =	vst v63  }
0x3e: {  	s22 =	sadd.s32 $0x1, s22;
	_ =	swait.ge [sflag:s12], $0x400  }
0x3f: {  	p0 =	sne.s32 s22, $0x40;
	[sflag:s12] =	ssyncset.done $0x0  }
.Ltmp3:
0x40: {  	s23 =	sadd.s32 s9, s23;
	[sflag:s12] =	ssyncadd.s32 $0xFFFFFC00;
	(pc) =	sbr.rel @!p0 .LBB2_10-.Ltmp3, $4  }
0x41: {  	[hbm4b:s23+s3] =	stream.linear.scatter [tilespmem:s19], [sflag:$0x1], $0x400, $0x38;
	[tilespmem:$0x13880] =	vst v63  }
0x42: {  	_ =	swait.ge [sflag:s12], $0x400  }
0x43: {  	[sflag:s12] =	ssyncset.done $0x0  }
0x44: {  	s21 =	sadd.s32 $0x400, s21;
	[sflag:s12] =	ssyncadd.s32 $0xFFFFFC00  }
.LBB2_2:
0x45: {  	s23 =	sshll.u32 s22, $0x3  }
0x46: {  	s23 =	sor.u32 s4, s23  }
0x47: {  	s24 =	sshll.u32 s23, $0x7  }
.Ltmp4:
0x48: {  	s25 =	sadd.s32 s5, s24;
	s24 =	simm.s32 $0x0;
	(pc) =	sbr.rel .LBB2_3-.Ltmp4, $4  }
0x49: {  	[tilespmem:s24], [sflag:$0x1] =	stream.linear.gather [hbm4b:s25+s24], $0x2000, $0x38;
	[tilespmem:$0x13880] =	vst v63  }
0x4a: {  	_ =	swait.ge [sflag:s12], $0x2000  }
0x4b: {  	v4 =	vmov s21;
	[sflag:s12] =	ssyncset.done $0x0  }
0x4c: {  	s26 =	simm.s32 $0x0;
	s25 =	simm.s32 $0x200;
	[tilespmem:$0x1FDC0] =	vst v4;
	[sflag:s12] =	ssyncadd.s32 $0xFFFFE000  }
.LBB2_8:
0x4d: {  	v4 =	vld [tilespmem:$0x1FDC0];
	_ =	sdelay $0x6  }
0x4e: {  	s28 =	sshra.s32 s26, $0x2;
	v8 =	vld [tilespmem:$0x12400]  }
0x4f: {  	v7 =	vld.idx.msk [tilespmem:v4+s28+$0x0 ss:$0x1], $0xffff;
	_ =	sdelay $0x4  }
0x50: {  	v10 =	vxor.u32 $0x7FFFFFFF, v8;
	vm0 =	vlt.s32 v8, $0x0;
	v9 =	vbroadcast v7, $0x0  }
0x51: {  	v8 =	vsel vm0, v10, v8  }
0x52: {  	v10 =	vsub.f32 v8, v9;
	_ =	sdelay $0x1  }
0x53: {  	v10 =	vmul.f32 $1.442695020e+00, v10  }
0x54: {  	v11 =	vld [tilespmem:$0x12480];
	v7 =	vbroadcast v7, $0x1  }
0x55: {  	(erf) = vpow2.f32 v10  }
0x56: {  	(erf) = vrcp.f32 v7;
	_ =	sdelay $0x3  }
0x57: {  	[tilespmem:s28+$0x12880] =	vst v8  }
0x58: {  	[tilespmem:s28+$0x12C80] =	vst v11  }
0x59: {  	v7 =	vld.idx.msk [tilespmem:v11+s13+$0x0], $0xffff;
	_ =	sdelay $0x1  }
0x5a: {  	v8 =	vpop (erf)  }
0x5b: {  	v24 =	vpop (erf)  }
0x5c: {  	v8 =	vmul.f32 v8, v24  }
0x5d: {  	[tilespmem:s28+$0x13080] =	vst v7  }
0x5e: {  	[tilespmem:s28+$0x13480] =	vst v8  }
0x5f: {  	v7 =	vld [tilespmem:$0x12410];
	_ =	sdelay $0x4  }
0x60: {  	v8 =	vxor.u32 $0x7FFFFFFF, v7;
	vm13 =	vlt.s32 v7, $0x0  }
0x61: {  	v7 =	vsel vm13, v8, v7  }
0x62: {  	v8 =	vsub.f32 v7, v9;
	_ =	sdelay $0x1  }
0x63: {  	v25 =	vld [tilespmem:$0x12490];
	v8 =	vmul.f32 $1.442695020e+00, v8;
	_ =	sdelay $0x1  }
0x64: {  	(erf) = vpow2.f32 v8;
	_ =	sdelay $0x3  }
0x65: {  	[tilespmem:s28+$0x12C90] =	vst v25  }
0x66: {  	[tilespmem:s28+$0x12890] =	vst v7  }
0x67: {  	v7 =	vld.idx.msk [tilespmem:v25+s13+$0x0], $0xffff;
	_ =	sdelay $0x2  }
0x68: {  	v8 =	vpop (erf)  }
0x69: {  	v8 =	vmul.f32 v8, v24  }
0x6a: {  	[tilespmem:s28+$0x13090] =	vst v7  }
0x6b: {  	[tilespmem:s28+$0x13490] =	vst v8  }
0x6c: {  	v7 =	vld [tilespmem:$0x12420];
	_ =	sdelay $0x4  }
0x6d: {  	v8 =	vxor.u32 $0x7FFFFFFF, v7;
	vm14 =	vlt.s32 v7, $0x0  }
0x6e: {  	v7 =	vsel vm14, v8, v7  }
0x6f: {  	v8 =	vsub.f32 v7, v9;
	_ =	sdelay $0x1  }
0x70: {  	v26 =	vld [tilespmem:$0x124A0];
	v8 =	vmul.f32 $1.442695020e+00, v8;
	_ =	sdelay $0x1  }
0x71: {  	(erf) = vpow2.f32 v8;
	_ =	sdelay $0x3  }
0x72: {  	[tilespmem:s28+$0x12CA0] =	vst v26  }
0x73: {  	[tilespmem:s28+$0x128A0] =	vst v7  }
0x74: {  	v7 =	vld.idx.msk [tilespmem:v26+s13+$0x0], $0xffff;
	_ =	sdelay $0x2  }
0x75: {  	v8 =	vpop (erf)  }
0x76: {  	v8 =	vmul.f32 v8, v24  }
0x77: {  	[tilespmem:s28+$0x130A0] =	vst v7  }
0x78: {  	[tilespmem:s28+$0x134A0] =	vst v8  }
0x79: {  	v7 =	vld [tilespmem:$0x12430];
	_ =	sdelay $0x4  }
0x7a: {  	v8 =	vxor.u32 $0x7FFFFFFF, v7;
	vm15 =	vlt.s32 v7, $0x0  }
0x7b: {  	v7 =	vsel vm15, v8, v7  }
0x7c: {  	v8 =	vsub.f32 v7, v9;
	_ =	sdelay $0x1  }
0x7d: {  	v27 =	vld [tilespmem:$0x124B0];
	v8 =	vmul.f32 $1.442695020e+00, v8;
	_ =	sdelay $0x1  }
0x7e: {  	(erf) = vpow2.f32 v8;
	_ =	sdelay $0x3  }
0x7f: {  	[tilespmem:s28+$0x12CB0] =	vst v27  }
0x80: {  	[tilespmem:s28+$0x128B0] =	vst v7  }
0x81: {  	s26 =	sadd.s32 $0x200, s26;
	v7 =	vld.idx.msk [tilespmem:v27+s13+$0x0], $0xffff  }
0x82: {  	p0 =	sne.s32 s26, $0x1000  }
.Ltmp5:
0x83: {  	_ = 	snop;
	(pc) =	sbr.rel @!p0 .LBB2_9-.Ltmp5, $4  }
0x84: {  	v8 =	vpop (erf)  }
0x85: {  	v8 =	vmul.f32 v8, v24  }
0x86: {  	[tilespmem:s28+$0x130B0] =	vst v7  }
0x87: {  	s24 =	sadd.s32 $0x400, s24;
	s25 =	sadd.s32 $0x400, s25;
	[tilespmem:s28+$0x134B0] =	vst v8  }
.LBB2_3:
0x88: {  	v7 =	vld [tilespmem:s25+$0xFFFFFE00]  }
0x89: {  	v8 =	vld [tilespmem:s25+$0xFFFFFE10]  }
0x8a: {  	v9 =	vld [tilespmem:s25+$0xFFFFFE20]  }
0x8b: {  	v10 =	vld [tilespmem:s25+$0xFFFFFE30]  }
0x8c: {  	v11 =	vld [tilespmem:s25+$0xFFFFFE40]  }
0x8d: {  	v12 =	vld [tilespmem:s25+$0xFFFFFE50]  }
0x8e: {  	v13 =	vld [tilespmem:s25+$0xFFFFFE60]  }
0x8f: {  	v14 =	vld [tilespmem:s25+$0xFFFFFE70]  }
0x90: {  	v15 =	vld [tilespmem:s25+$0xFFFFFE80]  }
0x91: {  	v16 =	vld [tilespmem:s25+$0xFFFFFE90]  }
0x92: {  	v17 =	vld [tilespmem:s25+$0xFFFFFEA0];
	vm0 =	vgt.s32 v7, v8  }
0x93: {  	v18 =	vld [tilespmem:s25+$0xFFFFFEC0];
	v7 =	vsel vm0, v7, v8  }
0x94: {  	v19 =	vld [tilespmem:s25+$0xFFFFFEE0];
	vm0 =	vgt.s32 v7, v9  }
0x95: {  	v20 =	vld [tilespmem:s25+$0xFFFFFF00];
	v7 =	vsel vm0, v7, v9  }
0x96: {  	v21 =	vld [tilespmem:s25+$0xFFFFFF20];
	vm0 =	vgt.s32 v7, v10  }
0x97: {  	v22 =	vld [tilespmem:s25+$0xFFFFFF40];
	v7 =	vsel vm0, v7, v10  }
0x98: {  	v23 =	vld [tilespmem:s25+$0xFFFFFF60];
	vm0 =	vgt.s32 v7, v11  }
0x99: {  	v24 =	vld [tilespmem:s25+$0xFFFFFF80];
	v7 =	vsel vm0, v7, v11  }
0x9a: {  	v25 =	vld [tilespmem:s25+$0xFFFFFFA0];
	vm0 =	vgt.s32 v7, v12  }
0x9b: {  	v26 =	vld [tilespmem:s25+$0xFFFFFFC0];
	v7 =	vsel vm0, v7, v12  }
0x9c: {  	v27 =	vld [tilespmem:s25+$0xFFFFFFE0];
	vm0 =	vgt.s32 v7, v13  }
0x9d: {  	v28 =	vld [tilespmem:s25+$0x0];
	v7 =	vsel vm0, v7, v13  }
0x9e: {  	v29 =	vld [tilespmem:s25+$0x100];
	vm0 =	vgt.s32 v7, v14  }
0x9f: {  	v30 =	vld [tilespmem:s25+$0x20];
	v7 =	vsel vm0, v7, v14  }
0xa0: {  	v8 =	vld [tilespmem:s25+$0xFFFFFEB0];
	vm0 =	vgt.s32 v7, v15  }
0xa1: {  	v11 =	vld [tilespmem:s25+$0xFFFFFF10];
	v7 =	vsel vm0, v7, v15  }
0xa2: {  	v9 =	vld [tilespmem:s25+$0xFFFFFED0];
	vm0 =	vgt.s32 v7, v16  }
0xa3: {  	v10 =	vld [tilespmem:s25+$0xFFFFFEF0];
	v7 =	vsel vm0, v7, v16  }
0xa4: {  	v12 =	vld [tilespmem:s25+$0xFFFFFF30];
	vm0 =	vgt.s32 v7, v17  }
0xa5: {  	v13 =	vld [tilespmem:s25+$0xFFFFFF50];
	v7 =	vsel vm0, v7, v17  }
0xa6: {  	vm10 =	vgt.s32 v20, v11;
	v14 =	vld [tilespmem:s25+$0xFFFFFF70];
	vm0 =	vgt.s32 v7, v8  }
0xa7: {  	v11 =	vsel vm10, v20, v11;
	v20 =	vld [tilespmem:s25+$0x30];
	v7 =	vsel vm0, v7, v8  }
0xa8: {  	v15 =	vld [tilespmem:s25+$0xFFFFFF90];
	vm0 =	vgt.s32 v7, v18  }
0xa9: {  	v16 =	vld [tilespmem:s25+$0xFFFFFFB0];
	v7 =	vsel vm0, v7, v18  }
0xaa: {  	v18 =	vld [tilespmem:s25+$0x10];
	vm0 =	vgt.s32 v7, v9  }
0xab: {  	v7 =	vsel vm0, v7, v9;
	v9 =	vld [tilespmem:s25+$0x110]  }
0xac: {  	v17 =	vld [tilespmem:s25+$0xFFFFFFD0];
	vm0 =	vgt.s32 v7, v19  }
0xad: {  	v7 =	vsel vm0, v7, v19;
	v19 =	vld [tilespmem:s25+$0x120]  }
0xae: {  	v8 =	vld [tilespmem:s25+$0xFFFFFFF0];
	vm1 =	vgt.s32 v7, v10  }
0xaf: {  	vm0 =	vgt.s32 v11, v21;
	vm11 =	vgt.s32 v28, v18;
	v7 =	vsel vm1, v7, v10;
	v10 =	vld [tilespmem:s25+$0x130]  }
0xb0: {  	v11 =	vsel vm0, v11, v21;
	v21 =	vld [tilespmem:s25+$0x40];
	v18 =	vsel vm11, v28, v18;
	vm12 =	vgt.s32 v29, v9  }
0xb1: {  	vm13 =	vgt.s32 v11, v12;
	v28 =	vld [tilespmem:s25+$0x140];
	vm14 =	vgt.s32 v18, v30;
	v9 =	vsel vm12, v29, v9  }
0xb2: {  	v11 =	vsel vm13, v11, v12;
	v12 =	vsel vm14, v18, v30;
	v18 =	vld [tilespmem:s25+$0x50];
	vm15 =	vgt.s32 v9, v19  }
0xb3: {  	vm1 =	vgt.s32 v11, v22;
	vm4 =	vgt.s32 v12, v20;
	v9 =	vsel vm15, v9, v19;
	v19 =	vld [tilespmem:s25+$0x150]  }
0xb4: {  	v11 =	vsel vm1, v11, v22;
	v12 =	vsel vm4, v12, v20;
	v20 =	vld [tilespmem:s25+$0x60];
	vm5 =	vgt.s32 v9, v10  }
0xb5: {  	vm1 =	vgt.s32 v11, v13;
	vm6 =	vgt.s32 v12, v21;
	v9 =	vsel vm5, v9, v10;
	v10 =	vld [tilespmem:s25+$0x160]  }
0xb6: {  	v11 =	vsel vm1, v11, v13;
	v13 =	vld [tilespmem:s25+$0x70];
	v12 =	vsel vm6, v12, v21;
	vm7 =	vgt.s32 v9, v28  }
0xb7: {  	vm1 =	vgt.s32 v11, v23;
	v21 =	vld [tilespmem:s25+$0x170];
	vm8 =	vgt.s32 v12, v18;
	v9 =	vsel vm7, v9, v28  }
0xb8: {  	v11 =	vsel vm1, v11, v23;
	v12 =	vsel vm8, v12, v18;
	v18 =	vld [tilespmem:s25+$0x80];
	vm9 =	vgt.s32 v9, v19  }
0xb9: {  	vm1 =	vgt.s32 v11, v14;
	vm2 =	vgt.s32 v12, v20;
	v9 =	vsel vm9, v9, v19;
	v19 =	vld [tilespmem:s25+$0x180]  }
0xba: {  	v11 =	vsel vm1, v11, v14;
	v14 =	vld [tilespmem:s25+$0x90];
	v12 =	vsel vm2, v12, v20;
	vm0 =	vgt.s32 v9, v10  }
0xbb: {  	vm1 =	vgt.s32 v11, v24;
	vm2 =	vgt.s32 v12, v13;
	v9 =	vsel vm0, v9, v10;
	v10 =	vld [tilespmem:s25+$0x190]  }
0xbc: {  	v11 =	vsel vm1, v11, v24;
	v12 =	vsel vm2, v12, v13;
	v13 =	vld [tilespmem:s25+$0xA0];
	vm0 =	vgt.s32 v9, v21  }
0xbd: {  	v20 =	vld [tilespmem:s25+$0x1A0];
	vm1 =	vgt.s32 v11, v15;
	vm2 =	vgt.s32 v12, v18;
	v9 =	vsel vm0, v9, v21  }
0xbe: {  	v11 =	vsel vm1, v11, v15;
	v15 =	vld [tilespmem:s25+$0xB0];
	v12 =	vsel vm2, v12, v18;
	vm0 =	vgt.s32 v9, v19  }
0xbf: {  	vm1 =	vgt.s32 v11, v25;
	v18 =	vld [tilespmem:s25+$0x1B0];
	vm2 =	vgt.s32 v12, v14;
	v9 =	vsel vm0, v9, v19  }
0xc0: {  	v11 =	vsel vm1, v11, v25;
	v12 =	vsel vm2, v12, v14;
	v14 =	vld [tilespmem:s25+$0xC0];
	vm0 =	vgt.s32 v9, v10  }
0xc1: {  	vm1 =	vgt.s32 v11, v16;
	vm2 =	vgt.s32 v12, v13;
	v9 =	vsel vm0, v9, v10;
	v10 =	vld [tilespmem:s25+$0x1C0]  }
0xc2: {  	v11 =	vsel vm1, v11, v16;
	v12 =	vsel vm2, v12, v13;
	v13 =	vld [tilespmem:s25+$0xD0];
	vm0 =	vgt.s32 v9, v20  }
0xc3: {  	v16 =	vld [tilespmem:s25+$0x1D0];
	vm1 =	vgt.s32 v11, v26;
	vm2 =	vgt.s32 v12, v15;
	v9 =	vsel vm0, v9, v20  }
0xc4: {  	v11 =	vsel vm1, v11, v26;
	v12 =	vsel vm2, v12, v15;
	v15 =	vld [tilespmem:s25+$0xE0];
	vm0 =	vgt.s32 v9, v18  }
0xc5: {  	vm1 =	vgt.s32 v11, v17;
	vm2 =	vgt.s32 v12, v14;
	v9 =	vsel vm0, v9, v18;
	v18 =	vld [tilespmem:s25+$0x1E0]  }
0xc6: {  	v11 =	vsel vm1, v11, v17;
	v12 =	vsel vm2, v12, v14;
	v14 =	vld [tilespmem:s25+$0xF0];
	vm0 =	vgt.s32 v9, v10  }
0xc7: {  	vm1 =	vgt.s32 v11, v27;
	vm2 =	vgt.s32 v12, v13;
	v9 =	vsel vm0, v9, v10;
	v10 =	vld [tilespmem:s25+$0x1F0]  }
0xc8: {  	v11 =	vsel vm1, v11, v27;
	v12 =	vsel vm2, v12, v13;
	vm0 =	vgt.s32 v9, v16  }
0xc9: {  	vm1 =	vgt.s32 v11, v8;
	vm2 =	vgt.s32 v12, v15;
	v9 =	vsel vm0, v9, v16  }
0xca: {  	v8 =	vsel vm1, v11, v8;
	v11 =	vsel vm2, v12, v15;
	vm0 =	vgt.s32 v9, v18  }
0xcb: {  	v12 =	vxor.u32 $0x80000000, v7;
	vm10 =	vgt.s32 v11, v14;
	v9 =	vsel vm0, v9, v18  }
0xcc: {  	(xrf1) =	vsort.dscd.msk.u32 $0xffff, v12, v7;
	v12 =	vxor.u32 $0x80000000, v8;
	v11 =	vsel vm10, v11, v14;
	vm0 =	vgt.s32 v9, v10  }
0xcd: {  	(xrf1) =	vsort.dscd.msk.u32 $0xffff, v12, v8;
	v8 =	vxor.u32 $0x80000000, v11;
	v9 =	vsel vm0, v9, v10  }
0xce: {  	(xrf1) =	vsort.dscd.msk.u32 $0xffff, v8, v11;
	v8 =	vxor.u32 $0x80000000, v9  }
0xcf: {  	(xrf1) =	vsort.dscd.msk.u32 $0xffff, v8, v9;
	_ =	sdelay $0xa  }
0xd0: {  	v8, _, _ =	vpop (xrf1)  }
0xd1: {  	v9, _, _ =	vpop (xrf1)  }
0xd2: {  	v9 =	vxor.u32 $0x80000000, v9;
	v10, _, _ =	vpop (xrf1)  }
0xd3: {  	v9 =	vperm.xlane v9, v1;
	v11, _, _ =	vpop (xrf1)  }
0xd4: {  	v8 =	vxor.u32 $0x80000000, v8;
	v11 =	vxor.u32 $0x80000000, v11  }
0xd5: {  	vm11 =	vgt.s32 v8, v9;
	v11 =	vperm.xlane v11, v1  }
0xd6: {  	v10 =	vxor.u32 $0x80000000, v10;
	v12 =	vsel vm11, v8, v9  }
0xd7: {  	v8 =	vsel vm11, v9, v8;
	v12 =	vxor.u32 $0x80000000, v12;
	vm12 =	vgt.s32 v10, v11  }
0xd8: {  	v8 =	vxor.u32 $0x80000000, v8;
	(xrf1) =	vsort.dscd.msk.u32 $0xffff, v12, v7;
	v9 =	vsel vm12, v10, v11  }
0xd9: {  	(xrf1) =	vsort.dscd.msk.u32 $0xffff, v8, v7;
	v8 =	vxor.u32 $0x80000000, v9;
	v9 =	vsel vm12, v11, v10  }
0xda: {  	(xrf1) =	vsort.dscd.msk.u32 $0xffff, v8, v7;
	v8 =	vxor.u32 $0x80000000, v9  }
0xdb: {  	(xrf1) =	vsort.dscd.msk.u32 $0xffff, v8, v7;
	_ =	sdelay $0xa  }
0xdc: {  	v7, _, _ =	vpop (xrf1)  }
0xdd: {  	v8, _, _ =	vpop (xrf1)  }
0xde: {  	v9, _, _ =	vpop (xrf1)  }
0xdf: {  	v10, _, _ =	vpop (xrf1)  }
0xe0: {  	v9 =	vxor.u32 $0x80000000, v9;
	v10 =	vxor.u32 $0x80000000, v10  }
0xe1: {  	v9 =	vperm.xlane v9, v1;
	v10 =	vperm.xlane v10, v1  }
0xe2: {  	v7 =	vxor.u32 $0x80000000, v7;
	v8 =	vxor.u32 $0x80000000, v8  }
0xe3: {  	vm14 =	vlt.s32 v8, v9;
	vm13 =	vlt.s32 v7, v10  }
0xe4: {  	v8 =	vsel vm14, v8, v9;
	v7 =	vsel vm13, v7, v10  }
0xe5: {  	vm0 =	vlt.s32 v7, v8  }
0xe6: {  	v7 =	vsel vm0, v7, v8  }
0xe7: {  	v8 =	vxor.u32 $0x80000000, v7  }
0xe8: {  	(xrf1) =	vsort.dscd.msk.u32 $0xffff, v8, v7;
	_ =	sdelay $0xa  }
0xe9: {  	[tilespmem:$0x12480] =	vst v2  }
0xea: {  	[tilespmem:$0x12490] =	vst v2  }
0xeb: {  	[tilespmem:$0x124A0] =	vst v2  }
0xec: {  	[tilespmem:$0x124B0] =	vst v2;
	v7, _, _ =	vpop (xrf1)  }
0xed: {  	[tilespmem:$0x124C0] =	vst v2;
	(v2sf) =	vpush v7, $0x1  }
0xee: {  	[tilespmem:$0x124D0] =	vst v2  }
0xef: {  	[tilespmem:$0x124E0] =	vst v2  }
0xf0: {  	[tilespmem:$0x124F0] =	vst v2  }
0xf1: {  	[tilespmem:$0x12500] =	vst v2  }
0xf2: {  	[tilespmem:$0x12510] =	vst v2  }
0xf3: {  	[tilespmem:$0x12520] =	vst v2  }
0xf4: {  	[tilespmem:$0x12530] =	vst v2  }
0xf5: {  	[tilespmem:$0x12540] =	vst v2  }
0xf6: {  	[tilespmem:$0x12550] =	vst v2  }
0xf7: {  	[tilespmem:$0x12560] =	vst v2  }
0xf8: {  	[tilespmem:$0x12570] =	vst v2  }
0xf9: {  	v7 =	vld [tilespmem:s25+$0xFFFFFE00]  }
0xfa: {  	v8 =	vld [tilespmem:s25+$0xFFFFFE10];
	_ =	sdelay $0x1  }
0xfb: {  	v9 =	vld [tilespmem:s25+$0xFFFFFE20];
	s28 =	spop (v2sf)  }
0xfc: {  	v13 =	vld [tilespmem:s25+$0xFFFFFE60];
	s28 =	sxor.u32 $0x80000000, s28  }
0xfd: {  	v12 =	vld [tilespmem:s25+$0xFFFFFE50];
	vm15 =	vge.s32 v7, s28  }
0xfe: {  	v10 =	vld [tilespmem:s25+$0xFFFFFE30];
	vm14 =	vge.s32 v8, s28;
	v8 =	vsel vm15, $0x1, v3  }
0xff: {  	v11 =	vld [tilespmem:s25+$0xFFFFFE40];
	(xrf0) =	vadd.scan.msk.s32 $0xffff, v8  }
0x100: {  	v7 =	vld [tilespmem:s25+$0xFFFFFE90];
	vm13 =	vge.s32 v9, s28;
	v8 =	vsel vm14, $0x1, v3  }
0x101: {  	v14 =	vld [tilespmem:s25+$0xFFFFFE70];
	v9 =	vsel vm13, $0x1, v3;
	(xrf0) =	vadd.scan.msk.s32 $0xffff, v8  }
0x102: {  	v8 =	vld [tilespmem:s25+$0xFFFFFEC0];
	(xrf0) =	vadd.scan.msk.s32 $0xffff, v9  }
0x103: {  	vm12 =	vge.s32 v10, s28;
	v10 =	vld [tilespmem:s25+$0xFFFFFED0]  }
0x104: {  	v15 =	vld [tilespmem:s25+$0xFFFFFE80];
	vm11 =	vge.s32 v11, s28;
	vm10 =	vge.s32 v12, s28;
	v9 =	vsel vm12, $0x1, v3  }
0x105: {  	v16 =	vld [tilespmem:s25+$0xFFFFFEA0];
	vm9 =	vge.s32 v13, s28;
	(xrf0) =	vadd.scan.msk.s32 $0xffff, v9;
	v9 =	vmpcnt.ones.xlane vm15;
	vm3 =	vge.s32 v7, s28;
	v7, _, _ =	vpop (xrf0)  }
0x106: {  	v17 =	vld [tilespmem:s25+$0xFFFFFEB0];
	vm6 =	vge.s32 v14, s28;
	v12 =	vmpcnt.ones.xlane vm14;
	v7 =	vadd.s32 $0xFFFFFFFF, v7  }
0x107: {  	v11 =	vld [tilespmem:s25+$0xFFFFFEF0];
	v9 =	vadd.s32 $0xFFFFFFFF, v9;
	vm5 =	vge.s32 v8, s28;
	v8 =	vmpcnt.ones.xlane vm13;
	v13, _, _ =	vpop (xrf0)  }
0x108: {  	vm7 =	vge.s32 v10, s28;
	v13 =	vadd.s32 v13, v9;
	v10, _, _ =	vpop (xrf0);
	v9 =	vadd.s32 v12, v9  }
0x109: {  	v8 =	vadd.s32 v8, v9;
	v9 =	vadd.s32 v10, v9;
	v10 =	vsel vm11, $0x1, v3  }
0x10a: {  	v18 =	vld [tilespmem:s25+$0xFFFFFEE0];
	vm4 =	vge.s32 v15, s28;
	vm2 =	vge.s32 v16, s28;
	(xrf0) =	vadd.scan.msk.s32 $0xffff, v10;
	v10 =	vsel vm10, $0x1, v3  }
0x10b: {  	vm1 =	vge.s32 v17, s28;
	v12, _, _ =	vpop (xrf0);
	(xrf0) =	vadd.scan.msk.s32 $0xffff, v10;
	[tilespmem:v7+s14+$0x0] =	vst.idx.msk vm15, v0;
	v7 =	vsel vm9, $0x1, v3  }
0x10c: {  	vm0 =	vge.s32 v11, s28;
	v11 =	vadd.s32 v12, v8;
	(xrf0) =	vadd.scan.msk.s32 $0xffff, v7;
	v7 =	vsel vm6, $0x1, v3  }
0x10d: {  	v10 =	vmpcnt.ones.xlane vm12;
	[tilespmem:v13+s14+$0x0] =	vst.idx.msk vm14, v31;
	(xrf0) =	vadd.scan.msk.s32 $0xffff, v7;
	v7 =	vsel vm4, $0x1, v3  }
0x10e: {  	v12 =	vmpcnt.ones.xlane vm11;
	[tilespmem:v9+s14+$0x0] =	vst.idx.msk vm13, v32;
	v9 =	vsel vm3, $0x1, v3;
	(xrf0) =	vadd.scan.msk.s32 $0xffff, v7  }
0x10f: {  	vm8 =	vge.s32 v18, s28;
	v8 =	vadd.s32 v10, v8;
	(xrf0) =	vadd.scan.msk.s32 $0xffff, v9;
	v9 =	vsel vm2, $0x1, v3  }
0x110: {  	v14 =	vmpcnt.ones.xlane vm9;
	v12 =	vadd.s32 v12, v8;
	v16, _, _ =	vpop (xrf0);
	(xrf0) =	vadd.scan.msk.s32 $0xffff, v9;
	v9 =	vsel vm1, $0x1, v3  }
0x111: {  	v15 =	vmpcnt.ones.xlane vm4;
	v13 =	vmpcnt.ones.xlane vm10;
	v10, _, _ =	vpop (xrf0);
	(xrf0) =	vadd.scan.msk.s32 $0xffff, v9;
	v9 =	vsel vm5, $0x1, v3  }
0x112: {  	v7 =	vmpcnt.ones.xlane vm6;
	v8 =	vadd.s32 v16, v8;
	v16, _, _ =	vpop (xrf0);
	(xrf0) =	vadd.scan.msk.s32 $0xffff, v9;
	v9 =	vsel vm7, $0x1, v3  }
0x113: {  	v13 =	vadd.s32 v13, v12;
	v10 =	vadd.s32 v10, v12;
	v12, _, _ =	vpop (xrf0);
	(xrf0) =	vadd.scan.msk.s32 $0xffff, v9;
	v9 =	vsel vm8, $0x1, v3  }
0x114: {  	v14 =	vadd.s32 v14, v13;
	v13 =	vadd.s32 v16, v13;
	v16, _, _ =	vpop (xrf0);
	(xrf0) =	vadd.scan.msk.s32 $0xffff, v9;
	v9 =	vsel vm0, $0x1, v3  }
0x115: {  	[tilespmem:v11+s14+$0x0] =	vst.idx.msk vm12, v33;
	v11 =	vmpcnt.ones.xlane vm3;
	v7 =	vadd.s32 v7, v14  }
0x116: {  	v15 =	vadd.s32 v15, v7;
	v12 =	vadd.s32 v12, v14;
	v14 =	vmpcnt.ones.xlane vm2  }
0x117: {  	v11 =	vadd.s32 v11, v15;
	(xrf0) =	vadd.scan.msk.s32 $0xffff, v9;
	v7 =	vadd.s32 v16, v7;
	v16 =	vmpcnt.ones.xlane vm1;
	v9, _, _ =	vpop (xrf0)  }
0x118: {  	v4 =	vld [tilespmem:$0x1FDD0];
	[tilespmem:v8+s14+$0x0] =	vst.idx.msk vm11, v34;
	v14 =	vadd.s32 v14, v11;
	v8, _, _ =	vpop (xrf0);
	v9 =	vadd.s32 v9, v15;
	v15 =	vmpcnt.ones.xlane vm5  }
0x119: {  	[tilespmem:v10+s14+$0x0] =	vst.idx.msk vm10, v35;
	v16 =	vadd.s32 v16, v14;
	v17, _, _ =	vpop (xrf0);
	v8 =	vadd.s32 v8, v11  }
0x11a: {  	v10 =	vmpcnt.ones.xlane vm7;
	[tilespmem:v13+s14+$0x0] =	vst.idx.msk vm9, v36;
	v11, _, _ =	vpop (xrf0);
	v13 =	vadd.s32 v17, v14;
	v15 =	vadd.s32 v15, v16  }
0x11b: {  	[tilespmem:v12+s14+$0x0] =	vst.idx.msk vm6, v37;
	v14 =	vmpcnt.ones.xlane vm8;
	v17, _, _ =	vpop (xrf0);
	v11 =	vadd.s32 v11, v16  }
0x11c: {  	[tilespmem:v7+s14+$0x0] =	vst.idx.msk vm4, v38;
	v10 =	vadd.s32 v10, v15;
	v12, _, _ =	vpop (xrf0);
	v7 =	vadd.s32 v17, v15  }
0x11d: {  	v14 =	vadd.s32 v14, v10;
	v15, _, _ =	vpop (xrf0);
	[tilespmem:v9+s14+$0x0] =	vst.idx.msk vm3, v4;
	v9 =	vadd.s32 v12, v10  }
0x11e: {  	[tilespmem:v8+s14+$0x0] =	vst.idx.msk vm2, v40;
	v8 =	vadd.s32 v15, v14  }
0x11f: {  	[tilespmem:v13+s14+$0x0] =	vst.idx.msk vm1, v41  }
0x120: {  	[tilespmem:v11+s14+$0x0] =	vst.idx.msk vm5, v60  }
0x121: {  	[tilespmem:v7+s14+$0x0] =	vst.idx.msk vm7, v43  }
0x122: {  	[tilespmem:v9+s14+$0x0] =	vst.idx.msk vm8, v39  }
0x123: {  	[tilespmem:v8+s14+$0x0] =	vst.idx.msk vm0, v45  }
0x124: {  	v7 =	vld [tilespmem:s25+$0xFFFFFF00]  }
0x125: {  	v8 =	vld [tilespmem:s25+$0xFFFFFF10];
	_ =	sdelay $0x1  }
0x126: {  	v9 =	vld [tilespmem:s25+$0xFFFFFF20];
	_ =	sdelay $0x1  }
0x127: {  	v10 =	vld [tilespmem:s25+$0xFFFFFF30];
	vm15 =	vge.s32 v7, s28  }
0x128: {  	v11 =	vld [tilespmem:s25+$0xFFFFFF40];
	vm13 =	vge.s32 v8, s28;
	v8 =	vsel vm15, $0x1, v3  }
0x129: {  	v12 =	vld [tilespmem:s25+$0xFFFFFF50];
	(xrf0) =	vadd.scan.msk.s32 $0xffff, v8  }
0x12a: {  	v7 =	vld [tilespmem:s25+$0xFFFFFF90];
	vm14 =	vge.s32 v9, s28;
	v8 =	vsel vm13, $0x1, v3  }
0x12b: {  	v13 =	vld [tilespmem:s25+$0xFFFFFF60];
	v9 =	vsel vm14, $0x1, v3;
	(xrf0) =	vadd.scan.msk.s32 $0xffff, v8  }
0x12c: {  	v18 =	vmpcnt.ones.xlane vm0;
	v8 =	vld [tilespmem:s25+$0xFFFFFFC0];
	(xrf0) =	vadd.scan.msk.s32 $0xffff, v9  }
0x12d: {  	v15 =	vld [tilespmem:s25+$0xFFFFFF70];
	vm12 =	vge.s32 v10, s28  }
0x12e: {  	v16 =	vld [tilespmem:s25+$0xFFFFFF80];
	v10 =	vadd.s32 v18, v14;
	vm11 =	vge.s32 v11, s28;
	v9 =	vsel vm12, $0x1, v3  }
0x12f: {  	vm10 =	vge.s32 v12, s28;
	v11 =	vld [tilespmem:s25+$0xFFFFFFF0];
	(xrf0) =	vadd.scan.msk.s32 $0xffff, v9;
	v9 =	vmpcnt.ones.xlane vm15;
	vm3 =	vge.s32 v7, s28;
	v7, _, _ =	vpop (xrf0)  }
0x130: {  	v17 =	vld [tilespmem:s25+$0xFFFFFFA0];
	vm9 =	vge.s32 v13, s28;
	v12 =	vmpcnt.ones.xlane vm13;
	v7 =	vadd.s32 v10, v7  }
0x131: {  	v19 =	vld [tilespmem:s25+$0xFFFFFFB0];
	v9 =	vadd.s32 v10, v9;
	vm5 =	vge.s32 v8, s28;
	v8 =	vmpcnt.ones.xlane vm14;
	v13, _, _ =	vpop (xrf0)  }
0x132: {  	v14 =	vld [tilespmem:s25+$0xFFFFFFD0];
	vm6 =	vge.s32 v15, s28;
	v10 =	vadd.s32 v13, v9;
	v13, _, _ =	vpop (xrf0);
	v9 =	vadd.s32 v12, v9  }
0x133: {  	v8 =	vadd.s32 v8, v9;
	v9 =	vadd.s32 v13, v9;
	v13 =	vsel vm11, $0x1, v3  }
0x134: {  	v18 =	vld [tilespmem:s25+$0xFFFFFFE0];
	vm4 =	vge.s32 v16, s28;
	vm0 =	vge.s32 v11, s28;
	v11 =	vsel vm10, $0x1, v3;
	(xrf0) =	vadd.scan.msk.s32 $0xffff, v13  }
0x135: {  	vm2 =	vge.s32 v17, s28;
	(xrf0) =	vadd.scan.msk.s32 $0xffff, v11;
	[tilespmem:v7+s14+$0x0] =	vst.idx.msk vm15, v46;
	v7 =	vsel vm9, $0x1, v3  }
0x136: {  	vm1 =	vge.s32 v19, s28;
	v15 =	vmpcnt.ones.xlane vm4;
	(xrf0) =	vadd.scan.msk.s32 $0xffff, v7;
	v7 =	vsel vm6, $0x1, v3  }
0x137: {  	vm7 =	vge.s32 v14, s28;
	[tilespmem:v10+s14+$0x0] =	vst.idx.msk vm13, v47;
	(xrf0) =	vadd.scan.msk.s32 $0xffff, v7;
	v7 =	vsel vm4, $0x1, v3  }
0x138: {  	v12, _, _ =	vpop (xrf0);
	v11 =	vmpcnt.ones.xlane vm12;
	[tilespmem:v9+s14+$0x0] =	vst.idx.msk vm14, v48;
	v9 =	vsel vm3, $0x1, v3;
	(xrf0) =	vadd.scan.msk.s32 $0xffff, v7  }
0x139: {  	vm8 =	vge.s32 v18, s28;
	v13 =	vmpcnt.ones.xlane vm11;
	(xrf0) =	vadd.scan.msk.s32 $0xffff, v9;
	v9 =	vsel vm2, $0x1, v3  }
0x13a: {  	v4 =	vld [tilespmem:$0x1FDE0];
	v12 =	vadd.s32 v12, v8;
	v8 =	vadd.s32 v11, v8;
	(xrf0) =	vadd.scan.msk.s32 $0xffff, v9;
	v9 =	vsel vm1, $0x1, v3  }
0x13b: {  	v10 =	vmpcnt.ones.xlane vm10;
	v13 =	vadd.s32 v13, v8;
	v16, _, _ =	vpop (xrf0);
	(xrf0) =	vadd.scan.msk.s32 $0xffff, v9;
	v9 =	vsel vm5, $0x1, v3  }
0x13c: {  	v14 =	vmpcnt.ones.xlane vm9;
	v7 =	vmpcnt.ones.xlane vm6;
	v11, _, _ =	vpop (xrf0);
	(xrf0) =	vadd.scan.msk.s32 $0xffff, v9;
	v9 =	vsel vm7, $0x1, v3  }
0x13d: {  	v10 =	vadd.s32 v10, v13;
	v8 =	vadd.s32 v16, v8;
	v16, _, _ =	vpop (xrf0);
	(xrf0) =	vadd.scan.msk.s32 $0xffff, v9;
	v9 =	vsel vm8, $0x1, v3  }
0x13e: {  	v14 =	vadd.s32 v14, v10;
	v11 =	vadd.s32 v11, v13;
	v13, _, _ =	vpop (xrf0);
	(xrf0) =	vadd.scan.msk.s32 $0xffff, v9;
	v9 =	vsel vm0, $0x1, v3  }
0x13f: {  	[tilespmem:v12+s14+$0x0] =	vst.idx.msk vm12, v4;
	v12 =	vmpcnt.ones.xlane vm3;
	v7 =	vadd.s32 v7, v14;
	v10 =	vadd.s32 v16, v10  }
0x140: {  	v15 =	vadd.s32 v15, v7;
	v16, _, _ =	vpop (xrf0);
	v13 =	vadd.s32 v13, v14;
	v14 =	vmpcnt.ones.xlane vm2  }
0x141: {  	v12 =	vadd.s32 v12, v15;
	(xrf0) =	vadd.scan.msk.s32 $0xffff, v9;
	v7 =	vadd.s32 v16, v7;
	v16 =	vmpcnt.ones.xlane vm1;
	v9, _, _ =	vpop (xrf0)  }
0x142: {  	[tilespmem:v8+s14+$0x0] =	vst.idx.msk vm11, v50;
	v14 =	vadd.s32 v14, v12;
	v8, _, _ =	vpop (xrf0);
	v9 =	vadd.s32 v9, v15;
	v15 =	vmpcnt.ones.xlane vm5  }
0x143: {  	[tilespmem:v11+s14+$0x0] =	vst.idx.msk vm10, v51;
	v16 =	vadd.s32 v16, v14;
	v17, _, _ =	vpop (xrf0);
	v8 =	vadd.s32 v8, v12  }
0x144: {  	v11 =	vmpcnt.ones.xlane vm7;
	[tilespmem:v10+s14+$0x0] =	vst.idx.msk vm9, v52;
	v12, _, _ =	vpop (xrf0);
	v10 =	vadd.s32 v17, v14;
	v15 =	vadd.s32 v15, v16  }
0x145: {  	[tilespmem:v13+s14+$0x0] =	vst.idx.msk vm6, v53;
	v14 =	vmpcnt.ones.xlane vm8;
	v17, _, _ =	vpop (xrf0);
	v12 =	vadd.s32 v12, v16  }
0x146: {  	v4 =	vld [tilespmem:$0x1FDF0];
	[tilespmem:v7+s14+$0x0] =	vst.idx.msk vm4, v54;
	v11 =	vadd.s32 v11, v15;
	v13, _, _ =	vpop (xrf0);
	v7 =	vadd.s32 v17, v15  }
0x147: {  	v14 =	vadd.s32 v14, v11;
	v15, _, _ =	vpop (xrf0);
	[tilespmem:v9+s14+$0x0] =	vst.idx.msk vm3, v55;
	v9 =	vadd.s32 v13, v11  }
0x148: {  	[tilespmem:v8+s14+$0x0] =	vst.idx.msk vm2, v56;
	v8 =	vadd.s32 v15, v14  }
0x149: {  	[tilespmem:v10+s14+$0x0] =	vst.idx.msk vm1, v57  }
0x14a: {  	[tilespmem:v12+s14+$0x0] =	vst.idx.msk vm5, v58  }
0x14b: {  	[tilespmem:v7+s14+$0x0] =	vst.idx.msk vm7, v4  }
0x14c: {  	[tilespmem:v9+s14+$0x0] =	vst.idx.msk vm8, v42  }
0x14d: {  	[tilespmem:v8+s14+$0x0] =	vst.idx.msk vm0, v61  }
0x14e: {  	v7 =	vld [tilespmem:s25+$0x0]  }
0x14f: {  	v8 =	vld [tilespmem:s25+$0x10]  }
0x150: {  	v9 =	vld [tilespmem:s25+$0x20];
	_ =	sdelay $0x1  }
0x151: {  	v10 =	vld [tilespmem:s25+$0x30]  }
0x152: {  	vm15 =	vge.s32 v7, s28  }
0x153: {  	v12 =	vld [tilespmem:s25+$0x50];
	vm13 =	vge.s32 v8, s28;
	v8 =	vsel vm15, $0x1, v3  }
0x154: {  	v13 =	vld [tilespmem:s25+$0x60];
	vm14 =	vge.s32 v9, s28;
	(xrf0) =	vadd.scan.msk.s32 $0xffff, v8;
	v8 =	vsel vm13, $0x1, v3  }
0x155: {  	v7 =	vld [tilespmem:s25+$0x90];
	v9 =	vsel vm14, $0x1, v3;
	(xrf0) =	vadd.scan.msk.s32 $0xffff, v8  }
0x156: {  	vm12 =	vge.s32 v10, s28;
	v8 =	vld [tilespmem:s25+$0xC0];
	(xrf0) =	vadd.scan.msk.s32 $0xffff, v9  }
0x157: {  	v18 =	vmpcnt.ones.xlane vm0;
	v9 =	vsel vm12, $0x1, v3  }
0x158: {  	v4 =	vld [tilespmem:$0x1FE00];
	(xrf0) =	vadd.scan.msk.s32 $0xffff, v9;
	v9 =	vmpcnt.ones.xlane vm15  }
0x159: {  	v11 =	vld [tilespmem:s25+$0x40];
	v10 =	vadd.s32 v18, v14;
	vm10 =	vge.s32 v12, s28;
	vm9 =	vge.s32 v13, s28  }
0x15a: {  	v15 =	vld [tilespmem:s25+$0x70];
	v12 =	vmpcnt.ones.xlane vm13;
	vm3 =	vge.s32 v7, s28;
	v9 =	vadd.s32 v10, v9;
	v7, _, _ =	vpop (xrf0)  }
0x15b: {  	v16 =	vld [tilespmem:s25+$0x80];
	vm5 =	vge.s32 v8, s28;
	v8 =	vmpcnt.ones.xlane vm14;
	v13, _, _ =	vpop (xrf0);
	v7 =	vadd.s32 v10, v7  }
0x15c: {  	v17 =	vld [tilespmem:s25+$0xA0];
	v10 =	vadd.s32 v13, v9;
	v13, _, _ =	vpop (xrf0);
	v9 =	vadd.s32 v12, v9  }
0x15d: {  	v19 =	vld [tilespmem:s25+$0xB0];
	v8 =	vadd.s32 v8, v9;
	v9 =	vadd.s32 v13, v9  }
0x15e: {  	vm11 =	vge.s32 v11, s28;
	v11 =	vld [tilespmem:s25+$0xF0]  }
0x15f: {  	v14 =	vld [tilespmem:s25+$0xD0];
	v13 =	vsel vm11, $0x1, v3  }
0x160: {  	v18 =	vld [tilespmem:s25+$0xE0];
	(xrf0) =	vadd.scan.msk.s32 $0xffff, v13;
	[tilespmem:v7+s14+$0x0] =	vst.idx.msk vm15, v62  }
0x161: {  	v12, _, _ =	vpop (xrf0);
	[tilespmem:v10+s14+$0x0] =	vst.idx.msk vm13, v59  }
0x162: {  	v12 =	vadd.s32 v12, v8;
	[tilespmem:v9+s14+$0x0] =	vst.idx.msk vm14, v4;
	v4 =	vld [tilespmem:$0x1FE10]  }
0x163: {  	vm0 =	vge.s32 v11, s28;
	v11 =	vsel vm10, $0x1, v3  }
0x164: {  	(xrf0) =	vadd.scan.msk.s32 $0xffff, v11;
	v11 =	vmpcnt.ones.xlane vm12  }
0x165: {  	v13 =	vmpcnt.ones.xlane vm11  }
0x166: {  	vm4 =	vge.s32 v16, s28;
	v8 =	vadd.s32 v11, v8;
	v16, _, _ =	vpop (xrf0)  }
0x167: {  	v13 =	vadd.s32 v13, v8;
	v8 =	vadd.s32 v16, v8;
	[tilespmem:v12+s14+$0x0] =	vst.idx.msk vm12, v4;
	v4 =	vld [tilespmem:$0x1FE20];
	_ =	sdelay $0x1  }
0x168: {  	v7 =	vsel vm9, $0x1, v3  }
0x169: {  	(xrf0) =	vadd.scan.msk.s32 $0xffff, v7  }
0x16a: {  	v11, _, _ =	vpop (xrf0)  }
0x16b: {  	v11 =	vadd.s32 v11, v13;
	[tilespmem:v8+s14+$0x0] =	vst.idx.msk vm11, v4;
	v4 =	vld [tilespmem:$0x1FE30]  }
0x16c: {  	vm6 =	vge.s32 v15, s28  }
0x16d: {  	v7 =	vsel vm6, $0x1, v3;
	v10 =	vmpcnt.ones.xlane vm10  }
0x16e: {  	vm7 =	vge.s32 v14, s28;
	v14 =	vmpcnt.ones.xlane vm9;
	(xrf0) =	vadd.scan.msk.s32 $0xffff, v7  }
0x16f: {  	v10 =	vadd.s32 v10, v13;
	v16, _, _ =	vpop (xrf0)  }
0x170: {  	v14 =	vadd.s32 v14, v10;
	v10 =	vadd.s32 v16, v10;
	[tilespmem:v11+s14+$0x0] =	vst.idx.msk vm10, v4;
	v4 =	vld [tilespmem:$0x1FE40];
	_ =	sdelay $0x1  }
0x171: {  	v7 =	vsel vm4, $0x1, v3  }
0x172: {  	(xrf0) =	vadd.scan.msk.s32 $0xffff, v7  }
0x173: {  	v13, _, _ =	vpop (xrf0)  }
0x174: {  	vm2 =	vge.s32 v17, s28;
	v9 =	vsel vm3, $0x1, v3;
	v13 =	vadd.s32 v13, v14;
	[tilespmem:v10+s14+$0x0] =	vst.idx.msk vm9, v4;
	v4 =	vld [tilespmem:$0x1FE50]  }
0x175: {  	vm1 =	vge.s32 v19, s28;
	v7 =	vmpcnt.ones.xlane vm6;
	(xrf0) =	vadd.scan.msk.s32 $0xffff, v9;
	v9 =	vsel vm2, $0x1, v3  }
0x176: {  	v15 =	vmpcnt.ones.xlane vm4;
	(xrf0) =	vadd.scan.msk.s32 $0xffff, v9;
	v9 =	vsel vm1, $0x1, v3  }
0x177: {  	v7 =	vadd.s32 v7, v14;
	(xrf0) =	vadd.scan.msk.s32 $0xffff, v9;
	v9 =	vsel vm5, $0x1, v3  }
0x178: {  	vm8 =	vge.s32 v18, s28;
	v15 =	vadd.s32 v15, v7;
	(xrf0) =	vadd.scan.msk.s32 $0xffff, v9;
	v9 =	vsel vm7, $0x1, v3;
	v16, _, _ =	vpop (xrf0)  }
0x179: {  	(xrf0) =	vadd.scan.msk.s32 $0xffff, v9;
	v9 =	vsel vm8, $0x1, v3;
	v7 =	vadd.s32 v16, v7;
	[tilespmem:v13+s14+$0x0] =	vst.idx.msk vm6, v4;
	v4 =	vld [tilespmem:$0x1FE60]  }
0x17a: {  	(xrf0) =	vadd.scan.msk.s32 $0xffff, v9;
	v9 =	vsel vm0, $0x1, v3;
	_ =	sdelay $0x2  }
0x17b: {  	(xrf0) =	vadd.scan.msk.s32 $0xffff, v9;
	v9, _, _ =	vpop (xrf0)  }
0x17c: {  	v9 =	vadd.s32 v9, v15;
	[tilespmem:v7+s14+$0x0] =	vst.idx.msk vm4, v4;
	v4 =	vld [tilespmem:$0x1FE70];
	_ =	sdelay $0x1  }
0x17d: {  	v12 =	vmpcnt.ones.xlane vm3;
	_ =	sdelay $0x1  }
0x17e: {  	v12 =	vadd.s32 v12, v15;
	v8, _, _ =	vpop (xrf0)  }
0x17f: {  	v8 =	vadd.s32 v8, v12;
	[tilespmem:v9+s14+$0x0] =	vst.idx.msk vm3, v4;
	v4 =	vld [tilespmem:$0x1FE80];
	_ =	sdelay $0x1  }
0x180: {  	v14 =	vmpcnt.ones.xlane vm2;
	_ =	sdelay $0x1  }
0x181: {  	v14 =	vadd.s32 v14, v12;
	v17, _, _ =	vpop (xrf0)  }
0x182: {  	v10 =	vadd.s32 v17, v14;
	[tilespmem:v8+s14+$0x0] =	vst.idx.msk vm2, v4;
	v4 =	vld [tilespmem:$0x1FE90];
	_ =	sdelay $0x1  }
0x183: {  	v16 =	vmpcnt.ones.xlane vm1;
	_ =	sdelay $0x1  }
0x184: {  	v16 =	vadd.s32 v16, v14;
	v12, _, _ =	vpop (xrf0)  }
0x185: {  	v12 =	vadd.s32 v12, v16;
	[tilespmem:v10+s14+$0x0] =	vst.idx.msk vm1, v4;
	v4 =	vld [tilespmem:$0x1FEA0];
	_ =	sdelay $0x1  }
0x186: {  	v15 =	vmpcnt.ones.xlane vm5;
	_ =	sdelay $0x1  }
0x187: {  	v15 =	vadd.s32 v15, v16;
	v17, _, _ =	vpop (xrf0)  }
0x188: {  	v7 =	vadd.s32 v17, v15;
	[tilespmem:v12+s14+$0x0] =	vst.idx.msk vm5, v4;
	v4 =	vld [tilespmem:$0x1FEB0];
	_ =	sdelay $0x1  }
0x189: {  	v11 =	vmpcnt.ones.xlane vm7;
	_ =	sdelay $0x1  }
0x18a: {  	v11 =	vadd.s32 v11, v15;
	v13, _, _ =	vpop (xrf0)  }
0x18b: {  	v9 =	vadd.s32 v13, v11;
	[tilespmem:v7+s14+$0x0] =	vst.idx.msk vm7, v4;
	v4 =	vld [tilespmem:$0x1FEC0];
	_ =	sdelay $0x1  }
0x18c: {  	v14 =	vmpcnt.ones.xlane vm8;
	_ =	sdelay $0x1  }
0x18d: {  	v14 =	vadd.s32 v14, v11;
	v15, _, _ =	vpop (xrf0)  }
0x18e: {  	v8 =	vadd.s32 v15, v14;
	[tilespmem:v9+s14+$0x0] =	vst.idx.msk vm8, v4;
	v4 =	vld [tilespmem:$0x1FED0];
	_ =	sdelay $0x4  }
0x18f: {  	[tilespmem:v8+s14+$0x0] =	vst.idx.msk vm0, v4  }
0x190: {  	v7 =	vld [tilespmem:s25+$0x100];
	_ =	sdelay $0x2  }
0x191: {  	v4 =	vld [tilespmem:$0x1FEE0]  }
0x192: {  	v8 =	vld [tilespmem:s25+$0x110]  }
0x193: {  	v9 =	vld [tilespmem:s25+$0x120];
	vm9 =	vge.s32 v7, s28  }
0x194: {  	v10 =	vld [tilespmem:s25+$0x130];
	v13 =	vsel vm9, $0x1, v3  }
0x195: {  	v11 =	vld [tilespmem:s25+$0x140];
	(xrf0) =	vadd.scan.msk.s32 $0xffff, v13  }
0x196: {  	v12 =	vld [tilespmem:s25+$0x150]  }
0x197: {  	v15 =	vld [tilespmem:s25+$0x170]  }
0x198: {  	v17 =	vld [tilespmem:s25+$0x1A0];
	vm14 =	vge.s32 v8, s28  }
0x199: {  	v16 =	vmpcnt.ones.xlane vm0;
	v7 =	vld [tilespmem:s25+$0x160];
	vm12 =	vge.s32 v9, s28;
	v9 =	vsel vm14, $0x1, v3  }
0x19a: {  	v8 =	vld [tilespmem:s25+$0x180];
	(xrf0) =	vadd.scan.msk.s32 $0xffff, v9  }
0x19b: {  	v14 =	vadd.s32 v16, v14;
	vm11 =	vge.s32 v11, s28;
	v13 =	vld [tilespmem:s25+$0x190];
	v11, _, _ =	vpop (xrf0)  }
0x19c: {  	v16 =	vld [tilespmem:s25+$0x1C0];
	v11 =	vadd.s32 v14, v11  }
0x19d: {  	vm13 =	vge.s32 v10, s28;
	vm10 =	vge.s32 v12, s28;
	vm3 =	vge.s32 v15, s28;
	v12 =	vld [tilespmem:s25+$0x1E0]  }
0x19e: {  	v15 =	vld [tilespmem:s25+$0x1F0];
	v9 =	vsel vm12, $0x1, v3;
	vm7 =	vge.s32 v7, s28;
	v7 =	vmpcnt.ones.xlane vm9  }
0x19f: {  	v10 =	vsel vm13, $0x1, v3;
	(xrf0) =	vadd.scan.msk.s32 $0xffff, v9;
	v9 =	vld [tilespmem:s25+$0x1B0];
	vm2 =	vge.s32 v8, s28;
	v8 =	vmpcnt.ones.xlane vm14  }
0x1a0: {  	(xrf0) =	vadd.scan.msk.s32 $0xffff, v10;
	v10 =	vld [tilespmem:s25+$0x1D0];
	vm1 =	vge.s32 v13, s28;
	v7 =	vadd.s32 v14, v7;
	v13, _, _ =	vpop (xrf0)  }
0x1a1: {  	v8 =	vadd.s32 v8, v7;
	v7 =	vadd.s32 v13, v7;
	[tilespmem:v11+s14+$0x0] =	vst.idx.msk vm9, v4;
	v4 =	vld [tilespmem:$0x1FEF0];
	_ =	sdelay $0x3  }
0x1a2: {  	vm0 =	vge.s32 v17, s28;
	v17, _, _ =	vpop (xrf0)  }
0x1a3: {  	v13 =	vadd.s32 v17, v8;
	[tilespmem:v7+s14+$0x0] =	vst.idx.msk vm14, v4;
	v4 =	vld [tilespmem:$0x1FF00]  }
0x1a4: {  	vm4 =	vge.s32 v9, s28;
	v9 =	vsel vm11, $0x1, v3  }
0x1a5: {  	v14 =	vmpcnt.ones.xlane vm12;
	_ =	sdelay $0x1  }
0x1a6: {  	(xrf0) =	vadd.scan.msk.s32 $0xffff, v9;
	v8 =	vadd.s32 v14, v8;
	v9, _, _ =	vpop (xrf0)  }
0x1a7: {  	v9 =	vadd.s32 v9, v8;
	[tilespmem:v13+s14+$0x0] =	vst.idx.msk vm12, v4;
	v4 =	vld [tilespmem:$0x1FF10];
	_ =	sdelay $0x1  }
0x1a8: {  	vm5 =	vge.s32 v10, s28;
	v10 =	vsel vm10, $0x1, v3  }
0x1a9: {  	(xrf0) =	vadd.scan.msk.s32 $0xffff, v10;
	v10 =	vsel vm7, $0x1, v3  }
0x1aa: {  	(xrf0) =	vadd.scan.msk.s32 $0xffff, v10;
	v7 =	vsel vm3, $0x1, v3  }
0x1ab: {  	(xrf0) =	vadd.scan.msk.s32 $0xffff, v7;
	v7 =	vsel vm2, $0x1, v3;
	[tilespmem:v9+s14+$0x0] =	vst.idx.msk vm13, v4;
	v9 =	vsel vm0, $0x1, v3  }
0x1ac: {  	v11 =	vmpcnt.ones.xlane vm13;
	(xrf0) =	vadd.scan.msk.s32 $0xffff, v7;
	v7 =	vsel vm1, $0x1, v3  }
0x1ad: {  	v10 =	vmpcnt.ones.xlane vm11;
	(xrf0) =	vadd.scan.msk.s32 $0xffff, v7  }
0x1ae: {  	v8 =	vadd.s32 v11, v8;
	(xrf0) =	vadd.scan.msk.s32 $0xffff, v9;
	v9, _, _ =	vpop (xrf0)  }
0x1af: {  	v10 =	vadd.s32 v10, v8;
	v4 =	vld [tilespmem:$0x1FF20];
	v8 =	vadd.s32 v9, v8  }
0x1b0: {  	v11 =	vsel vm4, $0x1, v3;
	_ =	sdelay $0x1  }
0x1b1: {  	vm6 =	vge.s32 v12, s28;
	v12 =	vmpcnt.ones.xlane vm10  }
0x1b2: {  	(xrf0) =	vadd.scan.msk.s32 $0xffff, v11;
	v11, _, _ =	vpop (xrf0)  }
0x1b3: {  	vm8 =	vge.s32 v16, s28;
	v12 =	vadd.s32 v12, v10;
	v10 =	vadd.s32 v11, v10;
	[tilespmem:v8+s14+$0x0] =	vst.idx.msk vm11, v4;
	v4 =	vld [tilespmem:$0x1FF30]  }
0x1b4: {  	v9 =	vsel vm8, $0x1, v3;
	_ =	sdelay $0x2  }
0x1b5: {  	(xrf0) =	vadd.scan.msk.s32 $0xffff, v9;
	v9, _, _ =	vpop (xrf0)  }
0x1b6: {  	v9 =	vadd.s32 v9, v12;
	[tilespmem:v10+s14+$0x0] =	vst.idx.msk vm10, v4;
	v4 =	vld [tilespmem:$0x1FF40]  }
0x1b7: {  	v11 =	vsel vm5, $0x1, v3  }
0x1b8: {  	v13 =	vmpcnt.ones.xlane vm7;
	_ =	sdelay $0x1  }
0x1b9: {  	v14 =	vmpcnt.ones.xlane vm3;
	v13 =	vadd.s32 v13, v12;
	(xrf0) =	vadd.scan.msk.s32 $0xffff, v11;
	v11, _, _ =	vpop (xrf0)  }
0x1ba: {  	vm15 =	vge.s32 v15, s28;
	v12 =	vsel vm6, $0x1, v3;
	v11 =	vadd.s32 v11, v13;
	[tilespmem:v9+s14+$0x0] =	vst.idx.msk vm7, v4;
	v4 =	vld [tilespmem:$0x1FF50]  }
0x1bb: {  	v14 =	vadd.s32 v14, v13;
	v13 =	vsel vm15, $0x1, v3  }
0x1bc: {  	v7 =	vmpcnt.ones.xlane vm2  }
0x1bd: {  	v15 =	vmpcnt.ones.xlane vm1;
	(xrf0) =	vadd.scan.msk.s32 $0xffff, v12;
	v12, _, _ =	vpop (xrf0)  }
0x1be: {  	v7 =	vadd.s32 v7, v14;
	(xrf0) =	vadd.scan.msk.s32 $0xffff, v13;
	v13, _, _ =	vpop (xrf0);
	v12 =	vadd.s32 v12, v14;
	v14 =	vmpcnt.ones.xlane vm0  }
0x1bf: {  	v15 =	vadd.s32 v15, v7;
	v8, _, _ =	vpop (xrf0);
	v7 =	vadd.s32 v13, v7;
	v13 =	vmpcnt.ones.xlane vm4;
	[tilespmem:v11+s14+$0x0] =	vst.idx.msk vm3, v4;
	v4 =	vld [tilespmem:$0x1FF60]  }
0x1c0: {  	v14 =	vadd.s32 v14, v15;
	v8 =	vadd.s32 v8, v15;
	v15 =	vmpcnt.ones.xlane vm8  }
0x1c1: {  	v10, _, _ =	vpop (xrf0);
	v13 =	vadd.s32 v13, v14  }
0x1c2: {  	v10 =	vadd.s32 v10, v14;
	v14 =	vmpcnt.ones.xlane vm5;
	v15 =	vadd.s32 v15, v13;
	v9, _, _ =	vpop (xrf0)  }
0x1c3: {  	v9 =	vadd.s32 v9, v13;
	v13 =	vmpcnt.ones.xlane vm6;
	v11, _, _ =	vpop (xrf0)  }
0x1c4: {  	v14 =	vadd.s32 v14, v15;
	v11 =	vadd.s32 v11, v15;
	[tilespmem:v12+s14+$0x0] =	vst.idx.msk vm2, v4;
	v12, _, _ =	vpop (xrf0)  }
0x1c5: {  	v13 =	vadd.s32 v13, v14;
	v15, _, _ =	vpop (xrf0);
	[tilespmem:v7+s14+$0x0] =	vst.idx.msk vm1, v44;
	v7 =	vadd.s32 v12, v14  }
0x1c6: {  	[tilespmem:v8+s14+$0x0] =	vst.idx.msk vm0, v6;
	v8 =	vadd.s32 v15, v13  }
0x1c7: {  	[tilespmem:v10+s14+$0x0] =	vst.idx.msk vm4, v49  }
0x1c8: {  	[tilespmem:v9+s14+$0x0] =	vst.idx.msk vm8, v63;
	v9 =	vor.u32 $0x3D0, v0  }
0x1c9: {  	v10 =	vmpcnt.ones.xlane vm15;
	[tilespmem:v11+s14+$0x0] =	vst.idx.msk vm5, v9;
	v9 =	vor.u32 $0x3E0, v0  }
0x1ca: {  	[tilespmem:v7+s14+$0x0] =	vst.idx.msk vm6, v9;
	v7 =	vor.u32 $0x3F0, v0  }
0x1cb: {  	[tilespmem:v8+s14+$0x0] =	vst.idx.msk vm15, v7;
	v7 =	vadd.s32 v10, v13  }
0x1cc: {  	(v2sf) =	vpush v7, $0x0;
	_ =	sdelay $0x3  }
0x1cd: {  	v17 =	vld [tilespmem:$0x12480]  }
0x1ce: {  	v15 =	vld [tilespmem:$0x12490]  }
0x1cf: {  	v13 =	vld [tilespmem:$0x124A0]  }
0x1d0: {  	v11 =	vld [tilespmem:$0x124B0]  }
0x1d1: {  	v10 =	vld [tilespmem:$0x124C0]  }
0x1d2: {  	v9 =	vld [tilespmem:$0x124D0];
	v12 =	vadd.s32 s24, v17  }
0x1d3: {  	v8 =	vld [tilespmem:$0x124E0];
	v14 =	vadd.s32 s24, v15  }
0x1d4: {  	v7 =	vld [tilespmem:$0x124F0];
	v16 =	vadd.s32 s24, v13  }
0x1d5: {  	v18 =	vadd.s32 s24, v11  }
0x1d6: {  	v21 =	vadd.s32 s24, v10  }
0x1d7: {  	v22 =	vld.idx.msk [tilespmem:v12+s3+$0x0], $0xffff;
	v12 =	vadd.s32 s24, v9  }
0x1d8: {  	v23 =	vld.idx.msk [tilespmem:v14+s3+$0x0], $0xffff;
	v14 =	vadd.s32 s24, v8;
	s31 =	spop (v2sf)  }
0x1d9: {  	v24 =	vadd.s32 s24, v7;
	v20 =	vld.idx.msk [tilespmem:v16+s3+$0x0], $0xffff;
	p0 =	sgt.s32 s31, $0x7F  }
.Ltmp6:
0x1da: {  	v19 =	vld.idx.msk [tilespmem:v18+s3+$0x0], $0xffff;
	(pc) =	sbr.rel @p0 .LBB2_5-.Ltmp6, $4  }
0x1db: {  	v18 =	vld.idx.msk [tilespmem:v21+s3+$0x0], $0xffff  }
0x1dc: {  	v16 =	vld.idx.msk [tilespmem:v12+s3+$0x0], $0xffff  }
0x1dd: {  	v14 =	vld.idx.msk [tilespmem:v14+s3+$0x0], $0xffff  }
0x1de: {  	v12 =	vld.idx.msk [tilespmem:v24+s3+$0x0], $0xffff;
	v22 =	vxor.u32 $0x80000000, v22;
	v21 =	vxor.u32 $0x80000000, v23  }
0x1df: {  	(xrf1) =	vsort.dscd.msk.u32 $0xffff, v22, v17  }
0x1e0: {  	(xrf1) =	vsort.dscd.msk.u32 $0xffff, v21, v15;
	v15 =	vxor.u32 $0x80000000, v20  }
0x1e1: {  	(xrf1) =	vsort.dscd.msk.u32 $0xffff, v15, v13;
	v13 =	vxor.u32 $0x80000000, v19  }
0x1e2: {  	(xrf1) =	vsort.dscd.msk.u32 $0xffff, v13, v11;
	v11 =	vxor.u32 $0x80000000, v18  }
0x1e3: {  	(xrf1) =	vsort.dscd.msk.u32 $0xffff, v11, v10;
	v10 =	vxor.u32 $0x80000000, v16  }
0x1e4: {  	(xrf1) =	vsort.dscd.msk.u32 $0xffff, v10, v9;
	_ =	sdelay $0x1  }
0x1e5: {  	v9 =	vxor.u32 $0x80000000, v14  }
0x1e6: {  	(xrf1) =	vsort.dscd.msk.u32 $0xffff, v9, v8;
	v8 =	vxor.u32 $0x80000000, v12  }
0x1e7: {  	(xrf1) =	vsort.dscd.msk.u32 $0xffff, v8, v7;
	_ =	sdelay $0x4  }
0x1e8: {  	v7, v8, _ =	vpop (xrf1)  }
0x1e9: {  	v9, v10, _ =	vpop (xrf1)  }
0x1ea: {  	v11, v12, _ =	vpop (xrf1)  }
0x1eb: {  	v9 =	vxor.u32 $0x80000000, v9;
	v13, v14, _ =	vpop (xrf1)  }
0x1ec: {  	v7 =	vxor.u32 $0x80000000, v7;
	v10 =	vperm.xlane v10, v1;
	v9 =	vperm.xlane v9, v1;
	v15, v16, _ =	vpop (xrf1)  }
0x1ed: {  	v11 =	vxor.u32 $0x80000000, v11;
	v13 =	vxor.u32 $0x80000000, v13;
	v17, v18, _ =	vpop (xrf1);
	v15 =	vxor.u32 $0x80000000, v15  }
0x1ee: {  	vm0 =	vlt.s32 v7, v9;
	v13 =	vperm.xlane v13, v1;
	v17 =	vxor.u32 $0x80000000, v17  }
0x1ef: {  	v23 =	vsel vm0, v9, v7;
	v24 =	vsel vm0, v10, v8;
	v7 =	vsel vm0, v7, v9  }
0x1f0: {  	v19, v20, _ =	vpop (xrf1);
	v8 =	vsel vm0, v8, v10;
	v10 =	vxor.u32 $0x80000000, v23;
	vm7 =	vlt.s32 v11, v13  }
0x1f1: {  	v9 =	vperm.xlane v14, v1;
	v21, v22, _ =	vpop (xrf1);
	v7 =	vxor.u32 $0x80000000, v7;
	(xrf1) =	vsort.dscd.msk.u32 $0xffff, v10, v24;
	v10 =	vsel vm7, v13, v11  }
0x1f2: {  	v21 =	vxor.u32 $0x80000000, v21;
	(xrf1) =	vsort.dscd.msk.u32 $0xffff, v7, v8;
	v8 =	vxor.u32 $0x80000000, v10;
	v10 =	vperm.xlane v17, v1  }
0x1f3: {  	v14 =	vsel vm7, v9, v12;
	v9 =	vsel vm7, v12, v9;
	v7 =	vsel vm7, v11, v13  }
0x1f4: {  	(xrf1) =	vsort.dscd.msk.u32 $0xffff, v8, v14;
	v7 =	vxor.u32 $0x80000000, v7;
	v8 =	vperm.xlane v18, v1;
	vm8 =	vlt.s32 v15, v10  }
0x1f5: {  	(xrf1) =	vsort.dscd.msk.u32 $0xffff, v7, v9;
	v7 =	vperm.xlane v21, v1;
	v9 =	vsel vm8, v10, v15  }
0x1f6: {  	v12 =	vsel vm8, v8, v16;
	v10 =	vsel vm8, v15, v10;
	v9 =	vxor.u32 $0x80000000, v9  }
0x1f7: {  	v11 =	vxor.u32 $0x80000000, v19;
	v8 =	vsel vm8, v16, v8;
	(xrf1) =	vsort.dscd.msk.u32 $0xffff, v9, v12;
	v9 =	vxor.u32 $0x80000000, v10  }
0x1f8: {  	v13 =	vperm.xlane v22, v1;
	vm1 =	vlt.s32 v11, v7;
	(xrf1) =	vsort.dscd.msk.u32 $0xffff, v9, v8  }
0x1f9: {  	v10 =	vsel vm1, v7, v11  }
0x1fa: {  	v8 =	vsel vm1, v13, v20;
	v9 =	vxor.u32 $0x80000000, v10  }
0x1fb: {  	v7 =	vsel vm1, v11, v7;
	(xrf1) =	vsort.dscd.msk.u32 $0xffff, v9, v8  }
0x1fc: {  	v7 =	vxor.u32 $0x80000000, v7;
	v8 =	vsel vm1, v20, v13  }
0x1fd: {  	(xrf1) =	vsort.dscd.msk.u32 $0xffff, v7, v8;
	_ =	sdelay $0x2  }
0x1fe: {  	v7, v8, _ =	vpop (xrf1)  }
0x1ff: {  	v9, v10, _ =	vpop (xrf1)  }
0x200: {  	v11, v12, _ =	vpop (xrf1)  }
0x201: {  	v13, v14, _ =	vpop (xrf1);
	v11 =	vxor.u32 $0x80000000, v11  }
0x202: {  	v13 =	vxor.u32 $0x80000000, v13;
	v11 =	vperm.xlane v11, v1  }
0x203: {  	v7 =	vxor.u32 $0x80000000, v7;
	v9 =	vxor.u32 $0x80000000, v9;
	v13 =	vperm.xlane v13, v1;
	v15, v17, _ =	vpop (xrf1)  }
0x204: {  	v12 =	vperm.xlane v12, v1;
	v14 =	vperm.xlane v14, v1;
	vm10 =	vlt.s32 v9, v11;
	v16, v18, _ =	vpop (xrf1)  }
0x205: {  	v15 =	vxor.u32 $0x80000000, v15;
	vm9 =	vlt.s32 v7, v13;
	v16 =	vxor.u32 $0x80000000, v16  }
0x206: {  	v21 =	vsel vm9, v13, v7;
	v22 =	vsel vm9, v14, v8;
	v7 =	vsel vm9, v7, v13  }
0x207: {  	v19, v20, _ =	vpop (xrf1);
	v8 =	vsel vm9, v8, v14;
	v14 =	vsel vm10, v11, v9;
	v9 =	vsel vm10, v9, v11  }
0x208: {  	v11 =	vsel vm10, v12, v10;
	v10 =	vsel vm10, v10, v12;
	v19 =	vxor.u32 $0x80000000, v19  }
0x209: {  	v13, v23, _ =	vpop (xrf1);
	vm11 =	vlt.s32 v21, v14;
	vm12 =	vlt.s32 v7, v9;
	v20 =	vperm.xlane v20, v1  }
0x20a: {  	v13 =	vxor.u32 $0x80000000, v13;
	v12 =	vsel vm11, v14, v21;
	v24 =	vsel vm11, v11, v22  }
0x20b: {  	v14 =	vsel vm11, v21, v14;
	v19 =	vperm.xlane v19, v1;
	v12 =	vxor.u32 $0x80000000, v12  }
0x20c: {  	v11 =	vsel vm11, v22, v11;
	v21 =	vperm.xlane v13, v1;
	(xrf1) =	vsort.dscd.msk.u32 $0xffff, v12, v24;
	v12 =	vxor.u32 $0x80000000, v14  }
0x20d: {  	v14 =	vsel vm12, v9, v7;
	v7 =	vsel vm12, v7, v9;
	vm2 =	vlt.s32 v16, v19  }
0x20e: {  	(xrf1) =	vsort.dscd.msk.u32 $0xffff, v12, v11;
	v11 =	vsel vm12, v10, v8;
	v9 =	vxor.u32 $0x80000000, v14;
	vm13 =	vlt.s32 v15, v21  }
0x20f: {  	v12 =	vperm.xlane v23, v1;
	v14 =	vsel vm2, v19, v16;
	v13 =	vsel vm13, v21, v15  }
0x210: {  	v8 =	vsel vm12, v8, v10;
	v10 =	vsel vm2, v20, v18;
	vm14 =	vlt.s32 v13, v14  }
0x211: {  	v7 =	vxor.u32 $0x80000000, v7;
	(xrf1) =	vsort.dscd.msk.u32 $0xffff, v9, v11;
	v9 =	vsel vm13, v12, v17;
	v11 =	vsel vm14, v14, v13  }
0x212: {  	(xrf1) =	vsort.dscd.msk.u32 $0xffff, v7, v8;
	v7 =	vsel vm14, v10, v9;
	v8 =	vsel vm14, v13, v14;
	v11 =	vxor.u32 $0x80000000, v11  }
0x213: {  	v9 =	vsel vm14, v9, v10;
	(xrf1) =	vsort.dscd.msk.u32 $0xffff, v11, v7;
	v7 =	vxor.u32 $0x80000000, v8  }
0x214: {  	(xrf1) =	vsort.dscd.msk.u32 $0xffff, v7, v9;
	_ =	sdelay $0x8  }
0x215: {  	v13, v9, _ =	vpop (xrf1)  }
.Ltmp7:
0x216: {  	v14, v10, _ =	vpop (xrf1);
	(pc) =	sbr.rel .LBB2_6-.Ltmp7, $4  }
0x217: {  	v22 =	vsel vm2, v16, v19;
	v21 =	vsel vm13, v15, v21;
	v11, v7, _ =	vpop (xrf1)  }
0x218: {  	vm15 =	vlt.s32 v21, v22;
	v16, v8, _ =	vpop (xrf1)  }
0x219: {  	v24 =	vsel vm2, v18, v20;
	v23 =	vsel vm13, v17, v12;
	v19 =	vsel vm15, v22, v21;
	v17, v12, _ =	vpop (xrf1)  }
0x21a: {  	v20 =	vsel vm15, v24, v23;
	v21 =	vsel vm15, v21, v22;
	v22 =	vsel vm15, v23, v24;
	v18, v15, _ =	vpop (xrf1)  }
.LBB2_5:
0x21b: {  	v23 =	vld [tilespmem:$0x12500]  }
0x21c: {  	v24 =	vld [tilespmem:$0x12510]  }
0x21d: {  	v25 =	vld [tilespmem:$0x12520]  }
0x21e: {  	v26 =	vld [tilespmem:$0x12530]  }
0x21f: {  	v27 =	vmov s24;
	v28 =	vld [tilespmem:$0x12540]  }
0x220: {  	v30 =	vld [tilespmem:$0x12550];
	v29 =	vadd.s32 v27, v23  }
0x221: {  	v51 =	vmov v31;
	v32 =	vld [tilespmem:$0x12560];
	v31 =	vadd.s32 v27, v24  }
0x222: {  	v59 =	vmovc v43;
	v43 =	vmov v33;
	v63 =	vmov v39;
	v39 =	vld [tilespmem:$0x12570];
	v33 =	vadd.s32 v27, v25  }
0x223: {  	(xrf1) =	vsort.dscd.msk.u32 $0xffff, v22, v17;
	v60 =	vadd.s32 v27, v26  }
0x224: {  	(xrf1) =	vsort.dscd.msk.u32 $0xffff, v21, v15;
	v15 =	vxor.u32 $0x80000000, v20;
	v17 =	vadd.s32 v27, v28  }
0x225: {  	(xrf1) =	vsort.dscd.msk.u32 $0xffff, v15, v13;
	v13 =	vxor.u32 $0x80000000, v19;
	v21 =	vadd.s32 v27, v30;
	v20 =	vld.idx.msk [tilespmem:v29+s3+$0x0], $0xffff  }
0x226: {  	(xrf1) =	vsort.dscd.msk.u32 $0xffff, v13, v11;
	v11 =	vxor.u32 $0x80000000, v18;
	v19 =	vadd.s32 v27, v32;
	v15 =	vld.idx.msk [tilespmem:v31+s3+$0x0], $0xffff  }
0x227: {  	(xrf1) =	vsort.dscd.msk.u32 $0xffff, v11, v10;
	v10 =	vxor.u32 $0x80000000, v16;
	v18 =	vadd.s32 v27, v39;
	v13 =	vld.idx.msk [tilespmem:v33+s3+$0x0], $0xffff  }
0x228: {  	(xrf1) =	vsort.dscd.msk.u32 $0xffff, v10, v9;
	v9 =	vxor.u32 $0x80000000, v14;
	v11 =	vld.idx.msk [tilespmem:v60+s3+$0x0], $0xffff  }
0x229: {  	(xrf1) =	vsort.dscd.msk.u32 $0xffff, v9, v8;
	v8 =	vxor.u32 $0x80000000, v12;
	v10 =	vld.idx.msk [tilespmem:v17+s3+$0x0], $0xffff  }
0x22a: {  	(xrf1) =	vsort.dscd.msk.u32 $0xffff, v8, v7;
	v9 =	vld.idx.msk [tilespmem:v21+s3+$0x0], $0xffff;
	v7 =	vxor.u32 $0x80000000, v20  }
0x22b: {  	v8 =	vld.idx.msk [tilespmem:v19+s3+$0x0], $0xffff;
	(xrf1) =	vsort.dscd.msk.u32 $0xffff, v7, v23;
	v7 =	vxor.u32 $0x80000000, v15  }
0x22c: {  	v12 =	vld.idx.msk [tilespmem:v18+s3+$0x0], $0xffff;
	(xrf1) =	vsort.dscd.msk.u32 $0xffff, v7, v24;
	v7 =	vxor.u32 $0x80000000, v13  }
0x22d: {  	(xrf1) =	vsort.dscd.msk.u32 $0xffff, v7, v25;
	v7 =	vxor.u32 $0x80000000, v11  }
0x22e: {  	(xrf1) =	vsort.dscd.msk.u32 $0xffff, v7, v26;
	v7 =	vxor.u32 $0x80000000, v10  }
0x22f: {  	(xrf1) =	vsort.dscd.msk.u32 $0xffff, v7, v28;
	v7 =	vxor.u32 $0x80000000, v9  }
0x230: {  	(xrf1) =	vsort.dscd.msk.u32 $0xffff, v7, v30;
	v7 =	vxor.u32 $0x80000000, v8  }
0x231: {  	v8, v9, _ =	vpop (xrf1);
	(xrf1) =	vsort.dscd.msk.u32 $0xffff, v7, v32;
	v7 =	vxor.u32 $0x80000000, v12;
	_ =	sdelay $0x1  }
0x232: {  	v10, v11, _ =	vpop (xrf1);
	(xrf1) =	vsort.dscd.msk.u32 $0xffff, v7, v39  }
0x233: {  	v61 =	vmov v41;
	v7, v12, _ =	vpop (xrf1)  }
0x234: {  	v52 =	vmov v49;
	v49 =	vmov v34;
	v42 =	vmov v45;
	v13, v14, _ =	vpop (xrf1)  }
0x235: {  	v45 =	vmov v35;
	v4 =	vmov v62;
	v62 =	vmov v57;
	v15, v16, _ =	vpop (xrf1)  }
0x236: {  	v57 =	vmov v47;
	v47 =	vmov v37;
	v0 =	vmov v6;
	v17, v18, _ =	vpop (xrf1)  }
0x237: {  	v6 =	vmov v5;
	v5 =	vmov v58;
	v10 =	vxor.u32 $0x80000000, v10;
	v19, v20, _ =	vpop (xrf1)  }
0x238: {  	v58 =	vmov v48;
	v48 =	vmov v38;
	v10 =	vperm.xlane v10, v1;
	v21, v22, _ =	vpop (xrf1)  }
0x239: {  	v8 =	vxor.u32 $0x80000000, v8;
	v11 =	vperm.xlane v11, v1;
	v13 =	vxor.u32 $0x80000000, v13;
	v23, v24, _ =	vpop (xrf1)  }
0x23a: {  	v7 =	vxor.u32 $0x80000000, v7;
	vm0 =	vlt.s32 v8, v10;
	v13 =	vperm.xlane v13, v1;
	v39, v26, _ =	vpop (xrf1)  }
0x23b: {  	v14 =	vperm.xlane v14, v1;
	v15 =	vxor.u32 $0x80000000, v15;
	v17 =	vxor.u32 $0x80000000, v17;
	v41, v28, _ =	vpop (xrf1)  }
0x23c: {  	v19 =	vxor.u32 $0x80000000, v19;
	vm1 =	vlt.s32 v7, v13;
	v21 =	vxor.u32 $0x80000000, v21;
	v29, v30, _ =	vpop (xrf1)  }
0x23d: {  	v23 =	vxor.u32 $0x80000000, v23;
	v25 =	vxor.u32 $0x80000000, v39;
	v39 =	vsel vm0, v10, v8;
	v31, v32, _ =	vpop (xrf1)  }
0x23e: {  	v8 =	vsel vm0, v8, v10;
	v27 =	vxor.u32 $0x80000000, v41;
	v41 =	vmov v56;
	v33, v34, _ =	vpop (xrf1)  }
0x23f: {  	v56 =	vmov v46;
	v46 =	vmov v36;
	v10 =	vxor.u32 $0x80000000, v39;
	v60, v36, _ =	vpop (xrf1)  }
0x240: {  	v8 =	vxor.u32 $0x80000000, v8;
	v29 =	vxor.u32 $0x80000000, v29;
	v35 =	vxor.u32 $0x80000000, v60;
	v60, v38, _ =	vpop (xrf1)  }
0x241: {  	v31 =	vxor.u32 $0x80000000, v31;
	v37 =	vxor.u32 $0x80000000, v60;
	v60 =	vmovc v50;
	v50 =	vmovc v40;
	v40 =	vsel vm0, v11, v9  }
0x242: {  	v33 =	vxor.u32 $0x80000000, v33;
	v9 =	vsel vm0, v9, v11;
	v11 =	vsel vm1, v14, v12;
	(xrf1) =	vsort.dscd.msk.u32 $0xffff, v10, v40  }
0x243: {  	v10 =	vsel vm1, v13, v7;
	v7 =	vsel vm1, v7, v13;
	v13 =	vperm.xlane v17, v1  }
0x244: {  	(xrf1) =	vsort.dscd.msk.u32 $0xffff, v8, v9;
	v8 =	vsel vm1, v12, v14;
	v9 =	vxor.u32 $0x80000000, v10;
	v10 =	vperm.xlane v18, v1  }
0x245: {  	v7 =	vxor.u32 $0x80000000, v7;
	(xrf1) =	vsort.dscd.msk.u32 $0xffff, v9, v11;
	vm15 =	vlt.s32 v15, v13;
	v9 =	vperm.xlane v21, v1  }
0x246: {  	v11 =	vsel vm15, v13, v15;
	v12 =	vsel vm15, v10, v16;
	v13 =	vsel vm15, v15, v13  }
0x247: {  	(xrf1) =	vsort.dscd.msk.u32 $0xffff, v7, v8;
	v8 =	vperm.xlane v22, v1;
	v7 =	vxor.u32 $0x80000000, v11;
	vm4 =	vlt.s32 v19, v9  }
0x248: {  	v10 =	vsel vm15, v16, v10;
	(xrf1) =	vsort.dscd.msk.u32 $0xffff, v7, v12;
	v7 =	vxor.u32 $0x80000000, v13;
	v11 =	vsel vm4, v9, v19  }
0x249: {  	v12 =	vsel vm4, v8, v20;
	v9 =	vsel vm4, v19, v9;
	v13 =	vperm.xlane v25, v1  }
0x24a: {  	(xrf1) =	vsort.dscd.msk.u32 $0xffff, v7, v10;
	v7 =	vsel vm4, v20, v8;
	v8 =	vxor.u32 $0x80000000, v11;
	v10 =	vperm.xlane v26, v1  }
0x24b: {  	(xrf1) =	vsort.dscd.msk.u32 $0xffff, v8, v12;
	v8 =	vxor.u32 $0x80000000, v9;
	vm5 =	vlt.s32 v23, v13;
	v9 =	vperm.xlane v29, v1  }
0x24c: {  	v11 =	vsel vm5, v13, v23;
	v12 =	vsel vm5, v10, v24;
	v13 =	vsel vm5, v23, v13  }
0x24d: {  	(xrf1) =	vsort.dscd.msk.u32 $0xffff, v8, v7;
	v8 =	vperm.xlane v30, v1;
	v7 =	vxor.u32 $0x80000000, v11;
	vm6 =	vlt.s32 v27, v9  }
0x24e: {  	v10 =	vsel vm5, v24, v10;
	(xrf1) =	vsort.dscd.msk.u32 $0xffff, v7, v12;
	v7 =	vxor.u32 $0x80000000, v13;
	v11 =	vsel vm6, v9, v27  }
0x24f: {  	v12 =	vsel vm6, v8, v28;
	v9 =	vsel vm6, v27, v9;
	v13 =	vperm.xlane v33, v1  }
0x250: {  	(xrf1) =	vsort.dscd.msk.u32 $0xffff, v7, v10;
	v7 =	vsel vm6, v28, v8;
	v8 =	vxor.u32 $0x80000000, v11;
	v10 =	vperm.xlane v34, v1  }
0x251: {  	(xrf1) =	vsort.dscd.msk.u32 $0xffff, v8, v12;
	v8 =	vxor.u32 $0x80000000, v9;
	vm7 =	vlt.s32 v31, v13;
	v9 =	vperm.xlane v37, v1  }
0x252: {  	v11 =	vsel vm7, v13, v31;
	v12 =	vsel vm7, v10, v32;
	v13 =	vsel vm7, v31, v13  }
0x253: {  	(xrf1) =	vsort.dscd.msk.u32 $0xffff, v8, v7;
	v8 =	vperm.xlane v38, v1;
	v7 =	vxor.u32 $0x80000000, v11;
	vm8 =	vlt.s32 v35, v9  }
0x254: {  	v10 =	vsel vm7, v32, v10;
	(xrf1) =	vsort.dscd.msk.u32 $0xffff, v7, v12;
	v7 =	vxor.u32 $0x80000000, v13;
	v11 =	vsel vm8, v9, v35  }
0x255: {  	(xrf1) =	vsort.dscd.msk.u32 $0xffff, v7, v10;
	v10 =	vxor.u32 $0x80000000, v11  }
0x256: {  	v9 =	vsel vm8, v35, v9;
	v7 =	vsel vm8, v8, v36;
	v8 =	vsel vm8, v36, v8  }
0x257: {  	v11, v12, _ =	vpop (xrf1);
	(xrf1) =	vsort.dscd.msk.u32 $0xffff, v10, v7;
	v7 =	vxor.u32 $0x80000000, v9;
	_ =	sdelay $0x1  }
0x258: {  	v9, v10, _ =	vpop (xrf1)  }
0x259: {  	(xrf1) =	vsort.dscd.msk.u32 $0xffff, v7, v8;
	v7, v8, _ =	vpop (xrf1)  }
0x25a: {  	v13, v14, _ =	vpop (xrf1)  }
0x25b: {  	v15, v16, _ =	vpop (xrf1)  }
0x25c: {  	v17, v18, _ =	vpop (xrf1)  }
0x25d: {  	v19, v20, _ =	vpop (xrf1)  }
0x25e: {  	v21, v22, _ =	vpop (xrf1)  }
0x25f: {  	v11 =	vxor.u32 $0x80000000, v11;
	v9 =	vxor.u32 $0x80000000, v9;
	v7 =	vxor.u32 $0x80000000, v7;
	v23, v24, _ =	vpop (xrf1)  }
0x260: {  	v8 =	vperm.xlane v8, v1;
	v13 =	vxor.u32 $0x80000000, v13;
	v7 =	vperm.xlane v7, v1;
	v37, v26, _ =	vpop (xrf1)  }
0x261: {  	v14 =	vperm.xlane v14, v1;
	v15 =	vxor.u32 $0x80000000, v15;
	v13 =	vperm.xlane v13, v1;
	v38, v28, _ =	vpop (xrf1)  }
0x262: {  	v17 =	vxor.u32 $0x80000000, v17;
	vm10 =	vlt.s32 v9, v7;
	v19 =	vxor.u32 $0x80000000, v19;
	v29, v30, _ =	vpop (xrf1)  }
0x263: {  	vm9 =	vlt.s32 v11, v13;
	v21 =	vxor.u32 $0x80000000, v21;
	v23 =	vxor.u32 $0x80000000, v23;
	v31, v32, _ =	vpop (xrf1)  }
0x264: {  	v25 =	vxor.u32 $0x80000000, v37;
	v27 =	vxor.u32 $0x80000000, v38;
	v29 =	vxor.u32 $0x80000000, v29;
	v39, v34, _ =	vpop (xrf1)  }
0x265: {  	v33 =	vxor.u32 $0x80000000, v39;
	v39 =	vsel vm9, v13, v11;
	v11 =	vsel vm9, v11, v13  }
0x266: {  	v40, v36, _ =	vpop (xrf1);
	v13 =	vsel vm9, v14, v12;
	v12 =	vsel vm9, v12, v14;
	v14 =	vsel vm10, v7, v9  }
0x267: {  	v7 =	vsel vm10, v9, v7;
	v35 =	vxor.u32 $0x80000000, v40;
	v40, v38, _ =	vpop (xrf1);
	vm11 =	vlt.s32 v39, v14  }
0x268: {  	vm12 =	vlt.s32 v11, v7;
	v37 =	vxor.u32 $0x80000000, v40;
	v40 =	vsel vm10, v8, v10  }
0x269: {  	v8 =	vsel vm10, v10, v8;
	v9 =	vsel vm11, v14, v39;
	v14 =	vsel vm11, v39, v14  }
0x26a: {  	v10 =	vsel vm11, v40, v13;
	v9 =	vxor.u32 $0x80000000, v9;
	v13 =	vsel vm11, v13, v40  }
0x26b: {  	(xrf1) =	vsort.dscd.msk.u32 $0xffff, v9, v10;
	v9 =	vxor.u32 $0x80000000, v14;
	v10 =	vsel vm12, v7, v11;
	v14 =	vsel vm12, v8, v12  }
0x26c: {  	v7 =	vsel vm12, v11, v7;
	v11 =	vperm.xlane v21, v1;
	v8 =	vsel vm12, v12, v8  }
0x26d: {  	(xrf1) =	vsort.dscd.msk.u32 $0xffff, v9, v13;
	v9 =	vxor.u32 $0x80000000, v10;
	v10 =	vperm.xlane v19, v1;
	v13 =	vperm.xlane v20, v1  }
0x26e: {  	v7 =	vxor.u32 $0x80000000, v7;
	(xrf1) =	vsort.dscd.msk.u32 $0xffff, v9, v14;
	v9 =	vperm.xlane v22, v1;
	vm13 =	vlt.s32 v15, v11  }
0x26f: {  	v12 =	vsel vm13, v11, v15;
	vm14 =	vlt.s32 v17, v10;
	v11 =	vsel vm13, v15, v11  }
0x270: {  	v14 =	vsel vm13, v9, v16;
	v15 =	vsel vm14, v10, v17;
	v9 =	vsel vm13, v16, v9  }
0x271: {  	v16 =	vsel vm14, v13, v18;
	v10 =	vsel vm14, v17, v10;
	vm15 =	vlt.s32 v12, v15  }
0x272: {  	v13 =	vsel vm14, v18, v13;
	vm4 =	vlt.s32 v11, v10;
	v17 =	vsel vm15, v15, v12  }
0x273: {  	(xrf1) =	vsort.dscd.msk.u32 $0xffff, v7, v8;
	v7 =	vsel vm15, v16, v14;
	v8 =	vsel vm15, v12, v15;
	v12 =	vxor.u32 $0x80000000, v17  }
0x274: {  	v14 =	vsel vm15, v14, v16;
	v15 =	vperm.xlane v29, v1;
	(xrf1) =	vsort.dscd.msk.u32 $0xffff, v12, v7;
	v7 =	vxor.u32 $0x80000000, v8  }
0x275: {  	v8 =	vsel vm4, v10, v11;
	v12 =	vsel vm4, v13, v9;
	v9 =	vsel vm4, v9, v13  }
0x276: {  	v31 =	vxor.u32 $0x80000000, v31;
	vm5 =	vlt.s32 v23, v15;
	(xrf1) =	vsort.dscd.msk.u32 $0xffff, v7, v14;
	v7 =	vsel vm4, v11, v10  }
0x277: {  	v8 =	vxor.u32 $0x80000000, v8;
	v10 =	vperm.xlane v30, v1;
	v11 =	vperm.xlane v27, v1  }
0x278: {  	v14 =	vsel vm5, v23, v15;
	(xrf1) =	vsort.dscd.msk.u32 $0xffff, v8, v12;
	v7 =	vxor.u32 $0x80000000, v7;
	v8 =	vsel vm5, v15, v23  }
0x279: {  	v12 =	vperm.xlane v28, v1;
	v13 =	vsel vm5, v10, v24;
	vm6 =	vlt.s32 v25, v11  }
0x27a: {  	v10 =	vsel vm5, v24, v10;
	v15 =	vsel vm6, v11, v25;
	v11 =	vsel vm6, v25, v11  }
0x27b: {  	v16 =	vsel vm6, v12, v26;
	vm7 =	vlt.s32 v8, v15;
	vm8 =	vlt.s32 v14, v11  }
0x27c: {  	v17 =	vsel vm7, v15, v8;
	v18 =	vsel vm7, v16, v13;
	v8 =	vsel vm7, v8, v15  }
0x27d: {  	(xrf1) =	vsort.dscd.msk.u32 $0xffff, v7, v9;
	v7 =	vsel vm7, v13, v16;
	v13 =	vperm.xlane v37, v1;
	v9 =	vxor.u32 $0x80000000, v17  }
0x27e: {  	v12 =	vsel vm6, v26, v12;
	v8 =	vxor.u32 $0x80000000, v8;
	(xrf1) =	vsort.dscd.msk.u32 $0xffff, v9, v18;
	v9 =	vsel vm8, v11, v14  }
0x27f: {  	vm9 =	vlt.s32 v31, v13;
	(xrf1) =	vsort.dscd.msk.u32 $0xffff, v8, v7;
	v7 =	vsel vm8, v12, v10  }
0x280: {  	v8 =	vsel vm8, v14, v11;
	v9 =	vxor.u32 $0x80000000, v9;
	v14 =	vperm.xlane v35, v1  }
0x281: {  	v11 =	vperm.xlane v38, v1;
	v10 =	vsel vm8, v10, v12;
	v12 =	vperm.xlane v36, v1  }
0x282: {  	(xrf1) =	vsort.dscd.msk.u32 $0xffff, v9, v7;
	v7 =	vxor.u32 $0x80000000, v8;
	v8 =	vsel vm9, v13, v31;
	vm10 =	vlt.s32 v33, v14  }
0x283: {  	v13 =	vsel vm9, v31, v13;
	v9 =	vsel vm9, v11, v32;
	v15 =	vsel vm10, v14, v33  }
0x284: {  	v11 =	vsel vm9, v32, v11;
	v16 =	vsel vm10, v12, v34;
	vm11 =	vlt.s32 v8, v15  }
0x285: {  	v14 =	vsel vm10, v33, v14;
	v12 =	vsel vm10, v34, v12;
	v17 =	vsel vm11, v15, v8  }
0x286: {  	(xrf1) =	vsort.dscd.msk.u32 $0xffff, v7, v10;
	v18 =	vsel vm11, v16, v9;
	v7 =	vsel vm11, v8, v15;
	v8 =	vxor.u32 $0x80000000, v17  }
0x287: {  	vm12 =	vlt.s32 v13, v14;
	v9 =	vsel vm11, v9, v16;
	v7 =	vxor.u32 $0x80000000, v7;
	(xrf1) =	vsort.dscd.msk.u32 $0xffff, v8, v18  }
0x288: {  	v8 =	vsel vm12, v14, v13;
	(xrf1) =	vsort.dscd.msk.u32 $0xffff, v7, v9;
	v9 =	vsel vm12, v13, v14  }
0x289: {  	v7 =	vsel vm12, v12, v11;
	v8 =	vxor.u32 $0x80000000, v8;
	v11 =	vsel vm12, v11, v12  }
0x28a: {  	v10, v13, _ =	vpop (xrf1);
	(xrf1) =	vsort.dscd.msk.u32 $0xffff, v8, v7;
	v7 =	vxor.u32 $0x80000000, v9;
	_ =	sdelay $0x1  }
0x28b: {  	v8, v9, _ =	vpop (xrf1)  }
0x28c: {  	(xrf1) =	vsort.dscd.msk.u32 $0xffff, v7, v11;
	v7, v11, _ =	vpop (xrf1)  }
0x28d: {  	v12, v14, _ =	vpop (xrf1)  }
0x28e: {  	v10 =	vxor.u32 $0x80000000, v10;
	v15, v16, _ =	vpop (xrf1)  }
0x28f: {  	v8 =	vxor.u32 $0x80000000, v8;
	v7 =	vxor.u32 $0x80000000, v7;
	v12 =	vxor.u32 $0x80000000, v12;
	v17, v18, _ =	vpop (xrf1)  }
0x290: {  	v15 =	vxor.u32 $0x80000000, v15;
	v16 =	vperm.xlane v16, v1;
	v19, v20, _ =	vpop (xrf1);
	v17 =	vxor.u32 $0x80000000, v17  }
0x291: {  	v18 =	vperm.xlane v18, v1;
	v15 =	vperm.xlane v15, v1;
	v21, v22, _ =	vpop (xrf1);
	v19 =	vxor.u32 $0x80000000, v19  }
0x292: {  	v20 =	vperm.xlane v20, v1;
	v17 =	vperm.xlane v17, v1;
	v21 =	vxor.u32 $0x80000000, v21  }
0x293: {  	v23, v24, _ =	vpop (xrf1);
	v22 =	vperm.xlane v22, v1;
	v19 =	vperm.xlane v19, v1;
	vm4 =	vlt.s32 v12, v15  }
0x294: {  	v37, v26, _ =	vpop (xrf1);
	v23 =	vxor.u32 $0x80000000, v23;
	v21 =	vperm.xlane v21, v1;
	vm15 =	vlt.s32 v7, v17  }
0x295: {  	v12 =	vsel vm4, v15, v12;
	v14 =	vsel vm4, v16, v14;
	v25 =	vxor.u32 $0x80000000, v37  }
0x296: {  	v38, v28, _ =	vpop (xrf1);
	vm14 =	vlt.s32 v8, v19;
	v7 =	vsel vm15, v17, v7;
	v11 =	vsel vm15, v18, v11  }
0x297: {  	v29, v30, _ =	vpop (xrf1);
	v27 =	vxor.u32 $0x80000000, v38;
	vm13 =	vlt.s32 v10, v21;
	v8 =	vsel vm14, v19, v8  }
0x298: {  	v9 =	vsel vm14, v20, v9;
	v31, v32, _ =	vpop (xrf1);
	v10 =	vsel vm13, v21, v10;
	v13 =	vsel vm13, v22, v13  }
0x299: {  	vm6 =	vlt.s32 v8, v12;
	v39, v34, _ =	vpop (xrf1);
	v31 =	vxor.u32 $0x80000000, v31;
	vm5 =	vlt.s32 v10, v7  }
0x29a: {  	v40 =	vmovc v50;
	v33 =	vxor.u32 $0x80000000, v39;
	v15 =	vsel vm5, v7, v10;
	v16 =	vsel vm5, v11, v13  }
0x29b: {  	v50 =	vmovc v60;
	v7 =	vsel vm5, v10, v7;
	v10 =	vsel vm5, v13, v11;
	v11 =	vsel vm6, v12, v8  }
0x29c: {  	v60, v36, _ =	vpop (xrf1);
	v13 =	vsel vm6, v14, v9;
	v8 =	vsel vm6, v8, v12;
	v9 =	vsel vm6, v9, v14  }
0x29d: {  	v18 =	vperm.xlane v31, v1;
	v35 =	vxor.u32 $0x80000000, v60;
	v60, v38, _ =	vpop (xrf1);
	vm7 =	vlt.s32 v15, v11  }
0x29e: {  	vm8 =	vlt.s32 v7, v8;
	v17 =	vperm.xlane v33, v1;
	v37 =	vxor.u32 $0x80000000, v60  }
0x29f: {  	v12 =	vsel vm7, v11, v15;
	v14 =	vsel vm7, v13, v16;
	v11 =	vsel vm7, v15, v11  }
0x2a0: {  	v13 =	vsel vm7, v16, v13;
	v15 =	vsel vm8, v9, v10;
	v12 =	vxor.u32 $0x80000000, v12  }
0x2a1: {  	v29 =	vxor.u32 $0x80000000, v29;
	(xrf1) =	vsort.dscd.msk.u32 $0xffff, v12, v14;
	v12 =	vperm.xlane v37, v1;
	v14 =	vsel vm8, v8, v7  }
0x2a2: {  	v7 =	vsel vm8, v7, v8;
	v8 =	vsel vm8, v10, v9;
	v9 =	vperm.xlane v35, v1  }
0x2a3: {  	v16 =	vperm.xlane v36, v1;
	vm12 =	vlt.s32 v29, v18;
	v11 =	vxor.u32 $0x80000000, v11  }
0x2a4: {  	vm11 =	vlt.s32 v27, v17;
	vm9 =	vlt.s32 v23, v12;
	vm10 =	vlt.s32 v25, v9  }
0x2a5: {  	v10 =	vperm.xlane v38, v1;
	v12 =	vsel vm9, v12, v23;
	v20 =	vsel vm10, v9, v25  }
0x2a6: {  	v9 =	vperm.xlane v34, v1;
	v21 =	vsel vm10, v16, v26;
	v16 =	vsel vm11, v17, v27  }
0x2a7: {  	v18 =	vsel vm12, v18, v29;
	v19 =	vsel vm9, v10, v24;
	vm13 =	vlt.s32 v12, v16  }
0x2a8: {  	vm2 =	vlt.s32 v20, v18;
	v17 =	vsel vm11, v9, v28;
	v9 =	vperm.xlane v32, v1  }
0x2a9: {  	(xrf1) =	vsort.dscd.msk.u32 $0xffff, v11, v13;
	v10 =	vxor.u32 $0x80000000, v14;
	v11 =	vsel vm13, v16, v12;
	v13 =	vsel vm2, v18, v20  }
0x2aa: {  	v7 =	vxor.u32 $0x80000000, v7;
	(xrf1) =	vsort.dscd.msk.u32 $0xffff, v10, v15;
	vm14 =	vlt.s32 v11, v13;
	v15 =	vsel vm12, v9, v30  }
0x2ab: {  	v9 =	vsel vm13, v17, v19;
	v14 =	vsel vm14, v13, v11;
	v10 =	vsel vm2, v15, v21  }
0x2ac: {  	(xrf1) =	vsort.dscd.msk.u32 $0xffff, v7, v8;
	v8 =	vsel vm14, v11, v13;
	v11 =	vxor.u32 $0x80000000, v14;
	v7 =	vsel vm14, v10, v9  }
0x2ad: {  	v9 =	vsel vm14, v9, v10;
	(xrf1) =	vsort.dscd.msk.u32 $0xffff, v11, v7;
	v7 =	vxor.u32 $0x80000000, v8  }
0x2ae: {  	(xrf1) =	vsort.dscd.msk.u32 $0xffff, v7, v9;
	_ =	sdelay $0x5  }
0x2af: {  	v39 =	vmov v63;
	v36 =	vmov v46;
	v46 =	vmov v56  }
0x2b0: {  	v63 =	vld [tilespmem:$0x1FFF0];
	v56 =	vmovc v41;
	v31 =	vmovc v51;
	v41 =	vmov v61;
	v33 =	vmov v43;
	v43 =	vmov v59  }
0x2b1: {  	v51 =	vld [tilespmem:$0x1FFE0];
	v35 =	vmovc v45;
	v45 =	vmovc v42;
	v38 =	vmov v48;
	v48 =	vmov v58;
	v58 =	vmov v5  }
0x2b2: {  	v61 =	vld [tilespmem:$0x1FFB0];
	v5 =	vmov v6;
	v6 =	vmov v0;
	v0 =	vlaneseq.u32;
	v13, v9, _ =	vpop (xrf1)  }
0x2b3: {  	v60 =	vld [tilespmem:$0x1FF80];
	v37 =	vmov v47;
	v47 =	vmov v57;
	v57 =	vmov v62;
	v14, v10, _ =	vpop (xrf1)  }
0x2b4: {  	v59 =	vld [tilespmem:$0x1FFD0];
	v62 =	vmov v4;
	v22 =	vsel vm13, v12, v16;
	v23 =	vsel vm2, v20, v18;
	v11, v7, _ =	vpop (xrf1)  }
0x2b5: {  	v42 =	vld [tilespmem:$0x1FFC0];
	v34 =	vmov v49;
	v49 =	vmov v52;
	vm15 =	vlt.s32 v22, v23;
	v16, v8, _ =	vpop (xrf1)  }
0x2b6: {  	v52 =	vld [tilespmem:$0x1FF90];
	v24 =	vsel vm13, v19, v17;
	v19 =	vsel vm15, v23, v22;
	v25 =	vsel vm2, v21, v15;
	v17, v12, _ =	vpop (xrf1)  }
0x2b7: {  	v32 =	vld [tilespmem:$0x1FFA0];
	v21 =	vsel vm15, v22, v23;
	v20 =	vsel vm15, v25, v24;
	v22 =	vsel vm15, v24, v25;
	v18, v15, _ =	vpop (xrf1)  }
.LBB2_6:
0x2b8: {  	v19 =	vxor.u32 $0x80000000, v19  }
0x2b9: {  	v25 =	vxor.u32 $0x80000000, v21;
	(xrf1) =	vsort.dscd.msk.u32 $0xffff, v19, v20  }
0x2ba: {  	(xrf1) =	vsort.dscd.msk.u32 $0xffff, v25, v22;
	_ =	sdelay $0xa  }
0x2bb: {  	v16 =	vxor.u32 $0x80000000, v16  }
0x2bc: {  	v17 =	vxor.u32 $0x80000000, v17;
	v18 =	vxor.u32 $0x80000000, v18;
	v13 =	vxor.u32 $0x80000000, v13  }
0x2bd: {  	v14 =	vxor.u32 $0x80000000, v14;
	v15 =	vperm.xlane v15, v1;
	v18 =	vperm.xlane v18, v1;
	v26, v20, _ =	vpop (xrf1)  }
0x2be: {  	v11 =	vxor.u32 $0x80000000, v11;
	v12 =	vperm.xlane v12, v1;
	v17 =	vperm.xlane v17, v1;
	v27, v22, _ =	vpop (xrf1)  }
0x2bf: {  	vm6 =	vlt.s32 v11, v18;
	v19 =	vxor.u32 $0x80000000, v26;
	v21 =	vxor.u32 $0x80000000, v27  }
0x2c0: {  	vm7 =	vlt.s32 v16, v17;
	v19 =	vperm.xlane v19, v1;
	v21 =	vperm.xlane v21, v1  }
0x2c1: {  	v11 =	vsel vm6, v18, v11;
	v16 =	vsel vm7, v17, v16;
	v7 =	vsel vm6, v15, v7  }
0x2c2: {  	v8 =	vsel vm7, v12, v8;
	vm1 =	vlt.s32 v14, v19;
	vm0 =	vlt.s32 v13, v21  }
0x2c3: {  	v20 =	vperm.xlane v20, v1;
	v14 =	vsel vm1, v19, v14;
	v13 =	vsel vm0, v21, v13  }
0x2c4: {  	v22 =	vperm.xlane v22, v1;
	vm3 =	vlt.s32 v14, v16;
	vm2 =	vlt.s32 v13, v11  }
0x2c5: {  	v10 =	vsel vm1, v20, v10;
	v17 =	vsel vm3, v16, v14;
	v23 =	vsel vm2, v11, v13  }
0x2c6: {  	v9 =	vsel vm0, v22, v9;
	v25 =	vsel vm3, v8, v10;
	vm8 =	vlt.s32 v23, v17  }
0x2c7: {  	v14 =	vsel vm3, v14, v16;
	v24 =	vsel vm2, v7, v9;
	v26 =	vsel vm8, v17, v23  }
0x2c8: {  	v8 =	vsel vm3, v10, v8;
	v27 =	vsel vm8, v25, v24;
	v18 =	vxor.u32 $0x80000000, v26  }
0x2c9: {  	v11 =	vsel vm2, v13, v11;
	v15 =	vsel vm8, v23, v17;
	(xrf1) =	vsort.dscd.msk.u32 $0xffff, v18, v27  }
0x2ca: {  	vm9 =	vlt.s32 v11, v14;
	v16 =	vsel vm8, v24, v25;
	v17 =	vxor.u32 $0x80000000, v15  }
0x2cb: {  	v7 =	vsel vm2, v9, v7;
	v18 =	vsel vm9, v14, v11;
	(xrf1) =	vsort.dscd.msk.u32 $0xffff, v17, v16  }
0x2cc: {  	v10 =	vsel vm9, v8, v7;
	v11 =	vsel vm9, v11, v14;
	v9 =	vxor.u32 $0x80000000, v18  }
0x2cd: {  	v7 =	vsel vm9, v7, v8;
	v8 =	vxor.u32 $0x80000000, v11;
	(xrf1) =	vsort.dscd.msk.u32 $0xffff, v9, v10  }
0x2ce: {  	(xrf1) =	vsort.dscd.msk.u32 $0xffff, v8, v7;
	_ =	sdelay $0x8  }
0x2cf: {  	v7, v8, _ =	vpop (xrf1)  }
0x2d0: {  	v7 =	vxor.u32 $0x80000000, v7;
	[tilespmem:$0x12480] =	vst v8  }
0x2d1: {  	v9, v10, _ =	vpop (xrf1);
	[tilespmem:$0x12400] =	vst v7  }
0x2d2: {  	v7 =	vxor.u32 $0x80000000, v9;
	[tilespmem:$0x12490] =	vst v10  }
0x2d3: {  	v22 =	vadd.s32 $0x11, v0;
	v8, v19, _ =	vpop (xrf1);
	[tilespmem:$0x12410] =	vst v7  }
0x2d4: {  	v23 =	vadd.s32 $0x21, v0;
	v7 =	vxor.u32 $0x80000000, v8;
	v21, v20, _ =	vpop (xrf1);
	[tilespmem:$0x124A0] =	vst v19  }
0x2d5: {  	[tilespmem:$0x12420] =	vst v7;
	v7 =	vxor.u32 $0x80000000, v21;
	v24 =	vld [tilespmem:$0x12410]  }
0x2d6: {  	v8 =	vadd.s32 $0x1, v0;
	[tilespmem:$0x12430] =	vst v7;
	v7 =	vld [tilespmem:$0x12400]  }
0x2d7: {  	[tilespmem:$0x124B0] =	vst v20;
	v25 =	vld [tilespmem:$0x12420]  }
0x2d8: {  	v9 =	vld.idx.msk [tilespmem:v22+s15+$0x0], $0xffff  }
0x2d9: {  	v10 =	vld.idx.msk [tilespmem:v23+s15+$0x0], $0xffff  }
0x2da: {  	v26 =	vld [tilespmem:$0x12430]  }
0x2db: {  	v8 =	vld.idx.msk [tilespmem:v8+s15+$0x0], $0xffff  }
0x2dc: {  	v27 =	vld.idx.msk [tilespmem:v5+s15+$0x0], $0xffff;
	_ =	sdelay $0x3  }
0x2dd: {  	vm14 =	vmmov $0x7fff;
	vm11 =	veq.s32 v24, v9;
	vm10 =	veq.s32 v7, v8  }
0x2de: {  	vm12 =	veq.s32 v25, v10;
	vm13 =	veq.s32 v26, v27;
	vm0 =	vmor vm10, vm11  }
0x2df: {  	vm15 =	vmand vm13, vm14;
	vm0 =	vmor vm0, vm12  }
0x2e0: {  	vm0 =	vmor vm0, vm15  }
0x2e1: {  	v7 =	vmpcnt.ones.xlane vm0;
	_ =	sdelay $0x1  }
0x2e2: {  	(v2sf) =	vpush v7, $0x0;
	_ =	sdelay $0xe  }
0x2e3: {  	s28 =	spop (v2sf)  }
0x2e4: {  	p0 =	slt.s32 s28, $0x1  }
.Ltmp8:
0x2e5: {  	_ = 	snop;
	(pc) =	sbr.rel @p0 .LBB2_8-.Ltmp8, $1  }
0x2e6: {  	_ =	sdelay $0x3  }
0x2e7: {  	v7 =	vmul.u32 $0x2, v0;
	_ =	sdelay $0x2  }
0x2e8: {  	v8 =	vor.u32 $0x1, v7;
	_ =	sdelay $0x2  }
0x2e9: {  	v9 =	vld.idx.msk [tilespmem:v7+s15+$0x0], $0xffff  }
0x2ea: {  	v11 =	vld.idx.msk [tilespmem:v7+s14+$0x0], $0xffff  }
0x2eb: {  	v10 =	vld.idx.msk [tilespmem:v8+s15+$0x0], $0xffff  }
0x2ec: {  	v12 =	vld.idx.msk [tilespmem:v8+s14+$0x0], $0xffff;
	_ =	sdelay $0x4  }
0x2ed: {  	vm0 =	veq.s32 v9, v10;
	vm1 =	vgt.s32 v11, v12  }
0x2ee: {  	vm0 =	vmand vm0, vm1;
	_ =	sdelay $0x2  }
0x2ef: {  	v27 =	vor.u32 $0x20, v7  }
0x2f0: {  	v10 =	vor.u32 $0x21, v7;
	_ =	sdelay $0x1  }
0x2f1: {  	[tilespmem:v7+s14+$0x0] =	vst.idx.msk vm0, v12  }
0x2f2: {  	[tilespmem:v8+s14+$0x0] =	vst.idx.msk vm0, v11  }
0x2f3: {  	v11 =	vld.idx.msk [tilespmem:v27+s15+$0x0], $0xffff  }
0x2f4: {  	v12 =	vld.idx.msk [tilespmem:v10+s15+$0x0], $0xffff  }
0x2f5: {  	v13 =	vld.idx.msk [tilespmem:v27+s14+$0x0], $0xffff  }
0x2f6: {  	v14 =	vld.idx.msk [tilespmem:v10+s14+$0x0], $0xffff;
	_ =	sdelay $0x4  }
0x2f7: {  	vm14 =	veq.s32 v11, v12;
	vm15 =	vgt.s32 v13, v14  }
0x2f8: {  	vm0 =	vmand vm14, vm15;
	_ =	sdelay $0x3  }
0x2f9: {  	v18 =	vadd.s32 $0x2, v7;
	_ =	sdelay $0x1  }
0x2fa: {  	[tilespmem:v27+s14+$0x0] =	vst.idx.msk vm0, v14  }
0x2fb: {  	[tilespmem:v10+s14+$0x0] =	vst.idx.msk vm0, v13  }
0x2fc: {  	v19 =	vld.idx.msk [tilespmem:v8+s15+$0x0], $0xffff  }
0x2fd: {  	v13 =	vld.idx.msk [tilespmem:v18+s15+$0x0], $0xffff  }
0x2fe: {  	v14 =	vld.idx.msk [tilespmem:v8+s14+$0x0], $0xffff  }
0x2ff: {  	v15 =	vld.idx.msk [tilespmem:v18+s14+$0x0], $0xffff;
	_ =	sdelay $0x4  }
0x300: {  	vm4 =	veq.s32 v19, v13;
	vm5 =	vgt.s32 v14, v15  }
0x301: {  	vm0 =	vmand vm4, vm5  }
0x302: {  	v4 =	vld [tilespmem:$0x1FF70];
	_ =	sdelay $0x4  }
0x303: {  	[tilespmem:v8+s14+$0x0] =	vst.idx.msk vm0, v15  }
0x304: {  	[tilespmem:v18+s14+$0x0] =	vst.idx.msk vm0, v14  }
0x305: {  	v20 =	vld.idx.msk [tilespmem:v10+s15+$0x0], $0xffff  }
0x306: {  	v21 =	vld.idx.msk [tilespmem:v4+s15+$0x0], $0xffff  }
0x307: {  	v14 =	vld.idx.msk [tilespmem:v10+s14+$0x0], $0xffff  }
0x308: {  	v15 =	vld.idx.msk [tilespmem:v4+s14+$0x0], $0xffff;
	_ =	sdelay $0x4  }
0x309: {  	vm6 =	veq.s32 v20, v21;
	vm7 =	vgt.s32 v14, v15  }
0x30a: {  	vm0 =	vmand vm6, vm7;
	_ =	sdelay $0x5  }
0x30b: {  	[tilespmem:v10+s14+$0x0] =	vst.idx.msk vm0, v15  }
0x30c: {  	[tilespmem:v4+s14+$0x0] =	vst.idx.msk vm0, v14  }
0x30d: {  	v22 =	vld.idx.msk [tilespmem:v7+s15+$0x0], $0xffff  }
0x30e: {  	v23 =	vld.idx.msk [tilespmem:v8+s15+$0x0], $0xffff  }
0x30f: {  	v14 =	vld.idx.msk [tilespmem:v7+s14+$0x0], $0xffff  }
0x310: {  	v15 =	vld.idx.msk [tilespmem:v8+s14+$0x0], $0xffff;
	_ =	sdelay $0x4  }
0x311: {  	vm8 =	veq.s32 v22, v23;
	vm9 =	vgt.s32 v14, v15  }
0x312: {  	vm0 =	vmand vm8, vm9;
	_ =	sdelay $0x5  }
0x313: {  	[tilespmem:v7+s14+$0x0] =	vst.idx.msk vm0, v15  }
0x314: {  	[tilespmem:v8+s14+$0x0] =	vst.idx.msk vm0, v14  }
0x315: {  	v7 =	vld.idx.msk [tilespmem:v27+s15+$0x0], $0xffff  }
0x316: {  	v24 =	vld.idx.msk [tilespmem:v10+s15+$0x0], $0xffff  }
0x317: {  	v25 =	vld.idx.msk [tilespmem:v27+s14+$0x0], $0xffff  }
0x318: {  	v14 =	vld.idx.msk [tilespmem:v10+s14+$0x0], $0xffff;
	_ =	sdelay $0x4  }
0x319: {  	vm10 =	veq.s32 v7, v24;
	vm11 =	vgt.s32 v25, v14  }
0x31a: {  	vm0 =	vmand vm10, vm11;
	_ =	sdelay $0x5  }
0x31b: {  	[tilespmem:v27+s14+$0x0] =	vst.idx.msk vm0, v14  }
0x31c: {  	[tilespmem:v10+s14+$0x0] =	vst.idx.msk vm0, v25  }
0x31d: {  	v7 =	vld.idx.msk [tilespmem:v8+s15+$0x0], $0xffff  }
0x31e: {  	v9 =	vld.idx.msk [tilespmem:v18+s15+$0x0], $0xffff  }
0x31f: {  	v26 =	vld.idx.msk [tilespmem:v8+s14+$0x0], $0xffff  }
0x320: {  	v13 =	vld.idx.msk [tilespmem:v18+s14+$0x0], $0xffff;
	_ =	sdelay $0x4  }
0x321: {  	vm12 =	veq.s32 v7, v9;
	vm13 =	vgt.s32 v26, v13  }
0x322: {  	vm0 =	vmand vm12, vm13;
	_ =	sdelay $0x5  }
0x323: {  	[tilespmem:v8+s14+$0x0] =	vst.idx.msk vm0, v13  }
0x324: {  	[tilespmem:v18+s14+$0x0] =	vst.idx.msk vm0, v26  }
0x325: {  	v7 =	vld.idx.msk [tilespmem:v10+s15+$0x0], $0xffff  }
0x326: {  	v8 =	vld.idx.msk [tilespmem:v4+s15+$0x0], $0xffff  }
0x327: {  	v27 =	vld.idx.msk [tilespmem:v10+s14+$0x0], $0xffff  }
0x328: {  	v11 =	vld.idx.msk [tilespmem:v4+s14+$0x0], $0xffff;
	_ =	sdelay $0x4  }
0x329: {  	vm14 =	veq.s32 v7, v8;
	vm15 =	vgt.s32 v27, v11  }
0x32a: {  	vm0 =	vmand vm14, vm15;
	_ =	sdelay $0x2  }
.Ltmp9:
0x32b: {  	_ = 	snop;
	(pc) =	sbr.rel .LBB2_8-.Ltmp9, $3  }
0x32c: {  	_ =	sdelay $0x1  }
0x32d: {  	[tilespmem:v10+s14+$0x0] =	vst.idx.msk vm0, v11  }
0x32e: {  	[tilespmem:v4+s14+$0x0] =	vst.idx.msk vm0, v27  }
.LBB2_11:
0x32f: {  	_ =	sfence.sel $0x180000  }
0x330: {  	[bflag:$0x0] =	sbarrier.arrive $0xFFFF  }
0x331: {  	p0 =	sne.s32 s2, $0x0;
	_ =	strace $0x9000004A  }
0x332: {  	s0 =	sadd.s32 @!p0 $0x100000, s0;
	[bflag:$0x2] =	sbarrier.arrive $0xFFFF  }
0x333: {  	[sflag:s0] =	ssyncadd.tile.s32 @!p0 $0x1;
	_ =	shalt  }
.Lfunc_end2:
_tile_overlayer_lowered:
.L_overlay_start_2:
0x334: {  	(tag) =	ssettag $0x2  }
0x335: {  	s0 =	rddreg [dreg:$0x0];
	s2 =	stileid.u32  }
0x336: {  	s1 =	rddreg [dreg:$0x1];
	p0 =	sne.s32 s2, $0x0  }
0x337: {  	s3 =	rddreg [dreg:$0x2];
	[bflag:$0x3] =	sbarrier.arrive $0xFFFF;
	s2 =	simm.s32 @!p0 $0x1C01  }
0x338: {  	[timem:s3], [sflag:s2] =	dma.local @!p0 [hbm:s0], s1  }
0x339: {  	s0 =	simm.s32 @!p0 $0x1  }
0x33a: {  	_ =	swait.ge @!p0 [sflag:s0], s1  }
0x33b: {  	s1 =	ssub.s32 @!p0 $0x0, s1;
	[sflag:s0] =	ssyncset.done @!p0 $0x0  }
0x33c: {  	[sflag:s0] =	ssyncadd.s32 @!p0 s1  }
0x33d: {  	[bflag:$0x3] =	sbarrier.arrive $0xFFFF  }
0x33e: {  	_ =	shalt  }

// kernel: sparse-core-data-format-call.cloned.1.call-start
scs
called_computation_lowered:
.L_overlay_start_0:
0x0: {  	s1 =	sld [smem:$0x3FD9]  }
0x1: {  	s2 =	sld [smem:$0x3FFE];
	_ =	sdelay $0x1  }
0x2: {  	s3 =	srdreg.scid  }
0x3: {  	s0 =	sand.u32 $0x1, s3  }
0x4: {  	s17 =	sshll.u32 s0, $0xA;
	s1 =	sadd.s32 s2, s1  }
0x5: {  	s1 =	sadd.s32 s1, s17  }
0x6: {  	[smem:$0x3FC3] =	sst s1  }
0x7: {  	_ = 	snop  }
0x8: {  	(tm) =	ssettm $0x1  }
0x9: {  	s18 =	sld [smem:$0x3FFB];
	_ =	sdelay $0x3  }
0xa: {  	_ =	strace s18  }
0xb: {  	s1 =	sld [smem:$0x3FFC];
	_ =	sdelay $0x3  }
0xc: {  	_ =	strace s1  }
0xd: {  	s1 =	sld [smem:$0x3FFD];
	_ =	sdelay $0x3  }
0xe: {  	_ =	strace s1  }
0xf: {  	_ =	strace $0x8FFFFFFF  }
0x10: {  	s19 =	sld [smem:$0x3FDB];
	_ =	sdelay $0x1  }
0x11: {  	s20 =	simm.s32 $_scs_section_size  }
0x12: {  	s4 =	simm.s32 $_size__tile_overlayer_lowered;
	s5 =	simm.s32 $_tile_overlayer_lowered  }
0x13: {  	s23 =	simm.s32 $0x1BFF;
	s22 =	sshll.u32 s5, $0x1;
	s1 =	sadd.s32 s20, s19  }
0x14: {  	s6 =	simm.s32 $0x0;
	s21 =	sshll.u32 s4, $0x1;
	s4 =	sadd.s32 s22, s1  }
0x15: {  	[timem:s6], [sflag:s23] =	dma.local [hbm:s4], s21  }
0x16: {  	_ =	swait.ge [sflag:s23], s21  }
0x17: {  	s2 =	ssub.s32 $0x0, s21;
	[sflag:s23] =	ssyncset.done $0x0  }
0x18: {  	[sflag:s23] =	ssyncadd.s32 s2;
	_ =	sdelay $0x1  }
0x19: {  	s24 =	simm.s32 $0x1B8B  }
0x1a: {  	_ =	swait.ge [sflag:s24], $0x1  }
0x1b: {  	[sflag:s24] =	ssyncset.done $0x0  }
0x1c: {  	s26 =	simm.s32 $0x1B8E;
	s25 =	sld [smem:$0x3FFE];
	[sflag:s24] =	ssyncadd.s32 $0xFFFFFFFF  }
0x1d: {  	s27 =	simm.s32 $execute0_lowered;
	[smem:$0x3FD2] =	sst s26  }
0x1e: {  	s4 =	sshll.u32 s27, $0x1;
	_ =	strace $0x80000046;
	[dreg:$0x1] =	wrdreg $0xFFFFFFFF  }
0x1f: {  	s28 =	simm.s32 $_size_execute0_lowered;
	s1 =	sadd.s32 s1, s4;
	[dreg:$0x0] =	wrdreg $0x0  }
0x20: {  	s4 =	sshll.u32 s28, $0x1;
	[dreg:$0x2] =	wrdreg s1  }
0x21: {  	[dreg:$0x3] =	wrdreg s4  }
0x22: {  	[dreg:$0x4] =	wrdreg $0xC0  }
0x23: {  	_ =	task [dreg:s6], $0x5FFFF  }
0x24: {  	[dreg:$0x1] =	wrdreg $0xFFFFFFFF  }
0x25: {  	[dreg:$0x0] =	wrdreg $0x60  }
0x26: {  	[dreg:$0x2] =	wrdreg s25  }
0x27: {  	[dreg:$0x3] =	wrdreg $0x9  }
0x28: {  	_ =	task.clear_ibuf [dreg:s6], $0x4FFFF;
	_ =	strace $0x90000046  }
0x29: {  	s29 =	simm.s32 $0x9;
	_ =	strace $0x80000048  }
0x2a: {  	_ =	swait.ge [sflag:s29], $0x1  }
0x2b: {  	[sflag:s29] =	ssyncadd.s32 $0xFFFFFFFF  }
0x2c: {  	_ =	strace $0x90000048  }
0x2d: {  	_ =	sfence  }
0x2e: {  	s30 =	sld [smem:$0x0];
	_ =	sdelay $0x2  }
0x2f: {  	s31 =	sshll.u32 s3, $0xD;
	s3 =	sshrl.u32 s3, $0x2  }
0x30: {  	s2 =	sand.u32 $0x4000, s31;
	s1 =	sadd.s32 s3, s30  }
0x31: {  	s0 =	sor.u32 s2, s0;
	s1 =	sshll.u32 s1, $0x11  }
0x32: {  	s0 =	sor.u32 s1, s0  }
0x33: {  	s0 =	sadd.s32 $0x8F2B, s0  }
0x34: {  	[sflag:s0] =	ssyncadd.remote.s32 $0x1  }
0x35: {  	_ =	sfence.sel $0xFFFF  }
0x36: {  	[dreg:$0x0] =	wrdreg $0xFFFFFFFF;
	(pc) =	sbr.abs _section_cstart, $3  }
0x37: {  	[dreg:$0x1] =	wrdreg $0xFFFFFFFF  }
0x38: {  	_ =	task.clear_ibuf [dreg:s6], $0x2FFFF;
	_ =	strace $0x9FFFFFFF  }
0x39: {  	(tm) =	ssettm $0x7FFFFFFF  }
tec
execute0_lowered:
.L_overlay_start_1:
0x0: {  	(tag) =	ssettag $0x1  }
0x1: {  	s0 =	srdreg.scid  }
0x2: {  	s1 =	sshll.u32 s0, $0x4  }
0x3: {  	s4 =	rddreg [dreg:$0x0];
	s0 =	stileid.u32;
	s1 =	sand.u32 $0x10, s1  }
0x4: {  	s7 =	simm.s32 $0x1;
	s8 =	simm.s32 $0x2;
	s1 =	sor.u32 s0, s1  }
0x5: {  	s9 =	simm.s32 $0x0;
	s12 =	simm.s32 $0x0;
	s2 =	sshll.u32 s1, $0x1  }
0x6: {  	s11 =	simm.s32 $0x0;
	s3 =	sadd.s32 $0x2800, s4;
	s6 =	ssub.s32 $0x800, s2  }
.Ltmp0:
0x7: {  	s4 =	sadd.s32 $0x642800, s4;
	s5 =	sand.u32 $0x3E, s6;
	(pc) =	sbr.rel .LBB1_1-.Ltmp0, $4  }
0x8: {  	s1 =	rddreg [dreg:$0x1];
	_ =	strace $0x80000047;
	p0 =	sne.s32 s5, $0x0  }
0x9: {  	s6 =	sshrl.u32 s6, $0x6;
	s5 =	simm.s32 $0x1;
	s7 =	simm.s32 @!p0 $0x0  }
0xa: {  	s10 =	smov.u32 s2;
	[sflag:s5] =	ssyncpa.u1 $0x0;
	s6 =	sadd.s32 s7, s6  }
0xb: {  	[sflag:s8] =	ssyncpa.u1 $0x0;
	s8 =	simm.s32 $0x0;
	s7 =	sadd.s32 $0x1, s6  }
.LBB1_9:
0xc: {  	s14 =	sadd.s32 $0x40, s10  }
0xd: {  	p1 =	sgt.s32 s14, $0x7FF  }
0xe: {  	s14 =	smov.u32 @p1 s2;
	p1 =	sne.s32 s11, s7  }
.Ltmp1:
0xf: {  	p0 =	slt.u32 s11, $0x2;
	(pc) =	sbr.rel @!p1 .LBB1_10-.Ltmp1, $4  }
0x10: {  	s13 =	simm.s32 @!p0 $0x2  }
0x11: {  	s15 =	sadd.s32 $0x1, s11;
	_ =	swait.ge @!p0 [sflag:s13], $0x4000  }
0x12: {  	s12 =	smov.u32 s10;
	s9 =	sadd.s32 $0x4000, s9;
	[sflag:s13] =	ssyncset.done @!p0 $0x0  }
0x13: {  	s11 =	smov.u32 s15;
	s10 =	smov.u32 s14;
	[sflag:s13] =	ssyncadd.s32 @!p0 $0xFFFFC000  }
.LBB1_1:
0x14: {  	p0 =	sge.u32 s11, s6  }
0x15: {  	s13 =	sxor.u32 @!p0 $0xFFFFFFFF, s11  }
0x16: {  	s31 =	sadd.s32 $0xFFFFFFFF, s11;
	s14 =	sshll.u32 @!p0 s10, $0xA;
	s13 =	sshll.u32 @!p0 s13, $0xE  }
0x17: {  	s15 =	simm.s32 @!p0 $0x0;
	s14 =	sadd.s32 @!p0 s3, s14;
	s13 =	sand.u32 @!p0 $0x4000, s13  }
0x18: {  	[tilespmem:s13], [sflag:$0x1] =	stream.linear.gather @!p0 [hbm4b:s14+s15], $0x4000, $0x38;
	[tilespmem:$0x10000] =	vst v63  }
0x19: {  	p0 =	sge.u32 s31, s6  }
.Ltmp2:
0x1a: {  	_ = 	snop;
	(pc) =	sbr.rel @p0 .LBB1_9-.Ltmp2, $1  }
0x1b: {  	_ =	sdelay $0x3  }
0x1c: {  	s13 =	sshll.u32 s9, $0x2  }
0x1d: {  	_ =	swait.ge [sflag:s5], $0x4000;
	s14 =	sshll.u32 s11, $0xE;
	s16 =	simm.s32 $0x0  }
0x1e: {  	p1 =	por $0x1, $0x1;
	s13 =	sand.u32 $0x10000, s13;
	[sflag:s5] =	ssyncset.done $0x0  }
0x1f: {  	s14 =	sand.u32 $0x4000, s14;
	s15 =	sshrl.u32 s13, $0x2;
	[sflag:s5] =	ssyncadd.s32 $0xFFFFC000  }
0x20: {  	s13 =	sor.u32 $0x8000, s14;
	s14 =	sadd.s32 $0x8040, s15;
	s15 =	sadd.s32 $0x40, s15  }
.LBB1_3:
0x21: {  	s16 =	sshll.u32 s16, $0x2  }
0x22: {  	p0 =	por p1, p1;
	s17 =	sshra.s32 s16, $0x2  }
0x23: {  	s18 =	simm.s32 $0x0;
	s16 =	sadd.s32 s17, s14;
	s17 =	sadd.s32 s17, s15  }
.LBB1_4:
0x24: {  	v0 =	vmov s17;
	_ =	sdelay $0x3  }
0x25: {  	s20 =	simm.s32 $0x0  }
0x26: {  	v6 =	vld.idx.msk [tilespmem:v0+s20+$0x30 ss:$0x1], $0xffff  }
0x27: {  	v7 =	vld.idx.msk [tilespmem:v0+s20+$0xFFFFFFC0 ss:$0x1], $0xffff  }
0x28: {  	v5 =	vld.idx.msk [tilespmem:v0+s20+$0xFFFFFFD0 ss:$0x1], $0xffff  }
0x29: {  	v4 =	vld.idx.msk [tilespmem:v0+s20+$0xFFFFFFE0 ss:$0x1], $0xffff  }
0x2a: {  	v3 =	vld.idx.msk [tilespmem:v0+s20+$0xFFFFFFF0 ss:$0x1], $0xffff  }
0x2b: {  	v1 =	vld.idx.msk [tilespmem:v0+s20+$0x0 ss:$0x1], $0xffff  }
0x2c: {  	v2 =	vld.idx.msk [tilespmem:v0+s20+$0x10 ss:$0x1], $0xffff;
	[tilespmem:s16+$0x30] =	vst v6  }
0x2d: {  	s19 =	simm.s32 $0x80;
	s21 =	simm.s32 $0x400;
	[tilespmem:s16+$0xFFFFFFC0] =	vst v7;
	v6 =	vld.idx.msk [tilespmem:v0+s20+$0x20 ss:$0x1], $0xffff;
	s20 =	smov.u32 s16  }
.LBB1_5:
0x2e: {  	p1 =	sne.s32 s21, $0xE00;
	v7 =	vld.idx.msk [tilespmem:v0+s19+$0x30 ss:$0x1], $0xffff;
	[tilespmem:s20+$0xFFFFFFD0] =	vst v5  }
0x2f: {  	v8 =	vld.idx.msk [tilespmem:v0+s19+$0xFFFFFFC0 ss:$0x1], $0xffff;
	[tilespmem:s20+$0xFFFFFFE0] =	vst v4  }
0x30: {  	v5 =	vld.idx.msk [tilespmem:v0+s19+$0xFFFFFFD0 ss:$0x1], $0xffff;
	[tilespmem:s20+$0xFFFFFFF0] =	vst v3  }
.Ltmp3:
0x31: {  	v4 =	vld.idx.msk [tilespmem:v0+s19+$0xFFFFFFE0 ss:$0x1], $0xffff;
	[tilespmem:s20+$0x0] =	vst v1;
	(pc) =	sbr.rel @p1 .LBB1_5-.Ltmp3, $4  }
0x32: {  	v3 =	vld.idx.msk [tilespmem:v0+s19+$0xFFFFFFF0 ss:$0x1], $0xffff;
	[tilespmem:s20+$0x10] =	vst v2  }
0x33: {  	v1 =	vld.idx.msk [tilespmem:v0+s19+$0x0 ss:$0x1], $0xffff;
	[tilespmem:s20+$0x20] =	vst v6;
	s20 =	sadd.s32 $0x400, s20  }
0x34: {  	v2 =	vld.idx.msk [tilespmem:v0+s19+$0x10 ss:$0x1], $0xffff;
	[tilespmem:s20+$0x30] =	vst v7  }
0x35: {  	[tilespmem:s20+$0xFFFFFFC0] =	vst v8;
	v6 =	vld.idx.msk [tilespmem:v0+s19+$0x20 ss:$0x1], $0xffff;
	s19 =	sshra.s32 s21, $0x2;
	s21 =	sadd.s32 $0x200, s21  }
0x36: {  	_ =	sdelay $0x2  }
0x37: {  	[tilespmem:s20+$0xFFFFFFD0] =	vst v5  }
0x38: {  	v56 =	vld.idx.msk [tilespmem:v0+s19+$0x30 ss:$0x1], $0xffff;
	[tilespmem:s20+$0xFFFFFFE0] =	vst v4  }
0x39: {  	v57 =	vld.idx.msk [tilespmem:v0+s19+$0xFFFFFFC0 ss:$0x1], $0xffff;
	[tilespmem:s20+$0xFFFFFFF0] =	vst v3  }
0x3a: {  	v58 =	vld.idx.msk [tilespmem:v0+s19+$0xFFFFFFD0 ss:$0x1], $0xffff;
	[tilespmem:s20+$0x0] =	vst v1  }
0x3b: {  	v59 =	vld.idx.msk [tilespmem:v0+s19+$0xFFFFFFE0 ss:$0x1], $0xffff;
	[tilespmem:s20+$0x10] =	vst v2  }
0x3c: {  	v60 =	vld.idx.msk [tilespmem:v0+s19+$0xFFFFFFF0 ss:$0x1], $0xffff;
	s31 =	sadd.s32 $0x400, s20;
	[tilespmem:s20+$0x20] =	vst v6  }
0x3d: {  	v61 =	vld.idx.msk [tilespmem:v0+s19+$0x0 ss:$0x1], $0xffff;
	[tilespmem:s31+$0x30] =	vst v56  }
0x3e: {  	v62 =	vld.idx.msk [tilespmem:v0+s19+$0x10 ss:$0x1], $0xffff;
	s18 =	sadd.s32 $0x1, s18;
	[tilespmem:s31+$0xFFFFFFC0] =	vst v57  }
0x3f: {  	v63 =	vld.idx.msk [tilespmem:v0+s19+$0x20 ss:$0x1], $0xffff;
	p1 =	sne.s32 s18, $0x8;
	[tilespmem:s31+$0xFFFFFFD0] =	vst v58  }
.Ltmp4:
0x40: {  	[tilespmem:s31+$0xFFFFFFE0] =	vst v59;
	(pc) =	sbr.rel @p1 .LBB1_4-.Ltmp4, $4  }
0x41: {  	[tilespmem:s31+$0xFFFFFFF0] =	vst v60  }
0x42: {  	[tilespmem:s31+$0x0] =	vst v61  }
0x43: {  	[tilespmem:s31+$0x10] =	vst v62  }
0x44: {  	s16 =	sadd.s32 $0x80, s16;
	s17 =	sadd.s32 $0x400, s17;
	[tilespmem:s31+$0x20] =	vst v63  }
.Ltmp5:
0x45: {  	(pc) =	sbr.rel @p0 .LBB1_3-.Ltmp5, $2  }
0x46: {  	_ =	sdelay $0x2  }
0x47: {  	s16 =	simm.s32 $0x2000;
	p1 =	por $0x0, $0x0  }
.Ltmp6:
0x48: {  	(pc) =	sbr.rel .LBB1_9-.Ltmp6, $4  }
0x49: {  	_ = 	snop  }
0x4a: {  	s12 =	sshll.u32 s12, $0xA  }
0x4b: {  	s12 =	sadd.s32 s4, s12  }
0x4c: {  	[hbm4b:s12+s8] =	stream.linear.scatter [tilespmem:s13], [sflag:$0x2], $0x4000, $0x38;
	[tilespmem:$0x10000] =	vst v63  }
.LBB1_10:
0x4d: {  	_ =	sfence.sel $0x180000  }
0x4e: {  	s2 =	simm.s32 $0x1;
	[bflag:$0x0] =	sbarrier.arrive $0xFFFF  }
0x4f: {  	s31 =	simm.s32 $0x2;
	[sflag:s2] =	ssyncpa.u1 $0x1  }
0x50: {  	[sflag:s31] =	ssyncpa.u1 $0x1  }
0x51: {  	p0 =	sne.s32 s0, $0x0;
	_ =	strace $0x90000047  }
0x52: {  	s0 =	sadd.s32 @!p0 $0x100000, s1;
	[bflag:$0x2] =	sbarrier.arrive $0xFFFF  }
0x53: {  	[sflag:s0] =	ssyncadd.tile.s32 @!p0 $0x1;
	_ =	shalt  }
.Lfunc_end1:
_tile_overlayer_lowered:
.L_overlay_start_2:
0x54: {  	(tag) =	ssettag $0x2  }
0x55: {  	s0 =	rddreg [dreg:$0x0];
	s2 =	stileid.u32  }
0x56: {  	s1 =	rddreg [dreg:$0x1];
	p0 =	sne.s32 s2, $0x0  }
0x57: {  	s3 =	rddreg [dreg:$0x2];
	[bflag:$0x3] =	sbarrier.arrive $0xFFFF;
	s2 =	simm.s32 @!p0 $0x1C01  }
0x58: {  	[timem:s3], [sflag:s2] =	dma.local @!p0 [hbm:s0], s1  }
0x59: {  	s0 =	simm.s32 @!p0 $0x1  }
0x5a: {  	_ =	swait.ge @!p0 [sflag:s0], s1  }
0x5b: {  	s1 =	ssub.s32 @!p0 $0x0, s1;
	[sflag:s0] =	ssyncset.done @!p0 $0x0  }
0x5c: {  	[sflag:s0] =	ssyncadd.s32 @!p0 s1  }
0x5d: {  	[bflag:$0x3] =	sbarrier.arrive $0xFFFF  }
0x5e: {  	_ =	shalt  }

</sc_bundles>
